<compile_context>
chip_gen: v7x
topology: tpu7x:2x2x1
jax: 0.10.2.dev20260603
libtpu: 0.0.44.dev20260713+nightly
codegen_flags: <defaults>
</compile_context>

<pallas_src>
import jax
import jax.numpy as jnp
from jax import lax
from jax.experimental import pallas as pl
from jax.experimental.pallas import tpu as pltpu
from jax.experimental.pallas import tpu_sc as plsc

N = 10000
E = 320000
H = 8
DH = 16
D = H * DH
DW = D + DH

NC = 2
NS = 16
NW = NC * NS
EPW = E // NW
CH = 80
NCHUNK = EPW // CH
QUADS = (NCHUNK - 1) // 4
NP = 10112
RPT = NP // NS
ROUNDS = [(r * CH, CH) for r in range(RPT // CH)] + [(RPT - RPT % CH, RPT % CH)]

BLK = 2000


def _dense_body(x_ref, wst_ref, wdt_ref, bs_ref, bd_ref, al_ref, ar_ref,
                fsx_ref, er_ref):
    x = x_ref[...]
    fs = jnp.dot(x, wst_ref[...], preferred_element_type=jnp.float32) + bs_ref[...]
    fd = jnp.dot(x, wdt_ref[...], preferred_element_type=jnp.float32) + bd_ref[...]
    fsx_ref[:, pl.ds(0, D)] = fs
    fsx_ref[:, pl.ds(D, DH)] = jnp.dot(fs, al_ref[...],
                                       preferred_element_type=jnp.float32)
    er_ref[...] = jnp.dot(fd, ar_ref[...], preferred_element_type=jnp.float32)


def _dense_stage(feats, wst, wdt, bs, bd, alp, arp):
    grid = (N // BLK,)
    full = lambda s: pl.BlockSpec(s, lambda i: (0, 0))
    return pl.pallas_call(
        _dense_body,
        grid=grid,
        in_specs=[
            pl.BlockSpec((BLK, D), lambda i: (i, 0)),
            full((D, D)), full((D, D)), full((1, D)), full((1, D)),
            full((D, DH)), full((D, DH)),
        ],
        out_specs=[
            pl.BlockSpec((BLK, DW), lambda i: (i, 0)),
            pl.BlockSpec((BLK, DH), lambda i: (i, 0)),
        ],
        out_shape=[
            jax.ShapeDtypeStruct((N, DW), jnp.float32),
            jax.ShapeDtypeStruct((N, DH), jnp.float32),
        ],
    )(feats, wst, wdt, bs, bd, alp, arp)


def _sc_body(fsx_hbm, er_hbm, src_hbm, dst_hbm,
             out0, out1,
             src_all, db0, db1, db2, db3, erg0, erg1, fg0, fg1,
             acc_sh, si0, si1, si2, si3, sem_g0, sem_g1, sem_c0, sem_c1):
    cid = lax.axis_index("c")
    sid = lax.axis_index("s")
    wid = sid * NC + cid

    db = (db0, db1, db2, db3)
    erg = (erg0, erg1)
    fg = (fg0, fg1)
    sem_i = (si0, si1, si2, si3)
    sem_g = (sem_g0, sem_g1)
    sem_c = (sem_c0, sem_c1)

    pltpu.sync_copy(src_hbm.at[wid], src_all)

    zeros16 = jnp.zeros((16,), jnp.float32)

    def zrow(i, carry):
        for j in range(DW // 16):
            fg0[i, pl.ds(j * 16, 16)] = zeros16
        return carry

    lax.fori_loop(0, CH, zrow, 0)

    for off, sz in ROUNDS:
        base = sid * RPT + off
        pltpu.sync_copy(fg0.at[pl.ds(0, sz)], acc_sh.at[pl.ds(base, sz)])
    plsc.subcore_barrier()

    def issue_dst(c, b4):
        pltpu.async_copy(dst_hbm.at[wid, c], db[b4], sem_i[b4])

    def wait_dst(c, b4):
        pltpu.make_async_copy(dst_hbm.at[wid, c], db[b4], sem_i[b4]).wait()

    HF = CH // 2

    def issue_gather(c, b2, b4):
        pltpu.async_copy(fsx_hbm.at[src_all.at[c]], fg[b2], sem_g[b2])
        pltpu.async_copy(er_hbm.at[db[b4].at[0]], erg[b2].at[pl.ds(0, HF)],
                         sem_g[b2])
        pltpu.async_copy(er_hbm.at[db[b4].at[1]], erg[b2].at[pl.ds(HF, HF)],
                         sem_g[b2])

    def wait_gather(c, b2, b4):
        pltpu.make_async_copy(fsx_hbm.at[src_all.at[c]], fg[b2], sem_g[b2]).wait()
        pltpu.make_async_copy(er_hbm.at[db[b4].at[0]], erg[b2].at[pl.ds(0, HF)],
                              sem_g[b2]).wait()
        pltpu.make_async_copy(er_hbm.at[db[b4].at[1]], erg[b2].at[pl.ds(HF, HF)],
                              sem_g[b2]).wait()

    def issue_scatter_half(c, b2, b4, half):
        pltpu.async_copy(fg[b2].at[pl.ds(half * HF, HF)],
                         acc_sh.at[db[b4].at[half]], sem_c[b2], add=True)

    def wait_scatter(c, b2, b4):
        pltpu.make_async_copy(fg[b2].at[pl.ds(0, HF)],
                              acc_sh.at[db[b4].at[0]], sem_c[b2]).wait()
        pltpu.make_async_copy(fg[b2].at[pl.ds(HF, HF)],
                              acc_sh.at[db[b4].at[1]], sem_c[b2]).wait()

    def compute(b2, lo):
        erg_b, fg_b = erg[b2], fg[b2]

        @plsc.parallel_loop(lo, lo + HF, unroll=2)
        def erow(e):
            v = fg_b[e, pl.ds(D, DH)] + erg_b[e, :]
            v = jnp.where(v > 0, v, v * 0.01)
            sv = jnp.exp(v)
            fg_b[e, pl.ds(D, DH)] = sv
            for h in range(H):
                fg_b[e, pl.ds(h * 16, 16)] = fg_b[e, pl.ds(h * 16, 16)] * sv[h]

    def chunk_body(c, k, j):
        b2, b4 = j % 2, j % 4
        nb2, nb4 = (j + 1) % 2, (j + 1) % 4
        if j == 0:
            @pl.when(k > 0)
            def _():
                wait_scatter(c - 1, nb2, (j + 3) % 4)
        else:
            wait_scatter(c - 1, nb2, (j + 3) % 4)

        @pl.when(c + 3 < NCHUNK)
        def _():
            issue_dst(c + 3, (j + 3) % 4)

        wait_dst(c + 1, nb4)
        issue_gather(c + 1, nb2, nb4)
        wait_gather(c, b2, b4)
        compute(b2, 0)
        issue_scatter_half(c, b2, b4, 0)
        compute(b2, HF)
        issue_scatter_half(c, b2, b4, 1)

    issue_dst(0, 0)
    issue_dst(1, 1)
    issue_dst(2, 2)
    wait_dst(0, 0)
    issue_gather(0, 0, 0)

    def quad(k, carry):
        for j in range(4):
            chunk_body(4 * k + j, k, j)
        return carry

    lax.fori_loop(0, QUADS, quad, 0)
    wait_scatter(NCHUNK - 2, 1, 3)
    wait_gather(NCHUNK - 1, 0, 0)
    compute(0, 0)
    issue_scatter_half(NCHUNK - 1, 0, 0, 0)
    compute(0, HF)
    issue_scatter_half(NCHUNK - 1, 0, 0, 1)
    wait_scatter(NCHUNK - 1, 0, 0)
    plsc.subcore_barrier()

    for off, sz in ROUNDS:
        base = sid * RPT + off
        pltpu.sync_copy(acc_sh.at[pl.ds(base, sz)], fg0.at[pl.ds(0, sz)])

        @pl.when(cid == 0)
        def _():
            pltpu.sync_copy(fg0.at[pl.ds(0, sz)], out0.at[pl.ds(base, sz)])

        @pl.when(cid == 1)
        def _():
            pltpu.sync_copy(fg0.at[pl.ds(0, sz)], out1.at[pl.ds(base, sz)])


def _make_sc_stage():
    return pl.kernel(
        _sc_body,
    out_type=[
        jax.ShapeDtypeStruct((NP, DW), jnp.float32),
        jax.ShapeDtypeStruct((NP, DW), jnp.float32),
    ],
    mesh=plsc.VectorSubcoreMesh(
        core_axis_name="c", subcore_axis_name="s", num_cores=NC, num_subcores=NS),
    compiler_params=pltpu.CompilerParams(use_tc_tiling_on_sc=False),
    scratch_types=[
        pltpu.VMEM((NCHUNK, CH), jnp.int32),
        pltpu.VMEM((2, CH // 2), jnp.int32),
        pltpu.VMEM((2, CH // 2), jnp.int32),
        pltpu.VMEM((2, CH // 2), jnp.int32),
        pltpu.VMEM((2, CH // 2), jnp.int32),
        pltpu.VMEM((CH, DH), jnp.float32),
        pltpu.VMEM((CH, DH), jnp.float32),
        pltpu.VMEM((CH, DW), jnp.float32),
        pltpu.VMEM((CH, DW), jnp.float32),
        pltpu.VMEM_SHARED((NP, DW), jnp.float32),
        pltpu.SemaphoreType.DMA,
        pltpu.SemaphoreType.DMA,
        pltpu.SemaphoreType.DMA,
        pltpu.SemaphoreType.DMA,
        pltpu.SemaphoreType.DMA,
        pltpu.SemaphoreType.DMA,
        pltpu.SemaphoreType.DMA,
        pltpu.SemaphoreType.DMA,
    ],
)


def _norm_body(p0_ref, p1_ref, exp_ref, o_ref):
    p = p0_ref[...] + p1_ref[...]
    es = jnp.dot(p[:, D:DW], exp_ref[...], preferred_element_type=jnp.float32)
    o_ref[...] = p[:, :D] / es


def _norm_stage(p0, p1, expm):
    grid = (N // BLK,)
    return pl.pallas_call(
        _norm_body,
        grid=grid,
        in_specs=[
            pl.BlockSpec((BLK, DW), lambda i: (i, 0)),
            pl.BlockSpec((BLK, DW), lambda i: (i, 0)),
            pl.BlockSpec((DH, D), lambda i: (0, 0)),
        ],
        out_specs=pl.BlockSpec((BLK, D), lambda i: (i, 0)),
        out_shape=jax.ShapeDtypeStruct((N, D), jnp.float32),
    )(p0, p1, expm)


def kernel(feats, edge_index, W_src, b_src, W_dst, b_dst, attn_l, attn_r):
    src = edge_index[0].astype(jnp.int32).reshape(NW, NCHUNK, CH)
    dst = edge_index[1].astype(jnp.int32).reshape(NW, NCHUNK, 2, CH // 2)
    f32 = jnp.float32
    rows = jnp.arange(D)
    alp = jnp.zeros((D, DH), f32).at[rows, rows // DH].set(attn_l.reshape(-1))
    arp = jnp.zeros((D, DH), f32).at[rows, rows // DH].set(attn_r.reshape(-1))
    fsx, er16 = _dense_stage(
        feats, W_src.T, W_dst.T, b_src.reshape(1, D), b_dst.reshape(1, D),
        alp, arp)
    p0, p1 = _make_sc_stage()(fsx, er16, src, dst)
    expm = (jnp.arange(DH)[:, None] == (jnp.arange(D)[None, :] // DH)).astype(f32)
    return _norm_stage(p0, p1, expm)

# --- scband reference (transcript-rebuilt; emitter-appended) ---
"""Pipeline reference for scband-bi-graph-gat-25409026523339 (READ-ONLY COPY).

The authoritative reference and input builder live on the scoring server;
editing this copy changes nothing except your own understanding.
"""

import jax, jax.numpy as jnp
import numpy as np

N_NODES = 10000
N_EDGES = 320000
NUM_HEADS = 8
OUT_DIM = 16
D = NUM_HEADS * OUT_DIM  # 128


def setup_inputs(seed: int = 0) -> dict:
    key = jax.random.key(seed)
    ks = jax.random.split(key, 8)
    feats = jax.random.normal(ks[0], (N_NODES, D), dtype=jnp.float32)
    edge_index = jax.random.randint(ks[1], (2, N_EDGES), 0, N_NODES, dtype=jnp.int64)
    # xavier-normal-ish init for learned params
    std_fc = float(np.sqrt(2.0) * np.sqrt(2.0 / (D + D)))
    W_src = jax.random.normal(ks[2], (D, D), dtype=jnp.float32) * std_fc
    W_dst = jax.random.normal(ks[3], (D, D), dtype=jnp.float32) * std_fc
    b_src = jnp.zeros((D,), dtype=jnp.float32)
    b_dst = jnp.zeros((D,), dtype=jnp.float32)
    std_attn = float(np.sqrt(2.0) * np.sqrt(2.0 / (NUM_HEADS + OUT_DIM)))
    attn_l = jax.random.normal(ks[4], (NUM_HEADS, OUT_DIM), dtype=jnp.float32) * std_attn
    attn_r = jax.random.normal(ks[5], (NUM_HEADS, OUT_DIM), dtype=jnp.float32) * std_attn
    return {"feats": feats, "edge_index": edge_index, "W_src": W_src, "b_src": b_src,
            "W_dst": W_dst, "b_dst": b_dst, "attn_l": attn_l, "attn_r": attn_r}


def reference(feats, edge_index, W_src, b_src, W_dst, b_dst, attn_l, attn_r):
    N = feats.shape[0]
    H, Dh = attn_l.shape
    # feat_drop is identity (p=0, eval mode)
    feat_src = (feats @ W_src.T + b_src).reshape(-1, H, Dh)
    feat_dst = (feats @ W_dst.T + b_dst).reshape(-1, H, Dh)
    el = (feat_src * attn_l[None, :, :]).sum(axis=-1)  # [N, H]
    er = (feat_dst * attn_r[None, :, :]).sum(axis=-1)  # [N, H]
    src = edge_index[0]
    dst = edge_index[1]
    e = el[src] + er[dst]  # [E, H]  (u_add_v)
    e = jnp.where(e > 0, e, 0.01 * e)  # leaky_relu, negative_slope=0.01
    # edge_softmax: softmax over incoming edges per destination node, per head
    emax = jax.ops.segment_max(e, dst, num_segments=N)  # [N, H]
    eexp = jnp.exp(e - emax[dst])
    esum = jax.ops.segment_sum(eexp, dst, num_segments=N)  # [N, H]
    a = eexp / esum[dst]  # [E, H]
    # u_mul_e + sum aggregation
    m = feat_src[src] * a[:, :, None]  # [E, H, Dh]
    out = jax.ops.segment_sum(m, dst, num_segments=N)  # [N, H, Dh]
    ret = out.reshape(N, H * Dh)
    # activation is None
    return ret

if __name__ == "__main__":
    import jax
    _d = setup_inputs()
    print(jax.jit(kernel)(*tuple(_d.values())))

</pallas_src>

<mosaic_0001>
#map = affine_map<(d0, d1) -> (0, 0)>
#map1 = affine_map<(d0, d1) -> (0, 0, 0)>
#map2 = affine_map<(d0, d1) -> (0, 0, 0, 0)>
module attributes {stable_mosaic.version = 14 : i64} {
  func.func @_sc_body(%arg0: i32, %arg1: i32, %arg2: memref<10000x144xf32, #tpu.memory_space<hbm>>, %arg3: memref<10000x16xf32, #tpu.memory_space<hbm>>, %arg4: memref<32x125x80xi32, #tpu.memory_space<hbm>>, %arg5: memref<32x125x2x40xi32, #tpu.memory_space<hbm>>, %arg6: memref<10112x144xf32, #tpu.memory_space<hbm>>, %arg7: memref<10112x144xf32, #tpu.memory_space<hbm>>, %arg8: memref<125x80xi32, #tpu.memory_space<vmem>>, %arg9: memref<2x40xi32, #tpu.memory_space<vmem>>, %arg10: memref<2x40xi32, #tpu.memory_space<vmem>>, %arg11: memref<2x40xi32, #tpu.memory_space<vmem>>, %arg12: memref<2x40xi32, #tpu.memory_space<vmem>>, %arg13: memref<80x16xf32, #tpu.memory_space<vmem>>, %arg14: memref<80x16xf32, #tpu.memory_space<vmem>>, %arg15: memref<80x144xf32, #tpu.memory_space<vmem>>, %arg16: memref<80x144xf32, #tpu.memory_space<vmem>>, %arg17: memref<10112x144xf32, #tpu.memory_space<vmem_shared>>, %arg18: memref<!tpu.dma_semaphore, #tpu.memory_space<semaphore_mem>>, %arg19: memref<!tpu.dma_semaphore, #tpu.memory_space<semaphore_mem>>, %arg20: memref<!tpu.dma_semaphore, #tpu.memory_space<semaphore_mem>>, %arg21: memref<!tpu.dma_semaphore, #tpu.memory_space<semaphore_mem>>, %arg22: memref<!tpu.dma_semaphore, #tpu.memory_space<semaphore_mem>>, %arg23: memref<!tpu.dma_semaphore, #tpu.memory_space<semaphore_mem>>, %arg24: memref<!tpu.dma_semaphore, #tpu.memory_space<semaphore_mem>>, %arg25: memref<!tpu.dma_semaphore, #tpu.memory_space<semaphore_mem>>) attributes {dimension_semantics = [#tpu.dimension_semantics<core_parallel>, #tpu.dimension_semantics<subcore_parallel>], iteration_bounds = array<i64: 2, 16>, scalar_prefetch = 0 : i64, scratch_operands = 18 : i64, tpu.core_type = #tpu.core_type<sc_vector_subcore>, window_params = [{transform_indices = #map}, {transform_indices = #map}, {transform_indices = #map1}, {transform_indices = #map2}, {transform_indices = #map}, {transform_indices = #map}]} {
    %mul3A = arith.constant 2 : i32
    %mul3A_0 = arith.muli %arg1, %mul3A : i32
    %add3A = arith.addi %mul3A_0, %arg0 : i32
    "tpu.region"() ({
      %run_scoped3A = tpu.sem_alloc : memref<!tpu.dma_semaphore, #tpu.memory_space<semaphore_mem>>
      %dma_start3A_308 = arith.constant 0 : i32
      %dma_start3A_309 = arith.constant 0 : i32
      %dma_start3A_310 = tpu.memref_slice %arg4[%add3A, %dma_start3A_308, %dma_start3A_309] : memref<32x125x80xi32, #tpu.memory_space<hbm>> -> memref<1x125x80xi32, #tpu.memory_space<hbm>>
      %dma_start3A_311 = tpu.memref_squeeze %dma_start3A_310 : memref<1x125x80xi32, #tpu.memory_space<hbm>> -> memref<125x80xi32, #tpu.memory_space<hbm>>
      %dma_start3A_312 = arith.constant 0 : i32
      %dma_start3A_313 = arith.constant 0 : i32
      %dma_start3A_314 = tpu.memref_slice %arg4[%add3A, %dma_start3A_312, %dma_start3A_313] : memref<32x125x80xi32, #tpu.memory_space<hbm>> -> memref<1x125x80xi32, #tpu.memory_space<hbm>>
      %dma_start3A_315 = tpu.memref_squeeze %dma_start3A_314 : memref<1x125x80xi32, #tpu.memory_space<hbm>> -> memref<125x80xi32, #tpu.memory_space<hbm>>
      tpu.enqueue_dma source(%dma_start3A_315 : memref<125x80xi32, #tpu.memory_space<hbm>>) target(%arg8 : memref<125x80xi32, #tpu.memory_space<vmem>>) target_semaphore(%run_scoped3A : memref<!tpu.dma_semaphore, #tpu.memory_space<semaphore_mem>>)
      %dma_wait3A_316 = arith.constant 0 : i32
      %dma_wait3A_317 = arith.constant 0 : i32
      %dma_wait3A_318 = tpu.memref_slice %arg4[%add3A, %dma_wait3A_316, %dma_wait3A_317] : memref<32x125x80xi32, #tpu.memory_space<hbm>> -> memref<1x125x80xi32, #tpu.memory_space<hbm>>
      %dma_wait3A_319 = tpu.memref_squeeze %dma_wait3A_318 : memref<1x125x80xi32, #tpu.memory_space<hbm>> -> memref<125x80xi32, #tpu.memory_space<hbm>>
      %dma_wait3A_320 = arith.constant 0 : i32
      %dma_wait3A_321 = arith.constant 0 : i32
      %dma_wait3A_322 = tpu.memref_slice %arg4[%add3A, %dma_wait3A_320, %dma_wait3A_321] : memref<32x125x80xi32, #tpu.memory_space<hbm>> -> memref<1x125x80xi32, #tpu.memory_space<hbm>>
      %dma_wait3A_323 = tpu.memref_squeeze %dma_wait3A_322 : memref<1x125x80xi32, #tpu.memory_space<hbm>> -> memref<125x80xi32, #tpu.memory_space<hbm>>
      tpu.wait_dma2 semaphore(%run_scoped3A : memref<!tpu.dma_semaphore, #tpu.memory_space<semaphore_mem>>) src(%dma_wait3A_323 : memref<125x80xi32, #tpu.memory_space<hbm>>) dst(%arg8 : memref<125x80xi32, #tpu.memory_space<vmem>>)
      tpu.yield
    }) : () -> ()
    %broadcast_in_dim3A = arith.constant 0.000000e+00 : f32
    %broadcast_in_dim3A_1 = vector.broadcast %broadcast_in_dim3A : f32 to vector<16xf32>
    %scan3A = arith.constant 0 : i32
    %scan3A_2 = arith.constant 0 : i32
    %scan3A_3 = arith.constant 80 : i32
    %scan3A_4 = arith.addi %scan3A_2, %scan3A_3 : i32
    %scan3A_5 = arith.constant 1 : i32
    scf.for %scan3A_308 = %scan3A_2 to %scan3A_4 step %scan3A_5  : i32 {
      %swap3A = arith.index_cast %scan3A_308 : i32 to index
      %swap3A_309 = arith.constant 0 : index
      %swap3A_310 = tpu.vector_load %arg15[%swap3A, %swap3A_309] {strides = array<i32>} : memref<80x144xf32, #tpu.memory_space<vmem>>, vector<1x16xf32>,
      %swap3A_311 = vector.shape_cast %swap3A_310 : vector<1x16xf32> to vector<16xf32>
      %swap3A_312 = vector.shape_cast %broadcast_in_dim3A_1 : vector<16xf32> to vector<1x16xf32>
      tpu.vector_store %arg15[%swap3A, %swap3A_309], %swap3A_312 {strides = array<i32>} : memref<80x144xf32, #tpu.memory_space<vmem>>, vector<1x16xf32>,
      %swap3A_313 = arith.index_cast %scan3A_308 : i32 to index
      %swap3A_314 = arith.constant 16 : index
      %swap3A_315 = tpu.vector_load %arg15[%swap3A_313, %swap3A_314] {strides = array<i32>} : memref<80x144xf32, #tpu.memory_space<vmem>>, vector<1x16xf32>,
      %swap3A_316 = vector.shape_cast %swap3A_315 : vector<1x16xf32> to vector<16xf32>
      %swap3A_317 = vector.shape_cast %broadcast_in_dim3A_1 : vector<16xf32> to vector<1x16xf32>
      tpu.vector_store %arg15[%swap3A_313, %swap3A_314], %swap3A_317 {strides = array<i32>} : memref<80x144xf32, #tpu.memory_space<vmem>>, vector<1x16xf32>,
      %swap3A_318 = arith.index_cast %scan3A_308 : i32 to index
      %swap3A_319 = arith.constant 32 : index
      %swap3A_320 = tpu.vector_load %arg15[%swap3A_318, %swap3A_319] {strides = array<i32>} : memref<80x144xf32, #tpu.memory_space<vmem>>, vector<1x16xf32>,
      %swap3A_321 = vector.shape_cast %swap3A_320 : vector<1x16xf32> to vector<16xf32>
      %swap3A_322 = vector.shape_cast %broadcast_in_dim3A_1 : vector<16xf32> to vector<1x16xf32>
      tpu.vector_store %arg15[%swap3A_318, %swap3A_319], %swap3A_322 {strides = array<i32>} : memref<80x144xf32, #tpu.memory_space<vmem>>, vector<1x16xf32>,
      %swap3A_323 = arith.index_cast %scan3A_308 : i32 to index
      %swap3A_324 = arith.constant 48 : index
      %swap3A_325 = tpu.vector_load %arg15[%swap3A_323, %swap3A_324] {strides = array<i32>} : memref<80x144xf32, #tpu.memory_space<vmem>>, vector<1x16xf32>,
      %swap3A_326 = vector.shape_cast %swap3A_325 : vector<1x16xf32> to vector<16xf32>
      %swap3A_327 = vector.shape_cast %broadcast_in_dim3A_1 : vector<16xf32> to vector<1x16xf32>
      tpu.vector_store %arg15[%swap3A_323, %swap3A_324], %swap3A_327 {strides = array<i32>} : memref<80x144xf32, #tpu.memory_space<vmem>>, vector<1x16xf32>,
      %swap3A_328 = arith.index_cast %scan3A_308 : i32 to index
      %swap3A_329 = arith.constant 64 : index
      %swap3A_330 = tpu.vector_load %arg15[%swap3A_328, %swap3A_329] {strides = array<i32>} : memref<80x144xf32, #tpu.memory_space<vmem>>, vector<1x16xf32>,
      %swap3A_331 = vector.shape_cast %swap3A_330 : vector<1x16xf32> to vector<16xf32>
      %swap3A_332 = vector.shape_cast %broadcast_in_dim3A_1 : vector<16xf32> to vector<1x16xf32>
      tpu.vector_store %arg15[%swap3A_328, %swap3A_329], %swap3A_332 {strides = array<i32>} : memref<80x144xf32, #tpu.memory_space<vmem>>, vector<1x16xf32>,
      %swap3A_333 = arith.index_cast %scan3A_308 : i32 to index
      %swap3A_334 = arith.constant 80 : index
      %swap3A_335 = tpu.vector_load %arg15[%swap3A_333, %swap3A_334] {strides = array<i32>} : memref<80x144xf32, #tpu.memory_space<vmem>>, vector<1x16xf32>,
      %swap3A_336 = vector.shape_cast %swap3A_335 : vector<1x16xf32> to vector<16xf32>
      %swap3A_337 = vector.shape_cast %broadcast_in_dim3A_1 : vector<16xf32> to vector<1x16xf32>
      tpu.vector_store %arg15[%swap3A_333, %swap3A_334], %swap3A_337 {strides = array<i32>} : memref<80x144xf32, #tpu.memory_space<vmem>>, vector<1x16xf32>,
      %swap3A_338 = arith.index_cast %scan3A_308 : i32 to index
      %swap3A_339 = arith.constant 96 : index
      %swap3A_340 = tpu.vector_load %arg15[%swap3A_338, %swap3A_339] {strides = array<i32>} : memref<80x144xf32, #tpu.memory_space<vmem>>, vector<1x16xf32>,
      %swap3A_341 = vector.shape_cast %swap3A_340 : vector<1x16xf32> to vector<16xf32>
      %swap3A_342 = vector.shape_cast %broadcast_in_dim3A_1 : vector<16xf32> to vector<1x16xf32>
      tpu.vector_store %arg15[%swap3A_338, %swap3A_339], %swap3A_342 {strides = array<i32>} : memref<80x144xf32, #tpu.memory_space<vmem>>, vector<1x16xf32>,
      %swap3A_343 = arith.index_cast %scan3A_308 : i32 to index
      %swap3A_344 = arith.constant 112 : index
      %swap3A_345 = tpu.vector_load %arg15[%swap3A_343, %swap3A_344] {strides = array<i32>} : memref<80x144xf32, #tpu.memory_space<vmem>>, vector<1x16xf32>,
      %swap3A_346 = vector.shape_cast %swap3A_345 : vector<1x16xf32> to vector<16xf32>
      %swap3A_347 = vector.shape_cast %broadcast_in_dim3A_1 : vector<16xf32> to vector<1x16xf32>
      tpu.vector_store %arg15[%swap3A_343, %swap3A_344], %swap3A_347 {strides = array<i32>} : memref<80x144xf32, #tpu.memory_space<vmem>>, vector<1x16xf32>,
      %swap3A_348 = arith.index_cast %scan3A_308 : i32 to index
      %swap3A_349 = arith.constant 128 : index
      %swap3A_350 = tpu.vector_load %arg15[%swap3A_348, %swap3A_349] {strides = array<i32>} : memref<80x144xf32, #tpu.memory_space<vmem>>, vector<1x16xf32>,
      %swap3A_351 = vector.shape_cast %swap3A_350 : vector<1x16xf32> to vector<16xf32>
      %swap3A_352 = vector.shape_cast %broadcast_in_dim3A_1 : vector<16xf32> to vector<1x16xf32>
      tpu.vector_store %arg15[%swap3A_348, %swap3A_349], %swap3A_352 {strides = array<i32>} : memref<80x144xf32, #tpu.memory_space<vmem>>, vector<1x16xf32>,
    }
    %scan3A_6 = arith.constant 80 : i32
    %mul3A_7 = arith.constant 632 : i32
    %mul3A_8 = arith.muli %arg1, %mul3A_7 : i32
    %add3A_9 = arith.constant 0 : i32
    %add3A_10 = arith.addi %mul3A_8, %add3A_9 : i32
    "tpu.region"() ({
      %run_scoped3A = tpu.sem_alloc : memref<!tpu.dma_semaphore, #tpu.memory_space<semaphore_mem>>
      %dma_start3A_308 = arith.constant 0 : i32
      %dma_start3A_309 = arith.constant 0 : i32
      %dma_start3A_310 = tpu.memref_slice %arg15[%dma_start3A_308, %dma_start3A_309] : memref<80x144xf32, #tpu.memory_space<vmem>> -> memref<80x144xf32, #tpu.memory_space<vmem>>
      %dma_start3A_311 = arith.constant 0 : i32
      %dma_start3A_312 = tpu.memref_slice %arg17[%add3A_10, %dma_start3A_311] : memref<10112x144xf32, #tpu.memory_space<vmem_shared>> -> memref<80x144xf32, #tpu.memory_space<vmem_shared>>
      %dma_start3A_313 = arith.constant 0 : i32
      %dma_start3A_314 = tpu.memref_slice %arg17[%add3A_10, %dma_start3A_313] : memref<10112x144xf32, #tpu.memory_space<vmem_shared>> -> memref<80x144xf32, #tpu.memory_space<vmem_shared>>
      %dma_start3A_315 = arith.constant 0 : i32
      %dma_start3A_316 = arith.constant 0 : i32
      %dma_start3A_317 = tpu.memref_slice %arg15[%dma_start3A_315, %dma_start3A_316] : memref<80x144xf32, #tpu.memory_space<vmem>> -> memref<80x144xf32, #tpu.memory_space<vmem>>
      tpu.enqueue_dma source(%dma_start3A_317 : memref<80x144xf32, #tpu.memory_space<vmem>>) target(%dma_start3A_314 : memref<80x144xf32, #tpu.memory_space<vmem_shared>>) target_semaphore(%run_scoped3A : memref<!tpu.dma_semaphore, #tpu.memory_space<semaphore_mem>>)
      %dma_wait3A_318 = arith.constant 0 : i32
      %dma_wait3A_319 = arith.constant 0 : i32
      %dma_wait3A_320 = tpu.memref_slice %arg15[%dma_wait3A_318, %dma_wait3A_319] : memref<80x144xf32, #tpu.memory_space<vmem>> -> memref<80x144xf32, #tpu.memory_space<vmem>>
      %dma_wait3A_321 = arith.constant 0 : i32
      %dma_wait3A_322 = tpu.memref_slice %arg17[%add3A_10, %dma_wait3A_321] : memref<10112x144xf32, #tpu.memory_space<vmem_shared>> -> memref<80x144xf32, #tpu.memory_space<vmem_shared>>
      %dma_wait3A_323 = arith.constant 0 : i32
      %dma_wait3A_324 = tpu.memref_slice %arg17[%add3A_10, %dma_wait3A_323] : memref<10112x144xf32, #tpu.memory_space<vmem_shared>> -> memref<80x144xf32, #tpu.memory_space<vmem_shared>>
      %dma_wait3A_325 = arith.constant 0 : i32
      %dma_wait3A_326 = arith.constant 0 : i32
      %dma_wait3A_327 = tpu.memref_slice %arg15[%dma_wait3A_325, %dma_wait3A_326] : memref<80x144xf32, #tpu.memory_space<vmem>> -> memref<80x144xf32, #tpu.memory_space<vmem>>
      tpu.wait_dma2 semaphore(%run_scoped3A : memref<!tpu.dma_semaphore, #tpu.memory_space<semaphore_mem>>) src(%dma_wait3A_327 : memref<80x144xf32, #tpu.memory_space<vmem>>) dst(%dma_wait3A_324 : memref<80x144xf32, #tpu.memory_space<vmem_shared>>)
      tpu.yield
    }) : () -> ()
    %mul3A_11 = arith.constant 632 : i32
    %mul3A_12 = arith.muli %arg1, %mul3A_11 : i32
    %add3A_13 = arith.constant 80 : i32
    %add3A_14 = arith.addi %mul3A_12, %add3A_13 : i32
    "tpu.region"() ({
      %run_scoped3A = tpu.sem_alloc : memref<!tpu.dma_semaphore, #tpu.memory_space<semaphore_mem>>
      %dma_start3A_308 = arith.constant 0 : i32
      %dma_start3A_309 = arith.constant 0 : i32
      %dma_start3A_310 = tpu.memref_slice %arg15[%dma_start3A_308, %dma_start3A_309] : memref<80x144xf32, #tpu.memory_space<vmem>> -> memref<80x144xf32, #tpu.memory_space<vmem>>
      %dma_start3A_311 = arith.constant 0 : i32
      %dma_start3A_312 = tpu.memref_slice %arg17[%add3A_14, %dma_start3A_311] : memref<10112x144xf32, #tpu.memory_space<vmem_shared>> -> memref<80x144xf32, #tpu.memory_space<vmem_shared>>
      %dma_start3A_313 = arith.constant 0 : i32
      %dma_start3A_314 = tpu.memref_slice %arg17[%add3A_14, %dma_start3A_313] : memref<10112x144xf32, #tpu.memory_space<vmem_shared>> -> memref<80x144xf32, #tpu.memory_space<vmem_shared>>
      %dma_start3A_315 = arith.constant 0 : i32
      %dma_start3A_316 = arith.constant 0 : i32
      %dma_start3A_317 = tpu.memref_slice %arg15[%dma_start3A_315, %dma_start3A_316] : memref<80x144xf32, #tpu.memory_space<vmem>> -> memref<80x144xf32, #tpu.memory_space<vmem>>
      tpu.enqueue_dma source(%dma_start3A_317 : memref<80x144xf32, #tpu.memory_space<vmem>>) target(%dma_start3A_314 : memref<80x144xf32, #tpu.memory_space<vmem_shared>>) target_semaphore(%run_scoped3A : memref<!tpu.dma_semaphore, #tpu.memory_space<semaphore_mem>>)
      %dma_wait3A_318 = arith.constant 0 : i32
      %dma_wait3A_319 = arith.constant 0 : i32
      %dma_wait3A_320 = tpu.memref_slice %arg15[%dma_wait3A_318, %dma_wait3A_319] : memref<80x144xf32, #tpu.memory_space<vmem>> -> memref<80x144xf32, #tpu.memory_space<vmem>>
      %dma_wait3A_321 = arith.constant 0 : i32
      %dma_wait3A_322 = tpu.memref_slice %arg17[%add3A_14, %dma_wait3A_321] : memref<10112x144xf32, #tpu.memory_space<vmem_shared>> -> memref<80x144xf32, #tpu.memory_space<vmem_shared>>
      %dma_wait3A_323 = arith.constant 0 : i32
      %dma_wait3A_324 = tpu.memref_slice %arg17[%add3A_14, %dma_wait3A_323] : memref<10112x144xf32, #tpu.memory_space<vmem_shared>> -> memref<80x144xf32, #tpu.memory_space<vmem_shared>>
      %dma_wait3A_325 = arith.constant 0 : i32
      %dma_wait3A_326 = arith.constant 0 : i32
      %dma_wait3A_327 = tpu.memref_slice %arg15[%dma_wait3A_325, %dma_wait3A_326] : memref<80x144xf32, #tpu.memory_space<vmem>> -> memref<80x144xf32, #tpu.memory_space<vmem>>
      tpu.wait_dma2 semaphore(%run_scoped3A : memref<!tpu.dma_semaphore, #tpu.memory_space<semaphore_mem>>) src(%dma_wait3A_327 : memref<80x144xf32, #tpu.memory_space<vmem>>) dst(%dma_wait3A_324 : memref<80x144xf32, #tpu.memory_space<vmem_shared>>)
      tpu.yield
    }) : () -> ()
    %mul3A_15 = arith.constant 632 : i32
    %mul3A_16 = arith.muli %arg1, %mul3A_15 : i32
    %add3A_17 = arith.constant 160 : i32
    %add3A_18 = arith.addi %mul3A_16, %add3A_17 : i32
    "tpu.region"() ({
      %run_scoped3A = tpu.sem_alloc : memref<!tpu.dma_semaphore, #tpu.memory_space<semaphore_mem>>
      %dma_start3A_308 = arith.constant 0 : i32
      %dma_start3A_309 = arith.constant 0 : i32
      %dma_start3A_310 = tpu.memref_slice %arg15[%dma_start3A_308, %dma_start3A_309] : memref<80x144xf32, #tpu.memory_space<vmem>> -> memref<80x144xf32, #tpu.memory_space<vmem>>
      %dma_start3A_311 = arith.constant 0 : i32
      %dma_start3A_312 = tpu.memref_slice %arg17[%add3A_18, %dma_start3A_311] : memref<10112x144xf32, #tpu.memory_space<vmem_shared>> -> memref<80x144xf32, #tpu.memory_space<vmem_shared>>
      %dma_start3A_313 = arith.constant 0 : i32
      %dma_start3A_314 = tpu.memref_slice %arg17[%add3A_18, %dma_start3A_313] : memref<10112x144xf32, #tpu.memory_space<vmem_shared>> -> memref<80x144xf32, #tpu.memory_space<vmem_shared>>
      %dma_start3A_315 = arith.constant 0 : i32
      %dma_start3A_316 = arith.constant 0 : i32
      %dma_start3A_317 = tpu.memref_slice %arg15[%dma_start3A_315, %dma_start3A_316] : memref<80x144xf32, #tpu.memory_space<vmem>> -> memref<80x144xf32, #tpu.memory_space<vmem>>
      tpu.enqueue_dma source(%dma_start3A_317 : memref<80x144xf32, #tpu.memory_space<vmem>>) target(%dma_start3A_314 : memref<80x144xf32, #tpu.memory_space<vmem_shared>>) target_semaphore(%run_scoped3A : memref<!tpu.dma_semaphore, #tpu.memory_space<semaphore_mem>>)
      %dma_wait3A_318 = arith.constant 0 : i32
      %dma_wait3A_319 = arith.constant 0 : i32
      %dma_wait3A_320 = tpu.memref_slice %arg15[%dma_wait3A_318, %dma_wait3A_319] : memref<80x144xf32, #tpu.memory_space<vmem>> -> memref<80x144xf32, #tpu.memory_space<vmem>>
      %dma_wait3A_321 = arith.constant 0 : i32
      %dma_wait3A_322 = tpu.memref_slice %arg17[%add3A_18, %dma_wait3A_321] : memref<10112x144xf32, #tpu.memory_space<vmem_shared>> -> memref<80x144xf32, #tpu.memory_space<vmem_shared>>
      %dma_wait3A_323 = arith.constant 0 : i32
      %dma_wait3A_324 = tpu.memref_slice %arg17[%add3A_18, %dma_wait3A_323] : memref<10112x144xf32, #tpu.memory_space<vmem_shared>> -> memref<80x144xf32, #tpu.memory_space<vmem_shared>>
      %dma_wait3A_325 = arith.constant 0 : i32
      %dma_wait3A_326 = arith.constant 0 : i32
      %dma_wait3A_327 = tpu.memref_slice %arg15[%dma_wait3A_325, %dma_wait3A_326] : memref<80x144xf32, #tpu.memory_space<vmem>> -> memref<80x144xf32, #tpu.memory_space<vmem>>
      tpu.wait_dma2 semaphore(%run_scoped3A : memref<!tpu.dma_semaphore, #tpu.memory_space<semaphore_mem>>) src(%dma_wait3A_327 : memref<80x144xf32, #tpu.memory_space<vmem>>) dst(%dma_wait3A_324 : memref<80x144xf32, #tpu.memory_space<vmem_shared>>)
      tpu.yield
    }) : () -> ()
    %mul3A_19 = arith.constant 632 : i32
    %mul3A_20 = arith.muli %arg1, %mul3A_19 : i32
    %add3A_21 = arith.constant 240 : i32
    %add3A_22 = arith.addi %mul3A_20, %add3A_21 : i32
    "tpu.region"() ({
      %run_scoped3A = tpu.sem_alloc : memref<!tpu.dma_semaphore, #tpu.memory_space<semaphore_mem>>
      %dma_start3A_308 = arith.constant 0 : i32
      %dma_start3A_309 = arith.constant 0 : i32
      %dma_start3A_310 = tpu.memref_slice %arg15[%dma_start3A_308, %dma_start3A_309] : memref<80x144xf32, #tpu.memory_space<vmem>> -> memref<80x144xf32, #tpu.memory_space<vmem>>
      %dma_start3A_311 = arith.constant 0 : i32
      %dma_start3A_312 = tpu.memref_slice %arg17[%add3A_22, %dma_start3A_311] : memref<10112x144xf32, #tpu.memory_space<vmem_shared>> -> memref<80x144xf32, #tpu.memory_space<vmem_shared>>
      %dma_start3A_313 = arith.constant 0 : i32
      %dma_start3A_314 = tpu.memref_slice %arg17[%add3A_22, %dma_start3A_313] : memref<10112x144xf32, #tpu.memory_space<vmem_shared>> -> memref<80x144xf32, #tpu.memory_space<vmem_shared>>
      %dma_start3A_315 = arith.constant 0 : i32
      %dma_start3A_316 = arith.constant 0 : i32
      %dma_start3A_317 = tpu.memref_slice %arg15[%dma_start3A_315, %dma_start3A_316] : memref<80x144xf32, #tpu.memory_space<vmem>> -> memref<80x144xf32, #tpu.memory_space<vmem>>
      tpu.enqueue_dma source(%dma_start3A_317 : memref<80x144xf32, #tpu.memory_space<vmem>>) target(%dma_start3A_314 : memref<80x144xf32, #tpu.memory_space<vmem_shared>>) target_semaphore(%run_scoped3A : memref<!tpu.dma_semaphore, #tpu.memory_space<semaphore_mem>>)
      %dma_wait3A_318 = arith.constant 0 : i32
      %dma_wait3A_319 = arith.constant 0 : i32
      %dma_wait3A_320 = tpu.memref_slice %arg15[%dma_wait3A_318, %dma_wait3A_319] : memref<80x144xf32, #tpu.memory_space<vmem>> -> memref<80x144xf32, #tpu.memory_space<vmem>>
      %dma_wait3A_321 = arith.constant 0 : i32
      %dma_wait3A_322 = tpu.memref_slice %arg17[%add3A_22, %dma_wait3A_321] : memref<10112x144xf32, #tpu.memory_space<vmem_shared>> -> memref<80x144xf32, #tpu.memory_space<vmem_shared>>
      %dma_wait3A_323 = arith.constant 0 : i32
      %dma_wait3A_324 = tpu.memref_slice %arg17[%add3A_22, %dma_wait3A_323] : memref<10112x144xf32, #tpu.memory_space<vmem_shared>> -> memref<80x144xf32, #tpu.memory_space<vmem_shared>>
      %dma_wait3A_325 = arith.constant 0 : i32
      %dma_wait3A_326 = arith.constant 0 : i32
      %dma_wait3A_327 = tpu.memref_slice %arg15[%dma_wait3A_325, %dma_wait3A_326] : memref<80x144xf32, #tpu.memory_space<vmem>> -> memref<80x144xf32, #tpu.memory_space<vmem>>
      tpu.wait_dma2 semaphore(%run_scoped3A : memref<!tpu.dma_semaphore, #tpu.memory_space<semaphore_mem>>) src(%dma_wait3A_327 : memref<80x144xf32, #tpu.memory_space<vmem>>) dst(%dma_wait3A_324 : memref<80x144xf32, #tpu.memory_space<vmem_shared>>)
      tpu.yield
    }) : () -> ()
    %mul3A_23 = arith.constant 632 : i32
    %mul3A_24 = arith.muli %arg1, %mul3A_23 : i32
    %add3A_25 = arith.constant 320 : i32
    %add3A_26 = arith.addi %mul3A_24, %add3A_25 : i32
    "tpu.region"() ({
      %run_scoped3A = tpu.sem_alloc : memref<!tpu.dma_semaphore, #tpu.memory_space<semaphore_mem>>
      %dma_start3A_308 = arith.constant 0 : i32
      %dma_start3A_309 = arith.constant 0 : i32
      %dma_start3A_310 = tpu.memref_slice %arg15[%dma_start3A_308, %dma_start3A_309] : memref<80x144xf32, #tpu.memory_space<vmem>> -> memref<80x144xf32, #tpu.memory_space<vmem>>
      %dma_start3A_311 = arith.constant 0 : i32
      %dma_start3A_312 = tpu.memref_slice %arg17[%add3A_26, %dma_start3A_311] : memref<10112x144xf32, #tpu.memory_space<vmem_shared>> -> memref<80x144xf32, #tpu.memory_space<vmem_shared>>
      %dma_start3A_313 = arith.constant 0 : i32
      %dma_start3A_314 = tpu.memref_slice %arg17[%add3A_26, %dma_start3A_313] : memref<10112x144xf32, #tpu.memory_space<vmem_shared>> -> memref<80x144xf32, #tpu.memory_space<vmem_shared>>
      %dma_start3A_315 = arith.constant 0 : i32
      %dma_start3A_316 = arith.constant 0 : i32
      %dma_start3A_317 = tpu.memref_slice %arg15[%dma_start3A_315, %dma_start3A_316] : memref<80x144xf32, #tpu.memory_space<vmem>> -> memref<80x144xf32, #tpu.memory_space<vmem>>
      tpu.enqueue_dma source(%dma_start3A_317 : memref<80x144xf32, #tpu.memory_space<vmem>>) target(%dma_start3A_314 : memref<80x144xf32, #tpu.memory_space<vmem_shared>>) target_semaphore(%run_scoped3A : memref<!tpu.dma_semaphore, #tpu.memory_space<semaphore_mem>>)
      %dma_wait3A_318 = arith.constant 0 : i32
      %dma_wait3A_319 = arith.constant 0 : i32
      %dma_wait3A_320 = tpu.memref_slice %arg15[%dma_wait3A_318, %dma_wait3A_319] : memref<80x144xf32, #tpu.memory_space<vmem>> -> memref<80x144xf32, #tpu.memory_space<vmem>>
      %dma_wait3A_321 = arith.constant 0 : i32
      %dma_wait3A_322 = tpu.memref_slice %arg17[%add3A_26, %dma_wait3A_321] : memref<10112x144xf32, #tpu.memory_space<vmem_shared>> -> memref<80x144xf32, #tpu.memory_space<vmem_shared>>
      %dma_wait3A_323 = arith.constant 0 : i32
      %dma_wait3A_324 = tpu.memref_slice %arg17[%add3A_26, %dma_wait3A_323] : memref<10112x144xf32, #tpu.memory_space<vmem_shared>> -> memref<80x144xf32, #tpu.memory_space<vmem_shared>>
      %dma_wait3A_325 = arith.constant 0 : i32
      %dma_wait3A_326 = arith.constant 0 : i32
      %dma_wait3A_327 = tpu.memref_slice %arg15[%dma_wait3A_325, %dma_wait3A_326] : memref<80x144xf32, #tpu.memory_space<vmem>> -> memref<80x144xf32, #tpu.memory_space<vmem>>
      tpu.wait_dma2 semaphore(%run_scoped3A : memref<!tpu.dma_semaphore, #tpu.memory_space<semaphore_mem>>) src(%dma_wait3A_327 : memref<80x144xf32, #tpu.memory_space<vmem>>) dst(%dma_wait3A_324 : memref<80x144xf32, #tpu.memory_space<vmem_shared>>)
      tpu.yield
    }) : () -> ()
    %mul3A_27 = arith.constant 632 : i32
    %mul3A_28 = arith.muli %arg1, %mul3A_27 : i32
    %add3A_29 = arith.constant 400 : i32
    %add3A_30 = arith.addi %mul3A_28, %add3A_29 : i32
    "tpu.region"() ({
      %run_scoped3A = tpu.sem_alloc : memref<!tpu.dma_semaphore, #tpu.memory_space<semaphore_mem>>
      %dma_start3A_308 = arith.constant 0 : i32
      %dma_start3A_309 = arith.constant 0 : i32
      %dma_start3A_310 = tpu.memref_slice %arg15[%dma_start3A_308, %dma_start3A_309] : memref<80x144xf32, #tpu.memory_space<vmem>> -> memref<80x144xf32, #tpu.memory_space<vmem>>
      %dma_start3A_311 = arith.constant 0 : i32
      %dma_start3A_312 = tpu.memref_slice %arg17[%add3A_30, %dma_start3A_311] : memref<10112x144xf32, #tpu.memory_space<vmem_shared>> -> memref<80x144xf32, #tpu.memory_space<vmem_shared>>
      %dma_start3A_313 = arith.constant 0 : i32
      %dma_start3A_314 = tpu.memref_slice %arg17[%add3A_30, %dma_start3A_313] : memref<10112x144xf32, #tpu.memory_space<vmem_shared>> -> memref<80x144xf32, #tpu.memory_space<vmem_shared>>
      %dma_start3A_315 = arith.constant 0 : i32
      %dma_start3A_316 = arith.constant 0 : i32
      %dma_start3A_317 = tpu.memref_slice %arg15[%dma_start3A_315, %dma_start3A_316] : memref<80x144xf32, #tpu.memory_space<vmem>> -> memref<80x144xf32, #tpu.memory_space<vmem>>
      tpu.enqueue_dma source(%dma_start3A_317 : memref<80x144xf32, #tpu.memory_space<vmem>>) target(%dma_start3A_314 : memref<80x144xf32, #tpu.memory_space<vmem_shared>>) target_semaphore(%run_scoped3A : memref<!tpu.dma_semaphore, #tpu.memory_space<semaphore_mem>>)
      %dma_wait3A_318 = arith.constant 0 : i32
      %dma_wait3A_319 = arith.constant 0 : i32
      %dma_wait3A_320 = tpu.memref_slice %arg15[%dma_wait3A_318, %dma_wait3A_319] : memref<80x144xf32, #tpu.memory_space<vmem>> -> memref<80x144xf32, #tpu.memory_space<vmem>>
      %dma_wait3A_321 = arith.constant 0 : i32
      %dma_wait3A_322 = tpu.memref_slice %arg17[%add3A_30, %dma_wait3A_321] : memref<10112x144xf32, #tpu.memory_space<vmem_shared>> -> memref<80x144xf32, #tpu.memory_space<vmem_shared>>
      %dma_wait3A_323 = arith.constant 0 : i32
      %dma_wait3A_324 = tpu.memref_slice %arg17[%add3A_30, %dma_wait3A_323] : memref<10112x144xf32, #tpu.memory_space<vmem_shared>> -> memref<80x144xf32, #tpu.memory_space<vmem_shared>>
      %dma_wait3A_325 = arith.constant 0 : i32
      %dma_wait3A_326 = arith.constant 0 : i32
      %dma_wait3A_327 = tpu.memref_slice %arg15[%dma_wait3A_325, %dma_wait3A_326] : memref<80x144xf32, #tpu.memory_space<vmem>> -> memref<80x144xf32, #tpu.memory_space<vmem>>
      tpu.wait_dma2 semaphore(%run_scoped3A : memref<!tpu.dma_semaphore, #tpu.memory_space<semaphore_mem>>) src(%dma_wait3A_327 : memref<80x144xf32, #tpu.memory_space<vmem>>) dst(%dma_wait3A_324 : memref<80x144xf32, #tpu.memory_space<vmem_shared>>)
      tpu.yield
    }) : () -> ()
    %mul3A_31 = arith.constant 632 : i32
    %mul3A_32 = arith.muli %arg1, %mul3A_31 : i32
    %add3A_33 = arith.constant 480 : i32
    %add3A_34 = arith.addi %mul3A_32, %add3A_33 : i32
    "tpu.region"() ({
      %run_scoped3A = tpu.sem_alloc : memref<!tpu.dma_semaphore, #tpu.memory_space<semaphore_mem>>
      %dma_start3A_308 = arith.constant 0 : i32
      %dma_start3A_309 = arith.constant 0 : i32
      %dma_start3A_310 = tpu.memref_slice %arg15[%dma_start3A_308, %dma_start3A_309] : memref<80x144xf32, #tpu.memory_space<vmem>> -> memref<80x144xf32, #tpu.memory_space<vmem>>
      %dma_start3A_311 = arith.constant 0 : i32
      %dma_start3A_312 = tpu.memref_slice %arg17[%add3A_34, %dma_start3A_311] : memref<10112x144xf32, #tpu.memory_space<vmem_shared>> -> memref<80x144xf32, #tpu.memory_space<vmem_shared>>
      %dma_start3A_313 = arith.constant 0 : i32
      %dma_start3A_314 = tpu.memref_slice %arg17[%add3A_34, %dma_start3A_313] : memref<10112x144xf32, #tpu.memory_space<vmem_shared>> -> memref<80x144xf32, #tpu.memory_space<vmem_shared>>
      %dma_start3A_315 = arith.constant 0 : i32
      %dma_start3A_316 = arith.constant 0 : i32
      %dma_start3A_317 = tpu.memref_slice %arg15[%dma_start3A_315, %dma_start3A_316] : memref<80x144xf32, #tpu.memory_space<vmem>> -> memref<80x144xf32, #tpu.memory_space<vmem>>
      tpu.enqueue_dma source(%dma_start3A_317 : memref<80x144xf32, #tpu.memory_space<vmem>>) target(%dma_start3A_314 : memref<80x144xf32, #tpu.memory_space<vmem_shared>>) target_semaphore(%run_scoped3A : memref<!tpu.dma_semaphore, #tpu.memory_space<semaphore_mem>>)
      %dma_wait3A_318 = arith.constant 0 : i32
      %dma_wait3A_319 = arith.constant 0 : i32
      %dma_wait3A_320 = tpu.memref_slice %arg15[%dma_wait3A_318, %dma_wait3A_319] : memref<80x144xf32, #tpu.memory_space<vmem>> -> memref<80x144xf32, #tpu.memory_space<vmem>>
      %dma_wait3A_321 = arith.constant 0 : i32
      %dma_wait3A_322 = tpu.memref_slice %arg17[%add3A_34, %dma_wait3A_321] : memref<10112x144xf32, #tpu.memory_space<vmem_shared>> -> memref<80x144xf32, #tpu.memory_space<vmem_shared>>
      %dma_wait3A_323 = arith.constant 0 : i32
      %dma_wait3A_324 = tpu.memref_slice %arg17[%add3A_34, %dma_wait3A_323] : memref<10112x144xf32, #tpu.memory_space<vmem_shared>> -> memref<80x144xf32, #tpu.memory_space<vmem_shared>>
      %dma_wait3A_325 = arith.constant 0 : i32
      %dma_wait3A_326 = arith.constant 0 : i32
      %dma_wait3A_327 = tpu.memref_slice %arg15[%dma_wait3A_325, %dma_wait3A_326] : memref<80x144xf32, #tpu.memory_space<vmem>> -> memref<80x144xf32, #tpu.memory_space<vmem>>
      tpu.wait_dma2 semaphore(%run_scoped3A : memref<!tpu.dma_semaphore, #tpu.memory_space<semaphore_mem>>) src(%dma_wait3A_327 : memref<80x144xf32, #tpu.memory_space<vmem>>) dst(%dma_wait3A_324 : memref<80x144xf32, #tpu.memory_space<vmem_shared>>)
      tpu.yield
    }) : () -> ()
    %mul3A_35 = arith.constant 632 : i32
    %mul3A_36 = arith.muli %arg1, %mul3A_35 : i32
    %add3A_37 = arith.constant 560 : i32
    %add3A_38 = arith.addi %mul3A_36, %add3A_37 : i32
    "tpu.region"() ({
      %run_scoped3A = tpu.sem_alloc : memref<!tpu.dma_semaphore, #tpu.memory_space<semaphore_mem>>
      %dma_start3A_308 = arith.constant 0 : i32
      %dma_start3A_309 = arith.constant 0 : i32
      %dma_start3A_310 = tpu.memref_slice %arg15[%dma_start3A_308, %dma_start3A_309] : memref<80x144xf32, #tpu.memory_space<vmem>> -> memref<72x144xf32, #tpu.memory_space<vmem>>
      %dma_start3A_311 = arith.constant 0 : i32
      %dma_start3A_312 = tpu.memref_slice %arg17[%add3A_38, %dma_start3A_311] : memref<10112x144xf32, #tpu.memory_space<vmem_shared>> -> memref<72x144xf32, #tpu.memory_space<vmem_shared>>
      %dma_start3A_313 = arith.constant 0 : i32
      %dma_start3A_314 = tpu.memref_slice %arg17[%add3A_38, %dma_start3A_313] : memref<10112x144xf32, #tpu.memory_space<vmem_shared>> -> memref<72x144xf32, #tpu.memory_space<vmem_shared>>
      %dma_start3A_315 = arith.constant 0 : i32
      %dma_start3A_316 = arith.constant 0 : i32
      %dma_start3A_317 = tpu.memref_slice %arg15[%dma_start3A_315, %dma_start3A_316] : memref<80x144xf32, #tpu.memory_space<vmem>> -> memref<72x144xf32, #tpu.memory_space<vmem>>
      tpu.enqueue_dma source(%dma_start3A_317 : memref<72x144xf32, #tpu.memory_space<vmem>>) target(%dma_start3A_314 : memref<72x144xf32, #tpu.memory_space<vmem_shared>>) target_semaphore(%run_scoped3A : memref<!tpu.dma_semaphore, #tpu.memory_space<semaphore_mem>>)
      %dma_wait3A_318 = arith.constant 0 : i32
      %dma_wait3A_319 = arith.constant 0 : i32
      %dma_wait3A_320 = tpu.memref_slice %arg15[%dma_wait3A_318, %dma_wait3A_319] : memref<80x144xf32, #tpu.memory_space<vmem>> -> memref<72x144xf32, #tpu.memory_space<vmem>>
      %dma_wait3A_321 = arith.constant 0 : i32
      %dma_wait3A_322 = tpu.memref_slice %arg17[%add3A_38, %dma_wait3A_321] : memref<10112x144xf32, #tpu.memory_space<vmem_shared>> -> memref<72x144xf32, #tpu.memory_space<vmem_shared>>
      %dma_wait3A_323 = arith.constant 0 : i32
      %dma_wait3A_324 = tpu.memref_slice %arg17[%add3A_38, %dma_wait3A_323] : memref<10112x144xf32, #tpu.memory_space<vmem_shared>> -> memref<72x144xf32, #tpu.memory_space<vmem_shared>>
      %dma_wait3A_325 = arith.constant 0 : i32
      %dma_wait3A_326 = arith.constant 0 : i32
      %dma_wait3A_327 = tpu.memref_slice %arg15[%dma_wait3A_325, %dma_wait3A_326] : memref<80x144xf32, #tpu.memory_space<vmem>> -> memref<72x144xf32, #tpu.memory_space<vmem>>
      tpu.wait_dma2 semaphore(%run_scoped3A : memref<!tpu.dma_semaphore, #tpu.memory_space<semaphore_mem>>) src(%dma_wait3A_327 : memref<72x144xf32, #tpu.memory_space<vmem>>) dst(%dma_wait3A_324 : memref<72x144xf32, #tpu.memory_space<vmem_shared>>)
      tpu.yield
    }) : () -> ()
    %barrier3A = arith.constant 0 : index
    tpu.barrier barrier_id(%barrier3A)
    %dma_start3A = arith.constant 0 : i32
    %dma_start3A_39 = arith.constant 0 : i32
    %dma_start3A_40 = arith.constant 0 : i32
    %dma_start3A_41 = tpu.memref_slice %arg5[%add3A, %dma_start3A, %dma_start3A_39, %dma_start3A_40] : memref<32x125x2x40xi32, #tpu.memory_space<hbm>> -> memref<1x1x2x40xi32, #tpu.memory_space<hbm>>
    %dma_start3A_42 = tpu.memref_squeeze %dma_start3A_41 : memref<1x1x2x40xi32, #tpu.memory_space<hbm>> -> memref<2x40xi32, #tpu.memory_space<hbm>>
    %dma_start3A_43 = arith.constant 0 : i32
    %dma_start3A_44 = arith.constant 0 : i32
    %dma_start3A_45 = tpu.memref_slice %arg5[%add3A, %dma_start3A, %dma_start3A_43, %dma_start3A_44] : memref<32x125x2x40xi32, #tpu.memory_space<hbm>> -> memref<1x1x2x40xi32, #tpu.memory_space<hbm>>
    %dma_start3A_46 = tpu.memref_squeeze %dma_start3A_45 : memref<1x1x2x40xi32, #tpu.memory_space<hbm>> -> memref<2x40xi32, #tpu.memory_space<hbm>>
    tpu.enqueue_dma source(%dma_start3A_46 : memref<2x40xi32, #tpu.memory_space<hbm>>) target(%arg9 : memref<2x40xi32, #tpu.memory_space<vmem>>) target_semaphore(%arg18 : memref<!tpu.dma_semaphore, #tpu.memory_space<semaphore_mem>>)
    %dma_start3A_47 = arith.constant 1 : i32
    %dma_start3A_48 = arith.constant 0 : i32
    %dma_start3A_49 = arith.constant 0 : i32
    %dma_start3A_50 = tpu.memref_slice %arg5[%add3A, %dma_start3A_47, %dma_start3A_48, %dma_start3A_49] : memref<32x125x2x40xi32, #tpu.memory_space<hbm>> -> memref<1x1x2x40xi32, #tpu.memory_space<hbm>>
    %dma_start3A_51 = tpu.memref_squeeze %dma_start3A_50 : memref<1x1x2x40xi32, #tpu.memory_space<hbm>> -> memref<2x40xi32, #tpu.memory_space<hbm>>
    %dma_start3A_52 = arith.constant 0 : i32
    %dma_start3A_53 = arith.constant 0 : i32
    %dma_start3A_54 = tpu.memref_slice %arg5[%add3A, %dma_start3A_47, %dma_start3A_52, %dma_start3A_53] : memref<32x125x2x40xi32, #tpu.memory_space<hbm>> -> memref<1x1x2x40xi32, #tpu.memory_space<hbm>>
    %dma_start3A_55 = tpu.memref_squeeze %dma_start3A_54 : memref<1x1x2x40xi32, #tpu.memory_space<hbm>> -> memref<2x40xi32, #tpu.memory_space<hbm>>
    tpu.enqueue_dma source(%dma_start3A_55 : memref<2x40xi32, #tpu.memory_space<hbm>>) target(%arg10 : memref<2x40xi32, #tpu.memory_space<vmem>>) target_semaphore(%arg19 : memref<!tpu.dma_semaphore, #tpu.memory_space<semaphore_mem>>)
    %dma_start3A_56 = arith.constant 2 : i32
    %dma_start3A_57 = arith.constant 0 : i32
    %dma_start3A_58 = arith.constant 0 : i32
    %dma_start3A_59 = tpu.memref_slice %arg5[%add3A, %dma_start3A_56, %dma_start3A_57, %dma_start3A_58] : memref<32x125x2x40xi32, #tpu.memory_space<hbm>> -> memref<1x1x2x40xi32, #tpu.memory_space<hbm>>
    %dma_start3A_60 = tpu.memref_squeeze %dma_start3A_59 : memref<1x1x2x40xi32, #tpu.memory_space<hbm>> -> memref<2x40xi32, #tpu.memory_space<hbm>>
    %dma_start3A_61 = arith.constant 0 : i32
    %dma_start3A_62 = arith.constant 0 : i32
    %dma_start3A_63 = tpu.memref_slice %arg5[%add3A, %dma_start3A_56, %dma_start3A_61, %dma_start3A_62] : memref<32x125x2x40xi32, #tpu.memory_space<hbm>> -> memref<1x1x2x40xi32, #tpu.memory_space<hbm>>
    %dma_start3A_64 = tpu.memref_squeeze %dma_start3A_63 : memref<1x1x2x40xi32, #tpu.memory_space<hbm>> -> memref<2x40xi32, #tpu.memory_space<hbm>>
    tpu.enqueue_dma source(%dma_start3A_64 : memref<2x40xi32, #tpu.memory_space<hbm>>) target(%arg11 : memref<2x40xi32, #tpu.memory_space<vmem>>) target_semaphore(%arg20 : memref<!tpu.dma_semaphore, #tpu.memory_space<semaphore_mem>>)
    %dma_wait3A = arith.constant 0 : i32
    %dma_wait3A_65 = arith.constant 0 : i32
    %dma_wait3A_66 = arith.constant 0 : i32
    %dma_wait3A_67 = tpu.memref_slice %arg5[%add3A, %dma_wait3A, %dma_wait3A_65, %dma_wait3A_66] : memref<32x125x2x40xi32, #tpu.memory_space<hbm>> -> memref<1x1x2x40xi32, #tpu.memory_space<hbm>>
    %dma_wait3A_68 = tpu.memref_squeeze %dma_wait3A_67 : memref<1x1x2x40xi32, #tpu.memory_space<hbm>> -> memref<2x40xi32, #tpu.memory_space<hbm>>
    %dma_wait3A_69 = arith.constant 0 : i32
    %dma_wait3A_70 = arith.constant 0 : i32
    %dma_wait3A_71 = tpu.memref_slice %arg5[%add3A, %dma_wait3A, %dma_wait3A_69, %dma_wait3A_70] : memref<32x125x2x40xi32, #tpu.memory_space<hbm>> -> memref<1x1x2x40xi32, #tpu.memory_space<hbm>>
    %dma_wait3A_72 = tpu.memref_squeeze %dma_wait3A_71 : memref<1x1x2x40xi32, #tpu.memory_space<hbm>> -> memref<2x40xi32, #tpu.memory_space<hbm>>
    tpu.wait_dma2 semaphore(%arg18 : memref<!tpu.dma_semaphore, #tpu.memory_space<semaphore_mem>>) src(%dma_wait3A_72 : memref<2x40xi32, #tpu.memory_space<hbm>>) dst(%arg9 : memref<2x40xi32, #tpu.memory_space<vmem>>)
    %dma_start3A_73 = arith.constant 0 : i32
    %dma_start3A_74 = arith.constant 0 : i32
    %dma_start3A_75 = tpu.memref_slice %arg8[%dma_start3A_73, %dma_start3A_74] : memref<125x80xi32, #tpu.memory_space<vmem>> -> memref<1x80xi32, #tpu.memory_space<vmem>>
    %dma_start3A_76 = tpu.memref_squeeze %dma_start3A_75 : memref<1x80xi32, #tpu.memory_space<vmem>> -> memref<80xi32, #tpu.memory_space<vmem>>
    %dma_start3A_77 = arith.constant 0 : i32
    %dma_start3A_78 = arith.constant 0 : i32
    %dma_start3A_79 = tpu.memref_slice %arg2[%dma_start3A_77, %dma_start3A_78] : memref<10000x144xf32, #tpu.memory_space<hbm>> -> memref<10000x144xf32, #tpu.memory_space<hbm>>
    tpu.enqueue_indirect_dma source(%dma_start3A_79 : memref<10000x144xf32, #tpu.memory_space<hbm>>) target(%arg15 : memref<80x144xf32, #tpu.memory_space<vmem>>) offsets(%dma_start3A_76 : memref<80xi32, #tpu.memory_space<vmem>>) semaphore(%arg22 : memref<!tpu.dma_semaphore, #tpu.memory_space<semaphore_mem>>)
    %dma_start3A_80 = arith.constant 0 : i32
    %dma_start3A_81 = arith.constant 0 : i32
    %dma_start3A_82 = arith.constant 0 : i32
    %dma_start3A_83 = tpu.memref_slice %arg13[%dma_start3A_81, %dma_start3A_82] : memref<80x16xf32, #tpu.memory_space<vmem>> -> memref<40x16xf32, #tpu.memory_space<vmem>>
    %dma_start3A_84 = arith.constant 0 : i32
    %dma_start3A_85 = tpu.memref_slice %arg9[%dma_start3A_80, %dma_start3A_84] : memref<2x40xi32, #tpu.memory_space<vmem>> -> memref<1x40xi32, #tpu.memory_space<vmem>>
    %dma_start3A_86 = tpu.memref_squeeze %dma_start3A_85 : memref<1x40xi32, #tpu.memory_space<vmem>> -> memref<40xi32, #tpu.memory_space<vmem>>
    %dma_start3A_87 = arith.constant 0 : i32
    %dma_start3A_88 = arith.constant 0 : i32
    %dma_start3A_89 = tpu.memref_slice %arg3[%dma_start3A_87, %dma_start3A_88] : memref<10000x16xf32, #tpu.memory_space<hbm>> -> memref<10000x16xf32, #tpu.memory_space<hbm>>
    tpu.enqueue_indirect_dma source(%dma_start3A_89 : memref<10000x16xf32, #tpu.memory_space<hbm>>) target(%dma_start3A_83 : memref<40x16xf32, #tpu.memory_space<vmem>>) offsets(%dma_start3A_86 : memref<40xi32, #tpu.memory_space<vmem>>) semaphore(%arg22 : memref<!tpu.dma_semaphore, #tpu.memory_space<semaphore_mem>>)
    %dma_start3A_90 = arith.constant 1 : i32
    %dma_start3A_91 = arith.constant 40 : i32
    %dma_start3A_92 = arith.constant 0 : i32
    %dma_start3A_93 = tpu.memref_slice %arg13[%dma_start3A_91, %dma_start3A_92] : memref<80x16xf32, #tpu.memory_space<vmem>> -> memref<40x16xf32, #tpu.memory_space<vmem>>
    %dma_start3A_94 = arith.constant 0 : i32
    %dma_start3A_95 = tpu.memref_slice %arg9[%dma_start3A_90, %dma_start3A_94] : memref<2x40xi32, #tpu.memory_space<vmem>> -> memref<1x40xi32, #tpu.memory_space<vmem>>
    %dma_start3A_96 = tpu.memref_squeeze %dma_start3A_95 : memref<1x40xi32, #tpu.memory_space<vmem>> -> memref<40xi32, #tpu.memory_space<vmem>>
    %dma_start3A_97 = arith.constant 0 : i32
    %dma_start3A_98 = arith.constant 0 : i32
    %dma_start3A_99 = tpu.memref_slice %arg3[%dma_start3A_97, %dma_start3A_98] : memref<10000x16xf32, #tpu.memory_space<hbm>> -> memref<10000x16xf32, #tpu.memory_space<hbm>>
    tpu.enqueue_indirect_dma source(%dma_start3A_99 : memref<10000x16xf32, #tpu.memory_space<hbm>>) target(%dma_start3A_93 : memref<40x16xf32, #tpu.memory_space<vmem>>) offsets(%dma_start3A_96 : memref<40xi32, #tpu.memory_space<vmem>>) semaphore(%arg22 : memref<!tpu.dma_semaphore, #tpu.memory_space<semaphore_mem>>)
    %scan3A_100 = arith.constant 0 : i32
    %scan3A_101 = arith.constant 0 : i32
    %scan3A_102 = arith.constant 31 : i32
    %scan3A_103 = arith.addi %scan3A_101, %scan3A_102 : i32
    %scan3A_104 = arith.constant 1 : i32
    scf.for %scan3A_308 = %scan3A_101 to %scan3A_103 step %scan3A_104  : i32 {
      %mul3A_309 = arith.constant 4 : i32
      %mul3A_310 = arith.muli %mul3A_309, %scan3A_308 : i32
      %add3A_311 = arith.constant 0 : i32
      %add3A_312 = arith.addi %mul3A_310, %add3A_311 : i32
      %gt3A = arith.constant 0 : i32
      %gt3A_313 = arith.cmpi sgt, %scan3A_308, %gt3A : i32
      %convert_element_type3A_314 = arith.extui %gt3A_313 : i1 to i32
      %cond3A_315 = arith.constant 0 : i32
      %cond3A_316 = arith.cmpi ne, %convert_element_type3A_314, %cond3A_315 : i32
      scf.if %cond3A_316 {
        %sub3A_781 = arith.constant 1 : i32
        %sub3A_782 = arith.subi %add3A_312, %sub3A_781 : i32
        %dma_wait3A_783 = arith.constant 0 : i32
        %dma_wait3A_784 = arith.constant 0 : i32
        %dma_wait3A_785 = arith.constant 0 : i32
        %dma_wait3A_786 = tpu.memref_slice %arg16[%dma_wait3A_784, %dma_wait3A_785] : memref<80x144xf32, #tpu.memory_space<vmem>> -> memref<40x144xf32, #tpu.memory_space<vmem>>
        %dma_wait3A_787 = arith.constant 0 : i32
        %dma_wait3A_788 = tpu.memref_slice %arg12[%dma_wait3A_783, %dma_wait3A_787] : memref<2x40xi32, #tpu.memory_space<vmem>> -> memref<1x40xi32, #tpu.memory_space<vmem>>
        %dma_wait3A_789 = tpu.memref_squeeze %dma_wait3A_788 : memref<1x40xi32, #tpu.memory_space<vmem>> -> memref<40xi32, #tpu.memory_space<vmem>>
        %dma_wait3A_790 = arith.constant 0 : i32
        %dma_wait3A_791 = arith.constant 0 : i32
        %dma_wait3A_792 = tpu.memref_slice %arg17[%dma_wait3A_790, %dma_wait3A_791] : memref<10112x144xf32, #tpu.memory_space<vmem_shared>> -> memref<10112x144xf32, #tpu.memory_space<vmem_shared>>
        tpu.wait_indirect_dma semaphore(%arg25 : memref<!tpu.dma_semaphore, #tpu.memory_space<semaphore_mem>>) src(%dma_wait3A_786 : memref<40x144xf32, #tpu.memory_space<vmem>>) dst(%dma_wait3A_792 : memref<10112x144xf32, #tpu.memory_space<vmem_shared>>)
        %dma_wait3A_793 = arith.constant 1 : i32
        %dma_wait3A_794 = arith.constant 40 : i32
        %dma_wait3A_795 = arith.constant 0 : i32
        %dma_wait3A_796 = tpu.memref_slice %arg16[%dma_wait3A_794, %dma_wait3A_795] : memref<80x144xf32, #tpu.memory_space<vmem>> -> memref<40x144xf32, #tpu.memory_space<vmem>>
        %dma_wait3A_797 = arith.constant 0 : i32
        %dma_wait3A_798 = tpu.memref_slice %arg12[%dma_wait3A_793, %dma_wait3A_797] : memref<2x40xi32, #tpu.memory_space<vmem>> -> memref<1x40xi32, #tpu.memory_space<vmem>>
        %dma_wait3A_799 = tpu.memref_squeeze %dma_wait3A_798 : memref<1x40xi32, #tpu.memory_space<vmem>> -> memref<40xi32, #tpu.memory_space<vmem>>
        %dma_wait3A_800 = arith.constant 0 : i32
        %dma_wait3A_801 = arith.constant 0 : i32
        %dma_wait3A_802 = tpu.memref_slice %arg17[%dma_wait3A_800, %dma_wait3A_801] : memref<10112x144xf32, #tpu.memory_space<vmem_shared>> -> memref<10112x144xf32, #tpu.memory_space<vmem_shared>>
        tpu.wait_indirect_dma semaphore(%arg25 : memref<!tpu.dma_semaphore, #tpu.memory_space<semaphore_mem>>) src(%dma_wait3A_796 : memref<40x144xf32, #tpu.memory_space<vmem>>) dst(%dma_wait3A_802 : memref<10112x144xf32, #tpu.memory_space<vmem_shared>>)
      } else {
      }
      %add3A_317 = arith.constant 3 : i32
      %add3A_318 = arith.addi %add3A_312, %add3A_317 : i32
      %lt3A = arith.constant 125 : i32
      %lt3A_319 = arith.cmpi slt, %add3A_318, %lt3A : i32
      %convert_element_type3A_320 = arith.extui %lt3A_319 : i1 to i32
      %cond3A_321 = arith.constant 0 : i32
      %cond3A_322 = arith.cmpi ne, %convert_element_type3A_320, %cond3A_321 : i32
      scf.if %cond3A_322 {
        %add3A_781 = arith.constant 3 : i32
        %add3A_782 = arith.addi %add3A_312, %add3A_781 : i32
        %dma_start3A_783 = arith.constant 0 : i32
        %dma_start3A_784 = arith.constant 0 : i32
        %dma_start3A_785 = tpu.memref_slice %arg5[%add3A, %add3A_782, %dma_start3A_783, %dma_start3A_784] : memref<32x125x2x40xi32, #tpu.memory_space<hbm>> -> memref<1x1x2x40xi32, #tpu.memory_space<hbm>>
        %dma_start3A_786 = tpu.memref_squeeze %dma_start3A_785 : memref<1x1x2x40xi32, #tpu.memory_space<hbm>> -> memref<2x40xi32, #tpu.memory_space<hbm>>
        %dma_start3A_787 = arith.constant 0 : i32
        %dma_start3A_788 = arith.constant 0 : i32
        %dma_start3A_789 = tpu.memref_slice %arg5[%add3A, %add3A_782, %dma_start3A_787, %dma_start3A_788] : memref<32x125x2x40xi32, #tpu.memory_space<hbm>> -> memref<1x1x2x40xi32, #tpu.memory_space<hbm>>
        %dma_start3A_790 = tpu.memref_squeeze %dma_start3A_789 : memref<1x1x2x40xi32, #tpu.memory_space<hbm>> -> memref<2x40xi32, #tpu.memory_space<hbm>>
        tpu.enqueue_dma source(%dma_start3A_790 : memref<2x40xi32, #tpu.memory_space<hbm>>) target(%arg12 : memref<2x40xi32, #tpu.memory_space<vmem>>) target_semaphore(%arg21 : memref<!tpu.dma_semaphore, #tpu.memory_space<semaphore_mem>>)
      } else {
      }
      %add3A_323 = arith.constant 1 : i32
      %add3A_324 = arith.addi %add3A_312, %add3A_323 : i32
      %dma_wait3A_325 = arith.constant 0 : i32
      %dma_wait3A_326 = arith.constant 0 : i32
      %dma_wait3A_327 = tpu.memref_slice %arg5[%add3A, %add3A_324, %dma_wait3A_325, %dma_wait3A_326] : memref<32x125x2x40xi32, #tpu.memory_space<hbm>> -> memref<1x1x2x40xi32, #tpu.memory_space<hbm>>
      %dma_wait3A_328 = tpu.memref_squeeze %dma_wait3A_327 : memref<1x1x2x40xi32, #tpu.memory_space<hbm>> -> memref<2x40xi32, #tpu.memory_space<hbm>>
      %dma_wait3A_329 = arith.constant 0 : i32
      %dma_wait3A_330 = arith.constant 0 : i32
      %dma_wait3A_331 = tpu.memref_slice %arg5[%add3A, %add3A_324, %dma_wait3A_329, %dma_wait3A_330] : memref<32x125x2x40xi32, #tpu.memory_space<hbm>> -> memref<1x1x2x40xi32, #tpu.memory_space<hbm>>
      %dma_wait3A_332 = tpu.memref_squeeze %dma_wait3A_331 : memref<1x1x2x40xi32, #tpu.memory_space<hbm>> -> memref<2x40xi32, #tpu.memory_space<hbm>>
      tpu.wait_dma2 semaphore(%arg19 : memref<!tpu.dma_semaphore, #tpu.memory_space<semaphore_mem>>) src(%dma_wait3A_332 : memref<2x40xi32, #tpu.memory_space<hbm>>) dst(%arg10 : memref<2x40xi32, #tpu.memory_space<vmem>>)
      %add3A_333 = arith.constant 1 : i32
      %add3A_334 = arith.addi %add3A_312, %add3A_333 : i32
      %dma_start3A_335 = arith.constant 0 : i32
      %dma_start3A_336 = tpu.memref_slice %arg8[%add3A_334, %dma_start3A_335] : memref<125x80xi32, #tpu.memory_space<vmem>> -> memref<1x80xi32, #tpu.memory_space<vmem>>
      %dma_start3A_337 = tpu.memref_squeeze %dma_start3A_336 : memref<1x80xi32, #tpu.memory_space<vmem>> -> memref<80xi32, #tpu.memory_space<vmem>>
      %dma_start3A_338 = arith.constant 0 : i32
      %dma_start3A_339 = arith.constant 0 : i32
      %dma_start3A_340 = tpu.memref_slice %arg2[%dma_start3A_338, %dma_start3A_339] : memref<10000x144xf32, #tpu.memory_space<hbm>> -> memref<10000x144xf32, #tpu.memory_space<hbm>>
      tpu.enqueue_indirect_dma source(%dma_start3A_340 : memref<10000x144xf32, #tpu.memory_space<hbm>>) target(%arg16 : memref<80x144xf32, #tpu.memory_space<vmem>>) offsets(%dma_start3A_337 : memref<80xi32, #tpu.memory_space<vmem>>) semaphore(%arg23 : memref<!tpu.dma_semaphore, #tpu.memory_space<semaphore_mem>>)
      %dma_start3A_341 = arith.constant 0 : i32
      %dma_start3A_342 = arith.constant 0 : i32
      %dma_start3A_343 = arith.constant 0 : i32
      %dma_start3A_344 = tpu.memref_slice %arg14[%dma_start3A_342, %dma_start3A_343] : memref<80x16xf32, #tpu.memory_space<vmem>> -> memref<40x16xf32, #tpu.memory_space<vmem>>
      %dma_start3A_345 = arith.constant 0 : i32
      %dma_start3A_346 = tpu.memref_slice %arg10[%dma_start3A_341, %dma_start3A_345] : memref<2x40xi32, #tpu.memory_space<vmem>> -> memref<1x40xi32, #tpu.memory_space<vmem>>
      %dma_start3A_347 = tpu.memref_squeeze %dma_start3A_346 : memref<1x40xi32, #tpu.memory_space<vmem>> -> memref<40xi32, #tpu.memory_space<vmem>>
      %dma_start3A_348 = arith.constant 0 : i32
      %dma_start3A_349 = arith.constant 0 : i32
      %dma_start3A_350 = tpu.memref_slice %arg3[%dma_start3A_348, %dma_start3A_349] : memref<10000x16xf32, #tpu.memory_space<hbm>> -> memref<10000x16xf32, #tpu.memory_space<hbm>>
      tpu.enqueue_indirect_dma source(%dma_start3A_350 : memref<10000x16xf32, #tpu.memory_space<hbm>>) target(%dma_start3A_344 : memref<40x16xf32, #tpu.memory_space<vmem>>) offsets(%dma_start3A_347 : memref<40xi32, #tpu.memory_space<vmem>>) semaphore(%arg23 : memref<!tpu.dma_semaphore, #tpu.memory_space<semaphore_mem>>)
      %dma_start3A_351 = arith.constant 1 : i32
      %dma_start3A_352 = arith.constant 40 : i32
      %dma_start3A_353 = arith.constant 0 : i32
      %dma_start3A_354 = tpu.memref_slice %arg14[%dma_start3A_352, %dma_start3A_353] : memref<80x16xf32, #tpu.memory_space<vmem>> -> memref<40x16xf32, #tpu.memory_space<vmem>>
      %dma_start3A_355 = arith.constant 0 : i32
      %dma_start3A_356 = tpu.memref_slice %arg10[%dma_start3A_351, %dma_start3A_355] : memref<2x40xi32, #tpu.memory_space<vmem>> -> memref<1x40xi32, #tpu.memory_space<vmem>>
      %dma_start3A_357 = tpu.memref_squeeze %dma_start3A_356 : memref<1x40xi32, #tpu.memory_space<vmem>> -> memref<40xi32, #tpu.memory_space<vmem>>
      %dma_start3A_358 = arith.constant 0 : i32
      %dma_start3A_359 = arith.constant 0 : i32
      %dma_start3A_360 = tpu.memref_slice %arg3[%dma_start3A_358, %dma_start3A_359] : memref<10000x16xf32, #tpu.memory_space<hbm>> -> memref<10000x16xf32, #tpu.memory_space<hbm>>
      tpu.enqueue_indirect_dma source(%dma_start3A_360 : memref<10000x16xf32, #tpu.memory_space<hbm>>) target(%dma_start3A_354 : memref<40x16xf32, #tpu.memory_space<vmem>>) offsets(%dma_start3A_357 : memref<40xi32, #tpu.memory_space<vmem>>) semaphore(%arg23 : memref<!tpu.dma_semaphore, #tpu.memory_space<semaphore_mem>>)
      %dma_wait3A_361 = arith.constant 0 : i32
      %dma_wait3A_362 = tpu.memref_slice %arg8[%add3A_312, %dma_wait3A_361] : memref<125x80xi32, #tpu.memory_space<vmem>> -> memref<1x80xi32, #tpu.memory_space<vmem>>
      %dma_wait3A_363 = tpu.memref_squeeze %dma_wait3A_362 : memref<1x80xi32, #tpu.memory_space<vmem>> -> memref<80xi32, #tpu.memory_space<vmem>>
      %dma_wait3A_364 = arith.constant 0 : i32
      %dma_wait3A_365 = arith.constant 0 : i32
      %dma_wait3A_366 = tpu.memref_slice %arg2[%dma_wait3A_364, %dma_wait3A_365] : memref<10000x144xf32, #tpu.memory_space<hbm>> -> memref<10000x144xf32, #tpu.memory_space<hbm>>
      tpu.wait_indirect_dma semaphore(%arg22 : memref<!tpu.dma_semaphore, #tpu.memory_space<semaphore_mem>>) src(%dma_wait3A_366 : memref<10000x144xf32, #tpu.memory_space<hbm>>) dst(%arg15 : memref<80x144xf32, #tpu.memory_space<vmem>>)
      %dma_wait3A_367 = arith.constant 0 : i32
      %dma_wait3A_368 = arith.constant 0 : i32
      %dma_wait3A_369 = arith.constant 0 : i32
      %dma_wait3A_370 = tpu.memref_slice %arg13[%dma_wait3A_368, %dma_wait3A_369] : memref<80x16xf32, #tpu.memory_space<vmem>> -> memref<40x16xf32, #tpu.memory_space<vmem>>
      %dma_wait3A_371 = arith.constant 0 : i32
      %dma_wait3A_372 = tpu.memref_slice %arg9[%dma_wait3A_367, %dma_wait3A_371] : memref<2x40xi32, #tpu.memory_space<vmem>> -> memref<1x40xi32, #tpu.memory_space<vmem>>
      %dma_wait3A_373 = tpu.memref_squeeze %dma_wait3A_372 : memref<1x40xi32, #tpu.memory_space<vmem>> -> memref<40xi32, #tpu.memory_space<vmem>>
      %dma_wait3A_374 = arith.constant 0 : i32
      %dma_wait3A_375 = arith.constant 0 : i32
      %dma_wait3A_376 = tpu.memref_slice %arg3[%dma_wait3A_374, %dma_wait3A_375] : memref<10000x16xf32, #tpu.memory_space<hbm>> -> memref<10000x16xf32, #tpu.memory_space<hbm>>
      tpu.wait_indirect_dma semaphore(%arg22 : memref<!tpu.dma_semaphore, #tpu.memory_space<semaphore_mem>>) src(%dma_wait3A_376 : memref<10000x16xf32, #tpu.memory_space<hbm>>) dst(%dma_wait3A_370 : memref<40x16xf32, #tpu.memory_space<vmem>>)
      %dma_wait3A_377 = arith.constant 1 : i32
      %dma_wait3A_378 = arith.constant 40 : i32
      %dma_wait3A_379 = arith.constant 0 : i32
      %dma_wait3A_380 = tpu.memref_slice %arg13[%dma_wait3A_378, %dma_wait3A_379] : memref<80x16xf32, #tpu.memory_space<vmem>> -> memref<40x16xf32, #tpu.memory_space<vmem>>
      %dma_wait3A_381 = arith.constant 0 : i32
      %dma_wait3A_382 = tpu.memref_slice %arg9[%dma_wait3A_377, %dma_wait3A_381] : memref<2x40xi32, #tpu.memory_space<vmem>> -> memref<1x40xi32, #tpu.memory_space<vmem>>
      %dma_wait3A_383 = tpu.memref_squeeze %dma_wait3A_382 : memref<1x40xi32, #tpu.memory_space<vmem>> -> memref<40xi32, #tpu.memory_space<vmem>>
      %dma_wait3A_384 = arith.constant 0 : i32
      %dma_wait3A_385 = arith.constant 0 : i32
      %dma_wait3A_386 = tpu.memref_slice %arg3[%dma_wait3A_384, %dma_wait3A_385] : memref<10000x16xf32, #tpu.memory_space<hbm>> -> memref<10000x16xf32, #tpu.memory_space<hbm>>
      tpu.wait_indirect_dma semaphore(%arg22 : memref<!tpu.dma_semaphore, #tpu.memory_space<semaphore_mem>>) src(%dma_wait3A_386 : memref<10000x16xf32, #tpu.memory_space<hbm>>) dst(%dma_wait3A_380 : memref<40x16xf32, #tpu.memory_space<vmem>>)
      %parallel_loop3A_387 = arith.constant 0 : i32
      %parallel_loop3A_388 = arith.constant 40 : i32
      %parallel_loop3A_389 = arith.constant 1 : i32
      scf.for %parallel_loop3A_781 = %parallel_loop3A_387 to %parallel_loop3A_388 step %parallel_loop3A_389  : i32 {
        %parallel_loop3A_782 = arith.index_cast %parallel_loop3A_781 : i32 to index
        %parallel_loop3A_783 = arith.constant 128 : index
        %parallel_loop3A_784 = tpu.vector_load %arg15[%parallel_loop3A_782, %parallel_loop3A_783] {strides = array<i32>} : memref<80x144xf32, #tpu.memory_space<vmem>>, vector<1x16xf32>,
        %parallel_loop3A_785 = vector.shape_cast %parallel_loop3A_784 : vector<1x16xf32> to vector<16xf32>
        %parallel_loop3A_786 = arith.index_cast %parallel_loop3A_781 : i32 to index
        %parallel_loop3A_787 = arith.constant 0 : index
        %parallel_loop3A_788 = tpu.vector_load %arg13[%parallel_loop3A_786, %parallel_loop3A_787] {strides = array<i32>} : memref<80x16xf32, #tpu.memory_space<vmem>>, vector<1x16xf32>,
        %parallel_loop3A_789 = vector.shape_cast %parallel_loop3A_788 : vector<1x16xf32> to vector<16xf32>
        %parallel_loop3A_790 = arith.addf %parallel_loop3A_785, %parallel_loop3A_789 : vector<16xf32>
        %parallel_loop3A_791 = arith.constant 0.000000e+00 : f32
        %parallel_loop3A_792 = vector.broadcast %parallel_loop3A_791 : f32 to vector<16xf32>
        %parallel_loop3A_793 = arith.cmpf ogt, %parallel_loop3A_790, %parallel_loop3A_792 : vector<16xf32>
        %parallel_loop3A_794 = arith.constant 0.00999999977 : f32
        %parallel_loop3A_795 = vector.broadcast %parallel_loop3A_794 : f32 to vector<16xf32>
        %parallel_loop3A_796 = arith.mulf %parallel_loop3A_790, %parallel_loop3A_795 : vector<16xf32>
        %parallel_loop3A_797 = arith.select %parallel_loop3A_793, %parallel_loop3A_790, %parallel_loop3A_796 : vector<16xi1>, vector<16xf32>
        %parallel_loop3A_798 = math.exp %parallel_loop3A_797 : vector<16xf32>
        %parallel_loop3A_799 = arith.index_cast %parallel_loop3A_781 : i32 to index
        %parallel_loop3A_800 = arith.constant 128 : index
        %parallel_loop3A_801 = tpu.vector_load %arg15[%parallel_loop3A_799, %parallel_loop3A_800] {strides = array<i32>} : memref<80x144xf32, #tpu.memory_space<vmem>>, vector<1x16xf32>,
        %parallel_loop3A_802 = vector.shape_cast %parallel_loop3A_801 : vector<1x16xf32> to vector<16xf32>
        %parallel_loop3A_803 = vector.shape_cast %parallel_loop3A_798 : vector<16xf32> to vector<1x16xf32>
        tpu.vector_store %arg15[%parallel_loop3A_799, %parallel_loop3A_800], %parallel_loop3A_803 {strides = array<i32>} : memref<80x144xf32, #tpu.memory_space<vmem>>, vector<1x16xf32>,
        %parallel_loop3A_804 = arith.index_cast %parallel_loop3A_781 : i32 to index
        %parallel_loop3A_805 = arith.constant 0 : index
        %parallel_loop3A_806 = tpu.vector_load %arg15[%parallel_loop3A_804, %parallel_loop3A_805] {strides = array<i32>} : memref<80x144xf32, #tpu.memory_space<vmem>>, vector<1x16xf32>,
        %parallel_loop3A_807 = vector.shape_cast %parallel_loop3A_806 : vector<1x16xf32> to vector<16xf32>
        %parallel_loop3A_808 = vector.extract_strided_slice %parallel_loop3A_798 {offsets = [0], sizes = [1], strides = [1]} : vector<16xf32> to vector<1xf32>
        %parallel_loop3A_809 = vector.extract %parallel_loop3A_808[0] : f32 from vector<1xf32>
        %parallel_loop3A_810 = vector.broadcast %parallel_loop3A_809 : f32 to vector<16xf32>
        %parallel_loop3A_811 = arith.mulf %parallel_loop3A_807, %parallel_loop3A_810 : vector<16xf32>
        %parallel_loop3A_812 = arith.index_cast %parallel_loop3A_781 : i32 to index
        %parallel_loop3A_813 = arith.constant 0 : index
        %parallel_loop3A_814 = tpu.vector_load %arg15[%parallel_loop3A_812, %parallel_loop3A_813] {strides = array<i32>} : memref<80x144xf32, #tpu.memory_space<vmem>>, vector<1x16xf32>,
        %parallel_loop3A_815 = vector.shape_cast %parallel_loop3A_814 : vector<1x16xf32> to vector<16xf32>
        %parallel_loop3A_816 = vector.shape_cast %parallel_loop3A_811 : vector<16xf32> to vector<1x16xf32>
        tpu.vector_store %arg15[%parallel_loop3A_812, %parallel_loop3A_813], %parallel_loop3A_816 {strides = array<i32>} : memref<80x144xf32, #tpu.memory_space<vmem>>, vector<1x16xf32>,
        %parallel_loop3A_817 = arith.index_cast %parallel_loop3A_781 : i32 to index
        %parallel_loop3A_818 = arith.constant 16 : index
        %parallel_loop3A_819 = tpu.vector_load %arg15[%parallel_loop3A_817, %parallel_loop3A_818] {strides = array<i32>} : memref<80x144xf32, #tpu.memory_space<vmem>>, vector<1x16xf32>,
        %parallel_loop3A_820 = vector.shape_cast %parallel_loop3A_819 : vector<1x16xf32> to vector<16xf32>
        %parallel_loop3A_821 = vector.extract_strided_slice %parallel_loop3A_798 {offsets = [1], sizes = [1], strides = [1]} : vector<16xf32> to vector<1xf32>
        %parallel_loop3A_822 = vector.extract %parallel_loop3A_821[0] : f32 from vector<1xf32>
        %parallel_loop3A_823 = vector.broadcast %parallel_loop3A_822 : f32 to vector<16xf32>
        %parallel_loop3A_824 = arith.mulf %parallel_loop3A_820, %parallel_loop3A_823 : vector<16xf32>
        %parallel_loop3A_825 = arith.index_cast %parallel_loop3A_781 : i32 to index
        %parallel_loop3A_826 = arith.constant 16 : index
        %parallel_loop3A_827 = tpu.vector_load %arg15[%parallel_loop3A_825, %parallel_loop3A_826] {strides = array<i32>} : memref<80x144xf32, #tpu.memory_space<vmem>>, vector<1x16xf32>,
        %parallel_loop3A_828 = vector.shape_cast %parallel_loop3A_827 : vector<1x16xf32> to vector<16xf32>
        %parallel_loop3A_829 = vector.shape_cast %parallel_loop3A_824 : vector<16xf32> to vector<1x16xf32>
        tpu.vector_store %arg15[%parallel_loop3A_825, %parallel_loop3A_826], %parallel_loop3A_829 {strides = array<i32>} : memref<80x144xf32, #tpu.memory_space<vmem>>, vector<1x16xf32>,
        %parallel_loop3A_830 = arith.index_cast %parallel_loop3A_781 : i32 to index
        %parallel_loop3A_831 = arith.constant 32 : index
        %parallel_loop3A_832 = tpu.vector_load %arg15[%parallel_loop3A_830, %parallel_loop3A_831] {strides = array<i32>} : memref<80x144xf32, #tpu.memory_space<vmem>>, vector<1x16xf32>,
        %parallel_loop3A_833 = vector.shape_cast %parallel_loop3A_832 : vector<1x16xf32> to vector<16xf32>
        %parallel_loop3A_834 = vector.extract_strided_slice %parallel_loop3A_798 {offsets = [2], sizes = [1], strides = [1]} : vector<16xf32> to vector<1xf32>
        %parallel_loop3A_835 = vector.extract %parallel_loop3A_834[0] : f32 from vector<1xf32>
        %parallel_loop3A_836 = vector.broadcast %parallel_loop3A_835 : f32 to vector<16xf32>
        %parallel_loop3A_837 = arith.mulf %parallel_loop3A_833, %parallel_loop3A_836 : vector<16xf32>
        %parallel_loop3A_838 = arith.index_cast %parallel_loop3A_781 : i32 to index
        %parallel_loop3A_839 = arith.constant 32 : index
        %parallel_loop3A_840 = tpu.vector_load %arg15[%parallel_loop3A_838, %parallel_loop3A_839] {strides = array<i32>} : memref<80x144xf32, #tpu.memory_space<vmem>>, vector<1x16xf32>,
        %parallel_loop3A_841 = vector.shape_cast %parallel_loop3A_840 : vector<1x16xf32> to vector<16xf32>
        %parallel_loop3A_842 = vector.shape_cast %parallel_loop3A_837 : vector<16xf32> to vector<1x16xf32>
        tpu.vector_store %arg15[%parallel_loop3A_838, %parallel_loop3A_839], %parallel_loop3A_842 {strides = array<i32>} : memref<80x144xf32, #tpu.memory_space<vmem>>, vector<1x16xf32>,
        %parallel_loop3A_843 = arith.index_cast %parallel_loop3A_781 : i32 to index
        %parallel_loop3A_844 = arith.constant 48 : index
        %parallel_loop3A_845 = tpu.vector_load %arg15[%parallel_loop3A_843, %parallel_loop3A_844] {strides = array<i32>} : memref<80x144xf32, #tpu.memory_space<vmem>>, vector<1x16xf32>,
        %parallel_loop3A_846 = vector.shape_cast %parallel_loop3A_845 : vector<1x16xf32> to vector<16xf32>
        %parallel_loop3A_847 = vector.extract_strided_slice %parallel_loop3A_798 {offsets = [3], sizes = [1], strides = [1]} : vector<16xf32> to vector<1xf32>
        %parallel_loop3A_848 = vector.extract %parallel_loop3A_847[0] : f32 from vector<1xf32>
        %parallel_loop3A_849 = vector.broadcast %parallel_loop3A_848 : f32 to vector<16xf32>
        %parallel_loop3A_850 = arith.mulf %parallel_loop3A_846, %parallel_loop3A_849 : vector<16xf32>
        %parallel_loop3A_851 = arith.index_cast %parallel_loop3A_781 : i32 to index
        %parallel_loop3A_852 = arith.constant 48 : index
        %parallel_loop3A_853 = tpu.vector_load %arg15[%parallel_loop3A_851, %parallel_loop3A_852] {strides = array<i32>} : memref<80x144xf32, #tpu.memory_space<vmem>>, vector<1x16xf32>,
        %parallel_loop3A_854 = vector.shape_cast %parallel_loop3A_853 : vector<1x16xf32> to vector<16xf32>
        %parallel_loop3A_855 = vector.shape_cast %parallel_loop3A_850 : vector<16xf32> to vector<1x16xf32>
        tpu.vector_store %arg15[%parallel_loop3A_851, %parallel_loop3A_852], %parallel_loop3A_855 {strides = array<i32>} : memref<80x144xf32, #tpu.memory_space<vmem>>, vector<1x16xf32>,
        %parallel_loop3A_856 = arith.index_cast %parallel_loop3A_781 : i32 to index
        %parallel_loop3A_857 = arith.constant 64 : index
        %parallel_loop3A_858 = tpu.vector_load %arg15[%parallel_loop3A_856, %parallel_loop3A_857] {strides = array<i32>} : memref<80x144xf32, #tpu.memory_space<vmem>>, vector<1x16xf32>,
        %parallel_loop3A_859 = vector.shape_cast %parallel_loop3A_858 : vector<1x16xf32> to vector<16xf32>
        %parallel_loop3A_860 = vector.extract_strided_slice %parallel_loop3A_798 {offsets = [4], sizes = [1], strides = [1]} : vector<16xf32> to vector<1xf32>
        %parallel_loop3A_861 = vector.extract %parallel_loop3A_860[0] : f32 from vector<1xf32>
        %parallel_loop3A_862 = vector.broadcast %parallel_loop3A_861 : f32 to vector<16xf32>
        %parallel_loop3A_863 = arith.mulf %parallel_loop3A_859, %parallel_loop3A_862 : vector<16xf32>
        %parallel_loop3A_864 = arith.index_cast %parallel_loop3A_781 : i32 to index
        %parallel_loop3A_865 = arith.constant 64 : index
        %parallel_loop3A_866 = tpu.vector_load %arg15[%parallel_loop3A_864, %parallel_loop3A_865] {strides = array<i32>} : memref<80x144xf32, #tpu.memory_space<vmem>>, vector<1x16xf32>,
        %parallel_loop3A_867 = vector.shape_cast %parallel_loop3A_866 : vector<1x16xf32> to vector<16xf32>
        %parallel_loop3A_868 = vector.shape_cast %parallel_loop3A_863 : vector<16xf32> to vector<1x16xf32>
        tpu.vector_store %arg15[%parallel_loop3A_864, %parallel_loop3A_865], %parallel_loop3A_868 {strides = array<i32>} : memref<80x144xf32, #tpu.memory_space<vmem>>, vector<1x16xf32>,
        %parallel_loop3A_869 = arith.index_cast %parallel_loop3A_781 : i32 to index
        %parallel_loop3A_870 = arith.constant 80 : index
        %parallel_loop3A_871 = tpu.vector_load %arg15[%parallel_loop3A_869, %parallel_loop3A_870] {strides = array<i32>} : memref<80x144xf32, #tpu.memory_space<vmem>>, vector<1x16xf32>,
        %parallel_loop3A_872 = vector.shape_cast %parallel_loop3A_871 : vector<1x16xf32> to vector<16xf32>
        %parallel_loop3A_873 = vector.extract_strided_slice %parallel_loop3A_798 {offsets = [5], sizes = [1], strides = [1]} : vector<16xf32> to vector<1xf32>
        %parallel_loop3A_874 = vector.extract %parallel_loop3A_873[0] : f32 from vector<1xf32>
        %parallel_loop3A_875 = vector.broadcast %parallel_loop3A_874 : f32 to vector<16xf32>
        %parallel_loop3A_876 = arith.mulf %parallel_loop3A_872, %parallel_loop3A_875 : vector<16xf32>
        %parallel_loop3A_877 = arith.index_cast %parallel_loop3A_781 : i32 to index
        %parallel_loop3A_878 = arith.constant 80 : index
        %parallel_loop3A_879 = tpu.vector_load %arg15[%parallel_loop3A_877, %parallel_loop3A_878] {strides = array<i32>} : memref<80x144xf32, #tpu.memory_space<vmem>>, vector<1x16xf32>,
        %parallel_loop3A_880 = vector.shape_cast %parallel_loop3A_879 : vector<1x16xf32> to vector<16xf32>
        %parallel_loop3A_881 = vector.shape_cast %parallel_loop3A_876 : vector<16xf32> to vector<1x16xf32>
        tpu.vector_store %arg15[%parallel_loop3A_877, %parallel_loop3A_878], %parallel_loop3A_881 {strides = array<i32>} : memref<80x144xf32, #tpu.memory_space<vmem>>, vector<1x16xf32>,
        %parallel_loop3A_882 = arith.index_cast %parallel_loop3A_781 : i32 to index
        %parallel_loop3A_883 = arith.constant 96 : index
        %parallel_loop3A_884 = tpu.vector_load %arg15[%parallel_loop3A_882, %parallel_loop3A_883] {strides = array<i32>} : memref<80x144xf32, #tpu.memory_space<vmem>>, vector<1x16xf32>,
        %parallel_loop3A_885 = vector.shape_cast %parallel_loop3A_884 : vector<1x16xf32> to vector<16xf32>
        %parallel_loop3A_886 = vector.extract_strided_slice %parallel_loop3A_798 {offsets = [6], sizes = [1], strides = [1]} : vector<16xf32> to vector<1xf32>
        %parallel_loop3A_887 = vector.extract %parallel_loop3A_886[0] : f32 from vector<1xf32>
        %parallel_loop3A_888 = vector.broadcast %parallel_loop3A_887 : f32 to vector<16xf32>
        %parallel_loop3A_889 = arith.mulf %parallel_loop3A_885, %parallel_loop3A_888 : vector<16xf32>
        %parallel_loop3A_890 = arith.index_cast %parallel_loop3A_781 : i32 to index
        %parallel_loop3A_891 = arith.constant 96 : index
        %parallel_loop3A_892 = tpu.vector_load %arg15[%parallel_loop3A_890, %parallel_loop3A_891] {strides = array<i32>} : memref<80x144xf32, #tpu.memory_space<vmem>>, vector<1x16xf32>,
        %parallel_loop3A_893 = vector.shape_cast %parallel_loop3A_892 : vector<1x16xf32> to vector<16xf32>
        %parallel_loop3A_894 = vector.shape_cast %parallel_loop3A_889 : vector<16xf32> to vector<1x16xf32>
        tpu.vector_store %arg15[%parallel_loop3A_890, %parallel_loop3A_891], %parallel_loop3A_894 {strides = array<i32>} : memref<80x144xf32, #tpu.memory_space<vmem>>, vector<1x16xf32>,
        %parallel_loop3A_895 = arith.index_cast %parallel_loop3A_781 : i32 to index
        %parallel_loop3A_896 = arith.constant 112 : index
        %parallel_loop3A_897 = tpu.vector_load %arg15[%parallel_loop3A_895, %parallel_loop3A_896] {strides = array<i32>} : memref<80x144xf32, #tpu.memory_space<vmem>>, vector<1x16xf32>,
        %parallel_loop3A_898 = vector.shape_cast %parallel_loop3A_897 : vector<1x16xf32> to vector<16xf32>
        %parallel_loop3A_899 = vector.extract_strided_slice %parallel_loop3A_798 {offsets = [7], sizes = [1], strides = [1]} : vector<16xf32> to vector<1xf32>
        %parallel_loop3A_900 = vector.extract %parallel_loop3A_899[0] : f32 from vector<1xf32>
        %parallel_loop3A_901 = vector.broadcast %parallel_loop3A_900 : f32 to vector<16xf32>
        %parallel_loop3A_902 = arith.mulf %parallel_loop3A_898, %parallel_loop3A_901 : vector<16xf32>
        %parallel_loop3A_903 = arith.index_cast %parallel_loop3A_781 : i32 to index
        %parallel_loop3A_904 = arith.constant 112 : index
        %parallel_loop3A_905 = tpu.vector_load %arg15[%parallel_loop3A_903, %parallel_loop3A_904] {strides = array<i32>} : memref<80x144xf32, #tpu.memory_space<vmem>>, vector<1x16xf32>,
        %parallel_loop3A_906 = vector.shape_cast %parallel_loop3A_905 : vector<1x16xf32> to vector<16xf32>
        %parallel_loop3A_907 = vector.shape_cast %parallel_loop3A_902 : vector<16xf32> to vector<1x16xf32>
        tpu.vector_store %arg15[%parallel_loop3A_903, %parallel_loop3A_904], %parallel_loop3A_907 {strides = array<i32>} : memref<80x144xf32, #tpu.memory_space<vmem>>, vector<1x16xf32>,
      } {sc.loop_unroll_factor = 2 : i64, sc.parallel_access}
      %dma_start3A_390 = arith.constant 0 : i32
      %dma_start3A_391 = arith.constant 0 : i32
      %dma_start3A_392 = arith.constant 0 : i32
      %dma_start3A_393 = tpu.memref_slice %arg15[%dma_start3A_391, %dma_start3A_392] : memref<80x144xf32, #tpu.memory_space<vmem>> -> memref<40x144xf32, #tpu.memory_space<vmem>>
      %dma_start3A_394 = arith.constant 0 : i32
      %dma_start3A_395 = tpu.memref_slice %arg9[%dma_start3A_390, %dma_start3A_394] : memref<2x40xi32, #tpu.memory_space<vmem>> -> memref<1x40xi32, #tpu.memory_space<vmem>>
      %dma_start3A_396 = tpu.memref_squeeze %dma_start3A_395 : memref<1x40xi32, #tpu.memory_space<vmem>> -> memref<40xi32, #tpu.memory_space<vmem>>
      %dma_start3A_397 = arith.constant 0 : i32
      %dma_start3A_398 = arith.constant 0 : i32
      %dma_start3A_399 = tpu.memref_slice %arg17[%dma_start3A_397, %dma_start3A_398] : memref<10112x144xf32, #tpu.memory_space<vmem_shared>> -> memref<10112x144xf32, #tpu.memory_space<vmem_shared>>
      tpu.enqueue_indirect_dma source(%dma_start3A_393 : memref<40x144xf32, #tpu.memory_space<vmem>>) target(%dma_start3A_399 : memref<10112x144xf32, #tpu.memory_space<vmem_shared>>) offsets(%dma_start3A_396 : memref<40xi32, #tpu.memory_space<vmem>>) semaphore(%arg24 : memref<!tpu.dma_semaphore, #tpu.memory_space<semaphore_mem>>) {add = true}
      %parallel_loop3A_400 = arith.constant 40 : i32
      %parallel_loop3A_401 = arith.constant 80 : i32
      %parallel_loop3A_402 = arith.constant 1 : i32
      scf.for %parallel_loop3A_781 = %parallel_loop3A_400 to %parallel_loop3A_401 step %parallel_loop3A_402  : i32 {
        %parallel_loop3A_782 = arith.index_cast %parallel_loop3A_781 : i32 to index
        %parallel_loop3A_783 = arith.constant 128 : index
        %parallel_loop3A_784 = tpu.vector_load %arg15[%parallel_loop3A_782, %parallel_loop3A_783] {strides = array<i32>} : memref<80x144xf32, #tpu.memory_space<vmem>>, vector<1x16xf32>,
        %parallel_loop3A_785 = vector.shape_cast %parallel_loop3A_784 : vector<1x16xf32> to vector<16xf32>
        %parallel_loop3A_786 = arith.index_cast %parallel_loop3A_781 : i32 to index
        %parallel_loop3A_787 = arith.constant 0 : index
        %parallel_loop3A_788 = tpu.vector_load %arg13[%parallel_loop3A_786, %parallel_loop3A_787] {strides = array<i32>} : memref<80x16xf32, #tpu.memory_space<vmem>>, vector<1x16xf32>,
        %parallel_loop3A_789 = vector.shape_cast %parallel_loop3A_788 : vector<1x16xf32> to vector<16xf32>
        %parallel_loop3A_790 = arith.addf %parallel_loop3A_785, %parallel_loop3A_789 : vector<16xf32>
        %parallel_loop3A_791 = arith.constant 0.000000e+00 : f32
        %parallel_loop3A_792 = vector.broadcast %parallel_loop3A_791 : f32 to vector<16xf32>
        %parallel_loop3A_793 = arith.cmpf ogt, %parallel_loop3A_790, %parallel_loop3A_792 : vector<16xf32>
        %parallel_loop3A_794 = arith.constant 0.00999999977 : f32
        %parallel_loop3A_795 = vector.broadcast %parallel_loop3A_794 : f32 to vector<16xf32>
        %parallel_loop3A_796 = arith.mulf %parallel_loop3A_790, %parallel_loop3A_795 : vector<16xf32>
        %parallel_loop3A_797 = arith.select %parallel_loop3A_793, %parallel_loop3A_790, %parallel_loop3A_796 : vector<16xi1>, vector<16xf32>
        %parallel_loop3A_798 = math.exp %parallel_loop3A_797 : vector<16xf32>
        %parallel_loop3A_799 = arith.index_cast %parallel_loop3A_781 : i32 to index
        %parallel_loop3A_800 = arith.constant 128 : index
        %parallel_loop3A_801 = tpu.vector_load %arg15[%parallel_loop3A_799, %parallel_loop3A_800] {strides = array<i32>} : memref<80x144xf32, #tpu.memory_space<vmem>>, vector<1x16xf32>,
        %parallel_loop3A_802 = vector.shape_cast %parallel_loop3A_801 : vector<1x16xf32> to vector<16xf32>
        %parallel_loop3A_803 = vector.shape_cast %parallel_loop3A_798 : vector<16xf32> to vector<1x16xf32>
        tpu.vector_store %arg15[%parallel_loop3A_799, %parallel_loop3A_800], %parallel_loop3A_803 {strides = array<i32>} : memref<80x144xf32, #tpu.memory_space<vmem>>, vector<1x16xf32>,
        %parallel_loop3A_804 = arith.index_cast %parallel_loop3A_781 : i32 to index
        %parallel_loop3A_805 = arith.constant 0 : index
        %parallel_loop3A_806 = tpu.vector_load %arg15[%parallel_loop3A_804, %parallel_loop3A_805] {strides = array<i32>} : memref<80x144xf32, #tpu.memory_space<vmem>>, vector<1x16xf32>,
        %parallel_loop3A_807 = vector.shape_cast %parallel_loop3A_806 : vector<1x16xf32> to vector<16xf32>
        %parallel_loop3A_808 = vector.extract_strided_slice %parallel_loop3A_798 {offsets = [0], sizes = [1], strides = [1]} : vector<16xf32> to vector<1xf32>
        %parallel_loop3A_809 = vector.extract %parallel_loop3A_808[0] : f32 from vector<1xf32>
        %parallel_loop3A_810 = vector.broadcast %parallel_loop3A_809 : f32 to vector<16xf32>
        %parallel_loop3A_811 = arith.mulf %parallel_loop3A_807, %parallel_loop3A_810 : vector<16xf32>
        %parallel_loop3A_812 = arith.index_cast %parallel_loop3A_781 : i32 to index
        %parallel_loop3A_813 = arith.constant 0 : index
        %parallel_loop3A_814 = tpu.vector_load %arg15[%parallel_loop3A_812, %parallel_loop3A_813] {strides = array<i32>} : memref<80x144xf32, #tpu.memory_space<vmem>>, vector<1x16xf32>,
        %parallel_loop3A_815 = vector.shape_cast %parallel_loop3A_814 : vector<1x16xf32> to vector<16xf32>
        %parallel_loop3A_816 = vector.shape_cast %parallel_loop3A_811 : vector<16xf32> to vector<1x16xf32>
        tpu.vector_store %arg15[%parallel_loop3A_812, %parallel_loop3A_813], %parallel_loop3A_816 {strides = array<i32>} : memref<80x144xf32, #tpu.memory_space<vmem>>, vector<1x16xf32>,
        %parallel_loop3A_817 = arith.index_cast %parallel_loop3A_781 : i32 to index
        %parallel_loop3A_818 = arith.constant 16 : index
        %parallel_loop3A_819 = tpu.vector_load %arg15[%parallel_loop3A_817, %parallel_loop3A_818] {strides = array<i32>} : memref<80x144xf32, #tpu.memory_space<vmem>>, vector<1x16xf32>,
        %parallel_loop3A_820 = vector.shape_cast %parallel_loop3A_819 : vector<1x16xf32> to vector<16xf32>
        %parallel_loop3A_821 = vector.extract_strided_slice %parallel_loop3A_798 {offsets = [1], sizes = [1], strides = [1]} : vector<16xf32> to vector<1xf32>
        %parallel_loop3A_822 = vector.extract %parallel_loop3A_821[0] : f32 from vector<1xf32>
        %parallel_loop3A_823 = vector.broadcast %parallel_loop3A_822 : f32 to vector<16xf32>
        %parallel_loop3A_824 = arith.mulf %parallel_loop3A_820, %parallel_loop3A_823 : vector<16xf32>
        %parallel_loop3A_825 = arith.index_cast %parallel_loop3A_781 : i32 to index
        %parallel_loop3A_826 = arith.constant 16 : index
        %parallel_loop3A_827 = tpu.vector_load %arg15[%parallel_loop3A_825, %parallel_loop3A_826] {strides = array<i32>} : memref<80x144xf32, #tpu.memory_space<vmem>>, vector<1x16xf32>,
        %parallel_loop3A_828 = vector.shape_cast %parallel_loop3A_827 : vector<1x16xf32> to vector<16xf32>
        %parallel_loop3A_829 = vector.shape_cast %parallel_loop3A_824 : vector<16xf32> to vector<1x16xf32>
        tpu.vector_store %arg15[%parallel_loop3A_825, %parallel_loop3A_826], %parallel_loop3A_829 {strides = array<i32>} : memref<80x144xf32, #tpu.memory_space<vmem>>, vector<1x16xf32>,
        %parallel_loop3A_830 = arith.index_cast %parallel_loop3A_781 : i32 to index
        %parallel_loop3A_831 = arith.constant 32 : index
        %parallel_loop3A_832 = tpu.vector_load %arg15[%parallel_loop3A_830, %parallel_loop3A_831] {strides = array<i32>} : memref<80x144xf32, #tpu.memory_space<vmem>>, vector<1x16xf32>,
        %parallel_loop3A_833 = vector.shape_cast %parallel_loop3A_832 : vector<1x16xf32> to vector<16xf32>
        %parallel_loop3A_834 = vector.extract_strided_slice %parallel_loop3A_798 {offsets = [2], sizes = [1], strides = [1]} : vector<16xf32> to vector<1xf32>
        %parallel_loop3A_835 = vector.extract %parallel_loop3A_834[0] : f32 from vector<1xf32>
        %parallel_loop3A_836 = vector.broadcast %parallel_loop3A_835 : f32 to vector<16xf32>
        %parallel_loop3A_837 = arith.mulf %parallel_loop3A_833, %parallel_loop3A_836 : vector<16xf32>
        %parallel_loop3A_838 = arith.index_cast %parallel_loop3A_781 : i32 to index
        %parallel_loop3A_839 = arith.constant 32 : index
        %parallel_loop3A_840 = tpu.vector_load %arg15[%parallel_loop3A_838, %parallel_loop3A_839] {strides = array<i32>} : memref<80x144xf32, #tpu.memory_space<vmem>>, vector<1x16xf32>,
        %parallel_loop3A_841 = vector.shape_cast %parallel_loop3A_840 : vector<1x16xf32> to vector<16xf32>
        %parallel_loop3A_842 = vector.shape_cast %parallel_loop3A_837 : vector<16xf32> to vector<1x16xf32>
        tpu.vector_store %arg15[%parallel_loop3A_838, %parallel_loop3A_839], %parallel_loop3A_842 {strides = array<i32>} : memref<80x144xf32, #tpu.memory_space<vmem>>, vector<1x16xf32>,
        %parallel_loop3A_843 = arith.index_cast %parallel_loop3A_781 : i32 to index
        %parallel_loop3A_844 = arith.constant 48 : index
        %parallel_loop3A_845 = tpu.vector_load %arg15[%parallel_loop3A_843, %parallel_loop3A_844] {strides = array<i32>} : memref<80x144xf32, #tpu.memory_space<vmem>>, vector<1x16xf32>,
        %parallel_loop3A_846 = vector.shape_cast %parallel_loop3A_845 : vector<1x16xf32> to vector<16xf32>
        %parallel_loop3A_847 = vector.extract_strided_slice %parallel_loop3A_798 {offsets = [3], sizes = [1], strides = [1]} : vector<16xf32> to vector<1xf32>
        %parallel_loop3A_848 = vector.extract %parallel_loop3A_847[0] : f32 from vector<1xf32>
        %parallel_loop3A_849 = vector.broadcast %parallel_loop3A_848 : f32 to vector<16xf32>
        %parallel_loop3A_850 = arith.mulf %parallel_loop3A_846, %parallel_loop3A_849 : vector<16xf32>
        %parallel_loop3A_851 = arith.index_cast %parallel_loop3A_781 : i32 to index
        %parallel_loop3A_852 = arith.constant 48 : index
        %parallel_loop3A_853 = tpu.vector_load %arg15[%parallel_loop3A_851, %parallel_loop3A_852] {strides = array<i32>} : memref<80x144xf32, #tpu.memory_space<vmem>>, vector<1x16xf32>,
        %parallel_loop3A_854 = vector.shape_cast %parallel_loop3A_853 : vector<1x16xf32> to vector<16xf32>
        %parallel_loop3A_855 = vector.shape_cast %parallel_loop3A_850 : vector<16xf32> to vector<1x16xf32>
        tpu.vector_store %arg15[%parallel_loop3A_851, %parallel_loop3A_852], %parallel_loop3A_855 {strides = array<i32>} : memref<80x144xf32, #tpu.memory_space<vmem>>, vector<1x16xf32>,
        %parallel_loop3A_856 = arith.index_cast %parallel_loop3A_781 : i32 to index
        %parallel_loop3A_857 = arith.constant 64 : index
        %parallel_loop3A_858 = tpu.vector_load %arg15[%parallel_loop3A_856, %parallel_loop3A_857] {strides = array<i32>} : memref<80x144xf32, #tpu.memory_space<vmem>>, vector<1x16xf32>,
        %parallel_loop3A_859 = vector.shape_cast %parallel_loop3A_858 : vector<1x16xf32> to vector<16xf32>
        %parallel_loop3A_860 = vector.extract_strided_slice %parallel_loop3A_798 {offsets = [4], sizes = [1], strides = [1]} : vector<16xf32> to vector<1xf32>
        %parallel_loop3A_861 = vector.extract %parallel_loop3A_860[0] : f32 from vector<1xf32>
        %parallel_loop3A_862 = vector.broadcast %parallel_loop3A_861 : f32 to vector<16xf32>
        %parallel_loop3A_863 = arith.mulf %parallel_loop3A_859, %parallel_loop3A_862 : vector<16xf32>
        %parallel_loop3A_864 = arith.index_cast %parallel_loop3A_781 : i32 to index
        %parallel_loop3A_865 = arith.constant 64 : index
        %parallel_loop3A_866 = tpu.vector_load %arg15[%parallel_loop3A_864, %parallel_loop3A_865] {strides = array<i32>} : memref<80x144xf32, #tpu.memory_space<vmem>>, vector<1x16xf32>,
        %parallel_loop3A_867 = vector.shape_cast %parallel_loop3A_866 : vector<1x16xf32> to vector<16xf32>
        %parallel_loop3A_868 = vector.shape_cast %parallel_loop3A_863 : vector<16xf32> to vector<1x16xf32>
        tpu.vector_store %arg15[%parallel_loop3A_864, %parallel_loop3A_865], %parallel_loop3A_868 {strides = array<i32>} : memref<80x144xf32, #tpu.memory_space<vmem>>, vector<1x16xf32>,
        %parallel_loop3A_869 = arith.index_cast %parallel_loop3A_781 : i32 to index
        %parallel_loop3A_870 = arith.constant 80 : index
        %parallel_loop3A_871 = tpu.vector_load %arg15[%parallel_loop3A_869, %parallel_loop3A_870] {strides = array<i32>} : memref<80x144xf32, #tpu.memory_space<vmem>>, vector<1x16xf32>,
        %parallel_loop3A_872 = vector.shape_cast %parallel_loop3A_871 : vector<1x16xf32> to vector<16xf32>
        %parallel_loop3A_873 = vector.extract_strided_slice %parallel_loop3A_798 {offsets = [5], sizes = [1], strides = [1]} : vector<16xf32> to vector<1xf32>
        %parallel_loop3A_874 = vector.extract %parallel_loop3A_873[0] : f32 from vector<1xf32>
        %parallel_loop3A_875 = vector.broadcast %parallel_loop3A_874 : f32 to vector<16xf32>
        %parallel_loop3A_876 = arith.mulf %parallel_loop3A_872, %parallel_loop3A_875 : vector<16xf32>
        %parallel_loop3A_877 = arith.index_cast %parallel_loop3A_781 : i32 to index
        %parallel_loop3A_878 = arith.constant 80 : index
        %parallel_loop3A_879 = tpu.vector_load %arg15[%parallel_loop3A_877, %parallel_loop3A_878] {strides = array<i32>} : memref<80x144xf32, #tpu.memory_space<vmem>>, vector<1x16xf32>,
        %parallel_loop3A_880 = vector.shape_cast %parallel_loop3A_879 : vector<1x16xf32> to vector<16xf32>
        %parallel_loop3A_881 = vector.shape_cast %parallel_loop3A_876 : vector<16xf32> to vector<1x16xf32>
        tpu.vector_store %arg15[%parallel_loop3A_877, %parallel_loop3A_878], %parallel_loop3A_881 {strides = array<i32>} : memref<80x144xf32, #tpu.memory_space<vmem>>, vector<1x16xf32>,
        %parallel_loop3A_882 = arith.index_cast %parallel_loop3A_781 : i32 to index
        %parallel_loop3A_883 = arith.constant 96 : index
        %parallel_loop3A_884 = tpu.vector_load %arg15[%parallel_loop3A_882, %parallel_loop3A_883] {strides = array<i32>} : memref<80x144xf32, #tpu.memory_space<vmem>>, vector<1x16xf32>,
        %parallel_loop3A_885 = vector.shape_cast %parallel_loop3A_884 : vector<1x16xf32> to vector<16xf32>
        %parallel_loop3A_886 = vector.extract_strided_slice %parallel_loop3A_798 {offsets = [6], sizes = [1], strides = [1]} : vector<16xf32> to vector<1xf32>
        %parallel_loop3A_887 = vector.extract %parallel_loop3A_886[0] : f32 from vector<1xf32>
        %parallel_loop3A_888 = vector.broadcast %parallel_loop3A_887 : f32 to vector<16xf32>
        %parallel_loop3A_889 = arith.mulf %parallel_loop3A_885, %parallel_loop3A_888 : vector<16xf32>
        %parallel_loop3A_890 = arith.index_cast %parallel_loop3A_781 : i32 to index
        %parallel_loop3A_891 = arith.constant 96 : index
        %parallel_loop3A_892 = tpu.vector_load %arg15[%parallel_loop3A_890, %parallel_loop3A_891] {strides = array<i32>} : memref<80x144xf32, #tpu.memory_space<vmem>>, vector<1x16xf32>,
        %parallel_loop3A_893 = vector.shape_cast %parallel_loop3A_892 : vector<1x16xf32> to vector<16xf32>
        %parallel_loop3A_894 = vector.shape_cast %parallel_loop3A_889 : vector<16xf32> to vector<1x16xf32>
        tpu.vector_store %arg15[%parallel_loop3A_890, %parallel_loop3A_891], %parallel_loop3A_894 {strides = array<i32>} : memref<80x144xf32, #tpu.memory_space<vmem>>, vector<1x16xf32>,
        %parallel_loop3A_895 = arith.index_cast %parallel_loop3A_781 : i32 to index
        %parallel_loop3A_896 = arith.constant 112 : index
        %parallel_loop3A_897 = tpu.vector_load %arg15[%parallel_loop3A_895, %parallel_loop3A_896] {strides = array<i32>} : memref<80x144xf32, #tpu.memory_space<vmem>>, vector<1x16xf32>,
        %parallel_loop3A_898 = vector.shape_cast %parallel_loop3A_897 : vector<1x16xf32> to vector<16xf32>
        %parallel_loop3A_899 = vector.extract_strided_slice %parallel_loop3A_798 {offsets = [7], sizes = [1], strides = [1]} : vector<16xf32> to vector<1xf32>
        %parallel_loop3A_900 = vector.extract %parallel_loop3A_899[0] : f32 from vector<1xf32>
        %parallel_loop3A_901 = vector.broadcast %parallel_loop3A_900 : f32 to vector<16xf32>
        %parallel_loop3A_902 = arith.mulf %parallel_loop3A_898, %parallel_loop3A_901 : vector<16xf32>
        %parallel_loop3A_903 = arith.index_cast %parallel_loop3A_781 : i32 to index
        %parallel_loop3A_904 = arith.constant 112 : index
        %parallel_loop3A_905 = tpu.vector_load %arg15[%parallel_loop3A_903, %parallel_loop3A_904] {strides = array<i32>} : memref<80x144xf32, #tpu.memory_space<vmem>>, vector<1x16xf32>,
        %parallel_loop3A_906 = vector.shape_cast %parallel_loop3A_905 : vector<1x16xf32> to vector<16xf32>
        %parallel_loop3A_907 = vector.shape_cast %parallel_loop3A_902 : vector<16xf32> to vector<1x16xf32>
        tpu.vector_store %arg15[%parallel_loop3A_903, %parallel_loop3A_904], %parallel_loop3A_907 {strides = array<i32>} : memref<80x144xf32, #tpu.memory_space<vmem>>, vector<1x16xf32>,
      } {sc.loop_unroll_factor = 2 : i64, sc.parallel_access}
      %dma_start3A_403 = arith.constant 1 : i32
      %dma_start3A_404 = arith.constant 40 : i32
      %dma_start3A_405 = arith.constant 0 : i32
      %dma_start3A_406 = tpu.memref_slice %arg15[%dma_start3A_404, %dma_start3A_405] : memref<80x144xf32, #tpu.memory_space<vmem>> -> memref<40x144xf32, #tpu.memory_space<vmem>>
      %dma_start3A_407 = arith.constant 0 : i32
      %dma_start3A_408 = tpu.memref_slice %arg9[%dma_start3A_403, %dma_start3A_407] : memref<2x40xi32, #tpu.memory_space<vmem>> -> memref<1x40xi32, #tpu.memory_space<vmem>>
      %dma_start3A_409 = tpu.memref_squeeze %dma_start3A_408 : memref<1x40xi32, #tpu.memory_space<vmem>> -> memref<40xi32, #tpu.memory_space<vmem>>
      %dma_start3A_410 = arith.constant 0 : i32
      %dma_start3A_411 = arith.constant 0 : i32
      %dma_start3A_412 = tpu.memref_slice %arg17[%dma_start3A_410, %dma_start3A_411] : memref<10112x144xf32, #tpu.memory_space<vmem_shared>> -> memref<10112x144xf32, #tpu.memory_space<vmem_shared>>
      tpu.enqueue_indirect_dma source(%dma_start3A_406 : memref<40x144xf32, #tpu.memory_space<vmem>>) target(%dma_start3A_412 : memref<10112x144xf32, #tpu.memory_space<vmem_shared>>) offsets(%dma_start3A_409 : memref<40xi32, #tpu.memory_space<vmem>>) semaphore(%arg24 : memref<!tpu.dma_semaphore, #tpu.memory_space<semaphore_mem>>) {add = true}
      %mul3A_413 = arith.constant 4 : i32
      %mul3A_414 = arith.muli %mul3A_413, %scan3A_308 : i32
      %add3A_415 = arith.constant 1 : i32
      %add3A_416 = arith.addi %mul3A_414, %add3A_415 : i32
      %sub3A = arith.constant 1 : i32
      %sub3A_417 = arith.subi %add3A_416, %sub3A : i32
      %dma_wait3A_418 = arith.constant 0 : i32
      %dma_wait3A_419 = arith.constant 0 : i32
      %dma_wait3A_420 = arith.constant 0 : i32
      %dma_wait3A_421 = tpu.memref_slice %arg15[%dma_wait3A_419, %dma_wait3A_420] : memref<80x144xf32, #tpu.memory_space<vmem>> -> memref<40x144xf32, #tpu.memory_space<vmem>>
      %dma_wait3A_422 = arith.constant 0 : i32
      %dma_wait3A_423 = tpu.memref_slice %arg9[%dma_wait3A_418, %dma_wait3A_422] : memref<2x40xi32, #tpu.memory_space<vmem>> -> memref<1x40xi32, #tpu.memory_space<vmem>>
      %dma_wait3A_424 = tpu.memref_squeeze %dma_wait3A_423 : memref<1x40xi32, #tpu.memory_space<vmem>> -> memref<40xi32, #tpu.memory_space<vmem>>
      %dma_wait3A_425 = arith.constant 0 : i32
      %dma_wait3A_426 = arith.constant 0 : i32
      %dma_wait3A_427 = tpu.memref_slice %arg17[%dma_wait3A_425, %dma_wait3A_426] : memref<10112x144xf32, #tpu.memory_space<vmem_shared>> -> memref<10112x144xf32, #tpu.memory_space<vmem_shared>>
      tpu.wait_indirect_dma semaphore(%arg24 : memref<!tpu.dma_semaphore, #tpu.memory_space<semaphore_mem>>) src(%dma_wait3A_421 : memref<40x144xf32, #tpu.memory_space<vmem>>) dst(%dma_wait3A_427 : memref<10112x144xf32, #tpu.memory_space<vmem_shared>>)
      %dma_wait3A_428 = arith.constant 1 : i32
      %dma_wait3A_429 = arith.constant 40 : i32
      %dma_wait3A_430 = arith.constant 0 : i32
      %dma_wait3A_431 = tpu.memref_slice %arg15[%dma_wait3A_429, %dma_wait3A_430] : memref<80x144xf32, #tpu.memory_space<vmem>> -> memref<40x144xf32, #tpu.memory_space<vmem>>
      %dma_wait3A_432 = arith.constant 0 : i32
      %dma_wait3A_433 = tpu.memref_slice %arg9[%dma_wait3A_428, %dma_wait3A_432] : memref<2x40xi32, #tpu.memory_space<vmem>> -> memref<1x40xi32, #tpu.memory_space<vmem>>
      %dma_wait3A_434 = tpu.memref_squeeze %dma_wait3A_433 : memref<1x40xi32, #tpu.memory_space<vmem>> -> memref<40xi32, #tpu.memory_space<vmem>>
      %dma_wait3A_435 = arith.constant 0 : i32
      %dma_wait3A_436 = arith.constant 0 : i32
      %dma_wait3A_437 = tpu.memref_slice %arg17[%dma_wait3A_435, %dma_wait3A_436] : memref<10112x144xf32, #tpu.memory_space<vmem_shared>> -> memref<10112x144xf32, #tpu.memory_space<vmem_shared>>
      tpu.wait_indirect_dma semaphore(%arg24 : memref<!tpu.dma_semaphore, #tpu.memory_space<semaphore_mem>>) src(%dma_wait3A_431 : memref<40x144xf32, #tpu.memory_space<vmem>>) dst(%dma_wait3A_437 : memref<10112x144xf32, #tpu.memory_space<vmem_shared>>)
      %add3A_438 = arith.constant 3 : i32
      %add3A_439 = arith.addi %add3A_416, %add3A_438 : i32
      %lt3A_440 = arith.constant 125 : i32
      %lt3A_441 = arith.cmpi slt, %add3A_439, %lt3A_440 : i32
      %convert_element_type3A_442 = arith.extui %lt3A_441 : i1 to i32
      %cond3A_443 = arith.constant 0 : i32
      %cond3A_444 = arith.cmpi ne, %convert_element_type3A_442, %cond3A_443 : i32
      scf.if %cond3A_444 {
        %add3A_781 = arith.constant 3 : i32
        %add3A_782 = arith.addi %add3A_416, %add3A_781 : i32
        %dma_start3A_783 = arith.constant 0 : i32
        %dma_start3A_784 = arith.constant 0 : i32
        %dma_start3A_785 = tpu.memref_slice %arg5[%add3A, %add3A_782, %dma_start3A_783, %dma_start3A_784] : memref<32x125x2x40xi32, #tpu.memory_space<hbm>> -> memref<1x1x2x40xi32, #tpu.memory_space<hbm>>
        %dma_start3A_786 = tpu.memref_squeeze %dma_start3A_785 : memref<1x1x2x40xi32, #tpu.memory_space<hbm>> -> memref<2x40xi32, #tpu.memory_space<hbm>>
        %dma_start3A_787 = arith.constant 0 : i32
        %dma_start3A_788 = arith.constant 0 : i32
        %dma_start3A_789 = tpu.memref_slice %arg5[%add3A, %add3A_782, %dma_start3A_787, %dma_start3A_788] : memref<32x125x2x40xi32, #tpu.memory_space<hbm>> -> memref<1x1x2x40xi32, #tpu.memory_space<hbm>>
        %dma_start3A_790 = tpu.memref_squeeze %dma_start3A_789 : memref<1x1x2x40xi32, #tpu.memory_space<hbm>> -> memref<2x40xi32, #tpu.memory_space<hbm>>
        tpu.enqueue_dma source(%dma_start3A_790 : memref<2x40xi32, #tpu.memory_space<hbm>>) target(%arg9 : memref<2x40xi32, #tpu.memory_space<vmem>>) target_semaphore(%arg18 : memref<!tpu.dma_semaphore, #tpu.memory_space<semaphore_mem>>)
      } else {
      }
      %add3A_445 = arith.constant 1 : i32
      %add3A_446 = arith.addi %add3A_416, %add3A_445 : i32
      %dma_wait3A_447 = arith.constant 0 : i32
      %dma_wait3A_448 = arith.constant 0 : i32
      %dma_wait3A_449 = tpu.memref_slice %arg5[%add3A, %add3A_446, %dma_wait3A_447, %dma_wait3A_448] : memref<32x125x2x40xi32, #tpu.memory_space<hbm>> -> memref<1x1x2x40xi32, #tpu.memory_space<hbm>>
      %dma_wait3A_450 = tpu.memref_squeeze %dma_wait3A_449 : memref<1x1x2x40xi32, #tpu.memory_space<hbm>> -> memref<2x40xi32, #tpu.memory_space<hbm>>
      %dma_wait3A_451 = arith.constant 0 : i32
      %dma_wait3A_452 = arith.constant 0 : i32
      %dma_wait3A_453 = tpu.memref_slice %arg5[%add3A, %add3A_446, %dma_wait3A_451, %dma_wait3A_452] : memref<32x125x2x40xi32, #tpu.memory_space<hbm>> -> memref<1x1x2x40xi32, #tpu.memory_space<hbm>>
      %dma_wait3A_454 = tpu.memref_squeeze %dma_wait3A_453 : memref<1x1x2x40xi32, #tpu.memory_space<hbm>> -> memref<2x40xi32, #tpu.memory_space<hbm>>
      tpu.wait_dma2 semaphore(%arg20 : memref<!tpu.dma_semaphore, #tpu.memory_space<semaphore_mem>>) src(%dma_wait3A_454 : memref<2x40xi32, #tpu.memory_space<hbm>>) dst(%arg11 : memref<2x40xi32, #tpu.memory_space<vmem>>)
      %add3A_455 = arith.constant 1 : i32
      %add3A_456 = arith.addi %add3A_416, %add3A_455 : i32
      %dma_start3A_457 = arith.constant 0 : i32
      %dma_start3A_458 = tpu.memref_slice %arg8[%add3A_456, %dma_start3A_457] : memref<125x80xi32, #tpu.memory_space<vmem>> -> memref<1x80xi32, #tpu.memory_space<vmem>>
      %dma_start3A_459 = tpu.memref_squeeze %dma_start3A_458 : memref<1x80xi32, #tpu.memory_space<vmem>> -> memref<80xi32, #tpu.memory_space<vmem>>
      %dma_start3A_460 = arith.constant 0 : i32
      %dma_start3A_461 = arith.constant 0 : i32
      %dma_start3A_462 = tpu.memref_slice %arg2[%dma_start3A_460, %dma_start3A_461] : memref<10000x144xf32, #tpu.memory_space<hbm>> -> memref<10000x144xf32, #tpu.memory_space<hbm>>
      tpu.enqueue_indirect_dma source(%dma_start3A_462 : memref<10000x144xf32, #tpu.memory_space<hbm>>) target(%arg15 : memref<80x144xf32, #tpu.memory_space<vmem>>) offsets(%dma_start3A_459 : memref<80xi32, #tpu.memory_space<vmem>>) semaphore(%arg22 : memref<!tpu.dma_semaphore, #tpu.memory_space<semaphore_mem>>)
      %dma_start3A_463 = arith.constant 0 : i32
      %dma_start3A_464 = arith.constant 0 : i32
      %dma_start3A_465 = arith.constant 0 : i32
      %dma_start3A_466 = tpu.memref_slice %arg13[%dma_start3A_464, %dma_start3A_465] : memref<80x16xf32, #tpu.memory_space<vmem>> -> memref<40x16xf32, #tpu.memory_space<vmem>>
      %dma_start3A_467 = arith.constant 0 : i32
      %dma_start3A_468 = tpu.memref_slice %arg11[%dma_start3A_463, %dma_start3A_467] : memref<2x40xi32, #tpu.memory_space<vmem>> -> memref<1x40xi32, #tpu.memory_space<vmem>>
      %dma_start3A_469 = tpu.memref_squeeze %dma_start3A_468 : memref<1x40xi32, #tpu.memory_space<vmem>> -> memref<40xi32, #tpu.memory_space<vmem>>
      %dma_start3A_470 = arith.constant 0 : i32
      %dma_start3A_471 = arith.constant 0 : i32
      %dma_start3A_472 = tpu.memref_slice %arg3[%dma_start3A_470, %dma_start3A_471] : memref<10000x16xf32, #tpu.memory_space<hbm>> -> memref<10000x16xf32, #tpu.memory_space<hbm>>
      tpu.enqueue_indirect_dma source(%dma_start3A_472 : memref<10000x16xf32, #tpu.memory_space<hbm>>) target(%dma_start3A_466 : memref<40x16xf32, #tpu.memory_space<vmem>>) offsets(%dma_start3A_469 : memref<40xi32, #tpu.memory_space<vmem>>) semaphore(%arg22 : memref<!tpu.dma_semaphore, #tpu.memory_space<semaphore_mem>>)
      %dma_start3A_473 = arith.constant 1 : i32
      %dma_start3A_474 = arith.constant 40 : i32
      %dma_start3A_475 = arith.constant 0 : i32
      %dma_start3A_476 = tpu.memref_slice %arg13[%dma_start3A_474, %dma_start3A_475] : memref<80x16xf32, #tpu.memory_space<vmem>> -> memref<40x16xf32, #tpu.memory_space<vmem>>
      %dma_start3A_477 = arith.constant 0 : i32
      %dma_start3A_478 = tpu.memref_slice %arg11[%dma_start3A_473, %dma_start3A_477] : memref<2x40xi32, #tpu.memory_space<vmem>> -> memref<1x40xi32, #tpu.memory_space<vmem>>
      %dma_start3A_479 = tpu.memref_squeeze %dma_start3A_478 : memref<1x40xi32, #tpu.memory_space<vmem>> -> memref<40xi32, #tpu.memory_space<vmem>>
      %dma_start3A_480 = arith.constant 0 : i32
      %dma_start3A_481 = arith.constant 0 : i32
      %dma_start3A_482 = tpu.memref_slice %arg3[%dma_start3A_480, %dma_start3A_481] : memref<10000x16xf32, #tpu.memory_space<hbm>> -> memref<10000x16xf32, #tpu.memory_space<hbm>>
      tpu.enqueue_indirect_dma source(%dma_start3A_482 : memref<10000x16xf32, #tpu.memory_space<hbm>>) target(%dma_start3A_476 : memref<40x16xf32, #tpu.memory_space<vmem>>) offsets(%dma_start3A_479 : memref<40xi32, #tpu.memory_space<vmem>>) semaphore(%arg22 : memref<!tpu.dma_semaphore, #tpu.memory_space<semaphore_mem>>)
      %dma_wait3A_483 = arith.constant 0 : i32
      %dma_wait3A_484 = tpu.memref_slice %arg8[%add3A_416, %dma_wait3A_483] : memref<125x80xi32, #tpu.memory_space<vmem>> -> memref<1x80xi32, #tpu.memory_space<vmem>>
      %dma_wait3A_485 = tpu.memref_squeeze %dma_wait3A_484 : memref<1x80xi32, #tpu.memory_space<vmem>> -> memref<80xi32, #tpu.memory_space<vmem>>
      %dma_wait3A_486 = arith.constant 0 : i32
      %dma_wait3A_487 = arith.constant 0 : i32
      %dma_wait3A_488 = tpu.memref_slice %arg2[%dma_wait3A_486, %dma_wait3A_487] : memref<10000x144xf32, #tpu.memory_space<hbm>> -> memref<10000x144xf32, #tpu.memory_space<hbm>>
      tpu.wait_indirect_dma semaphore(%arg23 : memref<!tpu.dma_semaphore, #tpu.memory_space<semaphore_mem>>) src(%dma_wait3A_488 : memref<10000x144xf32, #tpu.memory_space<hbm>>) dst(%arg16 : memref<80x144xf32, #tpu.memory_space<vmem>>)
      %dma_wait3A_489 = arith.constant 0 : i32
      %dma_wait3A_490 = arith.constant 0 : i32
      %dma_wait3A_491 = arith.constant 0 : i32
      %dma_wait3A_492 = tpu.memref_slice %arg14[%dma_wait3A_490, %dma_wait3A_491] : memref<80x16xf32, #tpu.memory_space<vmem>> -> memref<40x16xf32, #tpu.memory_space<vmem>>
      %dma_wait3A_493 = arith.constant 0 : i32
      %dma_wait3A_494 = tpu.memref_slice %arg10[%dma_wait3A_489, %dma_wait3A_493] : memref<2x40xi32, #tpu.memory_space<vmem>> -> memref<1x40xi32, #tpu.memory_space<vmem>>
      %dma_wait3A_495 = tpu.memref_squeeze %dma_wait3A_494 : memref<1x40xi32, #tpu.memory_space<vmem>> -> memref<40xi32, #tpu.memory_space<vmem>>
      %dma_wait3A_496 = arith.constant 0 : i32
      %dma_wait3A_497 = arith.constant 0 : i32
      %dma_wait3A_498 = tpu.memref_slice %arg3[%dma_wait3A_496, %dma_wait3A_497] : memref<10000x16xf32, #tpu.memory_space<hbm>> -> memref<10000x16xf32, #tpu.memory_space<hbm>>
      tpu.wait_indirect_dma semaphore(%arg23 : memref<!tpu.dma_semaphore, #tpu.memory_space<semaphore_mem>>) src(%dma_wait3A_498 : memref<10000x16xf32, #tpu.memory_space<hbm>>) dst(%dma_wait3A_492 : memref<40x16xf32, #tpu.memory_space<vmem>>)
      %dma_wait3A_499 = arith.constant 1 : i32
      %dma_wait3A_500 = arith.constant 40 : i32
      %dma_wait3A_501 = arith.constant 0 : i32
      %dma_wait3A_502 = tpu.memref_slice %arg14[%dma_wait3A_500, %dma_wait3A_501] : memref<80x16xf32, #tpu.memory_space<vmem>> -> memref<40x16xf32, #tpu.memory_space<vmem>>
      %dma_wait3A_503 = arith.constant 0 : i32
      %dma_wait3A_504 = tpu.memref_slice %arg10[%dma_wait3A_499, %dma_wait3A_503] : memref<2x40xi32, #tpu.memory_space<vmem>> -> memref<1x40xi32, #tpu.memory_space<vmem>>
      %dma_wait3A_505 = tpu.memref_squeeze %dma_wait3A_504 : memref<1x40xi32, #tpu.memory_space<vmem>> -> memref<40xi32, #tpu.memory_space<vmem>>
      %dma_wait3A_506 = arith.constant 0 : i32
      %dma_wait3A_507 = arith.constant 0 : i32
      %dma_wait3A_508 = tpu.memref_slice %arg3[%dma_wait3A_506, %dma_wait3A_507] : memref<10000x16xf32, #tpu.memory_space<hbm>> -> memref<10000x16xf32, #tpu.memory_space<hbm>>
      tpu.wait_indirect_dma semaphore(%arg23 : memref<!tpu.dma_semaphore, #tpu.memory_space<semaphore_mem>>) src(%dma_wait3A_508 : memref<10000x16xf32, #tpu.memory_space<hbm>>) dst(%dma_wait3A_502 : memref<40x16xf32, #tpu.memory_space<vmem>>)
      %parallel_loop3A_509 = arith.constant 0 : i32
      %parallel_loop3A_510 = arith.constant 40 : i32
      %parallel_loop3A_511 = arith.constant 1 : i32
      scf.for %parallel_loop3A_781 = %parallel_loop3A_509 to %parallel_loop3A_510 step %parallel_loop3A_511  : i32 {
        %parallel_loop3A_782 = arith.index_cast %parallel_loop3A_781 : i32 to index
        %parallel_loop3A_783 = arith.constant 128 : index
        %parallel_loop3A_784 = tpu.vector_load %arg16[%parallel_loop3A_782, %parallel_loop3A_783] {strides = array<i32>} : memref<80x144xf32, #tpu.memory_space<vmem>>, vector<1x16xf32>,
        %parallel_loop3A_785 = vector.shape_cast %parallel_loop3A_784 : vector<1x16xf32> to vector<16xf32>
        %parallel_loop3A_786 = arith.index_cast %parallel_loop3A_781 : i32 to index
        %parallel_loop3A_787 = arith.constant 0 : index
        %parallel_loop3A_788 = tpu.vector_load %arg14[%parallel_loop3A_786, %parallel_loop3A_787] {strides = array<i32>} : memref<80x16xf32, #tpu.memory_space<vmem>>, vector<1x16xf32>,
        %parallel_loop3A_789 = vector.shape_cast %parallel_loop3A_788 : vector<1x16xf32> to vector<16xf32>
        %parallel_loop3A_790 = arith.addf %parallel_loop3A_785, %parallel_loop3A_789 : vector<16xf32>
        %parallel_loop3A_791 = arith.constant 0.000000e+00 : f32
        %parallel_loop3A_792 = vector.broadcast %parallel_loop3A_791 : f32 to vector<16xf32>
        %parallel_loop3A_793 = arith.cmpf ogt, %parallel_loop3A_790, %parallel_loop3A_792 : vector<16xf32>
        %parallel_loop3A_794 = arith.constant 0.00999999977 : f32
        %parallel_loop3A_795 = vector.broadcast %parallel_loop3A_794 : f32 to vector<16xf32>
        %parallel_loop3A_796 = arith.mulf %parallel_loop3A_790, %parallel_loop3A_795 : vector<16xf32>
        %parallel_loop3A_797 = arith.select %parallel_loop3A_793, %parallel_loop3A_790, %parallel_loop3A_796 : vector<16xi1>, vector<16xf32>
        %parallel_loop3A_798 = math.exp %parallel_loop3A_797 : vector<16xf32>
        %parallel_loop3A_799 = arith.index_cast %parallel_loop3A_781 : i32 to index
        %parallel_loop3A_800 = arith.constant 128 : index
        %parallel_loop3A_801 = tpu.vector_load %arg16[%parallel_loop3A_799, %parallel_loop3A_800] {strides = array<i32>} : memref<80x144xf32, #tpu.memory_space<vmem>>, vector<1x16xf32>,
        %parallel_loop3A_802 = vector.shape_cast %parallel_loop3A_801 : vector<1x16xf32> to vector<16xf32>
        %parallel_loop3A_803 = vector.shape_cast %parallel_loop3A_798 : vector<16xf32> to vector<1x16xf32>
        tpu.vector_store %arg16[%parallel_loop3A_799, %parallel_loop3A_800], %parallel_loop3A_803 {strides = array<i32>} : memref<80x144xf32, #tpu.memory_space<vmem>>, vector<1x16xf32>,
        %parallel_loop3A_804 = arith.index_cast %parallel_loop3A_781 : i32 to index
        %parallel_loop3A_805 = arith.constant 0 : index
        %parallel_loop3A_806 = tpu.vector_load %arg16[%parallel_loop3A_804, %parallel_loop3A_805] {strides = array<i32>} : memref<80x144xf32, #tpu.memory_space<vmem>>, vector<1x16xf32>,
        %parallel_loop3A_807 = vector.shape_cast %parallel_loop3A_806 : vector<1x16xf32> to vector<16xf32>
        %parallel_loop3A_808 = vector.extract_strided_slice %parallel_loop3A_798 {offsets = [0], sizes = [1], strides = [1]} : vector<16xf32> to vector<1xf32>
        %parallel_loop3A_809 = vector.extract %parallel_loop3A_808[0] : f32 from vector<1xf32>
        %parallel_loop3A_810 = vector.broadcast %parallel_loop3A_809 : f32 to vector<16xf32>
        %parallel_loop3A_811 = arith.mulf %parallel_loop3A_807, %parallel_loop3A_810 : vector<16xf32>
        %parallel_loop3A_812 = arith.index_cast %parallel_loop3A_781 : i32 to index
        %parallel_loop3A_813 = arith.constant 0 : index
        %parallel_loop3A_814 = tpu.vector_load %arg16[%parallel_loop3A_812, %parallel_loop3A_813] {strides = array<i32>} : memref<80x144xf32, #tpu.memory_space<vmem>>, vector<1x16xf32>,
        %parallel_loop3A_815 = vector.shape_cast %parallel_loop3A_814 : vector<1x16xf32> to vector<16xf32>
        %parallel_loop3A_816 = vector.shape_cast %parallel_loop3A_811 : vector<16xf32> to vector<1x16xf32>
        tpu.vector_store %arg16[%parallel_loop3A_812, %parallel_loop3A_813], %parallel_loop3A_816 {strides = array<i32>} : memref<80x144xf32, #tpu.memory_space<vmem>>, vector<1x16xf32>,
        %parallel_loop3A_817 = arith.index_cast %parallel_loop3A_781 : i32 to index
        %parallel_loop3A_818 = arith.constant 16 : index
        %parallel_loop3A_819 = tpu.vector_load %arg16[%parallel_loop3A_817, %parallel_loop3A_818] {strides = array<i32>} : memref<80x144xf32, #tpu.memory_space<vmem>>, vector<1x16xf32>,
        %parallel_loop3A_820 = vector.shape_cast %parallel_loop3A_819 : vector<1x16xf32> to vector<16xf32>
        %parallel_loop3A_821 = vector.extract_strided_slice %parallel_loop3A_798 {offsets = [1], sizes = [1], strides = [1]} : vector<16xf32> to vector<1xf32>
        %parallel_loop3A_822 = vector.extract %parallel_loop3A_821[0] : f32 from vector<1xf32>
        %parallel_loop3A_823 = vector.broadcast %parallel_loop3A_822 : f32 to vector<16xf32>
        %parallel_loop3A_824 = arith.mulf %parallel_loop3A_820, %parallel_loop3A_823 : vector<16xf32>
        %parallel_loop3A_825 = arith.index_cast %parallel_loop3A_781 : i32 to index
        %parallel_loop3A_826 = arith.constant 16 : index
        %parallel_loop3A_827 = tpu.vector_load %arg16[%parallel_loop3A_825, %parallel_loop3A_826] {strides = array<i32>} : memref<80x144xf32, #tpu.memory_space<vmem>>, vector<1x16xf32>,
        %parallel_loop3A_828 = vector.shape_cast %parallel_loop3A_827 : vector<1x16xf32> to vector<16xf32>
        %parallel_loop3A_829 = vector.shape_cast %parallel_loop3A_824 : vector<16xf32> to vector<1x16xf32>
        tpu.vector_store %arg16[%parallel_loop3A_825, %parallel_loop3A_826], %parallel_loop3A_829 {strides = array<i32>} : memref<80x144xf32, #tpu.memory_space<vmem>>, vector<1x16xf32>,
        %parallel_loop3A_830 = arith.index_cast %parallel_loop3A_781 : i32 to index
        %parallel_loop3A_831 = arith.constant 32 : index
        %parallel_loop3A_832 = tpu.vector_load %arg16[%parallel_loop3A_830, %parallel_loop3A_831] {strides = array<i32>} : memref<80x144xf32, #tpu.memory_space<vmem>>, vector<1x16xf32>,
        %parallel_loop3A_833 = vector.shape_cast %parallel_loop3A_832 : vector<1x16xf32> to vector<16xf32>
        %parallel_loop3A_834 = vector.extract_strided_slice %parallel_loop3A_798 {offsets = [2], sizes = [1], strides = [1]} : vector<16xf32> to vector<1xf32>
        %parallel_loop3A_835 = vector.extract %parallel_loop3A_834[0] : f32 from vector<1xf32>
        %parallel_loop3A_836 = vector.broadcast %parallel_loop3A_835 : f32 to vector<16xf32>
        %parallel_loop3A_837 = arith.mulf %parallel_loop3A_833, %parallel_loop3A_836 : vector<16xf32>
        %parallel_loop3A_838 = arith.index_cast %parallel_loop3A_781 : i32 to index
        %parallel_loop3A_839 = arith.constant 32 : index
        %parallel_loop3A_840 = tpu.vector_load %arg16[%parallel_loop3A_838, %parallel_loop3A_839] {strides = array<i32>} : memref<80x144xf32, #tpu.memory_space<vmem>>, vector<1x16xf32>,
        %parallel_loop3A_841 = vector.shape_cast %parallel_loop3A_840 : vector<1x16xf32> to vector<16xf32>
        %parallel_loop3A_842 = vector.shape_cast %parallel_loop3A_837 : vector<16xf32> to vector<1x16xf32>
        tpu.vector_store %arg16[%parallel_loop3A_838, %parallel_loop3A_839], %parallel_loop3A_842 {strides = array<i32>} : memref<80x144xf32, #tpu.memory_space<vmem>>, vector<1x16xf32>,
        %parallel_loop3A_843 = arith.index_cast %parallel_loop3A_781 : i32 to index
        %parallel_loop3A_844 = arith.constant 48 : index
        %parallel_loop3A_845 = tpu.vector_load %arg16[%parallel_loop3A_843, %parallel_loop3A_844] {strides = array<i32>} : memref<80x144xf32, #tpu.memory_space<vmem>>, vector<1x16xf32>,
        %parallel_loop3A_846 = vector.shape_cast %parallel_loop3A_845 : vector<1x16xf32> to vector<16xf32>
        %parallel_loop3A_847 = vector.extract_strided_slice %parallel_loop3A_798 {offsets = [3], sizes = [1], strides = [1]} : vector<16xf32> to vector<1xf32>
        %parallel_loop3A_848 = vector.extract %parallel_loop3A_847[0] : f32 from vector<1xf32>
        %parallel_loop3A_849 = vector.broadcast %parallel_loop3A_848 : f32 to vector<16xf32>
        %parallel_loop3A_850 = arith.mulf %parallel_loop3A_846, %parallel_loop3A_849 : vector<16xf32>
        %parallel_loop3A_851 = arith.index_cast %parallel_loop3A_781 : i32 to index
        %parallel_loop3A_852 = arith.constant 48 : index
        %parallel_loop3A_853 = tpu.vector_load %arg16[%parallel_loop3A_851, %parallel_loop3A_852] {strides = array<i32>} : memref<80x144xf32, #tpu.memory_space<vmem>>, vector<1x16xf32>,
        %parallel_loop3A_854 = vector.shape_cast %parallel_loop3A_853 : vector<1x16xf32> to vector<16xf32>
        %parallel_loop3A_855 = vector.shape_cast %parallel_loop3A_850 : vector<16xf32> to vector<1x16xf32>
        tpu.vector_store %arg16[%parallel_loop3A_851, %parallel_loop3A_852], %parallel_loop3A_855 {strides = array<i32>} : memref<80x144xf32, #tpu.memory_space<vmem>>, vector<1x16xf32>,
        %parallel_loop3A_856 = arith.index_cast %parallel_loop3A_781 : i32 to index
        %parallel_loop3A_857 = arith.constant 64 : index
        %parallel_loop3A_858 = tpu.vector_load %arg16[%parallel_loop3A_856, %parallel_loop3A_857] {strides = array<i32>} : memref<80x144xf32, #tpu.memory_space<vmem>>, vector<1x16xf32>,
        %parallel_loop3A_859 = vector.shape_cast %parallel_loop3A_858 : vector<1x16xf32> to vector<16xf32>
        %parallel_loop3A_860 = vector.extract_strided_slice %parallel_loop3A_798 {offsets = [4], sizes = [1], strides = [1]} : vector<16xf32> to vector<1xf32>
        %parallel_loop3A_861 = vector.extract %parallel_loop3A_860[0] : f32 from vector<1xf32>
        %parallel_loop3A_862 = vector.broadcast %parallel_loop3A_861 : f32 to vector<16xf32>
        %parallel_loop3A_863 = arith.mulf %parallel_loop3A_859, %parallel_loop3A_862 : vector<16xf32>
        %parallel_loop3A_864 = arith.index_cast %parallel_loop3A_781 : i32 to index
        %parallel_loop3A_865 = arith.constant 64 : index
        %parallel_loop3A_866 = tpu.vector_load %arg16[%parallel_loop3A_864, %parallel_loop3A_865] {strides = array<i32>} : memref<80x144xf32, #tpu.memory_space<vmem>>, vector<1x16xf32>,
        %parallel_loop3A_867 = vector.shape_cast %parallel_loop3A_866 : vector<1x16xf32> to vector<16xf32>
        %parallel_loop3A_868 = vector.shape_cast %parallel_loop3A_863 : vector<16xf32> to vector<1x16xf32>
        tpu.vector_store %arg16[%parallel_loop3A_864, %parallel_loop3A_865], %parallel_loop3A_868 {strides = array<i32>} : memref<80x144xf32, #tpu.memory_space<vmem>>, vector<1x16xf32>,
        %parallel_loop3A_869 = arith.index_cast %parallel_loop3A_781 : i32 to index
        %parallel_loop3A_870 = arith.constant 80 : index
        %parallel_loop3A_871 = tpu.vector_load %arg16[%parallel_loop3A_869, %parallel_loop3A_870] {strides = array<i32>} : memref<80x144xf32, #tpu.memory_space<vmem>>, vector<1x16xf32>,
        %parallel_loop3A_872 = vector.shape_cast %parallel_loop3A_871 : vector<1x16xf32> to vector<16xf32>
        %parallel_loop3A_873 = vector.extract_strided_slice %parallel_loop3A_798 {offsets = [5], sizes = [1], strides = [1]} : vector<16xf32> to vector<1xf32>
        %parallel_loop3A_874 = vector.extract %parallel_loop3A_873[0] : f32 from vector<1xf32>
        %parallel_loop3A_875 = vector.broadcast %parallel_loop3A_874 : f32 to vector<16xf32>
        %parallel_loop3A_876 = arith.mulf %parallel_loop3A_872, %parallel_loop3A_875 : vector<16xf32>
        %parallel_loop3A_877 = arith.index_cast %parallel_loop3A_781 : i32 to index
        %parallel_loop3A_878 = arith.constant 80 : index
        %parallel_loop3A_879 = tpu.vector_load %arg16[%parallel_loop3A_877, %parallel_loop3A_878] {strides = array<i32>} : memref<80x144xf32, #tpu.memory_space<vmem>>, vector<1x16xf32>,
        %parallel_loop3A_880 = vector.shape_cast %parallel_loop3A_879 : vector<1x16xf32> to vector<16xf32>
        %parallel_loop3A_881 = vector.shape_cast %parallel_loop3A_876 : vector<16xf32> to vector<1x16xf32>
        tpu.vector_store %arg16[%parallel_loop3A_877, %parallel_loop3A_878], %parallel_loop3A_881 {strides = array<i32>} : memref<80x144xf32, #tpu.memory_space<vmem>>, vector<1x16xf32>,
        %parallel_loop3A_882 = arith.index_cast %parallel_loop3A_781 : i32 to index
        %parallel_loop3A_883 = arith.constant 96 : index
        %parallel_loop3A_884 = tpu.vector_load %arg16[%parallel_loop3A_882, %parallel_loop3A_883] {strides = array<i32>} : memref<80x144xf32, #tpu.memory_space<vmem>>, vector<1x16xf32>,
        %parallel_loop3A_885 = vector.shape_cast %parallel_loop3A_884 : vector<1x16xf32> to vector<16xf32>
        %parallel_loop3A_886 = vector.extract_strided_slice %parallel_loop3A_798 {offsets = [6], sizes = [1], strides = [1]} : vector<16xf32> to vector<1xf32>
        %parallel_loop3A_887 = vector.extract %parallel_loop3A_886[0] : f32 from vector<1xf32>
        %parallel_loop3A_888 = vector.broadcast %parallel_loop3A_887 : f32 to vector<16xf32>
        %parallel_loop3A_889 = arith.mulf %parallel_loop3A_885, %parallel_loop3A_888 : vector<16xf32>
        %parallel_loop3A_890 = arith.index_cast %parallel_loop3A_781 : i32 to index
        %parallel_loop3A_891 = arith.constant 96 : index
        %parallel_loop3A_892 = tpu.vector_load %arg16[%parallel_loop3A_890, %parallel_loop3A_891] {strides = array<i32>} : memref<80x144xf32, #tpu.memory_space<vmem>>, vector<1x16xf32>,
        %parallel_loop3A_893 = vector.shape_cast %parallel_loop3A_892 : vector<1x16xf32> to vector<16xf32>
        %parallel_loop3A_894 = vector.shape_cast %parallel_loop3A_889 : vector<16xf32> to vector<1x16xf32>
        tpu.vector_store %arg16[%parallel_loop3A_890, %parallel_loop3A_891], %parallel_loop3A_894 {strides = array<i32>} : memref<80x144xf32, #tpu.memory_space<vmem>>, vector<1x16xf32>,
        %parallel_loop3A_895 = arith.index_cast %parallel_loop3A_781 : i32 to index
        %parallel_loop3A_896 = arith.constant 112 : index
        %parallel_loop3A_897 = tpu.vector_load %arg16[%parallel_loop3A_895, %parallel_loop3A_896] {strides = array<i32>} : memref<80x144xf32, #tpu.memory_space<vmem>>, vector<1x16xf32>,
        %parallel_loop3A_898 = vector.shape_cast %parallel_loop3A_897 : vector<1x16xf32> to vector<16xf32>
        %parallel_loop3A_899 = vector.extract_strided_slice %parallel_loop3A_798 {offsets = [7], sizes = [1], strides = [1]} : vector<16xf32> to vector<1xf32>
        %parallel_loop3A_900 = vector.extract %parallel_loop3A_899[0] : f32 from vector<1xf32>
        %parallel_loop3A_901 = vector.broadcast %parallel_loop3A_900 : f32 to vector<16xf32>
        %parallel_loop3A_902 = arith.mulf %parallel_loop3A_898, %parallel_loop3A_901 : vector<16xf32>
        %parallel_loop3A_903 = arith.index_cast %parallel_loop3A_781 : i32 to index
        %parallel_loop3A_904 = arith.constant 112 : index
        %parallel_loop3A_905 = tpu.vector_load %arg16[%parallel_loop3A_903, %parallel_loop3A_904] {strides = array<i32>} : memref<80x144xf32, #tpu.memory_space<vmem>>, vector<1x16xf32>,
        %parallel_loop3A_906 = vector.shape_cast %parallel_loop3A_905 : vector<1x16xf32> to vector<16xf32>
        %parallel_loop3A_907 = vector.shape_cast %parallel_loop3A_902 : vector<16xf32> to vector<1x16xf32>
        tpu.vector_store %arg16[%parallel_loop3A_903, %parallel_loop3A_904], %parallel_loop3A_907 {strides = array<i32>} : memref<80x144xf32, #tpu.memory_space<vmem>>, vector<1x16xf32>,
      } {sc.loop_unroll_factor = 2 : i64, sc.parallel_access}
      %dma_start3A_512 = arith.constant 0 : i32
      %dma_start3A_513 = arith.constant 0 : i32
      %dma_start3A_514 = arith.constant 0 : i32
      %dma_start3A_515 = tpu.memref_slice %arg16[%dma_start3A_513, %dma_start3A_514] : memref<80x144xf32, #tpu.memory_space<vmem>> -> memref<40x144xf32, #tpu.memory_space<vmem>>
      %dma_start3A_516 = arith.constant 0 : i32
      %dma_start3A_517 = tpu.memref_slice %arg10[%dma_start3A_512, %dma_start3A_516] : memref<2x40xi32, #tpu.memory_space<vmem>> -> memref<1x40xi32, #tpu.memory_space<vmem>>
      %dma_start3A_518 = tpu.memref_squeeze %dma_start3A_517 : memref<1x40xi32, #tpu.memory_space<vmem>> -> memref<40xi32, #tpu.memory_space<vmem>>
      %dma_start3A_519 = arith.constant 0 : i32
      %dma_start3A_520 = arith.constant 0 : i32
      %dma_start3A_521 = tpu.memref_slice %arg17[%dma_start3A_519, %dma_start3A_520] : memref<10112x144xf32, #tpu.memory_space<vmem_shared>> -> memref<10112x144xf32, #tpu.memory_space<vmem_shared>>
      tpu.enqueue_indirect_dma source(%dma_start3A_515 : memref<40x144xf32, #tpu.memory_space<vmem>>) target(%dma_start3A_521 : memref<10112x144xf32, #tpu.memory_space<vmem_shared>>) offsets(%dma_start3A_518 : memref<40xi32, #tpu.memory_space<vmem>>) semaphore(%arg25 : memref<!tpu.dma_semaphore, #tpu.memory_space<semaphore_mem>>) {add = true}
      %parallel_loop3A_522 = arith.constant 40 : i32
      %parallel_loop3A_523 = arith.constant 80 : i32
      %parallel_loop3A_524 = arith.constant 1 : i32
      scf.for %parallel_loop3A_781 = %parallel_loop3A_522 to %parallel_loop3A_523 step %parallel_loop3A_524  : i32 {
        %parallel_loop3A_782 = arith.index_cast %parallel_loop3A_781 : i32 to index
        %parallel_loop3A_783 = arith.constant 128 : index
        %parallel_loop3A_784 = tpu.vector_load %arg16[%parallel_loop3A_782, %parallel_loop3A_783] {strides = array<i32>} : memref<80x144xf32, #tpu.memory_space<vmem>>, vector<1x16xf32>,
        %parallel_loop3A_785 = vector.shape_cast %parallel_loop3A_784 : vector<1x16xf32> to vector<16xf32>
        %parallel_loop3A_786 = arith.index_cast %parallel_loop3A_781 : i32 to index
        %parallel_loop3A_787 = arith.constant 0 : index
        %parallel_loop3A_788 = tpu.vector_load %arg14[%parallel_loop3A_786, %parallel_loop3A_787] {strides = array<i32>} : memref<80x16xf32, #tpu.memory_space<vmem>>, vector<1x16xf32>,
        %parallel_loop3A_789 = vector.shape_cast %parallel_loop3A_788 : vector<1x16xf32> to vector<16xf32>
        %parallel_loop3A_790 = arith.addf %parallel_loop3A_785, %parallel_loop3A_789 : vector<16xf32>
        %parallel_loop3A_791 = arith.constant 0.000000e+00 : f32
        %parallel_loop3A_792 = vector.broadcast %parallel_loop3A_791 : f32 to vector<16xf32>
        %parallel_loop3A_793 = arith.cmpf ogt, %parallel_loop3A_790, %parallel_loop3A_792 : vector<16xf32>
        %parallel_loop3A_794 = arith.constant 0.00999999977 : f32
        %parallel_loop3A_795 = vector.broadcast %parallel_loop3A_794 : f32 to vector<16xf32>
        %parallel_loop3A_796 = arith.mulf %parallel_loop3A_790, %parallel_loop3A_795 : vector<16xf32>
        %parallel_loop3A_797 = arith.select %parallel_loop3A_793, %parallel_loop3A_790, %parallel_loop3A_796 : vector<16xi1>, vector<16xf32>
        %parallel_loop3A_798 = math.exp %parallel_loop3A_797 : vector<16xf32>
        %parallel_loop3A_799 = arith.index_cast %parallel_loop3A_781 : i32 to index
        %parallel_loop3A_800 = arith.constant 128 : index
        %parallel_loop3A_801 = tpu.vector_load %arg16[%parallel_loop3A_799, %parallel_loop3A_800] {strides = array<i32>} : memref<80x144xf32, #tpu.memory_space<vmem>>, vector<1x16xf32>,
        %parallel_loop3A_802 = vector.shape_cast %parallel_loop3A_801 : vector<1x16xf32> to vector<16xf32>
        %parallel_loop3A_803 = vector.shape_cast %parallel_loop3A_798 : vector<16xf32> to vector<1x16xf32>
        tpu.vector_store %arg16[%parallel_loop3A_799, %parallel_loop3A_800], %parallel_loop3A_803 {strides = array<i32>} : memref<80x144xf32, #tpu.memory_space<vmem>>, vector<1x16xf32>,
        %parallel_loop3A_804 = arith.index_cast %parallel_loop3A_781 : i32 to index
        %parallel_loop3A_805 = arith.constant 0 : index
        %parallel_loop3A_806 = tpu.vector_load %arg16[%parallel_loop3A_804, %parallel_loop3A_805] {strides = array<i32>} : memref<80x144xf32, #tpu.memory_space<vmem>>, vector<1x16xf32>,
        %parallel_loop3A_807 = vector.shape_cast %parallel_loop3A_806 : vector<1x16xf32> to vector<16xf32>
        %parallel_loop3A_808 = vector.extract_strided_slice %parallel_loop3A_798 {offsets = [0], sizes = [1], strides = [1]} : vector<16xf32> to vector<1xf32>
        %parallel_loop3A_809 = vector.extract %parallel_loop3A_808[0] : f32 from vector<1xf32>
        %parallel_loop3A_810 = vector.broadcast %parallel_loop3A_809 : f32 to vector<16xf32>
        %parallel_loop3A_811 = arith.mulf %parallel_loop3A_807, %parallel_loop3A_810 : vector<16xf32>
        %parallel_loop3A_812 = arith.index_cast %parallel_loop3A_781 : i32 to index
        %parallel_loop3A_813 = arith.constant 0 : index
        %parallel_loop3A_814 = tpu.vector_load %arg16[%parallel_loop3A_812, %parallel_loop3A_813] {strides = array<i32>} : memref<80x144xf32, #tpu.memory_space<vmem>>, vector<1x16xf32>,
        %parallel_loop3A_815 = vector.shape_cast %parallel_loop3A_814 : vector<1x16xf32> to vector<16xf32>
        %parallel_loop3A_816 = vector.shape_cast %parallel_loop3A_811 : vector<16xf32> to vector<1x16xf32>
        tpu.vector_store %arg16[%parallel_loop3A_812, %parallel_loop3A_813], %parallel_loop3A_816 {strides = array<i32>} : memref<80x144xf32, #tpu.memory_space<vmem>>, vector<1x16xf32>,
        %parallel_loop3A_817 = arith.index_cast %parallel_loop3A_781 : i32 to index
        %parallel_loop3A_818 = arith.constant 16 : index
        %parallel_loop3A_819 = tpu.vector_load %arg16[%parallel_loop3A_817, %parallel_loop3A_818] {strides = array<i32>} : memref<80x144xf32, #tpu.memory_space<vmem>>, vector<1x16xf32>,
        %parallel_loop3A_820 = vector.shape_cast %parallel_loop3A_819 : vector<1x16xf32> to vector<16xf32>
        %parallel_loop3A_821 = vector.extract_strided_slice %parallel_loop3A_798 {offsets = [1], sizes = [1], strides = [1]} : vector<16xf32> to vector<1xf32>
        %parallel_loop3A_822 = vector.extract %parallel_loop3A_821[0] : f32 from vector<1xf32>
        %parallel_loop3A_823 = vector.broadcast %parallel_loop3A_822 : f32 to vector<16xf32>
        %parallel_loop3A_824 = arith.mulf %parallel_loop3A_820, %parallel_loop3A_823 : vector<16xf32>
        %parallel_loop3A_825 = arith.index_cast %parallel_loop3A_781 : i32 to index
        %parallel_loop3A_826 = arith.constant 16 : index
        %parallel_loop3A_827 = tpu.vector_load %arg16[%parallel_loop3A_825, %parallel_loop3A_826] {strides = array<i32>} : memref<80x144xf32, #tpu.memory_space<vmem>>, vector<1x16xf32>,
        %parallel_loop3A_828 = vector.shape_cast %parallel_loop3A_827 : vector<1x16xf32> to vector<16xf32>
        %parallel_loop3A_829 = vector.shape_cast %parallel_loop3A_824 : vector<16xf32> to vector<1x16xf32>
        tpu.vector_store %arg16[%parallel_loop3A_825, %parallel_loop3A_826], %parallel_loop3A_829 {strides = array<i32>} : memref<80x144xf32, #tpu.memory_space<vmem>>, vector<1x16xf32>,
        %parallel_loop3A_830 = arith.index_cast %parallel_loop3A_781 : i32 to index
        %parallel_loop3A_831 = arith.constant 32 : index
        %parallel_loop3A_832 = tpu.vector_load %arg16[%parallel_loop3A_830, %parallel_loop3A_831] {strides = array<i32>} : memref<80x144xf32, #tpu.memory_space<vmem>>, vector<1x16xf32>,
        %parallel_loop3A_833 = vector.shape_cast %parallel_loop3A_832 : vector<1x16xf32> to vector<16xf32>
        %parallel_loop3A_834 = vector.extract_strided_slice %parallel_loop3A_798 {offsets = [2], sizes = [1], strides = [1]} : vector<16xf32> to vector<1xf32>
        %parallel_loop3A_835 = vector.extract %parallel_loop3A_834[0] : f32 from vector<1xf32>
        %parallel_loop3A_836 = vector.broadcast %parallel_loop3A_835 : f32 to vector<16xf32>
        %parallel_loop3A_837 = arith.mulf %parallel_loop3A_833, %parallel_loop3A_836 : vector<16xf32>
        %parallel_loop3A_838 = arith.index_cast %parallel_loop3A_781 : i32 to index
        %parallel_loop3A_839 = arith.constant 32 : index
        %parallel_loop3A_840 = tpu.vector_load %arg16[%parallel_loop3A_838, %parallel_loop3A_839] {strides = array<i32>} : memref<80x144xf32, #tpu.memory_space<vmem>>, vector<1x16xf32>,
        %parallel_loop3A_841 = vector.shape_cast %parallel_loop3A_840 : vector<1x16xf32> to vector<16xf32>
        %parallel_loop3A_842 = vector.shape_cast %parallel_loop3A_837 : vector<16xf32> to vector<1x16xf32>
        tpu.vector_store %arg16[%parallel_loop3A_838, %parallel_loop3A_839], %parallel_loop3A_842 {strides = array<i32>} : memref<80x144xf32, #tpu.memory_space<vmem>>, vector<1x16xf32>,
        %parallel_loop3A_843 = arith.index_cast %parallel_loop3A_781 : i32 to index
        %parallel_loop3A_844 = arith.constant 48 : index
        %parallel_loop3A_845 = tpu.vector_load %arg16[%parallel_loop3A_843, %parallel_loop3A_844] {strides = array<i32>} : memref<80x144xf32, #tpu.memory_space<vmem>>, vector<1x16xf32>,
        %parallel_loop3A_846 = vector.shape_cast %parallel_loop3A_845 : vector<1x16xf32> to vector<16xf32>
        %parallel_loop3A_847 = vector.extract_strided_slice %parallel_loop3A_798 {offsets = [3], sizes = [1], strides = [1]} : vector<16xf32> to vector<1xf32>
        %parallel_loop3A_848 = vector.extract %parallel_loop3A_847[0] : f32 from vector<1xf32>
        %parallel_loop3A_849 = vector.broadcast %parallel_loop3A_848 : f32 to vector<16xf32>
        %parallel_loop3A_850 = arith.mulf %parallel_loop3A_846, %parallel_loop3A_849 : vector<16xf32>
        %parallel_loop3A_851 = arith.index_cast %parallel_loop3A_781 : i32 to index
        %parallel_loop3A_852 = arith.constant 48 : index
        %parallel_loop3A_853 = tpu.vector_load %arg16[%parallel_loop3A_851, %parallel_loop3A_852] {strides = array<i32>} : memref<80x144xf32, #tpu.memory_space<vmem>>, vector<1x16xf32>,
        %parallel_loop3A_854 = vector.shape_cast %parallel_loop3A_853 : vector<1x16xf32> to vector<16xf32>
        %parallel_loop3A_855 = vector.shape_cast %parallel_loop3A_850 : vector<16xf32> to vector<1x16xf32>
        tpu.vector_store %arg16[%parallel_loop3A_851, %parallel_loop3A_852], %parallel_loop3A_855 {strides = array<i32>} : memref<80x144xf32, #tpu.memory_space<vmem>>, vector<1x16xf32>,
        %parallel_loop3A_856 = arith.index_cast %parallel_loop3A_781 : i32 to index
        %parallel_loop3A_857 = arith.constant 64 : index
        %parallel_loop3A_858 = tpu.vector_load %arg16[%parallel_loop3A_856, %parallel_loop3A_857] {strides = array<i32>} : memref<80x144xf32, #tpu.memory_space<vmem>>, vector<1x16xf32>,
        %parallel_loop3A_859 = vector.shape_cast %parallel_loop3A_858 : vector<1x16xf32> to vector<16xf32>
        %parallel_loop3A_860 = vector.extract_strided_slice %parallel_loop3A_798 {offsets = [4], sizes = [1], strides = [1]} : vector<16xf32> to vector<1xf32>
        %parallel_loop3A_861 = vector.extract %parallel_loop3A_860[0] : f32 from vector<1xf32>
        %parallel_loop3A_862 = vector.broadcast %parallel_loop3A_861 : f32 to vector<16xf32>
        %parallel_loop3A_863 = arith.mulf %parallel_loop3A_859, %parallel_loop3A_862 : vector<16xf32>
        %parallel_loop3A_864 = arith.index_cast %parallel_loop3A_781 : i32 to index
        %parallel_loop3A_865 = arith.constant 64 : index
        %parallel_loop3A_866 = tpu.vector_load %arg16[%parallel_loop3A_864, %parallel_loop3A_865] {strides = array<i32>} : memref<80x144xf32, #tpu.memory_space<vmem>>, vector<1x16xf32>,
        %parallel_loop3A_867 = vector.shape_cast %parallel_loop3A_866 : vector<1x16xf32> to vector<16xf32>
        %parallel_loop3A_868 = vector.shape_cast %parallel_loop3A_863 : vector<16xf32> to vector<1x16xf32>
        tpu.vector_store %arg16[%parallel_loop3A_864, %parallel_loop3A_865], %parallel_loop3A_868 {strides = array<i32>} : memref<80x144xf32, #tpu.memory_space<vmem>>, vector<1x16xf32>,
        %parallel_loop3A_869 = arith.index_cast %parallel_loop3A_781 : i32 to index
        %parallel_loop3A_870 = arith.constant 80 : index
        %parallel_loop3A_871 = tpu.vector_load %arg16[%parallel_loop3A_869, %parallel_loop3A_870] {strides = array<i32>} : memref<80x144xf32, #tpu.memory_space<vmem>>, vector<1x16xf32>,
        %parallel_loop3A_872 = vector.shape_cast %parallel_loop3A_871 : vector<1x16xf32> to vector<16xf32>
        %parallel_loop3A_873 = vector.extract_strided_slice %parallel_loop3A_798 {offsets = [5], sizes = [1], strides = [1]} : vector<16xf32> to vector<1xf32>
        %parallel_loop3A_874 = vector.extract %parallel_loop3A_873[0] : f32 from vector<1xf32>
        %parallel_loop3A_875 = vector.broadcast %parallel_loop3A_874 : f32 to vector<16xf32>
        %parallel_loop3A_876 = arith.mulf %parallel_loop3A_872, %parallel_loop3A_875 : vector<16xf32>
        %parallel_loop3A_877 = arith.index_cast %parallel_loop3A_781 : i32 to index
        %parallel_loop3A_878 = arith.constant 80 : index
        %parallel_loop3A_879 = tpu.vector_load %arg16[%parallel_loop3A_877, %parallel_loop3A_878] {strides = array<i32>} : memref<80x144xf32, #tpu.memory_space<vmem>>, vector<1x16xf32>,
        %parallel_loop3A_880 = vector.shape_cast %parallel_loop3A_879 : vector<1x16xf32> to vector<16xf32>
        %parallel_loop3A_881 = vector.shape_cast %parallel_loop3A_876 : vector<16xf32> to vector<1x16xf32>
        tpu.vector_store %arg16[%parallel_loop3A_877, %parallel_loop3A_878], %parallel_loop3A_881 {strides = array<i32>} : memref<80x144xf32, #tpu.memory_space<vmem>>, vector<1x16xf32>,
        %parallel_loop3A_882 = arith.index_cast %parallel_loop3A_781 : i32 to index
        %parallel_loop3A_883 = arith.constant 96 : index
        %parallel_loop3A_884 = tpu.vector_load %arg16[%parallel_loop3A_882, %parallel_loop3A_883] {strides = array<i32>} : memref<80x144xf32, #tpu.memory_space<vmem>>, vector<1x16xf32>,
        %parallel_loop3A_885 = vector.shape_cast %parallel_loop3A_884 : vector<1x16xf32> to vector<16xf32>
        %parallel_loop3A_886 = vector.extract_strided_slice %parallel_loop3A_798 {offsets = [6], sizes = [1], strides = [1]} : vector<16xf32> to vector<1xf32>
        %parallel_loop3A_887 = vector.extract %parallel_loop3A_886[0] : f32 from vector<1xf32>
        %parallel_loop3A_888 = vector.broadcast %parallel_loop3A_887 : f32 to vector<16xf32>
        %parallel_loop3A_889 = arith.mulf %parallel_loop3A_885, %parallel_loop3A_888 : vector<16xf32>
        %parallel_loop3A_890 = arith.index_cast %parallel_loop3A_781 : i32 to index
        %parallel_loop3A_891 = arith.constant 96 : index
        %parallel_loop3A_892 = tpu.vector_load %arg16[%parallel_loop3A_890, %parallel_loop3A_891] {strides = array<i32>} : memref<80x144xf32, #tpu.memory_space<vmem>>, vector<1x16xf32>,
        %parallel_loop3A_893 = vector.shape_cast %parallel_loop3A_892 : vector<1x16xf32> to vector<16xf32>
        %parallel_loop3A_894 = vector.shape_cast %parallel_loop3A_889 : vector<16xf32> to vector<1x16xf32>
        tpu.vector_store %arg16[%parallel_loop3A_890, %parallel_loop3A_891], %parallel_loop3A_894 {strides = array<i32>} : memref<80x144xf32, #tpu.memory_space<vmem>>, vector<1x16xf32>,
        %parallel_loop3A_895 = arith.index_cast %parallel_loop3A_781 : i32 to index
        %parallel_loop3A_896 = arith.constant 112 : index
        %parallel_loop3A_897 = tpu.vector_load %arg16[%parallel_loop3A_895, %parallel_loop3A_896] {strides = array<i32>} : memref<80x144xf32, #tpu.memory_space<vmem>>, vector<1x16xf32>,
        %parallel_loop3A_898 = vector.shape_cast %parallel_loop3A_897 : vector<1x16xf32> to vector<16xf32>
        %parallel_loop3A_899 = vector.extract_strided_slice %parallel_loop3A_798 {offsets = [7], sizes = [1], strides = [1]} : vector<16xf32> to vector<1xf32>
        %parallel_loop3A_900 = vector.extract %parallel_loop3A_899[0] : f32 from vector<1xf32>
        %parallel_loop3A_901 = vector.broadcast %parallel_loop3A_900 : f32 to vector<16xf32>
        %parallel_loop3A_902 = arith.mulf %parallel_loop3A_898, %parallel_loop3A_901 : vector<16xf32>
        %parallel_loop3A_903 = arith.index_cast %parallel_loop3A_781 : i32 to index
        %parallel_loop3A_904 = arith.constant 112 : index
        %parallel_loop3A_905 = tpu.vector_load %arg16[%parallel_loop3A_903, %parallel_loop3A_904] {strides = array<i32>} : memref<80x144xf32, #tpu.memory_space<vmem>>, vector<1x16xf32>,
        %parallel_loop3A_906 = vector.shape_cast %parallel_loop3A_905 : vector<1x16xf32> to vector<16xf32>
        %parallel_loop3A_907 = vector.shape_cast %parallel_loop3A_902 : vector<16xf32> to vector<1x16xf32>
        tpu.vector_store %arg16[%parallel_loop3A_903, %parallel_loop3A_904], %parallel_loop3A_907 {strides = array<i32>} : memref<80x144xf32, #tpu.memory_space<vmem>>, vector<1x16xf32>,
      } {sc.loop_unroll_factor = 2 : i64, sc.parallel_access}
      %dma_start3A_525 = arith.constant 1 : i32
      %dma_start3A_526 = arith.constant 40 : i32
      %dma_start3A_527 = arith.constant 0 : i32
      %dma_start3A_528 = tpu.memref_slice %arg16[%dma_start3A_526, %dma_start3A_527] : memref<80x144xf32, #tpu.memory_space<vmem>> -> memref<40x144xf32, #tpu.memory_space<vmem>>
      %dma_start3A_529 = arith.constant 0 : i32
      %dma_start3A_530 = tpu.memref_slice %arg10[%dma_start3A_525, %dma_start3A_529] : memref<2x40xi32, #tpu.memory_space<vmem>> -> memref<1x40xi32, #tpu.memory_space<vmem>>
      %dma_start3A_531 = tpu.memref_squeeze %dma_start3A_530 : memref<1x40xi32, #tpu.memory_space<vmem>> -> memref<40xi32, #tpu.memory_space<vmem>>
      %dma_start3A_532 = arith.constant 0 : i32
      %dma_start3A_533 = arith.constant 0 : i32
      %dma_start3A_534 = tpu.memref_slice %arg17[%dma_start3A_532, %dma_start3A_533] : memref<10112x144xf32, #tpu.memory_space<vmem_shared>> -> memref<10112x144xf32, #tpu.memory_space<vmem_shared>>
      tpu.enqueue_indirect_dma source(%dma_start3A_528 : memref<40x144xf32, #tpu.memory_space<vmem>>) target(%dma_start3A_534 : memref<10112x144xf32, #tpu.memory_space<vmem_shared>>) offsets(%dma_start3A_531 : memref<40xi32, #tpu.memory_space<vmem>>) semaphore(%arg25 : memref<!tpu.dma_semaphore, #tpu.memory_space<semaphore_mem>>) {add = true}
      %mul3A_535 = arith.constant 4 : i32
      %mul3A_536 = arith.muli %mul3A_535, %scan3A_308 : i32
      %add3A_537 = arith.constant 2 : i32
      %add3A_538 = arith.addi %mul3A_536, %add3A_537 : i32
      %sub3A_539 = arith.constant 1 : i32
      %sub3A_540 = arith.subi %add3A_538, %sub3A_539 : i32
      %dma_wait3A_541 = arith.constant 0 : i32
      %dma_wait3A_542 = arith.constant 0 : i32
      %dma_wait3A_543 = arith.constant 0 : i32
      %dma_wait3A_544 = tpu.memref_slice %arg16[%dma_wait3A_542, %dma_wait3A_543] : memref<80x144xf32, #tpu.memory_space<vmem>> -> memref<40x144xf32, #tpu.memory_space<vmem>>
      %dma_wait3A_545 = arith.constant 0 : i32
      %dma_wait3A_546 = tpu.memref_slice %arg10[%dma_wait3A_541, %dma_wait3A_545] : memref<2x40xi32, #tpu.memory_space<vmem>> -> memref<1x40xi32, #tpu.memory_space<vmem>>
      %dma_wait3A_547 = tpu.memref_squeeze %dma_wait3A_546 : memref<1x40xi32, #tpu.memory_space<vmem>> -> memref<40xi32, #tpu.memory_space<vmem>>
      %dma_wait3A_548 = arith.constant 0 : i32
      %dma_wait3A_549 = arith.constant 0 : i32
      %dma_wait3A_550 = tpu.memref_slice %arg17[%dma_wait3A_548, %dma_wait3A_549] : memref<10112x144xf32, #tpu.memory_space<vmem_shared>> -> memref<10112x144xf32, #tpu.memory_space<vmem_shared>>
      tpu.wait_indirect_dma semaphore(%arg25 : memref<!tpu.dma_semaphore, #tpu.memory_space<semaphore_mem>>) src(%dma_wait3A_544 : memref<40x144xf32, #tpu.memory_space<vmem>>) dst(%dma_wait3A_550 : memref<10112x144xf32, #tpu.memory_space<vmem_shared>>)
      %dma_wait3A_551 = arith.constant 1 : i32
      %dma_wait3A_552 = arith.constant 40 : i32
      %dma_wait3A_553 = arith.constant 0 : i32
      %dma_wait3A_554 = tpu.memref_slice %arg16[%dma_wait3A_552, %dma_wait3A_553] : memref<80x144xf32, #tpu.memory_space<vmem>> -> memref<40x144xf32, #tpu.memory_space<vmem>>
      %dma_wait3A_555 = arith.constant 0 : i32
      %dma_wait3A_556 = tpu.memref_slice %arg10[%dma_wait3A_551, %dma_wait3A_555] : memref<2x40xi32, #tpu.memory_space<vmem>> -> memref<1x40xi32, #tpu.memory_space<vmem>>
      %dma_wait3A_557 = tpu.memref_squeeze %dma_wait3A_556 : memref<1x40xi32, #tpu.memory_space<vmem>> -> memref<40xi32, #tpu.memory_space<vmem>>
      %dma_wait3A_558 = arith.constant 0 : i32
      %dma_wait3A_559 = arith.constant 0 : i32
      %dma_wait3A_560 = tpu.memref_slice %arg17[%dma_wait3A_558, %dma_wait3A_559] : memref<10112x144xf32, #tpu.memory_space<vmem_shared>> -> memref<10112x144xf32, #tpu.memory_space<vmem_shared>>
      tpu.wait_indirect_dma semaphore(%arg25 : memref<!tpu.dma_semaphore, #tpu.memory_space<semaphore_mem>>) src(%dma_wait3A_554 : memref<40x144xf32, #tpu.memory_space<vmem>>) dst(%dma_wait3A_560 : memref<10112x144xf32, #tpu.memory_space<vmem_shared>>)
      %add3A_561 = arith.constant 3 : i32
      %add3A_562 = arith.addi %add3A_538, %add3A_561 : i32
      %lt3A_563 = arith.constant 125 : i32
      %lt3A_564 = arith.cmpi slt, %add3A_562, %lt3A_563 : i32
      %convert_element_type3A_565 = arith.extui %lt3A_564 : i1 to i32
      %cond3A_566 = arith.constant 0 : i32
      %cond3A_567 = arith.cmpi ne, %convert_element_type3A_565, %cond3A_566 : i32
      scf.if %cond3A_567 {
        %add3A_781 = arith.constant 3 : i32
        %add3A_782 = arith.addi %add3A_538, %add3A_781 : i32
        %dma_start3A_783 = arith.constant 0 : i32
        %dma_start3A_784 = arith.constant 0 : i32
        %dma_start3A_785 = tpu.memref_slice %arg5[%add3A, %add3A_782, %dma_start3A_783, %dma_start3A_784] : memref<32x125x2x40xi32, #tpu.memory_space<hbm>> -> memref<1x1x2x40xi32, #tpu.memory_space<hbm>>
        %dma_start3A_786 = tpu.memref_squeeze %dma_start3A_785 : memref<1x1x2x40xi32, #tpu.memory_space<hbm>> -> memref<2x40xi32, #tpu.memory_space<hbm>>
        %dma_start3A_787 = arith.constant 0 : i32
        %dma_start3A_788 = arith.constant 0 : i32
        %dma_start3A_789 = tpu.memref_slice %arg5[%add3A, %add3A_782, %dma_start3A_787, %dma_start3A_788] : memref<32x125x2x40xi32, #tpu.memory_space<hbm>> -> memref<1x1x2x40xi32, #tpu.memory_space<hbm>>
        %dma_start3A_790 = tpu.memref_squeeze %dma_start3A_789 : memref<1x1x2x40xi32, #tpu.memory_space<hbm>> -> memref<2x40xi32, #tpu.memory_space<hbm>>
        tpu.enqueue_dma source(%dma_start3A_790 : memref<2x40xi32, #tpu.memory_space<hbm>>) target(%arg10 : memref<2x40xi32, #tpu.memory_space<vmem>>) target_semaphore(%arg19 : memref<!tpu.dma_semaphore, #tpu.memory_space<semaphore_mem>>)
      } else {
      }
      %add3A_568 = arith.constant 1 : i32
      %add3A_569 = arith.addi %add3A_538, %add3A_568 : i32
      %dma_wait3A_570 = arith.constant 0 : i32
      %dma_wait3A_571 = arith.constant 0 : i32
      %dma_wait3A_572 = tpu.memref_slice %arg5[%add3A, %add3A_569, %dma_wait3A_570, %dma_wait3A_571] : memref<32x125x2x40xi32, #tpu.memory_space<hbm>> -> memref<1x1x2x40xi32, #tpu.memory_space<hbm>>
      %dma_wait3A_573 = tpu.memref_squeeze %dma_wait3A_572 : memref<1x1x2x40xi32, #tpu.memory_space<hbm>> -> memref<2x40xi32, #tpu.memory_space<hbm>>
      %dma_wait3A_574 = arith.constant 0 : i32
      %dma_wait3A_575 = arith.constant 0 : i32
      %dma_wait3A_576 = tpu.memref_slice %arg5[%add3A, %add3A_569, %dma_wait3A_574, %dma_wait3A_575] : memref<32x125x2x40xi32, #tpu.memory_space<hbm>> -> memref<1x1x2x40xi32, #tpu.memory_space<hbm>>
      %dma_wait3A_577 = tpu.memref_squeeze %dma_wait3A_576 : memref<1x1x2x40xi32, #tpu.memory_space<hbm>> -> memref<2x40xi32, #tpu.memory_space<hbm>>
      tpu.wait_dma2 semaphore(%arg21 : memref<!tpu.dma_semaphore, #tpu.memory_space<semaphore_mem>>) src(%dma_wait3A_577 : memref<2x40xi32, #tpu.memory_space<hbm>>) dst(%arg12 : memref<2x40xi32, #tpu.memory_space<vmem>>)
      %add3A_578 = arith.constant 1 : i32
      %add3A_579 = arith.addi %add3A_538, %add3A_578 : i32
      %dma_start3A_580 = arith.constant 0 : i32
      %dma_start3A_581 = tpu.memref_slice %arg8[%add3A_579, %dma_start3A_580] : memref<125x80xi32, #tpu.memory_space<vmem>> -> memref<1x80xi32, #tpu.memory_space<vmem>>
      %dma_start3A_582 = tpu.memref_squeeze %dma_start3A_581 : memref<1x80xi32, #tpu.memory_space<vmem>> -> memref<80xi32, #tpu.memory_space<vmem>>
      %dma_start3A_583 = arith.constant 0 : i32
      %dma_start3A_584 = arith.constant 0 : i32
      %dma_start3A_585 = tpu.memref_slice %arg2[%dma_start3A_583, %dma_start3A_584] : memref<10000x144xf32, #tpu.memory_space<hbm>> -> memref<10000x144xf32, #tpu.memory_space<hbm>>
      tpu.enqueue_indirect_dma source(%dma_start3A_585 : memref<10000x144xf32, #tpu.memory_space<hbm>>) target(%arg16 : memref<80x144xf32, #tpu.memory_space<vmem>>) offsets(%dma_start3A_582 : memref<80xi32, #tpu.memory_space<vmem>>) semaphore(%arg23 : memref<!tpu.dma_semaphore, #tpu.memory_space<semaphore_mem>>)
      %dma_start3A_586 = arith.constant 0 : i32
      %dma_start3A_587 = arith.constant 0 : i32
      %dma_start3A_588 = arith.constant 0 : i32
      %dma_start3A_589 = tpu.memref_slice %arg14[%dma_start3A_587, %dma_start3A_588] : memref<80x16xf32, #tpu.memory_space<vmem>> -> memref<40x16xf32, #tpu.memory_space<vmem>>
      %dma_start3A_590 = arith.constant 0 : i32
      %dma_start3A_591 = tpu.memref_slice %arg12[%dma_start3A_586, %dma_start3A_590] : memref<2x40xi32, #tpu.memory_space<vmem>> -> memref<1x40xi32, #tpu.memory_space<vmem>>
      %dma_start3A_592 = tpu.memref_squeeze %dma_start3A_591 : memref<1x40xi32, #tpu.memory_space<vmem>> -> memref<40xi32, #tpu.memory_space<vmem>>
      %dma_start3A_593 = arith.constant 0 : i32
      %dma_start3A_594 = arith.constant 0 : i32
      %dma_start3A_595 = tpu.memref_slice %arg3[%dma_start3A_593, %dma_start3A_594] : memref<10000x16xf32, #tpu.memory_space<hbm>> -> memref<10000x16xf32, #tpu.memory_space<hbm>>
      tpu.enqueue_indirect_dma source(%dma_start3A_595 : memref<10000x16xf32, #tpu.memory_space<hbm>>) target(%dma_start3A_589 : memref<40x16xf32, #tpu.memory_space<vmem>>) offsets(%dma_start3A_592 : memref<40xi32, #tpu.memory_space<vmem>>) semaphore(%arg23 : memref<!tpu.dma_semaphore, #tpu.memory_space<semaphore_mem>>)
      %dma_start3A_596 = arith.constant 1 : i32
      %dma_start3A_597 = arith.constant 40 : i32
      %dma_start3A_598 = arith.constant 0 : i32
      %dma_start3A_599 = tpu.memref_slice %arg14[%dma_start3A_597, %dma_start3A_598] : memref<80x16xf32, #tpu.memory_space<vmem>> -> memref<40x16xf32, #tpu.memory_space<vmem>>
      %dma_start3A_600 = arith.constant 0 : i32
      %dma_start3A_601 = tpu.memref_slice %arg12[%dma_start3A_596, %dma_start3A_600] : memref<2x40xi32, #tpu.memory_space<vmem>> -> memref<1x40xi32, #tpu.memory_space<vmem>>
      %dma_start3A_602 = tpu.memref_squeeze %dma_start3A_601 : memref<1x40xi32, #tpu.memory_space<vmem>> -> memref<40xi32, #tpu.memory_space<vmem>>
      %dma_start3A_603 = arith.constant 0 : i32
      %dma_start3A_604 = arith.constant 0 : i32
      %dma_start3A_605 = tpu.memref_slice %arg3[%dma_start3A_603, %dma_start3A_604] : memref<10000x16xf32, #tpu.memory_space<hbm>> -> memref<10000x16xf32, #tpu.memory_space<hbm>>
      tpu.enqueue_indirect_dma source(%dma_start3A_605 : memref<10000x16xf32, #tpu.memory_space<hbm>>) target(%dma_start3A_599 : memref<40x16xf32, #tpu.memory_space<vmem>>) offsets(%dma_start3A_602 : memref<40xi32, #tpu.memory_space<vmem>>) semaphore(%arg23 : memref<!tpu.dma_semaphore, #tpu.memory_space<semaphore_mem>>)
      %dma_wait3A_606 = arith.constant 0 : i32
      %dma_wait3A_607 = tpu.memref_slice %arg8[%add3A_538, %dma_wait3A_606] : memref<125x80xi32, #tpu.memory_space<vmem>> -> memref<1x80xi32, #tpu.memory_space<vmem>>
      %dma_wait3A_608 = tpu.memref_squeeze %dma_wait3A_607 : memref<1x80xi32, #tpu.memory_space<vmem>> -> memref<80xi32, #tpu.memory_space<vmem>>
      %dma_wait3A_609 = arith.constant 0 : i32
      %dma_wait3A_610 = arith.constant 0 : i32
      %dma_wait3A_611 = tpu.memref_slice %arg2[%dma_wait3A_609, %dma_wait3A_610] : memref<10000x144xf32, #tpu.memory_space<hbm>> -> memref<10000x144xf32, #tpu.memory_space<hbm>>
      tpu.wait_indirect_dma semaphore(%arg22 : memref<!tpu.dma_semaphore, #tpu.memory_space<semaphore_mem>>) src(%dma_wait3A_611 : memref<10000x144xf32, #tpu.memory_space<hbm>>) dst(%arg15 : memref<80x144xf32, #tpu.memory_space<vmem>>)
      %dma_wait3A_612 = arith.constant 0 : i32
      %dma_wait3A_613 = arith.constant 0 : i32
      %dma_wait3A_614 = arith.constant 0 : i32
      %dma_wait3A_615 = tpu.memref_slice %arg13[%dma_wait3A_613, %dma_wait3A_614] : memref<80x16xf32, #tpu.memory_space<vmem>> -> memref<40x16xf32, #tpu.memory_space<vmem>>
      %dma_wait3A_616 = arith.constant 0 : i32
      %dma_wait3A_617 = tpu.memref_slice %arg11[%dma_wait3A_612, %dma_wait3A_616] : memref<2x40xi32, #tpu.memory_space<vmem>> -> memref<1x40xi32, #tpu.memory_space<vmem>>
      %dma_wait3A_618 = tpu.memref_squeeze %dma_wait3A_617 : memref<1x40xi32, #tpu.memory_space<vmem>> -> memref<40xi32, #tpu.memory_space<vmem>>
      %dma_wait3A_619 = arith.constant 0 : i32
      %dma_wait3A_620 = arith.constant 0 : i32
      %dma_wait3A_621 = tpu.memref_slice %arg3[%dma_wait3A_619, %dma_wait3A_620] : memref<10000x16xf32, #tpu.memory_space<hbm>> -> memref<10000x16xf32, #tpu.memory_space<hbm>>
      tpu.wait_indirect_dma semaphore(%arg22 : memref<!tpu.dma_semaphore, #tpu.memory_space<semaphore_mem>>) src(%dma_wait3A_621 : memref<10000x16xf32, #tpu.memory_space<hbm>>) dst(%dma_wait3A_615 : memref<40x16xf32, #tpu.memory_space<vmem>>)
      %dma_wait3A_622 = arith.constant 1 : i32
      %dma_wait3A_623 = arith.constant 40 : i32
      %dma_wait3A_624 = arith.constant 0 : i32
      %dma_wait3A_625 = tpu.memref_slice %arg13[%dma_wait3A_623, %dma_wait3A_624] : memref<80x16xf32, #tpu.memory_space<vmem>> -> memref<40x16xf32, #tpu.memory_space<vmem>>
      %dma_wait3A_626 = arith.constant 0 : i32
      %dma_wait3A_627 = tpu.memref_slice %arg11[%dma_wait3A_622, %dma_wait3A_626] : memref<2x40xi32, #tpu.memory_space<vmem>> -> memref<1x40xi32, #tpu.memory_space<vmem>>
      %dma_wait3A_628 = tpu.memref_squeeze %dma_wait3A_627 : memref<1x40xi32, #tpu.memory_space<vmem>> -> memref<40xi32, #tpu.memory_space<vmem>>
      %dma_wait3A_629 = arith.constant 0 : i32
      %dma_wait3A_630 = arith.constant 0 : i32
      %dma_wait3A_631 = tpu.memref_slice %arg3[%dma_wait3A_629, %dma_wait3A_630] : memref<10000x16xf32, #tpu.memory_space<hbm>> -> memref<10000x16xf32, #tpu.memory_space<hbm>>
      tpu.wait_indirect_dma semaphore(%arg22 : memref<!tpu.dma_semaphore, #tpu.memory_space<semaphore_mem>>) src(%dma_wait3A_631 : memref<10000x16xf32, #tpu.memory_space<hbm>>) dst(%dma_wait3A_625 : memref<40x16xf32, #tpu.memory_space<vmem>>)
      %parallel_loop3A_632 = arith.constant 0 : i32
      %parallel_loop3A_633 = arith.constant 40 : i32
      %parallel_loop3A_634 = arith.constant 1 : i32
      scf.for %parallel_loop3A_781 = %parallel_loop3A_632 to %parallel_loop3A_633 step %parallel_loop3A_634  : i32 {
        %parallel_loop3A_782 = arith.index_cast %parallel_loop3A_781 : i32 to index
        %parallel_loop3A_783 = arith.constant 128 : index
        %parallel_loop3A_784 = tpu.vector_load %arg15[%parallel_loop3A_782, %parallel_loop3A_783] {strides = array<i32>} : memref<80x144xf32, #tpu.memory_space<vmem>>, vector<1x16xf32>,
        %parallel_loop3A_785 = vector.shape_cast %parallel_loop3A_784 : vector<1x16xf32> to vector<16xf32>
        %parallel_loop3A_786 = arith.index_cast %parallel_loop3A_781 : i32 to index
        %parallel_loop3A_787 = arith.constant 0 : index
        %parallel_loop3A_788 = tpu.vector_load %arg13[%parallel_loop3A_786, %parallel_loop3A_787] {strides = array<i32>} : memref<80x16xf32, #tpu.memory_space<vmem>>, vector<1x16xf32>,
        %parallel_loop3A_789 = vector.shape_cast %parallel_loop3A_788 : vector<1x16xf32> to vector<16xf32>
        %parallel_loop3A_790 = arith.addf %parallel_loop3A_785, %parallel_loop3A_789 : vector<16xf32>
        %parallel_loop3A_791 = arith.constant 0.000000e+00 : f32
        %parallel_loop3A_792 = vector.broadcast %parallel_loop3A_791 : f32 to vector<16xf32>
        %parallel_loop3A_793 = arith.cmpf ogt, %parallel_loop3A_790, %parallel_loop3A_792 : vector<16xf32>
        %parallel_loop3A_794 = arith.constant 0.00999999977 : f32
        %parallel_loop3A_795 = vector.broadcast %parallel_loop3A_794 : f32 to vector<16xf32>
        %parallel_loop3A_796 = arith.mulf %parallel_loop3A_790, %parallel_loop3A_795 : vector<16xf32>
        %parallel_loop3A_797 = arith.select %parallel_loop3A_793, %parallel_loop3A_790, %parallel_loop3A_796 : vector<16xi1>, vector<16xf32>
        %parallel_loop3A_798 = math.exp %parallel_loop3A_797 : vector<16xf32>
        %parallel_loop3A_799 = arith.index_cast %parallel_loop3A_781 : i32 to index
        %parallel_loop3A_800 = arith.constant 128 : index
        %parallel_loop3A_801 = tpu.vector_load %arg15[%parallel_loop3A_799, %parallel_loop3A_800] {strides = array<i32>} : memref<80x144xf32, #tpu.memory_space<vmem>>, vector<1x16xf32>,
        %parallel_loop3A_802 = vector.shape_cast %parallel_loop3A_801 : vector<1x16xf32> to vector<16xf32>
        %parallel_loop3A_803 = vector.shape_cast %parallel_loop3A_798 : vector<16xf32> to vector<1x16xf32>
        tpu.vector_store %arg15[%parallel_loop3A_799, %parallel_loop3A_800], %parallel_loop3A_803 {strides = array<i32>} : memref<80x144xf32, #tpu.memory_space<vmem>>, vector<1x16xf32>,
        %parallel_loop3A_804 = arith.index_cast %parallel_loop3A_781 : i32 to index
        %parallel_loop3A_805 = arith.constant 0 : index
        %parallel_loop3A_806 = tpu.vector_load %arg15[%parallel_loop3A_804, %parallel_loop3A_805] {strides = array<i32>} : memref<80x144xf32, #tpu.memory_space<vmem>>, vector<1x16xf32>,
        %parallel_loop3A_807 = vector.shape_cast %parallel_loop3A_806 : vector<1x16xf32> to vector<16xf32>
        %parallel_loop3A_808 = vector.extract_strided_slice %parallel_loop3A_798 {offsets = [0], sizes = [1], strides = [1]} : vector<16xf32> to vector<1xf32>
        %parallel_loop3A_809 = vector.extract %parallel_loop3A_808[0] : f32 from vector<1xf32>
        %parallel_loop3A_810 = vector.broadcast %parallel_loop3A_809 : f32 to vector<16xf32>
        %parallel_loop3A_811 = arith.mulf %parallel_loop3A_807, %parallel_loop3A_810 : vector<16xf32>
        %parallel_loop3A_812 = arith.index_cast %parallel_loop3A_781 : i32 to index
        %parallel_loop3A_813 = arith.constant 0 : index
        %parallel_loop3A_814 = tpu.vector_load %arg15[%parallel_loop3A_812, %parallel_loop3A_813] {strides = array<i32>} : memref<80x144xf32, #tpu.memory_space<vmem>>, vector<1x16xf32>,
        %parallel_loop3A_815 = vector.shape_cast %parallel_loop3A_814 : vector<1x16xf32> to vector<16xf32>
        %parallel_loop3A_816 = vector.shape_cast %parallel_loop3A_811 : vector<16xf32> to vector<1x16xf32>
        tpu.vector_store %arg15[%parallel_loop3A_812, %parallel_loop3A_813], %parallel_loop3A_816 {strides = array<i32>} : memref<80x144xf32, #tpu.memory_space<vmem>>, vector<1x16xf32>,
        %parallel_loop3A_817 = arith.index_cast %parallel_loop3A_781 : i32 to index
        %parallel_loop3A_818 = arith.constant 16 : index
        %parallel_loop3A_819 = tpu.vector_load %arg15[%parallel_loop3A_817, %parallel_loop3A_818] {strides = array<i32>} : memref<80x144xf32, #tpu.memory_space<vmem>>, vector<1x16xf32>,
        %parallel_loop3A_820 = vector.shape_cast %parallel_loop3A_819 : vector<1x16xf32> to vector<16xf32>
        %parallel_loop3A_821 = vector.extract_strided_slice %parallel_loop3A_798 {offsets = [1], sizes = [1], strides = [1]} : vector<16xf32> to vector<1xf32>
        %parallel_loop3A_822 = vector.extract %parallel_loop3A_821[0] : f32 from vector<1xf32>
        %parallel_loop3A_823 = vector.broadcast %parallel_loop3A_822 : f32 to vector<16xf32>
        %parallel_loop3A_824 = arith.mulf %parallel_loop3A_820, %parallel_loop3A_823 : vector<16xf32>
        %parallel_loop3A_825 = arith.index_cast %parallel_loop3A_781 : i32 to index
        %parallel_loop3A_826 = arith.constant 16 : index
        %parallel_loop3A_827 = tpu.vector_load %arg15[%parallel_loop3A_825, %parallel_loop3A_826] {strides = array<i32>} : memref<80x144xf32, #tpu.memory_space<vmem>>, vector<1x16xf32>,
        %parallel_loop3A_828 = vector.shape_cast %parallel_loop3A_827 : vector<1x16xf32> to vector<16xf32>
        %parallel_loop3A_829 = vector.shape_cast %parallel_loop3A_824 : vector<16xf32> to vector<1x16xf32>
        tpu.vector_store %arg15[%parallel_loop3A_825, %parallel_loop3A_826], %parallel_loop3A_829 {strides = array<i32>} : memref<80x144xf32, #tpu.memory_space<vmem>>, vector<1x16xf32>,
        %parallel_loop3A_830 = arith.index_cast %parallel_loop3A_781 : i32 to index
        %parallel_loop3A_831 = arith.constant 32 : index
        %parallel_loop3A_832 = tpu.vector_load %arg15[%parallel_loop3A_830, %parallel_loop3A_831] {strides = array<i32>} : memref<80x144xf32, #tpu.memory_space<vmem>>, vector<1x16xf32>,
        %parallel_loop3A_833 = vector.shape_cast %parallel_loop3A_832 : vector<1x16xf32> to vector<16xf32>
        %parallel_loop3A_834 = vector.extract_strided_slice %parallel_loop3A_798 {offsets = [2], sizes = [1], strides = [1]} : vector<16xf32> to vector<1xf32>
        %parallel_loop3A_835 = vector.extract %parallel_loop3A_834[0] : f32 from vector<1xf32>
        %parallel_loop3A_836 = vector.broadcast %parallel_loop3A_835 : f32 to vector<16xf32>
        %parallel_loop3A_837 = arith.mulf %parallel_loop3A_833, %parallel_loop3A_836 : vector<16xf32>
        %parallel_loop3A_838 = arith.index_cast %parallel_loop3A_781 : i32 to index
        %parallel_loop3A_839 = arith.constant 32 : index
        %parallel_loop3A_840 = tpu.vector_load %arg15[%parallel_loop3A_838, %parallel_loop3A_839] {strides = array<i32>} : memref<80x144xf32, #tpu.memory_space<vmem>>, vector<1x16xf32>,
        %parallel_loop3A_841 = vector.shape_cast %parallel_loop3A_840 : vector<1x16xf32> to vector<16xf32>
        %parallel_loop3A_842 = vector.shape_cast %parallel_loop3A_837 : vector<16xf32> to vector<1x16xf32>
        tpu.vector_store %arg15[%parallel_loop3A_838, %parallel_loop3A_839], %parallel_loop3A_842 {strides = array<i32>} : memref<80x144xf32, #tpu.memory_space<vmem>>, vector<1x16xf32>,
        %parallel_loop3A_843 = arith.index_cast %parallel_loop3A_781 : i32 to index
        %parallel_loop3A_844 = arith.constant 48 : index
        %parallel_loop3A_845 = tpu.vector_load %arg15[%parallel_loop3A_843, %parallel_loop3A_844] {strides = array<i32>} : memref<80x144xf32, #tpu.memory_space<vmem>>, vector<1x16xf32>,
        %parallel_loop3A_846 = vector.shape_cast %parallel_loop3A_845 : vector<1x16xf32> to vector<16xf32>
        %parallel_loop3A_847 = vector.extract_strided_slice %parallel_loop3A_798 {offsets = [3], sizes = [1], strides = [1]} : vector<16xf32> to vector<1xf32>
        %parallel_loop3A_848 = vector.extract %parallel_loop3A_847[0] : f32 from vector<1xf32>
        %parallel_loop3A_849 = vector.broadcast %parallel_loop3A_848 : f32 to vector<16xf32>
        %parallel_loop3A_850 = arith.mulf %parallel_loop3A_846, %parallel_loop3A_849 : vector<16xf32>
        %parallel_loop3A_851 = arith.index_cast %parallel_loop3A_781 : i32 to index
        %parallel_loop3A_852 = arith.constant 48 : index
        %parallel_loop3A_853 = tpu.vector_load %arg15[%parallel_loop3A_851, %parallel_loop3A_852] {strides = array<i32>} : memref<80x144xf32, #tpu.memory_space<vmem>>, vector<1x16xf32>,
        %parallel_loop3A_854 = vector.shape_cast %parallel_loop3A_853 : vector<1x16xf32> to vector<16xf32>
        %parallel_loop3A_855 = vector.shape_cast %parallel_loop3A_850 : vector<16xf32> to vector<1x16xf32>
        tpu.vector_store %arg15[%parallel_loop3A_851, %parallel_loop3A_852], %parallel_loop3A_855 {strides = array<i32>} : memref<80x144xf32, #tpu.memory_space<vmem>>, vector<1x16xf32>,
        %parallel_loop3A_856 = arith.index_cast %parallel_loop3A_781 : i32 to index
        %parallel_loop3A_857 = arith.constant 64 : index
        %parallel_loop3A_858 = tpu.vector_load %arg15[%parallel_loop3A_856, %parallel_loop3A_857] {strides = array<i32>} : memref<80x144xf32, #tpu.memory_space<vmem>>, vector<1x16xf32>,
        %parallel_loop3A_859 = vector.shape_cast %parallel_loop3A_858 : vector<1x16xf32> to vector<16xf32>
        %parallel_loop3A_860 = vector.extract_strided_slice %parallel_loop3A_798 {offsets = [4], sizes = [1], strides = [1]} : vector<16xf32> to vector<1xf32>
        %parallel_loop3A_861 = vector.extract %parallel_loop3A_860[0] : f32 from vector<1xf32>
        %parallel_loop3A_862 = vector.broadcast %parallel_loop3A_861 : f32 to vector<16xf32>
        %parallel_loop3A_863 = arith.mulf %parallel_loop3A_859, %parallel_loop3A_862 : vector<16xf32>
        %parallel_loop3A_864 = arith.index_cast %parallel_loop3A_781 : i32 to index
        %parallel_loop3A_865 = arith.constant 64 : index
        %parallel_loop3A_866 = tpu.vector_load %arg15[%parallel_loop3A_864, %parallel_loop3A_865] {strides = array<i32>} : memref<80x144xf32, #tpu.memory_space<vmem>>, vector<1x16xf32>,
        %parallel_loop3A_867 = vector.shape_cast %parallel_loop3A_866 : vector<1x16xf32> to vector<16xf32>
        %parallel_loop3A_868 = vector.shape_cast %parallel_loop3A_863 : vector<16xf32> to vector<1x16xf32>
        tpu.vector_store %arg15[%parallel_loop3A_864, %parallel_loop3A_865], %parallel_loop3A_868 {strides = array<i32>} : memref<80x144xf32, #tpu.memory_space<vmem>>, vector<1x16xf32>,
        %parallel_loop3A_869 = arith.index_cast %parallel_loop3A_781 : i32 to index
        %parallel_loop3A_870 = arith.constant 80 : index
        %parallel_loop3A_871 = tpu.vector_load %arg15[%parallel_loop3A_869, %parallel_loop3A_870] {strides = array<i32>} : memref<80x144xf32, #tpu.memory_space<vmem>>, vector<1x16xf32>,
        %parallel_loop3A_872 = vector.shape_cast %parallel_loop3A_871 : vector<1x16xf32> to vector<16xf32>
        %parallel_loop3A_873 = vector.extract_strided_slice %parallel_loop3A_798 {offsets = [5], sizes = [1], strides = [1]} : vector<16xf32> to vector<1xf32>
        %parallel_loop3A_874 = vector.extract %parallel_loop3A_873[0] : f32 from vector<1xf32>
        %parallel_loop3A_875 = vector.broadcast %parallel_loop3A_874 : f32 to vector<16xf32>
        %parallel_loop3A_876 = arith.mulf %parallel_loop3A_872, %parallel_loop3A_875 : vector<16xf32>
        %parallel_loop3A_877 = arith.index_cast %parallel_loop3A_781 : i32 to index
        %parallel_loop3A_878 = arith.constant 80 : index
        %parallel_loop3A_879 = tpu.vector_load %arg15[%parallel_loop3A_877, %parallel_loop3A_878] {strides = array<i32>} : memref<80x144xf32, #tpu.memory_space<vmem>>, vector<1x16xf32>,
        %parallel_loop3A_880 = vector.shape_cast %parallel_loop3A_879 : vector<1x16xf32> to vector<16xf32>
        %parallel_loop3A_881 = vector.shape_cast %parallel_loop3A_876 : vector<16xf32> to vector<1x16xf32>
        tpu.vector_store %arg15[%parallel_loop3A_877, %parallel_loop3A_878], %parallel_loop3A_881 {strides = array<i32>} : memref<80x144xf32, #tpu.memory_space<vmem>>, vector<1x16xf32>,
        %parallel_loop3A_882 = arith.index_cast %parallel_loop3A_781 : i32 to index
        %parallel_loop3A_883 = arith.constant 96 : index
        %parallel_loop3A_884 = tpu.vector_load %arg15[%parallel_loop3A_882, %parallel_loop3A_883] {strides = array<i32>} : memref<80x144xf32, #tpu.memory_space<vmem>>, vector<1x16xf32>,
        %parallel_loop3A_885 = vector.shape_cast %parallel_loop3A_884 : vector<1x16xf32> to vector<16xf32>
        %parallel_loop3A_886 = vector.extract_strided_slice %parallel_loop3A_798 {offsets = [6], sizes = [1], strides = [1]} : vector<16xf32> to vector<1xf32>
        %parallel_loop3A_887 = vector.extract %parallel_loop3A_886[0] : f32 from vector<1xf32>
        %parallel_loop3A_888 = vector.broadcast %parallel_loop3A_887 : f32 to vector<16xf32>
        %parallel_loop3A_889 = arith.mulf %parallel_loop3A_885, %parallel_loop3A_888 : vector<16xf32>
        %parallel_loop3A_890 = arith.index_cast %parallel_loop3A_781 : i32 to index
        %parallel_loop3A_891 = arith.constant 96 : index
        %parallel_loop3A_892 = tpu.vector_load %arg15[%parallel_loop3A_890, %parallel_loop3A_891] {strides = array<i32>} : memref<80x144xf32, #tpu.memory_space<vmem>>, vector<1x16xf32>,
        %parallel_loop3A_893 = vector.shape_cast %parallel_loop3A_892 : vector<1x16xf32> to vector<16xf32>
        %parallel_loop3A_894 = vector.shape_cast %parallel_loop3A_889 : vector<16xf32> to vector<1x16xf32>
        tpu.vector_store %arg15[%parallel_loop3A_890, %parallel_loop3A_891], %parallel_loop3A_894 {strides = array<i32>} : memref<80x144xf32, #tpu.memory_space<vmem>>, vector<1x16xf32>,
        %parallel_loop3A_895 = arith.index_cast %parallel_loop3A_781 : i32 to index
        %parallel_loop3A_896 = arith.constant 112 : index
        %parallel_loop3A_897 = tpu.vector_load %arg15[%parallel_loop3A_895, %parallel_loop3A_896] {strides = array<i32>} : memref<80x144xf32, #tpu.memory_space<vmem>>, vector<1x16xf32>,
        %parallel_loop3A_898 = vector.shape_cast %parallel_loop3A_897 : vector<1x16xf32> to vector<16xf32>
        %parallel_loop3A_899 = vector.extract_strided_slice %parallel_loop3A_798 {offsets = [7], sizes = [1], strides = [1]} : vector<16xf32> to vector<1xf32>
        %parallel_loop3A_900 = vector.extract %parallel_loop3A_899[0] : f32 from vector<1xf32>
        %parallel_loop3A_901 = vector.broadcast %parallel_loop3A_900 : f32 to vector<16xf32>
        %parallel_loop3A_902 = arith.mulf %parallel_loop3A_898, %parallel_loop3A_901 : vector<16xf32>
        %parallel_loop3A_903 = arith.index_cast %parallel_loop3A_781 : i32 to index
        %parallel_loop3A_904 = arith.constant 112 : index
        %parallel_loop3A_905 = tpu.vector_load %arg15[%parallel_loop3A_903, %parallel_loop3A_904] {strides = array<i32>} : memref<80x144xf32, #tpu.memory_space<vmem>>, vector<1x16xf32>,
        %parallel_loop3A_906 = vector.shape_cast %parallel_loop3A_905 : vector<1x16xf32> to vector<16xf32>
        %parallel_loop3A_907 = vector.shape_cast %parallel_loop3A_902 : vector<16xf32> to vector<1x16xf32>
        tpu.vector_store %arg15[%parallel_loop3A_903, %parallel_loop3A_904], %parallel_loop3A_907 {strides = array<i32>} : memref<80x144xf32, #tpu.memory_space<vmem>>, vector<1x16xf32>,
      } {sc.loop_unroll_factor = 2 : i64, sc.parallel_access}
      %dma_start3A_635 = arith.constant 0 : i32
      %dma_start3A_636 = arith.constant 0 : i32
      %dma_start3A_637 = arith.constant 0 : i32
      %dma_start3A_638 = tpu.memref_slice %arg15[%dma_start3A_636, %dma_start3A_637] : memref<80x144xf32, #tpu.memory_space<vmem>> -> memref<40x144xf32, #tpu.memory_space<vmem>>
      %dma_start3A_639 = arith.constant 0 : i32
      %dma_start3A_640 = tpu.memref_slice %arg11[%dma_start3A_635, %dma_start3A_639] : memref<2x40xi32, #tpu.memory_space<vmem>> -> memref<1x40xi32, #tpu.memory_space<vmem>>
      %dma_start3A_641 = tpu.memref_squeeze %dma_start3A_640 : memref<1x40xi32, #tpu.memory_space<vmem>> -> memref<40xi32, #tpu.memory_space<vmem>>
      %dma_start3A_642 = arith.constant 0 : i32
      %dma_start3A_643 = arith.constant 0 : i32
      %dma_start3A_644 = tpu.memref_slice %arg17[%dma_start3A_642, %dma_start3A_643] : memref<10112x144xf32, #tpu.memory_space<vmem_shared>> -> memref<10112x144xf32, #tpu.memory_space<vmem_shared>>
      tpu.enqueue_indirect_dma source(%dma_start3A_638 : memref<40x144xf32, #tpu.memory_space<vmem>>) target(%dma_start3A_644 : memref<10112x144xf32, #tpu.memory_space<vmem_shared>>) offsets(%dma_start3A_641 : memref<40xi32, #tpu.memory_space<vmem>>) semaphore(%arg24 : memref<!tpu.dma_semaphore, #tpu.memory_space<semaphore_mem>>) {add = true}
      %parallel_loop3A_645 = arith.constant 40 : i32
      %parallel_loop3A_646 = arith.constant 80 : i32
      %parallel_loop3A_647 = arith.constant 1 : i32
      scf.for %parallel_loop3A_781 = %parallel_loop3A_645 to %parallel_loop3A_646 step %parallel_loop3A_647  : i32 {
        %parallel_loop3A_782 = arith.index_cast %parallel_loop3A_781 : i32 to index
        %parallel_loop3A_783 = arith.constant 128 : index
        %parallel_loop3A_784 = tpu.vector_load %arg15[%parallel_loop3A_782, %parallel_loop3A_783] {strides = array<i32>} : memref<80x144xf32, #tpu.memory_space<vmem>>, vector<1x16xf32>,
        %parallel_loop3A_785 = vector.shape_cast %parallel_loop3A_784 : vector<1x16xf32> to vector<16xf32>
        %parallel_loop3A_786 = arith.index_cast %parallel_loop3A_781 : i32 to index
        %parallel_loop3A_787 = arith.constant 0 : index
        %parallel_loop3A_788 = tpu.vector_load %arg13[%parallel_loop3A_786, %parallel_loop3A_787] {strides = array<i32>} : memref<80x16xf32, #tpu.memory_space<vmem>>, vector<1x16xf32>,
        %parallel_loop3A_789 = vector.shape_cast %parallel_loop3A_788 : vector<1x16xf32> to vector<16xf32>
        %parallel_loop3A_790 = arith.addf %parallel_loop3A_785, %parallel_loop3A_789 : vector<16xf32>
        %parallel_loop3A_791 = arith.constant 0.000000e+00 : f32
        %parallel_loop3A_792 = vector.broadcast %parallel_loop3A_791 : f32 to vector<16xf32>
        %parallel_loop3A_793 = arith.cmpf ogt, %parallel_loop3A_790, %parallel_loop3A_792 : vector<16xf32>
        %parallel_loop3A_794 = arith.constant 0.00999999977 : f32
        %parallel_loop3A_795 = vector.broadcast %parallel_loop3A_794 : f32 to vector<16xf32>
        %parallel_loop3A_796 = arith.mulf %parallel_loop3A_790, %parallel_loop3A_795 : vector<16xf32>
        %parallel_loop3A_797 = arith.select %parallel_loop3A_793, %parallel_loop3A_790, %parallel_loop3A_796 : vector<16xi1>, vector<16xf32>
        %parallel_loop3A_798 = math.exp %parallel_loop3A_797 : vector<16xf32>
        %parallel_loop3A_799 = arith.index_cast %parallel_loop3A_781 : i32 to index
        %parallel_loop3A_800 = arith.constant 128 : index
        %parallel_loop3A_801 = tpu.vector_load %arg15[%parallel_loop3A_799, %parallel_loop3A_800] {strides = array<i32>} : memref<80x144xf32, #tpu.memory_space<vmem>>, vector<1x16xf32>,
        %parallel_loop3A_802 = vector.shape_cast %parallel_loop3A_801 : vector<1x16xf32> to vector<16xf32>
        %parallel_loop3A_803 = vector.shape_cast %parallel_loop3A_798 : vector<16xf32> to vector<1x16xf32>
        tpu.vector_store %arg15[%parallel_loop3A_799, %parallel_loop3A_800], %parallel_loop3A_803 {strides = array<i32>} : memref<80x144xf32, #tpu.memory_space<vmem>>, vector<1x16xf32>,
        %parallel_loop3A_804 = arith.index_cast %parallel_loop3A_781 : i32 to index
        %parallel_loop3A_805 = arith.constant 0 : index
        %parallel_loop3A_806 = tpu.vector_load %arg15[%parallel_loop3A_804, %parallel_loop3A_805] {strides = array<i32>} : memref<80x144xf32, #tpu.memory_space<vmem>>, vector<1x16xf32>,
        %parallel_loop3A_807 = vector.shape_cast %parallel_loop3A_806 : vector<1x16xf32> to vector<16xf32>
        %parallel_loop3A_808 = vector.extract_strided_slice %parallel_loop3A_798 {offsets = [0], sizes = [1], strides = [1]} : vector<16xf32> to vector<1xf32>
        %parallel_loop3A_809 = vector.extract %parallel_loop3A_808[0] : f32 from vector<1xf32>
        %parallel_loop3A_810 = vector.broadcast %parallel_loop3A_809 : f32 to vector<16xf32>
        %parallel_loop3A_811 = arith.mulf %parallel_loop3A_807, %parallel_loop3A_810 : vector<16xf32>
        %parallel_loop3A_812 = arith.index_cast %parallel_loop3A_781 : i32 to index
        %parallel_loop3A_813 = arith.constant 0 : index
        %parallel_loop3A_814 = tpu.vector_load %arg15[%parallel_loop3A_812, %parallel_loop3A_813] {strides = array<i32>} : memref<80x144xf32, #tpu.memory_space<vmem>>, vector<1x16xf32>,
        %parallel_loop3A_815 = vector.shape_cast %parallel_loop3A_814 : vector<1x16xf32> to vector<16xf32>
        %parallel_loop3A_816 = vector.shape_cast %parallel_loop3A_811 : vector<16xf32> to vector<1x16xf32>
        tpu.vector_store %arg15[%parallel_loop3A_812, %parallel_loop3A_813], %parallel_loop3A_816 {strides = array<i32>} : memref<80x144xf32, #tpu.memory_space<vmem>>, vector<1x16xf32>,
        %parallel_loop3A_817 = arith.index_cast %parallel_loop3A_781 : i32 to index
        %parallel_loop3A_818 = arith.constant 16 : index
        %parallel_loop3A_819 = tpu.vector_load %arg15[%parallel_loop3A_817, %parallel_loop3A_818] {strides = array<i32>} : memref<80x144xf32, #tpu.memory_space<vmem>>, vector<1x16xf32>,
        %parallel_loop3A_820 = vector.shape_cast %parallel_loop3A_819 : vector<1x16xf32> to vector<16xf32>
        %parallel_loop3A_821 = vector.extract_strided_slice %parallel_loop3A_798 {offsets = [1], sizes = [1], strides = [1]} : vector<16xf32> to vector<1xf32>
        %parallel_loop3A_822 = vector.extract %parallel_loop3A_821[0] : f32 from vector<1xf32>
        %parallel_loop3A_823 = vector.broadcast %parallel_loop3A_822 : f32 to vector<16xf32>
        %parallel_loop3A_824 = arith.mulf %parallel_loop3A_820, %parallel_loop3A_823 : vector<16xf32>
        %parallel_loop3A_825 = arith.index_cast %parallel_loop3A_781 : i32 to index
        %parallel_loop3A_826 = arith.constant 16 : index
        %parallel_loop3A_827 = tpu.vector_load %arg15[%parallel_loop3A_825, %parallel_loop3A_826] {strides = array<i32>} : memref<80x144xf32, #tpu.memory_space<vmem>>, vector<1x16xf32>,
        %parallel_loop3A_828 = vector.shape_cast %parallel_loop3A_827 : vector<1x16xf32> to vector<16xf32>
        %parallel_loop3A_829 = vector.shape_cast %parallel_loop3A_824 : vector<16xf32> to vector<1x16xf32>
        tpu.vector_store %arg15[%parallel_loop3A_825, %parallel_loop3A_826], %parallel_loop3A_829 {strides = array<i32>} : memref<80x144xf32, #tpu.memory_space<vmem>>, vector<1x16xf32>,
        %parallel_loop3A_830 = arith.index_cast %parallel_loop3A_781 : i32 to index
        %parallel_loop3A_831 = arith.constant 32 : index
        %parallel_loop3A_832 = tpu.vector_load %arg15[%parallel_loop3A_830, %parallel_loop3A_831] {strides = array<i32>} : memref<80x144xf32, #tpu.memory_space<vmem>>, vector<1x16xf32>,
        %parallel_loop3A_833 = vector.shape_cast %parallel_loop3A_832 : vector<1x16xf32> to vector<16xf32>
        %parallel_loop3A_834 = vector.extract_strided_slice %parallel_loop3A_798 {offsets = [2], sizes = [1], strides = [1]} : vector<16xf32> to vector<1xf32>
        %parallel_loop3A_835 = vector.extract %parallel_loop3A_834[0] : f32 from vector<1xf32>
        %parallel_loop3A_836 = vector.broadcast %parallel_loop3A_835 : f32 to vector<16xf32>
        %parallel_loop3A_837 = arith.mulf %parallel_loop3A_833, %parallel_loop3A_836 : vector<16xf32>
        %parallel_loop3A_838 = arith.index_cast %parallel_loop3A_781 : i32 to index
        %parallel_loop3A_839 = arith.constant 32 : index
        %parallel_loop3A_840 = tpu.vector_load %arg15[%parallel_loop3A_838, %parallel_loop3A_839] {strides = array<i32>} : memref<80x144xf32, #tpu.memory_space<vmem>>, vector<1x16xf32>,
        %parallel_loop3A_841 = vector.shape_cast %parallel_loop3A_840 : vector<1x16xf32> to vector<16xf32>
        %parallel_loop3A_842 = vector.shape_cast %parallel_loop3A_837 : vector<16xf32> to vector<1x16xf32>
        tpu.vector_store %arg15[%parallel_loop3A_838, %parallel_loop3A_839], %parallel_loop3A_842 {strides = array<i32>} : memref<80x144xf32, #tpu.memory_space<vmem>>, vector<1x16xf32>,
        %parallel_loop3A_843 = arith.index_cast %parallel_loop3A_781 : i32 to index
        %parallel_loop3A_844 = arith.constant 48 : index
        %parallel_loop3A_845 = tpu.vector_load %arg15[%parallel_loop3A_843, %parallel_loop3A_844] {strides = array<i32>} : memref<80x144xf32, #tpu.memory_space<vmem>>, vector<1x16xf32>,
        %parallel_loop3A_846 = vector.shape_cast %parallel_loop3A_845 : vector<1x16xf32> to vector<16xf32>
        %parallel_loop3A_847 = vector.extract_strided_slice %parallel_loop3A_798 {offsets = [3], sizes = [1], strides = [1]} : vector<16xf32> to vector<1xf32>
        %parallel_loop3A_848 = vector.extract %parallel_loop3A_847[0] : f32 from vector<1xf32>
        %parallel_loop3A_849 = vector.broadcast %parallel_loop3A_848 : f32 to vector<16xf32>
        %parallel_loop3A_850 = arith.mulf %parallel_loop3A_846, %parallel_loop3A_849 : vector<16xf32>
        %parallel_loop3A_851 = arith.index_cast %parallel_loop3A_781 : i32 to index
        %parallel_loop3A_852 = arith.constant 48 : index
        %parallel_loop3A_853 = tpu.vector_load %arg15[%parallel_loop3A_851, %parallel_loop3A_852] {strides = array<i32>} : memref<80x144xf32, #tpu.memory_space<vmem>>, vector<1x16xf32>,
        %parallel_loop3A_854 = vector.shape_cast %parallel_loop3A_853 : vector<1x16xf32> to vector<16xf32>
        %parallel_loop3A_855 = vector.shape_cast %parallel_loop3A_850 : vector<16xf32> to vector<1x16xf32>
        tpu.vector_store %arg15[%parallel_loop3A_851, %parallel_loop3A_852], %parallel_loop3A_855 {strides = array<i32>} : memref<80x144xf32, #tpu.memory_space<vmem>>, vector<1x16xf32>,
        %parallel_loop3A_856 = arith.index_cast %parallel_loop3A_781 : i32 to index
        %parallel_loop3A_857 = arith.constant 64 : index
        %parallel_loop3A_858 = tpu.vector_load %arg15[%parallel_loop3A_856, %parallel_loop3A_857] {strides = array<i32>} : memref<80x144xf32, #tpu.memory_space<vmem>>, vector<1x16xf32>,
        %parallel_loop3A_859 = vector.shape_cast %parallel_loop3A_858 : vector<1x16xf32> to vector<16xf32>
        %parallel_loop3A_860 = vector.extract_strided_slice %parallel_loop3A_798 {offsets = [4], sizes = [1], strides = [1]} : vector<16xf32> to vector<1xf32>
        %parallel_loop3A_861 = vector.extract %parallel_loop3A_860[0] : f32 from vector<1xf32>
        %parallel_loop3A_862 = vector.broadcast %parallel_loop3A_861 : f32 to vector<16xf32>
        %parallel_loop3A_863 = arith.mulf %parallel_loop3A_859, %parallel_loop3A_862 : vector<16xf32>
        %parallel_loop3A_864 = arith.index_cast %parallel_loop3A_781 : i32 to index
        %parallel_loop3A_865 = arith.constant 64 : index
        %parallel_loop3A_866 = tpu.vector_load %arg15[%parallel_loop3A_864, %parallel_loop3A_865] {strides = array<i32>} : memref<80x144xf32, #tpu.memory_space<vmem>>, vector<1x16xf32>,
        %parallel_loop3A_867 = vector.shape_cast %parallel_loop3A_866 : vector<1x16xf32> to vector<16xf32>
        %parallel_loop3A_868 = vector.shape_cast %parallel_loop3A_863 : vector<16xf32> to vector<1x16xf32>
        tpu.vector_store %arg15[%parallel_loop3A_864, %parallel_loop3A_865], %parallel_loop3A_868 {strides = array<i32>} : memref<80x144xf32, #tpu.memory_space<vmem>>, vector<1x16xf32>,
        %parallel_loop3A_869 = arith.index_cast %parallel_loop3A_781 : i32 to index
        %parallel_loop3A_870 = arith.constant 80 : index
        %parallel_loop3A_871 = tpu.vector_load %arg15[%parallel_loop3A_869, %parallel_loop3A_870] {strides = array<i32>} : memref<80x144xf32, #tpu.memory_space<vmem>>, vector<1x16xf32>,
        %parallel_loop3A_872 = vector.shape_cast %parallel_loop3A_871 : vector<1x16xf32> to vector<16xf32>
        %parallel_loop3A_873 = vector.extract_strided_slice %parallel_loop3A_798 {offsets = [5], sizes = [1], strides = [1]} : vector<16xf32> to vector<1xf32>
        %parallel_loop3A_874 = vector.extract %parallel_loop3A_873[0] : f32 from vector<1xf32>
        %parallel_loop3A_875 = vector.broadcast %parallel_loop3A_874 : f32 to vector<16xf32>
        %parallel_loop3A_876 = arith.mulf %parallel_loop3A_872, %parallel_loop3A_875 : vector<16xf32>
        %parallel_loop3A_877 = arith.index_cast %parallel_loop3A_781 : i32 to index
        %parallel_loop3A_878 = arith.constant 80 : index
        %parallel_loop3A_879 = tpu.vector_load %arg15[%parallel_loop3A_877, %parallel_loop3A_878] {strides = array<i32>} : memref<80x144xf32, #tpu.memory_space<vmem>>, vector<1x16xf32>,
        %parallel_loop3A_880 = vector.shape_cast %parallel_loop3A_879 : vector<1x16xf32> to vector<16xf32>
        %parallel_loop3A_881 = vector.shape_cast %parallel_loop3A_876 : vector<16xf32> to vector<1x16xf32>
        tpu.vector_store %arg15[%parallel_loop3A_877, %parallel_loop3A_878], %parallel_loop3A_881 {strides = array<i32>} : memref<80x144xf32, #tpu.memory_space<vmem>>, vector<1x16xf32>,
        %parallel_loop3A_882 = arith.index_cast %parallel_loop3A_781 : i32 to index
        %parallel_loop3A_883 = arith.constant 96 : index
        %parallel_loop3A_884 = tpu.vector_load %arg15[%parallel_loop3A_882, %parallel_loop3A_883] {strides = array<i32>} : memref<80x144xf32, #tpu.memory_space<vmem>>, vector<1x16xf32>,
        %parallel_loop3A_885 = vector.shape_cast %parallel_loop3A_884 : vector<1x16xf32> to vector<16xf32>
        %parallel_loop3A_886 = vector.extract_strided_slice %parallel_loop3A_798 {offsets = [6], sizes = [1], strides = [1]} : vector<16xf32> to vector<1xf32>
        %parallel_loop3A_887 = vector.extract %parallel_loop3A_886[0] : f32 from vector<1xf32>
        %parallel_loop3A_888 = vector.broadcast %parallel_loop3A_887 : f32 to vector<16xf32>
        %parallel_loop3A_889 = arith.mulf %parallel_loop3A_885, %parallel_loop3A_888 : vector<16xf32>
        %parallel_loop3A_890 = arith.index_cast %parallel_loop3A_781 : i32 to index
        %parallel_loop3A_891 = arith.constant 96 : index
        %parallel_loop3A_892 = tpu.vector_load %arg15[%parallel_loop3A_890, %parallel_loop3A_891] {strides = array<i32>} : memref<80x144xf32, #tpu.memory_space<vmem>>, vector<1x16xf32>,
        %parallel_loop3A_893 = vector.shape_cast %parallel_loop3A_892 : vector<1x16xf32> to vector<16xf32>
        %parallel_loop3A_894 = vector.shape_cast %parallel_loop3A_889 : vector<16xf32> to vector<1x16xf32>
        tpu.vector_store %arg15[%parallel_loop3A_890, %parallel_loop3A_891], %parallel_loop3A_894 {strides = array<i32>} : memref<80x144xf32, #tpu.memory_space<vmem>>, vector<1x16xf32>,
        %parallel_loop3A_895 = arith.index_cast %parallel_loop3A_781 : i32 to index
        %parallel_loop3A_896 = arith.constant 112 : index
        %parallel_loop3A_897 = tpu.vector_load %arg15[%parallel_loop3A_895, %parallel_loop3A_896] {strides = array<i32>} : memref<80x144xf32, #tpu.memory_space<vmem>>, vector<1x16xf32>,
        %parallel_loop3A_898 = vector.shape_cast %parallel_loop3A_897 : vector<1x16xf32> to vector<16xf32>
        %parallel_loop3A_899 = vector.extract_strided_slice %parallel_loop3A_798 {offsets = [7], sizes = [1], strides = [1]} : vector<16xf32> to vector<1xf32>
        %parallel_loop3A_900 = vector.extract %parallel_loop3A_899[0] : f32 from vector<1xf32>
        %parallel_loop3A_901 = vector.broadcast %parallel_loop3A_900 : f32 to vector<16xf32>
        %parallel_loop3A_902 = arith.mulf %parallel_loop3A_898, %parallel_loop3A_901 : vector<16xf32>
        %parallel_loop3A_903 = arith.index_cast %parallel_loop3A_781 : i32 to index
        %parallel_loop3A_904 = arith.constant 112 : index
        %parallel_loop3A_905 = tpu.vector_load %arg15[%parallel_loop3A_903, %parallel_loop3A_904] {strides = array<i32>} : memref<80x144xf32, #tpu.memory_space<vmem>>, vector<1x16xf32>,
        %parallel_loop3A_906 = vector.shape_cast %parallel_loop3A_905 : vector<1x16xf32> to vector<16xf32>
        %parallel_loop3A_907 = vector.shape_cast %parallel_loop3A_902 : vector<16xf32> to vector<1x16xf32>
        tpu.vector_store %arg15[%parallel_loop3A_903, %parallel_loop3A_904], %parallel_loop3A_907 {strides = array<i32>} : memref<80x144xf32, #tpu.memory_space<vmem>>, vector<1x16xf32>,
      } {sc.loop_unroll_factor = 2 : i64, sc.parallel_access}
      %dma_start3A_648 = arith.constant 1 : i32
      %dma_start3A_649 = arith.constant 40 : i32
      %dma_start3A_650 = arith.constant 0 : i32
      %dma_start3A_651 = tpu.memref_slice %arg15[%dma_start3A_649, %dma_start3A_650] : memref<80x144xf32, #tpu.memory_space<vmem>> -> memref<40x144xf32, #tpu.memory_space<vmem>>
      %dma_start3A_652 = arith.constant 0 : i32
      %dma_start3A_653 = tpu.memref_slice %arg11[%dma_start3A_648, %dma_start3A_652] : memref<2x40xi32, #tpu.memory_space<vmem>> -> memref<1x40xi32, #tpu.memory_space<vmem>>
      %dma_start3A_654 = tpu.memref_squeeze %dma_start3A_653 : memref<1x40xi32, #tpu.memory_space<vmem>> -> memref<40xi32, #tpu.memory_space<vmem>>
      %dma_start3A_655 = arith.constant 0 : i32
      %dma_start3A_656 = arith.constant 0 : i32
      %dma_start3A_657 = tpu.memref_slice %arg17[%dma_start3A_655, %dma_start3A_656] : memref<10112x144xf32, #tpu.memory_space<vmem_shared>> -> memref<10112x144xf32, #tpu.memory_space<vmem_shared>>
      tpu.enqueue_indirect_dma source(%dma_start3A_651 : memref<40x144xf32, #tpu.memory_space<vmem>>) target(%dma_start3A_657 : memref<10112x144xf32, #tpu.memory_space<vmem_shared>>) offsets(%dma_start3A_654 : memref<40xi32, #tpu.memory_space<vmem>>) semaphore(%arg24 : memref<!tpu.dma_semaphore, #tpu.memory_space<semaphore_mem>>) {add = true}
      %mul3A_658 = arith.constant 4 : i32
      %mul3A_659 = arith.muli %mul3A_658, %scan3A_308 : i32
      %add3A_660 = arith.constant 3 : i32
      %add3A_661 = arith.addi %mul3A_659, %add3A_660 : i32
      %sub3A_662 = arith.constant 1 : i32
      %sub3A_663 = arith.subi %add3A_661, %sub3A_662 : i32
      %dma_wait3A_664 = arith.constant 0 : i32
      %dma_wait3A_665 = arith.constant 0 : i32
      %dma_wait3A_666 = arith.constant 0 : i32
      %dma_wait3A_667 = tpu.memref_slice %arg15[%dma_wait3A_665, %dma_wait3A_666] : memref<80x144xf32, #tpu.memory_space<vmem>> -> memref<40x144xf32, #tpu.memory_space<vmem>>
      %dma_wait3A_668 = arith.constant 0 : i32
      %dma_wait3A_669 = tpu.memref_slice %arg11[%dma_wait3A_664, %dma_wait3A_668] : memref<2x40xi32, #tpu.memory_space<vmem>> -> memref<1x40xi32, #tpu.memory_space<vmem>>
      %dma_wait3A_670 = tpu.memref_squeeze %dma_wait3A_669 : memref<1x40xi32, #tpu.memory_space<vmem>> -> memref<40xi32, #tpu.memory_space<vmem>>
      %dma_wait3A_671 = arith.constant 0 : i32
      %dma_wait3A_672 = arith.constant 0 : i32
      %dma_wait3A_673 = tpu.memref_slice %arg17[%dma_wait3A_671, %dma_wait3A_672] : memref<10112x144xf32, #tpu.memory_space<vmem_shared>> -> memref<10112x144xf32, #tpu.memory_space<vmem_shared>>
      tpu.wait_indirect_dma semaphore(%arg24 : memref<!tpu.dma_semaphore, #tpu.memory_space<semaphore_mem>>) src(%dma_wait3A_667 : memref<40x144xf32, #tpu.memory_space<vmem>>) dst(%dma_wait3A_673 : memref<10112x144xf32, #tpu.memory_space<vmem_shared>>)
      %dma_wait3A_674 = arith.constant 1 : i32
      %dma_wait3A_675 = arith.constant 40 : i32
      %dma_wait3A_676 = arith.constant 0 : i32
      %dma_wait3A_677 = tpu.memref_slice %arg15[%dma_wait3A_675, %dma_wait3A_676] : memref<80x144xf32, #tpu.memory_space<vmem>> -> memref<40x144xf32, #tpu.memory_space<vmem>>
      %dma_wait3A_678 = arith.constant 0 : i32
      %dma_wait3A_679 = tpu.memref_slice %arg11[%dma_wait3A_674, %dma_wait3A_678] : memref<2x40xi32, #tpu.memory_space<vmem>> -> memref<1x40xi32, #tpu.memory_space<vmem>>
      %dma_wait3A_680 = tpu.memref_squeeze %dma_wait3A_679 : memref<1x40xi32, #tpu.memory_space<vmem>> -> memref<40xi32, #tpu.memory_space<vmem>>
      %dma_wait3A_681 = arith.constant 0 : i32
      %dma_wait3A_682 = arith.constant 0 : i32
      %dma_wait3A_683 = tpu.memref_slice %arg17[%dma_wait3A_681, %dma_wait3A_682] : memref<10112x144xf32, #tpu.memory_space<vmem_shared>> -> memref<10112x144xf32, #tpu.memory_space<vmem_shared>>
      tpu.wait_indirect_dma semaphore(%arg24 : memref<!tpu.dma_semaphore, #tpu.memory_space<semaphore_mem>>) src(%dma_wait3A_677 : memref<40x144xf32, #tpu.memory_space<vmem>>) dst(%dma_wait3A_683 : memref<10112x144xf32, #tpu.memory_space<vmem_shared>>)
      %add3A_684 = arith.constant 3 : i32
      %add3A_685 = arith.addi %add3A_661, %add3A_684 : i32
      %lt3A_686 = arith.constant 125 : i32
      %lt3A_687 = arith.cmpi slt, %add3A_685, %lt3A_686 : i32
      %convert_element_type3A_688 = arith.extui %lt3A_687 : i1 to i32
      %cond3A_689 = arith.constant 0 : i32
      %cond3A_690 = arith.cmpi ne, %convert_element_type3A_688, %cond3A_689 : i32
      scf.if %cond3A_690 {
        %add3A_781 = arith.constant 3 : i32
        %add3A_782 = arith.addi %add3A_661, %add3A_781 : i32
        %dma_start3A_783 = arith.constant 0 : i32
        %dma_start3A_784 = arith.constant 0 : i32
        %dma_start3A_785 = tpu.memref_slice %arg5[%add3A, %add3A_782, %dma_start3A_783, %dma_start3A_784] : memref<32x125x2x40xi32, #tpu.memory_space<hbm>> -> memref<1x1x2x40xi32, #tpu.memory_space<hbm>>
        %dma_start3A_786 = tpu.memref_squeeze %dma_start3A_785 : memref<1x1x2x40xi32, #tpu.memory_space<hbm>> -> memref<2x40xi32, #tpu.memory_space<hbm>>
        %dma_start3A_787 = arith.constant 0 : i32
        %dma_start3A_788 = arith.constant 0 : i32
        %dma_start3A_789 = tpu.memref_slice %arg5[%add3A, %add3A_782, %dma_start3A_787, %dma_start3A_788] : memref<32x125x2x40xi32, #tpu.memory_space<hbm>> -> memref<1x1x2x40xi32, #tpu.memory_space<hbm>>
        %dma_start3A_790 = tpu.memref_squeeze %dma_start3A_789 : memref<1x1x2x40xi32, #tpu.memory_space<hbm>> -> memref<2x40xi32, #tpu.memory_space<hbm>>
        tpu.enqueue_dma source(%dma_start3A_790 : memref<2x40xi32, #tpu.memory_space<hbm>>) target(%arg11 : memref<2x40xi32, #tpu.memory_space<vmem>>) target_semaphore(%arg20 : memref<!tpu.dma_semaphore, #tpu.memory_space<semaphore_mem>>)
      } else {
      }
      %add3A_691 = arith.constant 1 : i32
      %add3A_692 = arith.addi %add3A_661, %add3A_691 : i32
      %dma_wait3A_693 = arith.constant 0 : i32
      %dma_wait3A_694 = arith.constant 0 : i32
      %dma_wait3A_695 = tpu.memref_slice %arg5[%add3A, %add3A_692, %dma_wait3A_693, %dma_wait3A_694] : memref<32x125x2x40xi32, #tpu.memory_space<hbm>> -> memref<1x1x2x40xi32, #tpu.memory_space<hbm>>
      %dma_wait3A_696 = tpu.memref_squeeze %dma_wait3A_695 : memref<1x1x2x40xi32, #tpu.memory_space<hbm>> -> memref<2x40xi32, #tpu.memory_space<hbm>>
      %dma_wait3A_697 = arith.constant 0 : i32
      %dma_wait3A_698 = arith.constant 0 : i32
      %dma_wait3A_699 = tpu.memref_slice %arg5[%add3A, %add3A_692, %dma_wait3A_697, %dma_wait3A_698] : memref<32x125x2x40xi32, #tpu.memory_space<hbm>> -> memref<1x1x2x40xi32, #tpu.memory_space<hbm>>
      %dma_wait3A_700 = tpu.memref_squeeze %dma_wait3A_699 : memref<1x1x2x40xi32, #tpu.memory_space<hbm>> -> memref<2x40xi32, #tpu.memory_space<hbm>>
      tpu.wait_dma2 semaphore(%arg18 : memref<!tpu.dma_semaphore, #tpu.memory_space<semaphore_mem>>) src(%dma_wait3A_700 : memref<2x40xi32, #tpu.memory_space<hbm>>) dst(%arg9 : memref<2x40xi32, #tpu.memory_space<vmem>>)
      %add3A_701 = arith.constant 1 : i32
      %add3A_702 = arith.addi %add3A_661, %add3A_701 : i32
      %dma_start3A_703 = arith.constant 0 : i32
      %dma_start3A_704 = tpu.memref_slice %arg8[%add3A_702, %dma_start3A_703] : memref<125x80xi32, #tpu.memory_space<vmem>> -> memref<1x80xi32, #tpu.memory_space<vmem>>
      %dma_start3A_705 = tpu.memref_squeeze %dma_start3A_704 : memref<1x80xi32, #tpu.memory_space<vmem>> -> memref<80xi32, #tpu.memory_space<vmem>>
      %dma_start3A_706 = arith.constant 0 : i32
      %dma_start3A_707 = arith.constant 0 : i32
      %dma_start3A_708 = tpu.memref_slice %arg2[%dma_start3A_706, %dma_start3A_707] : memref<10000x144xf32, #tpu.memory_space<hbm>> -> memref<10000x144xf32, #tpu.memory_space<hbm>>
      tpu.enqueue_indirect_dma source(%dma_start3A_708 : memref<10000x144xf32, #tpu.memory_space<hbm>>) target(%arg15 : memref<80x144xf32, #tpu.memory_space<vmem>>) offsets(%dma_start3A_705 : memref<80xi32, #tpu.memory_space<vmem>>) semaphore(%arg22 : memref<!tpu.dma_semaphore, #tpu.memory_space<semaphore_mem>>)
      %dma_start3A_709 = arith.constant 0 : i32
      %dma_start3A_710 = arith.constant 0 : i32
      %dma_start3A_711 = arith.constant 0 : i32
      %dma_start3A_712 = tpu.memref_slice %arg13[%dma_start3A_710, %dma_start3A_711] : memref<80x16xf32, #tpu.memory_space<vmem>> -> memref<40x16xf32, #tpu.memory_space<vmem>>
      %dma_start3A_713 = arith.constant 0 : i32
      %dma_start3A_714 = tpu.memref_slice %arg9[%dma_start3A_709, %dma_start3A_713] : memref<2x40xi32, #tpu.memory_space<vmem>> -> memref<1x40xi32, #tpu.memory_space<vmem>>
      %dma_start3A_715 = tpu.memref_squeeze %dma_start3A_714 : memref<1x40xi32, #tpu.memory_space<vmem>> -> memref<40xi32, #tpu.memory_space<vmem>>
      %dma_start3A_716 = arith.constant 0 : i32
      %dma_start3A_717 = arith.constant 0 : i32
      %dma_start3A_718 = tpu.memref_slice %arg3[%dma_start3A_716, %dma_start3A_717] : memref<10000x16xf32, #tpu.memory_space<hbm>> -> memref<10000x16xf32, #tpu.memory_space<hbm>>
      tpu.enqueue_indirect_dma source(%dma_start3A_718 : memref<10000x16xf32, #tpu.memory_space<hbm>>) target(%dma_start3A_712 : memref<40x16xf32, #tpu.memory_space<vmem>>) offsets(%dma_start3A_715 : memref<40xi32, #tpu.memory_space<vmem>>) semaphore(%arg22 : memref<!tpu.dma_semaphore, #tpu.memory_space<semaphore_mem>>)
      %dma_start3A_719 = arith.constant 1 : i32
      %dma_start3A_720 = arith.constant 40 : i32
      %dma_start3A_721 = arith.constant 0 : i32
      %dma_start3A_722 = tpu.memref_slice %arg13[%dma_start3A_720, %dma_start3A_721] : memref<80x16xf32, #tpu.memory_space<vmem>> -> memref<40x16xf32, #tpu.memory_space<vmem>>
      %dma_start3A_723 = arith.constant 0 : i32
      %dma_start3A_724 = tpu.memref_slice %arg9[%dma_start3A_719, %dma_start3A_723] : memref<2x40xi32, #tpu.memory_space<vmem>> -> memref<1x40xi32, #tpu.memory_space<vmem>>
      %dma_start3A_725 = tpu.memref_squeeze %dma_start3A_724 : memref<1x40xi32, #tpu.memory_space<vmem>> -> memref<40xi32, #tpu.memory_space<vmem>>
      %dma_start3A_726 = arith.constant 0 : i32
      %dma_start3A_727 = arith.constant 0 : i32
      %dma_start3A_728 = tpu.memref_slice %arg3[%dma_start3A_726, %dma_start3A_727] : memref<10000x16xf32, #tpu.memory_space<hbm>> -> memref<10000x16xf32, #tpu.memory_space<hbm>>
      tpu.enqueue_indirect_dma source(%dma_start3A_728 : memref<10000x16xf32, #tpu.memory_space<hbm>>) target(%dma_start3A_722 : memref<40x16xf32, #tpu.memory_space<vmem>>) offsets(%dma_start3A_725 : memref<40xi32, #tpu.memory_space<vmem>>) semaphore(%arg22 : memref<!tpu.dma_semaphore, #tpu.memory_space<semaphore_mem>>)
      %dma_wait3A_729 = arith.constant 0 : i32
      %dma_wait3A_730 = tpu.memref_slice %arg8[%add3A_661, %dma_wait3A_729] : memref<125x80xi32, #tpu.memory_space<vmem>> -> memref<1x80xi32, #tpu.memory_space<vmem>>
      %dma_wait3A_731 = tpu.memref_squeeze %dma_wait3A_730 : memref<1x80xi32, #tpu.memory_space<vmem>> -> memref<80xi32, #tpu.memory_space<vmem>>
      %dma_wait3A_732 = arith.constant 0 : i32
      %dma_wait3A_733 = arith.constant 0 : i32
      %dma_wait3A_734 = tpu.memref_slice %arg2[%dma_wait3A_732, %dma_wait3A_733] : memref<10000x144xf32, #tpu.memory_space<hbm>> -> memref<10000x144xf32, #tpu.memory_space<hbm>>
      tpu.wait_indirect_dma semaphore(%arg23 : memref<!tpu.dma_semaphore, #tpu.memory_space<semaphore_mem>>) src(%dma_wait3A_734 : memref<10000x144xf32, #tpu.memory_space<hbm>>) dst(%arg16 : memref<80x144xf32, #tpu.memory_space<vmem>>)
      %dma_wait3A_735 = arith.constant 0 : i32
      %dma_wait3A_736 = arith.constant 0 : i32
      %dma_wait3A_737 = arith.constant 0 : i32
      %dma_wait3A_738 = tpu.memref_slice %arg14[%dma_wait3A_736, %dma_wait3A_737] : memref<80x16xf32, #tpu.memory_space<vmem>> -> memref<40x16xf32, #tpu.memory_space<vmem>>
      %dma_wait3A_739 = arith.constant 0 : i32
      %dma_wait3A_740 = tpu.memref_slice %arg12[%dma_wait3A_735, %dma_wait3A_739] : memref<2x40xi32, #tpu.memory_space<vmem>> -> memref<1x40xi32, #tpu.memory_space<vmem>>
      %dma_wait3A_741 = tpu.memref_squeeze %dma_wait3A_740 : memref<1x40xi32, #tpu.memory_space<vmem>> -> memref<40xi32, #tpu.memory_space<vmem>>
      %dma_wait3A_742 = arith.constant 0 : i32
      %dma_wait3A_743 = arith.constant 0 : i32
      %dma_wait3A_744 = tpu.memref_slice %arg3[%dma_wait3A_742, %dma_wait3A_743] : memref<10000x16xf32, #tpu.memory_space<hbm>> -> memref<10000x16xf32, #tpu.memory_space<hbm>>
      tpu.wait_indirect_dma semaphore(%arg23 : memref<!tpu.dma_semaphore, #tpu.memory_space<semaphore_mem>>) src(%dma_wait3A_744 : memref<10000x16xf32, #tpu.memory_space<hbm>>) dst(%dma_wait3A_738 : memref<40x16xf32, #tpu.memory_space<vmem>>)
      %dma_wait3A_745 = arith.constant 1 : i32
      %dma_wait3A_746 = arith.constant 40 : i32
      %dma_wait3A_747 = arith.constant 0 : i32
      %dma_wait3A_748 = tpu.memref_slice %arg14[%dma_wait3A_746, %dma_wait3A_747] : memref<80x16xf32, #tpu.memory_space<vmem>> -> memref<40x16xf32, #tpu.memory_space<vmem>>
      %dma_wait3A_749 = arith.constant 0 : i32
      %dma_wait3A_750 = tpu.memref_slice %arg12[%dma_wait3A_745, %dma_wait3A_749] : memref<2x40xi32, #tpu.memory_space<vmem>> -> memref<1x40xi32, #tpu.memory_space<vmem>>
      %dma_wait3A_751 = tpu.memref_squeeze %dma_wait3A_750 : memref<1x40xi32, #tpu.memory_space<vmem>> -> memref<40xi32, #tpu.memory_space<vmem>>
      %dma_wait3A_752 = arith.constant 0 : i32
      %dma_wait3A_753 = arith.constant 0 : i32
      %dma_wait3A_754 = tpu.memref_slice %arg3[%dma_wait3A_752, %dma_wait3A_753] : memref<10000x16xf32, #tpu.memory_space<hbm>> -> memref<10000x16xf32, #tpu.memory_space<hbm>>
      tpu.wait_indirect_dma semaphore(%arg23 : memref<!tpu.dma_semaphore, #tpu.memory_space<semaphore_mem>>) src(%dma_wait3A_754 : memref<10000x16xf32, #tpu.memory_space<hbm>>) dst(%dma_wait3A_748 : memref<40x16xf32, #tpu.memory_space<vmem>>)
      %parallel_loop3A_755 = arith.constant 0 : i32
      %parallel_loop3A_756 = arith.constant 40 : i32
      %parallel_loop3A_757 = arith.constant 1 : i32
      scf.for %parallel_loop3A_781 = %parallel_loop3A_755 to %parallel_loop3A_756 step %parallel_loop3A_757  : i32 {
        %parallel_loop3A_782 = arith.index_cast %parallel_loop3A_781 : i32 to index
        %parallel_loop3A_783 = arith.constant 128 : index
        %parallel_loop3A_784 = tpu.vector_load %arg16[%parallel_loop3A_782, %parallel_loop3A_783] {strides = array<i32>} : memref<80x144xf32, #tpu.memory_space<vmem>>, vector<1x16xf32>,
        %parallel_loop3A_785 = vector.shape_cast %parallel_loop3A_784 : vector<1x16xf32> to vector<16xf32>
        %parallel_loop3A_786 = arith.index_cast %parallel_loop3A_781 : i32 to index
        %parallel_loop3A_787 = arith.constant 0 : index
        %parallel_loop3A_788 = tpu.vector_load %arg14[%parallel_loop3A_786, %parallel_loop3A_787] {strides = array<i32>} : memref<80x16xf32, #tpu.memory_space<vmem>>, vector<1x16xf32>,
        %parallel_loop3A_789 = vector.shape_cast %parallel_loop3A_788 : vector<1x16xf32> to vector<16xf32>
        %parallel_loop3A_790 = arith.addf %parallel_loop3A_785, %parallel_loop3A_789 : vector<16xf32>
        %parallel_loop3A_791 = arith.constant 0.000000e+00 : f32
        %parallel_loop3A_792 = vector.broadcast %parallel_loop3A_791 : f32 to vector<16xf32>
        %parallel_loop3A_793 = arith.cmpf ogt, %parallel_loop3A_790, %parallel_loop3A_792 : vector<16xf32>
        %parallel_loop3A_794 = arith.constant 0.00999999977 : f32
        %parallel_loop3A_795 = vector.broadcast %parallel_loop3A_794 : f32 to vector<16xf32>
        %parallel_loop3A_796 = arith.mulf %parallel_loop3A_790, %parallel_loop3A_795 : vector<16xf32>
        %parallel_loop3A_797 = arith.select %parallel_loop3A_793, %parallel_loop3A_790, %parallel_loop3A_796 : vector<16xi1>, vector<16xf32>
        %parallel_loop3A_798 = math.exp %parallel_loop3A_797 : vector<16xf32>
        %parallel_loop3A_799 = arith.index_cast %parallel_loop3A_781 : i32 to index
        %parallel_loop3A_800 = arith.constant 128 : index
        %parallel_loop3A_801 = tpu.vector_load %arg16[%parallel_loop3A_799, %parallel_loop3A_800] {strides = array<i32>} : memref<80x144xf32, #tpu.memory_space<vmem>>, vector<1x16xf32>,
        %parallel_loop3A_802 = vector.shape_cast %parallel_loop3A_801 : vector<1x16xf32> to vector<16xf32>
        %parallel_loop3A_803 = vector.shape_cast %parallel_loop3A_798 : vector<16xf32> to vector<1x16xf32>
        tpu.vector_store %arg16[%parallel_loop3A_799, %parallel_loop3A_800], %parallel_loop3A_803 {strides = array<i32>} : memref<80x144xf32, #tpu.memory_space<vmem>>, vector<1x16xf32>,
        %parallel_loop3A_804 = arith.index_cast %parallel_loop3A_781 : i32 to index
        %parallel_loop3A_805 = arith.constant 0 : index
        %parallel_loop3A_806 = tpu.vector_load %arg16[%parallel_loop3A_804, %parallel_loop3A_805] {strides = array<i32>} : memref<80x144xf32, #tpu.memory_space<vmem>>, vector<1x16xf32>,
        %parallel_loop3A_807 = vector.shape_cast %parallel_loop3A_806 : vector<1x16xf32> to vector<16xf32>
        %parallel_loop3A_808 = vector.extract_strided_slice %parallel_loop3A_798 {offsets = [0], sizes = [1], strides = [1]} : vector<16xf32> to vector<1xf32>
        %parallel_loop3A_809 = vector.extract %parallel_loop3A_808[0] : f32 from vector<1xf32>
        %parallel_loop3A_810 = vector.broadcast %parallel_loop3A_809 : f32 to vector<16xf32>
        %parallel_loop3A_811 = arith.mulf %parallel_loop3A_807, %parallel_loop3A_810 : vector<16xf32>
        %parallel_loop3A_812 = arith.index_cast %parallel_loop3A_781 : i32 to index
        %parallel_loop3A_813 = arith.constant 0 : index
        %parallel_loop3A_814 = tpu.vector_load %arg16[%parallel_loop3A_812, %parallel_loop3A_813] {strides = array<i32>} : memref<80x144xf32, #tpu.memory_space<vmem>>, vector<1x16xf32>,
        %parallel_loop3A_815 = vector.shape_cast %parallel_loop3A_814 : vector<1x16xf32> to vector<16xf32>
        %parallel_loop3A_816 = vector.shape_cast %parallel_loop3A_811 : vector<16xf32> to vector<1x16xf32>
        tpu.vector_store %arg16[%parallel_loop3A_812, %parallel_loop3A_813], %parallel_loop3A_816 {strides = array<i32>} : memref<80x144xf32, #tpu.memory_space<vmem>>, vector<1x16xf32>,
        %parallel_loop3A_817 = arith.index_cast %parallel_loop3A_781 : i32 to index
        %parallel_loop3A_818 = arith.constant 16 : index
        %parallel_loop3A_819 = tpu.vector_load %arg16[%parallel_loop3A_817, %parallel_loop3A_818] {strides = array<i32>} : memref<80x144xf32, #tpu.memory_space<vmem>>, vector<1x16xf32>,
        %parallel_loop3A_820 = vector.shape_cast %parallel_loop3A_819 : vector<1x16xf32> to vector<16xf32>
        %parallel_loop3A_821 = vector.extract_strided_slice %parallel_loop3A_798 {offsets = [1], sizes = [1], strides = [1]} : vector<16xf32> to vector<1xf32>
        %parallel_loop3A_822 = vector.extract %parallel_loop3A_821[0] : f32 from vector<1xf32>
        %parallel_loop3A_823 = vector.broadcast %parallel_loop3A_822 : f32 to vector<16xf32>
        %parallel_loop3A_824 = arith.mulf %parallel_loop3A_820, %parallel_loop3A_823 : vector<16xf32>
        %parallel_loop3A_825 = arith.index_cast %parallel_loop3A_781 : i32 to index
        %parallel_loop3A_826 = arith.constant 16 : index
        %parallel_loop3A_827 = tpu.vector_load %arg16[%parallel_loop3A_825, %parallel_loop3A_826] {strides = array<i32>} : memref<80x144xf32, #tpu.memory_space<vmem>>, vector<1x16xf32>,
        %parallel_loop3A_828 = vector.shape_cast %parallel_loop3A_827 : vector<1x16xf32> to vector<16xf32>
        %parallel_loop3A_829 = vector.shape_cast %parallel_loop3A_824 : vector<16xf32> to vector<1x16xf32>
        tpu.vector_store %arg16[%parallel_loop3A_825, %parallel_loop3A_826], %parallel_loop3A_829 {strides = array<i32>} : memref<80x144xf32, #tpu.memory_space<vmem>>, vector<1x16xf32>,
        %parallel_loop3A_830 = arith.index_cast %parallel_loop3A_781 : i32 to index
        %parallel_loop3A_831 = arith.constant 32 : index
        %parallel_loop3A_832 = tpu.vector_load %arg16[%parallel_loop3A_830, %parallel_loop3A_831] {strides = array<i32>} : memref<80x144xf32, #tpu.memory_space<vmem>>, vector<1x16xf32>,
        %parallel_loop3A_833 = vector.shape_cast %parallel_loop3A_832 : vector<1x16xf32> to vector<16xf32>
        %parallel_loop3A_834 = vector.extract_strided_slice %parallel_loop3A_798 {offsets = [2], sizes = [1], strides = [1]} : vector<16xf32> to vector<1xf32>
        %parallel_loop3A_835 = vector.extract %parallel_loop3A_834[0] : f32 from vector<1xf32>
        %parallel_loop3A_836 = vector.broadcast %parallel_loop3A_835 : f32 to vector<16xf32>
        %parallel_loop3A_837 = arith.mulf %parallel_loop3A_833, %parallel_loop3A_836 : vector<16xf32>
        %parallel_loop3A_838 = arith.index_cast %parallel_loop3A_781 : i32 to index
        %parallel_loop3A_839 = arith.constant 32 : index
        %parallel_loop3A_840 = tpu.vector_load %arg16[%parallel_loop3A_838, %parallel_loop3A_839] {strides = array<i32>} : memref<80x144xf32, #tpu.memory_space<vmem>>, vector<1x16xf32>,
        %parallel_loop3A_841 = vector.shape_cast %parallel_loop3A_840 : vector<1x16xf32> to vector<16xf32>
        %parallel_loop3A_842 = vector.shape_cast %parallel_loop3A_837 : vector<16xf32> to vector<1x16xf32>
        tpu.vector_store %arg16[%parallel_loop3A_838, %parallel_loop3A_839], %parallel_loop3A_842 {strides = array<i32>} : memref<80x144xf32, #tpu.memory_space<vmem>>, vector<1x16xf32>,
        %parallel_loop3A_843 = arith.index_cast %parallel_loop3A_781 : i32 to index
        %parallel_loop3A_844 = arith.constant 48 : index
        %parallel_loop3A_845 = tpu.vector_load %arg16[%parallel_loop3A_843, %parallel_loop3A_844] {strides = array<i32>} : memref<80x144xf32, #tpu.memory_space<vmem>>, vector<1x16xf32>,
        %parallel_loop3A_846 = vector.shape_cast %parallel_loop3A_845 : vector<1x16xf32> to vector<16xf32>
        %parallel_loop3A_847 = vector.extract_strided_slice %parallel_loop3A_798 {offsets = [3], sizes = [1], strides = [1]} : vector<16xf32> to vector<1xf32>
        %parallel_loop3A_848 = vector.extract %parallel_loop3A_847[0] : f32 from vector<1xf32>
        %parallel_loop3A_849 = vector.broadcast %parallel_loop3A_848 : f32 to vector<16xf32>
        %parallel_loop3A_850 = arith.mulf %parallel_loop3A_846, %parallel_loop3A_849 : vector<16xf32>
        %parallel_loop3A_851 = arith.index_cast %parallel_loop3A_781 : i32 to index
        %parallel_loop3A_852 = arith.constant 48 : index
        %parallel_loop3A_853 = tpu.vector_load %arg16[%parallel_loop3A_851, %parallel_loop3A_852] {strides = array<i32>} : memref<80x144xf32, #tpu.memory_space<vmem>>, vector<1x16xf32>,
        %parallel_loop3A_854 = vector.shape_cast %parallel_loop3A_853 : vector<1x16xf32> to vector<16xf32>
        %parallel_loop3A_855 = vector.shape_cast %parallel_loop3A_850 : vector<16xf32> to vector<1x16xf32>
        tpu.vector_store %arg16[%parallel_loop3A_851, %parallel_loop3A_852], %parallel_loop3A_855 {strides = array<i32>} : memref<80x144xf32, #tpu.memory_space<vmem>>, vector<1x16xf32>,
        %parallel_loop3A_856 = arith.index_cast %parallel_loop3A_781 : i32 to index
        %parallel_loop3A_857 = arith.constant 64 : index
        %parallel_loop3A_858 = tpu.vector_load %arg16[%parallel_loop3A_856, %parallel_loop3A_857] {strides = array<i32>} : memref<80x144xf32, #tpu.memory_space<vmem>>, vector<1x16xf32>,
        %parallel_loop3A_859 = vector.shape_cast %parallel_loop3A_858 : vector<1x16xf32> to vector<16xf32>
        %parallel_loop3A_860 = vector.extract_strided_slice %parallel_loop3A_798 {offsets = [4], sizes = [1], strides = [1]} : vector<16xf32> to vector<1xf32>
        %parallel_loop3A_861 = vector.extract %parallel_loop3A_860[0] : f32 from vector<1xf32>
        %parallel_loop3A_862 = vector.broadcast %parallel_loop3A_861 : f32 to vector<16xf32>
        %parallel_loop3A_863 = arith.mulf %parallel_loop3A_859, %parallel_loop3A_862 : vector<16xf32>
        %parallel_loop3A_864 = arith.index_cast %parallel_loop3A_781 : i32 to index
        %parallel_loop3A_865 = arith.constant 64 : index
        %parallel_loop3A_866 = tpu.vector_load %arg16[%parallel_loop3A_864, %parallel_loop3A_865] {strides = array<i32>} : memref<80x144xf32, #tpu.memory_space<vmem>>, vector<1x16xf32>,
        %parallel_loop3A_867 = vector.shape_cast %parallel_loop3A_866 : vector<1x16xf32> to vector<16xf32>
        %parallel_loop3A_868 = vector.shape_cast %parallel_loop3A_863 : vector<16xf32> to vector<1x16xf32>
        tpu.vector_store %arg16[%parallel_loop3A_864, %parallel_loop3A_865], %parallel_loop3A_868 {strides = array<i32>} : memref<80x144xf32, #tpu.memory_space<vmem>>, vector<1x16xf32>,
        %parallel_loop3A_869 = arith.index_cast %parallel_loop3A_781 : i32 to index
        %parallel_loop3A_870 = arith.constant 80 : index
        %parallel_loop3A_871 = tpu.vector_load %arg16[%parallel_loop3A_869, %parallel_loop3A_870] {strides = array<i32>} : memref<80x144xf32, #tpu.memory_space<vmem>>, vector<1x16xf32>,
        %parallel_loop3A_872 = vector.shape_cast %parallel_loop3A_871 : vector<1x16xf32> to vector<16xf32>
        %parallel_loop3A_873 = vector.extract_strided_slice %parallel_loop3A_798 {offsets = [5], sizes = [1], strides = [1]} : vector<16xf32> to vector<1xf32>
        %parallel_loop3A_874 = vector.extract %parallel_loop3A_873[0] : f32 from vector<1xf32>
        %parallel_loop3A_875 = vector.broadcast %parallel_loop3A_874 : f32 to vector<16xf32>
        %parallel_loop3A_876 = arith.mulf %parallel_loop3A_872, %parallel_loop3A_875 : vector<16xf32>
        %parallel_loop3A_877 = arith.index_cast %parallel_loop3A_781 : i32 to index
        %parallel_loop3A_878 = arith.constant 80 : index
        %parallel_loop3A_879 = tpu.vector_load %arg16[%parallel_loop3A_877, %parallel_loop3A_878] {strides = array<i32>} : memref<80x144xf32, #tpu.memory_space<vmem>>, vector<1x16xf32>,
        %parallel_loop3A_880 = vector.shape_cast %parallel_loop3A_879 : vector<1x16xf32> to vector<16xf32>
        %parallel_loop3A_881 = vector.shape_cast %parallel_loop3A_876 : vector<16xf32> to vector<1x16xf32>
        tpu.vector_store %arg16[%parallel_loop3A_877, %parallel_loop3A_878], %parallel_loop3A_881 {strides = array<i32>} : memref<80x144xf32, #tpu.memory_space<vmem>>, vector<1x16xf32>,
        %parallel_loop3A_882 = arith.index_cast %parallel_loop3A_781 : i32 to index
        %parallel_loop3A_883 = arith.constant 96 : index
        %parallel_loop3A_884 = tpu.vector_load %arg16[%parallel_loop3A_882, %parallel_loop3A_883] {strides = array<i32>} : memref<80x144xf32, #tpu.memory_space<vmem>>, vector<1x16xf32>,
        %parallel_loop3A_885 = vector.shape_cast %parallel_loop3A_884 : vector<1x16xf32> to vector<16xf32>
        %parallel_loop3A_886 = vector.extract_strided_slice %parallel_loop3A_798 {offsets = [6], sizes = [1], strides = [1]} : vector<16xf32> to vector<1xf32>
        %parallel_loop3A_887 = vector.extract %parallel_loop3A_886[0] : f32 from vector<1xf32>
        %parallel_loop3A_888 = vector.broadcast %parallel_loop3A_887 : f32 to vector<16xf32>
        %parallel_loop3A_889 = arith.mulf %parallel_loop3A_885, %parallel_loop3A_888 : vector<16xf32>
        %parallel_loop3A_890 = arith.index_cast %parallel_loop3A_781 : i32 to index
        %parallel_loop3A_891 = arith.constant 96 : index
        %parallel_loop3A_892 = tpu.vector_load %arg16[%parallel_loop3A_890, %parallel_loop3A_891] {strides = array<i32>} : memref<80x144xf32, #tpu.memory_space<vmem>>, vector<1x16xf32>,
        %parallel_loop3A_893 = vector.shape_cast %parallel_loop3A_892 : vector<1x16xf32> to vector<16xf32>
        %parallel_loop3A_894 = vector.shape_cast %parallel_loop3A_889 : vector<16xf32> to vector<1x16xf32>
        tpu.vector_store %arg16[%parallel_loop3A_890, %parallel_loop3A_891], %parallel_loop3A_894 {strides = array<i32>} : memref<80x144xf32, #tpu.memory_space<vmem>>, vector<1x16xf32>,
        %parallel_loop3A_895 = arith.index_cast %parallel_loop3A_781 : i32 to index
        %parallel_loop3A_896 = arith.constant 112 : index
        %parallel_loop3A_897 = tpu.vector_load %arg16[%parallel_loop3A_895, %parallel_loop3A_896] {strides = array<i32>} : memref<80x144xf32, #tpu.memory_space<vmem>>, vector<1x16xf32>,
        %parallel_loop3A_898 = vector.shape_cast %parallel_loop3A_897 : vector<1x16xf32> to vector<16xf32>
        %parallel_loop3A_899 = vector.extract_strided_slice %parallel_loop3A_798 {offsets = [7], sizes = [1], strides = [1]} : vector<16xf32> to vector<1xf32>
        %parallel_loop3A_900 = vector.extract %parallel_loop3A_899[0] : f32 from vector<1xf32>
        %parallel_loop3A_901 = vector.broadcast %parallel_loop3A_900 : f32 to vector<16xf32>
        %parallel_loop3A_902 = arith.mulf %parallel_loop3A_898, %parallel_loop3A_901 : vector<16xf32>
        %parallel_loop3A_903 = arith.index_cast %parallel_loop3A_781 : i32 to index
        %parallel_loop3A_904 = arith.constant 112 : index
        %parallel_loop3A_905 = tpu.vector_load %arg16[%parallel_loop3A_903, %parallel_loop3A_904] {strides = array<i32>} : memref<80x144xf32, #tpu.memory_space<vmem>>, vector<1x16xf32>,
        %parallel_loop3A_906 = vector.shape_cast %parallel_loop3A_905 : vector<1x16xf32> to vector<16xf32>
        %parallel_loop3A_907 = vector.shape_cast %parallel_loop3A_902 : vector<16xf32> to vector<1x16xf32>
        tpu.vector_store %arg16[%parallel_loop3A_903, %parallel_loop3A_904], %parallel_loop3A_907 {strides = array<i32>} : memref<80x144xf32, #tpu.memory_space<vmem>>, vector<1x16xf32>,
      } {sc.loop_unroll_factor = 2 : i64, sc.parallel_access}
      %dma_start3A_758 = arith.constant 0 : i32
      %dma_start3A_759 = arith.constant 0 : i32
      %dma_start3A_760 = arith.constant 0 : i32
      %dma_start3A_761 = tpu.memref_slice %arg16[%dma_start3A_759, %dma_start3A_760] : memref<80x144xf32, #tpu.memory_space<vmem>> -> memref<40x144xf32, #tpu.memory_space<vmem>>
      %dma_start3A_762 = arith.constant 0 : i32
      %dma_start3A_763 = tpu.memref_slice %arg12[%dma_start3A_758, %dma_start3A_762] : memref<2x40xi32, #tpu.memory_space<vmem>> -> memref<1x40xi32, #tpu.memory_space<vmem>>
      %dma_start3A_764 = tpu.memref_squeeze %dma_start3A_763 : memref<1x40xi32, #tpu.memory_space<vmem>> -> memref<40xi32, #tpu.memory_space<vmem>>
      %dma_start3A_765 = arith.constant 0 : i32
      %dma_start3A_766 = arith.constant 0 : i32
      %dma_start3A_767 = tpu.memref_slice %arg17[%dma_start3A_765, %dma_start3A_766] : memref<10112x144xf32, #tpu.memory_space<vmem_shared>> -> memref<10112x144xf32, #tpu.memory_space<vmem_shared>>
      tpu.enqueue_indirect_dma source(%dma_start3A_761 : memref<40x144xf32, #tpu.memory_space<vmem>>) target(%dma_start3A_767 : memref<10112x144xf32, #tpu.memory_space<vmem_shared>>) offsets(%dma_start3A_764 : memref<40xi32, #tpu.memory_space<vmem>>) semaphore(%arg25 : memref<!tpu.dma_semaphore, #tpu.memory_space<semaphore_mem>>) {add = true}
      %parallel_loop3A_768 = arith.constant 40 : i32
      %parallel_loop3A_769 = arith.constant 80 : i32
      %parallel_loop3A_770 = arith.constant 1 : i32
      scf.for %parallel_loop3A_781 = %parallel_loop3A_768 to %parallel_loop3A_769 step %parallel_loop3A_770  : i32 {
        %parallel_loop3A_782 = arith.index_cast %parallel_loop3A_781 : i32 to index
        %parallel_loop3A_783 = arith.constant 128 : index
        %parallel_loop3A_784 = tpu.vector_load %arg16[%parallel_loop3A_782, %parallel_loop3A_783] {strides = array<i32>} : memref<80x144xf32, #tpu.memory_space<vmem>>, vector<1x16xf32>,
        %parallel_loop3A_785 = vector.shape_cast %parallel_loop3A_784 : vector<1x16xf32> to vector<16xf32>
        %parallel_loop3A_786 = arith.index_cast %parallel_loop3A_781 : i32 to index
        %parallel_loop3A_787 = arith.constant 0 : index
        %parallel_loop3A_788 = tpu.vector_load %arg14[%parallel_loop3A_786, %parallel_loop3A_787] {strides = array<i32>} : memref<80x16xf32, #tpu.memory_space<vmem>>, vector<1x16xf32>,
        %parallel_loop3A_789 = vector.shape_cast %parallel_loop3A_788 : vector<1x16xf32> to vector<16xf32>
        %parallel_loop3A_790 = arith.addf %parallel_loop3A_785, %parallel_loop3A_789 : vector<16xf32>
        %parallel_loop3A_791 = arith.constant 0.000000e+00 : f32
        %parallel_loop3A_792 = vector.broadcast %parallel_loop3A_791 : f32 to vector<16xf32>
        %parallel_loop3A_793 = arith.cmpf ogt, %parallel_loop3A_790, %parallel_loop3A_792 : vector<16xf32>
        %parallel_loop3A_794 = arith.constant 0.00999999977 : f32
        %parallel_loop3A_795 = vector.broadcast %parallel_loop3A_794 : f32 to vector<16xf32>
        %parallel_loop3A_796 = arith.mulf %parallel_loop3A_790, %parallel_loop3A_795 : vector<16xf32>
        %parallel_loop3A_797 = arith.select %parallel_loop3A_793, %parallel_loop3A_790, %parallel_loop3A_796 : vector<16xi1>, vector<16xf32>
        %parallel_loop3A_798 = math.exp %parallel_loop3A_797 : vector<16xf32>
        %parallel_loop3A_799 = arith.index_cast %parallel_loop3A_781 : i32 to index
        %parallel_loop3A_800 = arith.constant 128 : index
        %parallel_loop3A_801 = tpu.vector_load %arg16[%parallel_loop3A_799, %parallel_loop3A_800] {strides = array<i32>} : memref<80x144xf32, #tpu.memory_space<vmem>>, vector<1x16xf32>,
        %parallel_loop3A_802 = vector.shape_cast %parallel_loop3A_801 : vector<1x16xf32> to vector<16xf32>
        %parallel_loop3A_803 = vector.shape_cast %parallel_loop3A_798 : vector<16xf32> to vector<1x16xf32>
        tpu.vector_store %arg16[%parallel_loop3A_799, %parallel_loop3A_800], %parallel_loop3A_803 {strides = array<i32>} : memref<80x144xf32, #tpu.memory_space<vmem>>, vector<1x16xf32>,
        %parallel_loop3A_804 = arith.index_cast %parallel_loop3A_781 : i32 to index
        %parallel_loop3A_805 = arith.constant 0 : index
        %parallel_loop3A_806 = tpu.vector_load %arg16[%parallel_loop3A_804, %parallel_loop3A_805] {strides = array<i32>} : memref<80x144xf32, #tpu.memory_space<vmem>>, vector<1x16xf32>,
        %parallel_loop3A_807 = vector.shape_cast %parallel_loop3A_806 : vector<1x16xf32> to vector<16xf32>
        %parallel_loop3A_808 = vector.extract_strided_slice %parallel_loop3A_798 {offsets = [0], sizes = [1], strides = [1]} : vector<16xf32> to vector<1xf32>
        %parallel_loop3A_809 = vector.extract %parallel_loop3A_808[0] : f32 from vector<1xf32>
        %parallel_loop3A_810 = vector.broadcast %parallel_loop3A_809 : f32 to vector<16xf32>
        %parallel_loop3A_811 = arith.mulf %parallel_loop3A_807, %parallel_loop3A_810 : vector<16xf32>
        %parallel_loop3A_812 = arith.index_cast %parallel_loop3A_781 : i32 to index
        %parallel_loop3A_813 = arith.constant 0 : index
        %parallel_loop3A_814 = tpu.vector_load %arg16[%parallel_loop3A_812, %parallel_loop3A_813] {strides = array<i32>} : memref<80x144xf32, #tpu.memory_space<vmem>>, vector<1x16xf32>,
        %parallel_loop3A_815 = vector.shape_cast %parallel_loop3A_814 : vector<1x16xf32> to vector<16xf32>
        %parallel_loop3A_816 = vector.shape_cast %parallel_loop3A_811 : vector<16xf32> to vector<1x16xf32>
        tpu.vector_store %arg16[%parallel_loop3A_812, %parallel_loop3A_813], %parallel_loop3A_816 {strides = array<i32>} : memref<80x144xf32, #tpu.memory_space<vmem>>, vector<1x16xf32>,
        %parallel_loop3A_817 = arith.index_cast %parallel_loop3A_781 : i32 to index
        %parallel_loop3A_818 = arith.constant 16 : index
        %parallel_loop3A_819 = tpu.vector_load %arg16[%parallel_loop3A_817, %parallel_loop3A_818] {strides = array<i32>} : memref<80x144xf32, #tpu.memory_space<vmem>>, vector<1x16xf32>,
        %parallel_loop3A_820 = vector.shape_cast %parallel_loop3A_819 : vector<1x16xf32> to vector<16xf32>
        %parallel_loop3A_821 = vector.extract_strided_slice %parallel_loop3A_798 {offsets = [1], sizes = [1], strides = [1]} : vector<16xf32> to vector<1xf32>
        %parallel_loop3A_822 = vector.extract %parallel_loop3A_821[0] : f32 from vector<1xf32>
        %parallel_loop3A_823 = vector.broadcast %parallel_loop3A_822 : f32 to vector<16xf32>
        %parallel_loop3A_824 = arith.mulf %parallel_loop3A_820, %parallel_loop3A_823 : vector<16xf32>
        %parallel_loop3A_825 = arith.index_cast %parallel_loop3A_781 : i32 to index
        %parallel_loop3A_826 = arith.constant 16 : index
        %parallel_loop3A_827 = tpu.vector_load %arg16[%parallel_loop3A_825, %parallel_loop3A_826] {strides = array<i32>} : memref<80x144xf32, #tpu.memory_space<vmem>>, vector<1x16xf32>,
        %parallel_loop3A_828 = vector.shape_cast %parallel_loop3A_827 : vector<1x16xf32> to vector<16xf32>
        %parallel_loop3A_829 = vector.shape_cast %parallel_loop3A_824 : vector<16xf32> to vector<1x16xf32>
        tpu.vector_store %arg16[%parallel_loop3A_825, %parallel_loop3A_826], %parallel_loop3A_829 {strides = array<i32>} : memref<80x144xf32, #tpu.memory_space<vmem>>, vector<1x16xf32>,
        %parallel_loop3A_830 = arith.index_cast %parallel_loop3A_781 : i32 to index
        %parallel_loop3A_831 = arith.constant 32 : index
        %parallel_loop3A_832 = tpu.vector_load %arg16[%parallel_loop3A_830, %parallel_loop3A_831] {strides = array<i32>} : memref<80x144xf32, #tpu.memory_space<vmem>>, vector<1x16xf32>,
        %parallel_loop3A_833 = vector.shape_cast %parallel_loop3A_832 : vector<1x16xf32> to vector<16xf32>
        %parallel_loop3A_834 = vector.extract_strided_slice %parallel_loop3A_798 {offsets = [2], sizes = [1], strides = [1]} : vector<16xf32> to vector<1xf32>
        %parallel_loop3A_835 = vector.extract %parallel_loop3A_834[0] : f32 from vector<1xf32>
        %parallel_loop3A_836 = vector.broadcast %parallel_loop3A_835 : f32 to vector<16xf32>
        %parallel_loop3A_837 = arith.mulf %parallel_loop3A_833, %parallel_loop3A_836 : vector<16xf32>
        %parallel_loop3A_838 = arith.index_cast %parallel_loop3A_781 : i32 to index
        %parallel_loop3A_839 = arith.constant 32 : index
        %parallel_loop3A_840 = tpu.vector_load %arg16[%parallel_loop3A_838, %parallel_loop3A_839] {strides = array<i32>} : memref<80x144xf32, #tpu.memory_space<vmem>>, vector<1x16xf32>,
        %parallel_loop3A_841 = vector.shape_cast %parallel_loop3A_840 : vector<1x16xf32> to vector<16xf32>
        %parallel_loop3A_842 = vector.shape_cast %parallel_loop3A_837 : vector<16xf32> to vector<1x16xf32>
        tpu.vector_store %arg16[%parallel_loop3A_838, %parallel_loop3A_839], %parallel_loop3A_842 {strides = array<i32>} : memref<80x144xf32, #tpu.memory_space<vmem>>, vector<1x16xf32>,
        %parallel_loop3A_843 = arith.index_cast %parallel_loop3A_781 : i32 to index
        %parallel_loop3A_844 = arith.constant 48 : index
        %parallel_loop3A_845 = tpu.vector_load %arg16[%parallel_loop3A_843, %parallel_loop3A_844] {strides = array<i32>} : memref<80x144xf32, #tpu.memory_space<vmem>>, vector<1x16xf32>,
        %parallel_loop3A_846 = vector.shape_cast %parallel_loop3A_845 : vector<1x16xf32> to vector<16xf32>
        %parallel_loop3A_847 = vector.extract_strided_slice %parallel_loop3A_798 {offsets = [3], sizes = [1], strides = [1]} : vector<16xf32> to vector<1xf32>
        %parallel_loop3A_848 = vector.extract %parallel_loop3A_847[0] : f32 from vector<1xf32>
        %parallel_loop3A_849 = vector.broadcast %parallel_loop3A_848 : f32 to vector<16xf32>
        %parallel_loop3A_850 = arith.mulf %parallel_loop3A_846, %parallel_loop3A_849 : vector<16xf32>
        %parallel_loop3A_851 = arith.index_cast %parallel_loop3A_781 : i32 to index
        %parallel_loop3A_852 = arith.constant 48 : index
        %parallel_loop3A_853 = tpu.vector_load %arg16[%parallel_loop3A_851, %parallel_loop3A_852] {strides = array<i32>} : memref<80x144xf32, #tpu.memory_space<vmem>>, vector<1x16xf32>,
        %parallel_loop3A_854 = vector.shape_cast %parallel_loop3A_853 : vector<1x16xf32> to vector<16xf32>
        %parallel_loop3A_855 = vector.shape_cast %parallel_loop3A_850 : vector<16xf32> to vector<1x16xf32>
        tpu.vector_store %arg16[%parallel_loop3A_851, %parallel_loop3A_852], %parallel_loop3A_855 {strides = array<i32>} : memref<80x144xf32, #tpu.memory_space<vmem>>, vector<1x16xf32>,
        %parallel_loop3A_856 = arith.index_cast %parallel_loop3A_781 : i32 to index
        %parallel_loop3A_857 = arith.constant 64 : index
        %parallel_loop3A_858 = tpu.vector_load %arg16[%parallel_loop3A_856, %parallel_loop3A_857] {strides = array<i32>} : memref<80x144xf32, #tpu.memory_space<vmem>>, vector<1x16xf32>,
        %parallel_loop3A_859 = vector.shape_cast %parallel_loop3A_858 : vector<1x16xf32> to vector<16xf32>
        %parallel_loop3A_860 = vector.extract_strided_slice %parallel_loop3A_798 {offsets = [4], sizes = [1], strides = [1]} : vector<16xf32> to vector<1xf32>
        %parallel_loop3A_861 = vector.extract %parallel_loop3A_860[0] : f32 from vector<1xf32>
        %parallel_loop3A_862 = vector.broadcast %parallel_loop3A_861 : f32 to vector<16xf32>
        %parallel_loop3A_863 = arith.mulf %parallel_loop3A_859, %parallel_loop3A_862 : vector<16xf32>
        %parallel_loop3A_864 = arith.index_cast %parallel_loop3A_781 : i32 to index
        %parallel_loop3A_865 = arith.constant 64 : index
        %parallel_loop3A_866 = tpu.vector_load %arg16[%parallel_loop3A_864, %parallel_loop3A_865] {strides = array<i32>} : memref<80x144xf32, #tpu.memory_space<vmem>>, vector<1x16xf32>,
        %parallel_loop3A_867 = vector.shape_cast %parallel_loop3A_866 : vector<1x16xf32> to vector<16xf32>
        %parallel_loop3A_868 = vector.shape_cast %parallel_loop3A_863 : vector<16xf32> to vector<1x16xf32>
        tpu.vector_store %arg16[%parallel_loop3A_864, %parallel_loop3A_865], %parallel_loop3A_868 {strides = array<i32>} : memref<80x144xf32, #tpu.memory_space<vmem>>, vector<1x16xf32>,
        %parallel_loop3A_869 = arith.index_cast %parallel_loop3A_781 : i32 to index
        %parallel_loop3A_870 = arith.constant 80 : index
        %parallel_loop3A_871 = tpu.vector_load %arg16[%parallel_loop3A_869, %parallel_loop3A_870] {strides = array<i32>} : memref<80x144xf32, #tpu.memory_space<vmem>>, vector<1x16xf32>,
        %parallel_loop3A_872 = vector.shape_cast %parallel_loop3A_871 : vector<1x16xf32> to vector<16xf32>
        %parallel_loop3A_873 = vector.extract_strided_slice %parallel_loop3A_798 {offsets = [5], sizes = [1], strides = [1]} : vector<16xf32> to vector<1xf32>
        %parallel_loop3A_874 = vector.extract %parallel_loop3A_873[0] : f32 from vector<1xf32>
        %parallel_loop3A_875 = vector.broadcast %parallel_loop3A_874 : f32 to vector<16xf32>
        %parallel_loop3A_876 = arith.mulf %parallel_loop3A_872, %parallel_loop3A_875 : vector<16xf32>
        %parallel_loop3A_877 = arith.index_cast %parallel_loop3A_781 : i32 to index
        %parallel_loop3A_878 = arith.constant 80 : index
        %parallel_loop3A_879 = tpu.vector_load %arg16[%parallel_loop3A_877, %parallel_loop3A_878] {strides = array<i32>} : memref<80x144xf32, #tpu.memory_space<vmem>>, vector<1x16xf32>,
        %parallel_loop3A_880 = vector.shape_cast %parallel_loop3A_879 : vector<1x16xf32> to vector<16xf32>
        %parallel_loop3A_881 = vector.shape_cast %parallel_loop3A_876 : vector<16xf32> to vector<1x16xf32>
        tpu.vector_store %arg16[%parallel_loop3A_877, %parallel_loop3A_878], %parallel_loop3A_881 {strides = array<i32>} : memref<80x144xf32, #tpu.memory_space<vmem>>, vector<1x16xf32>,
        %parallel_loop3A_882 = arith.index_cast %parallel_loop3A_781 : i32 to index
        %parallel_loop3A_883 = arith.constant 96 : index
        %parallel_loop3A_884 = tpu.vector_load %arg16[%parallel_loop3A_882, %parallel_loop3A_883] {strides = array<i32>} : memref<80x144xf32, #tpu.memory_space<vmem>>, vector<1x16xf32>,
        %parallel_loop3A_885 = vector.shape_cast %parallel_loop3A_884 : vector<1x16xf32> to vector<16xf32>
        %parallel_loop3A_886 = vector.extract_strided_slice %parallel_loop3A_798 {offsets = [6], sizes = [1], strides = [1]} : vector<16xf32> to vector<1xf32>
        %parallel_loop3A_887 = vector.extract %parallel_loop3A_886[0] : f32 from vector<1xf32>
        %parallel_loop3A_888 = vector.broadcast %parallel_loop3A_887 : f32 to vector<16xf32>
        %parallel_loop3A_889 = arith.mulf %parallel_loop3A_885, %parallel_loop3A_888 : vector<16xf32>
        %parallel_loop3A_890 = arith.index_cast %parallel_loop3A_781 : i32 to index
        %parallel_loop3A_891 = arith.constant 96 : index
        %parallel_loop3A_892 = tpu.vector_load %arg16[%parallel_loop3A_890, %parallel_loop3A_891] {strides = array<i32>} : memref<80x144xf32, #tpu.memory_space<vmem>>, vector<1x16xf32>,
        %parallel_loop3A_893 = vector.shape_cast %parallel_loop3A_892 : vector<1x16xf32> to vector<16xf32>
        %parallel_loop3A_894 = vector.shape_cast %parallel_loop3A_889 : vector<16xf32> to vector<1x16xf32>
        tpu.vector_store %arg16[%parallel_loop3A_890, %parallel_loop3A_891], %parallel_loop3A_894 {strides = array<i32>} : memref<80x144xf32, #tpu.memory_space<vmem>>, vector<1x16xf32>,
        %parallel_loop3A_895 = arith.index_cast %parallel_loop3A_781 : i32 to index
        %parallel_loop3A_896 = arith.constant 112 : index
        %parallel_loop3A_897 = tpu.vector_load %arg16[%parallel_loop3A_895, %parallel_loop3A_896] {strides = array<i32>} : memref<80x144xf32, #tpu.memory_space<vmem>>, vector<1x16xf32>,
        %parallel_loop3A_898 = vector.shape_cast %parallel_loop3A_897 : vector<1x16xf32> to vector<16xf32>
        %parallel_loop3A_899 = vector.extract_strided_slice %parallel_loop3A_798 {offsets = [7], sizes = [1], strides = [1]} : vector<16xf32> to vector<1xf32>
        %parallel_loop3A_900 = vector.extract %parallel_loop3A_899[0] : f32 from vector<1xf32>
        %parallel_loop3A_901 = vector.broadcast %parallel_loop3A_900 : f32 to vector<16xf32>
        %parallel_loop3A_902 = arith.mulf %parallel_loop3A_898, %parallel_loop3A_901 : vector<16xf32>
        %parallel_loop3A_903 = arith.index_cast %parallel_loop3A_781 : i32 to index
        %parallel_loop3A_904 = arith.constant 112 : index
        %parallel_loop3A_905 = tpu.vector_load %arg16[%parallel_loop3A_903, %parallel_loop3A_904] {strides = array<i32>} : memref<80x144xf32, #tpu.memory_space<vmem>>, vector<1x16xf32>,
        %parallel_loop3A_906 = vector.shape_cast %parallel_loop3A_905 : vector<1x16xf32> to vector<16xf32>
        %parallel_loop3A_907 = vector.shape_cast %parallel_loop3A_902 : vector<16xf32> to vector<1x16xf32>
        tpu.vector_store %arg16[%parallel_loop3A_903, %parallel_loop3A_904], %parallel_loop3A_907 {strides = array<i32>} : memref<80x144xf32, #tpu.memory_space<vmem>>, vector<1x16xf32>,
      } {sc.loop_unroll_factor = 2 : i64, sc.parallel_access}
      %dma_start3A_771 = arith.constant 1 : i32
      %dma_start3A_772 = arith.constant 40 : i32
      %dma_start3A_773 = arith.constant 0 : i32
      %dma_start3A_774 = tpu.memref_slice %arg16[%dma_start3A_772, %dma_start3A_773] : memref<80x144xf32, #tpu.memory_space<vmem>> -> memref<40x144xf32, #tpu.memory_space<vmem>>
      %dma_start3A_775 = arith.constant 0 : i32
      %dma_start3A_776 = tpu.memref_slice %arg12[%dma_start3A_771, %dma_start3A_775] : memref<2x40xi32, #tpu.memory_space<vmem>> -> memref<1x40xi32, #tpu.memory_space<vmem>>
      %dma_start3A_777 = tpu.memref_squeeze %dma_start3A_776 : memref<1x40xi32, #tpu.memory_space<vmem>> -> memref<40xi32, #tpu.memory_space<vmem>>
      %dma_start3A_778 = arith.constant 0 : i32
      %dma_start3A_779 = arith.constant 0 : i32
      %dma_start3A_780 = tpu.memref_slice %arg17[%dma_start3A_778, %dma_start3A_779] : memref<10112x144xf32, #tpu.memory_space<vmem_shared>> -> memref<10112x144xf32, #tpu.memory_space<vmem_shared>>
      tpu.enqueue_indirect_dma source(%dma_start3A_774 : memref<40x144xf32, #tpu.memory_space<vmem>>) target(%dma_start3A_780 : memref<10112x144xf32, #tpu.memory_space<vmem_shared>>) offsets(%dma_start3A_777 : memref<40xi32, #tpu.memory_space<vmem>>) semaphore(%arg25 : memref<!tpu.dma_semaphore, #tpu.memory_space<semaphore_mem>>) {add = true}
    }
    %scan3A_105 = arith.constant 31 : i32
    %dma_wait3A_106 = arith.constant 0 : i32
    %dma_wait3A_107 = arith.constant 0 : i32
    %dma_wait3A_108 = arith.constant 0 : i32
    %dma_wait3A_109 = tpu.memref_slice %arg16[%dma_wait3A_107, %dma_wait3A_108] : memref<80x144xf32, #tpu.memory_space<vmem>> -> memref<40x144xf32, #tpu.memory_space<vmem>>
    %dma_wait3A_110 = arith.constant 0 : i32
    %dma_wait3A_111 = tpu.memref_slice %arg12[%dma_wait3A_106, %dma_wait3A_110] : memref<2x40xi32, #tpu.memory_space<vmem>> -> memref<1x40xi32, #tpu.memory_space<vmem>>
    %dma_wait3A_112 = tpu.memref_squeeze %dma_wait3A_111 : memref<1x40xi32, #tpu.memory_space<vmem>> -> memref<40xi32, #tpu.memory_space<vmem>>
    %dma_wait3A_113 = arith.constant 0 : i32
    %dma_wait3A_114 = arith.constant 0 : i32
    %dma_wait3A_115 = tpu.memref_slice %arg17[%dma_wait3A_113, %dma_wait3A_114] : memref<10112x144xf32, #tpu.memory_space<vmem_shared>> -> memref<10112x144xf32, #tpu.memory_space<vmem_shared>>
    tpu.wait_indirect_dma semaphore(%arg25 : memref<!tpu.dma_semaphore, #tpu.memory_space<semaphore_mem>>) src(%dma_wait3A_109 : memref<40x144xf32, #tpu.memory_space<vmem>>) dst(%dma_wait3A_115 : memref<10112x144xf32, #tpu.memory_space<vmem_shared>>)
    %dma_wait3A_116 = arith.constant 1 : i32
    %dma_wait3A_117 = arith.constant 40 : i32
    %dma_wait3A_118 = arith.constant 0 : i32
    %dma_wait3A_119 = tpu.memref_slice %arg16[%dma_wait3A_117, %dma_wait3A_118] : memref<80x144xf32, #tpu.memory_space<vmem>> -> memref<40x144xf32, #tpu.memory_space<vmem>>
    %dma_wait3A_120 = arith.constant 0 : i32
    %dma_wait3A_121 = tpu.memref_slice %arg12[%dma_wait3A_116, %dma_wait3A_120] : memref<2x40xi32, #tpu.memory_space<vmem>> -> memref<1x40xi32, #tpu.memory_space<vmem>>
    %dma_wait3A_122 = tpu.memref_squeeze %dma_wait3A_121 : memref<1x40xi32, #tpu.memory_space<vmem>> -> memref<40xi32, #tpu.memory_space<vmem>>
    %dma_wait3A_123 = arith.constant 0 : i32
    %dma_wait3A_124 = arith.constant 0 : i32
    %dma_wait3A_125 = tpu.memref_slice %arg17[%dma_wait3A_123, %dma_wait3A_124] : memref<10112x144xf32, #tpu.memory_space<vmem_shared>> -> memref<10112x144xf32, #tpu.memory_space<vmem_shared>>
    tpu.wait_indirect_dma semaphore(%arg25 : memref<!tpu.dma_semaphore, #tpu.memory_space<semaphore_mem>>) src(%dma_wait3A_119 : memref<40x144xf32, #tpu.memory_space<vmem>>) dst(%dma_wait3A_125 : memref<10112x144xf32, #tpu.memory_space<vmem_shared>>)
    %dma_wait3A_126 = arith.constant 124 : i32
    %dma_wait3A_127 = arith.constant 0 : i32
    %dma_wait3A_128 = tpu.memref_slice %arg8[%dma_wait3A_126, %dma_wait3A_127] : memref<125x80xi32, #tpu.memory_space<vmem>> -> memref<1x80xi32, #tpu.memory_space<vmem>>
    %dma_wait3A_129 = tpu.memref_squeeze %dma_wait3A_128 : memref<1x80xi32, #tpu.memory_space<vmem>> -> memref<80xi32, #tpu.memory_space<vmem>>
    %dma_wait3A_130 = arith.constant 0 : i32
    %dma_wait3A_131 = arith.constant 0 : i32
    %dma_wait3A_132 = tpu.memref_slice %arg2[%dma_wait3A_130, %dma_wait3A_131] : memref<10000x144xf32, #tpu.memory_space<hbm>> -> memref<10000x144xf32, #tpu.memory_space<hbm>>
    tpu.wait_indirect_dma semaphore(%arg22 : memref<!tpu.dma_semaphore, #tpu.memory_space<semaphore_mem>>) src(%dma_wait3A_132 : memref<10000x144xf32, #tpu.memory_space<hbm>>) dst(%arg15 : memref<80x144xf32, #tpu.memory_space<vmem>>)
    %dma_wait3A_133 = arith.constant 0 : i32
    %dma_wait3A_134 = arith.constant 0 : i32
    %dma_wait3A_135 = arith.constant 0 : i32
    %dma_wait3A_136 = tpu.memref_slice %arg13[%dma_wait3A_134, %dma_wait3A_135] : memref<80x16xf32, #tpu.memory_space<vmem>> -> memref<40x16xf32, #tpu.memory_space<vmem>>
    %dma_wait3A_137 = arith.constant 0 : i32
    %dma_wait3A_138 = tpu.memref_slice %arg9[%dma_wait3A_133, %dma_wait3A_137] : memref<2x40xi32, #tpu.memory_space<vmem>> -> memref<1x40xi32, #tpu.memory_space<vmem>>
    %dma_wait3A_139 = tpu.memref_squeeze %dma_wait3A_138 : memref<1x40xi32, #tpu.memory_space<vmem>> -> memref<40xi32, #tpu.memory_space<vmem>>
    %dma_wait3A_140 = arith.constant 0 : i32
    %dma_wait3A_141 = arith.constant 0 : i32
    %dma_wait3A_142 = tpu.memref_slice %arg3[%dma_wait3A_140, %dma_wait3A_141] : memref<10000x16xf32, #tpu.memory_space<hbm>> -> memref<10000x16xf32, #tpu.memory_space<hbm>>
    tpu.wait_indirect_dma semaphore(%arg22 : memref<!tpu.dma_semaphore, #tpu.memory_space<semaphore_mem>>) src(%dma_wait3A_142 : memref<10000x16xf32, #tpu.memory_space<hbm>>) dst(%dma_wait3A_136 : memref<40x16xf32, #tpu.memory_space<vmem>>)
    %dma_wait3A_143 = arith.constant 1 : i32
    %dma_wait3A_144 = arith.constant 40 : i32
    %dma_wait3A_145 = arith.constant 0 : i32
    %dma_wait3A_146 = tpu.memref_slice %arg13[%dma_wait3A_144, %dma_wait3A_145] : memref<80x16xf32, #tpu.memory_space<vmem>> -> memref<40x16xf32, #tpu.memory_space<vmem>>
    %dma_wait3A_147 = arith.constant 0 : i32
    %dma_wait3A_148 = tpu.memref_slice %arg9[%dma_wait3A_143, %dma_wait3A_147] : memref<2x40xi32, #tpu.memory_space<vmem>> -> memref<1x40xi32, #tpu.memory_space<vmem>>
    %dma_wait3A_149 = tpu.memref_squeeze %dma_wait3A_148 : memref<1x40xi32, #tpu.memory_space<vmem>> -> memref<40xi32, #tpu.memory_space<vmem>>
    %dma_wait3A_150 = arith.constant 0 : i32
    %dma_wait3A_151 = arith.constant 0 : i32
    %dma_wait3A_152 = tpu.memref_slice %arg3[%dma_wait3A_150, %dma_wait3A_151] : memref<10000x16xf32, #tpu.memory_space<hbm>> -> memref<10000x16xf32, #tpu.memory_space<hbm>>
    tpu.wait_indirect_dma semaphore(%arg22 : memref<!tpu.dma_semaphore, #tpu.memory_space<semaphore_mem>>) src(%dma_wait3A_152 : memref<10000x16xf32, #tpu.memory_space<hbm>>) dst(%dma_wait3A_146 : memref<40x16xf32, #tpu.memory_space<vmem>>)
    %parallel_loop3A = arith.constant 0 : i32
    %parallel_loop3A_153 = arith.constant 40 : i32
    %parallel_loop3A_154 = arith.constant 1 : i32
    scf.for %parallel_loop3A_308 = %parallel_loop3A to %parallel_loop3A_153 step %parallel_loop3A_154  : i32 {
      %parallel_loop3A_309 = arith.index_cast %parallel_loop3A_308 : i32 to index
      %parallel_loop3A_310 = arith.constant 128 : index
      %parallel_loop3A_311 = tpu.vector_load %arg15[%parallel_loop3A_309, %parallel_loop3A_310] {strides = array<i32>} : memref<80x144xf32, #tpu.memory_space<vmem>>, vector<1x16xf32>,
      %parallel_loop3A_312 = vector.shape_cast %parallel_loop3A_311 : vector<1x16xf32> to vector<16xf32>
      %parallel_loop3A_313 = arith.index_cast %parallel_loop3A_308 : i32 to index
      %parallel_loop3A_314 = arith.constant 0 : index
      %parallel_loop3A_315 = tpu.vector_load %arg13[%parallel_loop3A_313, %parallel_loop3A_314] {strides = array<i32>} : memref<80x16xf32, #tpu.memory_space<vmem>>, vector<1x16xf32>,
      %parallel_loop3A_316 = vector.shape_cast %parallel_loop3A_315 : vector<1x16xf32> to vector<16xf32>
      %parallel_loop3A_317 = arith.addf %parallel_loop3A_312, %parallel_loop3A_316 : vector<16xf32>
      %parallel_loop3A_318 = arith.constant 0.000000e+00 : f32
      %parallel_loop3A_319 = vector.broadcast %parallel_loop3A_318 : f32 to vector<16xf32>
      %parallel_loop3A_320 = arith.cmpf ogt, %parallel_loop3A_317, %parallel_loop3A_319 : vector<16xf32>
      %parallel_loop3A_321 = arith.constant 0.00999999977 : f32
      %parallel_loop3A_322 = vector.broadcast %parallel_loop3A_321 : f32 to vector<16xf32>
      %parallel_loop3A_323 = arith.mulf %parallel_loop3A_317, %parallel_loop3A_322 : vector<16xf32>
      %parallel_loop3A_324 = arith.select %parallel_loop3A_320, %parallel_loop3A_317, %parallel_loop3A_323 : vector<16xi1>, vector<16xf32>
      %parallel_loop3A_325 = math.exp %parallel_loop3A_324 : vector<16xf32>
      %parallel_loop3A_326 = arith.index_cast %parallel_loop3A_308 : i32 to index
      %parallel_loop3A_327 = arith.constant 128 : index
      %parallel_loop3A_328 = tpu.vector_load %arg15[%parallel_loop3A_326, %parallel_loop3A_327] {strides = array<i32>} : memref<80x144xf32, #tpu.memory_space<vmem>>, vector<1x16xf32>,
      %parallel_loop3A_329 = vector.shape_cast %parallel_loop3A_328 : vector<1x16xf32> to vector<16xf32>
      %parallel_loop3A_330 = vector.shape_cast %parallel_loop3A_325 : vector<16xf32> to vector<1x16xf32>
      tpu.vector_store %arg15[%parallel_loop3A_326, %parallel_loop3A_327], %parallel_loop3A_330 {strides = array<i32>} : memref<80x144xf32, #tpu.memory_space<vmem>>, vector<1x16xf32>,
      %parallel_loop3A_331 = arith.index_cast %parallel_loop3A_308 : i32 to index
      %parallel_loop3A_332 = arith.constant 0 : index
      %parallel_loop3A_333 = tpu.vector_load %arg15[%parallel_loop3A_331, %parallel_loop3A_332] {strides = array<i32>} : memref<80x144xf32, #tpu.memory_space<vmem>>, vector<1x16xf32>,
      %parallel_loop3A_334 = vector.shape_cast %parallel_loop3A_333 : vector<1x16xf32> to vector<16xf32>
      %parallel_loop3A_335 = vector.extract_strided_slice %parallel_loop3A_325 {offsets = [0], sizes = [1], strides = [1]} : vector<16xf32> to vector<1xf32>
      %parallel_loop3A_336 = vector.extract %parallel_loop3A_335[0] : f32 from vector<1xf32>
      %parallel_loop3A_337 = vector.broadcast %parallel_loop3A_336 : f32 to vector<16xf32>
      %parallel_loop3A_338 = arith.mulf %parallel_loop3A_334, %parallel_loop3A_337 : vector<16xf32>
      %parallel_loop3A_339 = arith.index_cast %parallel_loop3A_308 : i32 to index
      %parallel_loop3A_340 = arith.constant 0 : index
      %parallel_loop3A_341 = tpu.vector_load %arg15[%parallel_loop3A_339, %parallel_loop3A_340] {strides = array<i32>} : memref<80x144xf32, #tpu.memory_space<vmem>>, vector<1x16xf32>,
      %parallel_loop3A_342 = vector.shape_cast %parallel_loop3A_341 : vector<1x16xf32> to vector<16xf32>
      %parallel_loop3A_343 = vector.shape_cast %parallel_loop3A_338 : vector<16xf32> to vector<1x16xf32>
      tpu.vector_store %arg15[%parallel_loop3A_339, %parallel_loop3A_340], %parallel_loop3A_343 {strides = array<i32>} : memref<80x144xf32, #tpu.memory_space<vmem>>, vector<1x16xf32>,
      %parallel_loop3A_344 = arith.index_cast %parallel_loop3A_308 : i32 to index
      %parallel_loop3A_345 = arith.constant 16 : index
      %parallel_loop3A_346 = tpu.vector_load %arg15[%parallel_loop3A_344, %parallel_loop3A_345] {strides = array<i32>} : memref<80x144xf32, #tpu.memory_space<vmem>>, vector<1x16xf32>,
      %parallel_loop3A_347 = vector.shape_cast %parallel_loop3A_346 : vector<1x16xf32> to vector<16xf32>
      %parallel_loop3A_348 = vector.extract_strided_slice %parallel_loop3A_325 {offsets = [1], sizes = [1], strides = [1]} : vector<16xf32> to vector<1xf32>
      %parallel_loop3A_349 = vector.extract %parallel_loop3A_348[0] : f32 from vector<1xf32>
      %parallel_loop3A_350 = vector.broadcast %parallel_loop3A_349 : f32 to vector<16xf32>
      %parallel_loop3A_351 = arith.mulf %parallel_loop3A_347, %parallel_loop3A_350 : vector<16xf32>
      %parallel_loop3A_352 = arith.index_cast %parallel_loop3A_308 : i32 to index
      %parallel_loop3A_353 = arith.constant 16 : index
      %parallel_loop3A_354 = tpu.vector_load %arg15[%parallel_loop3A_352, %parallel_loop3A_353] {strides = array<i32>} : memref<80x144xf32, #tpu.memory_space<vmem>>, vector<1x16xf32>,
      %parallel_loop3A_355 = vector.shape_cast %parallel_loop3A_354 : vector<1x16xf32> to vector<16xf32>
      %parallel_loop3A_356 = vector.shape_cast %parallel_loop3A_351 : vector<16xf32> to vector<1x16xf32>
      tpu.vector_store %arg15[%parallel_loop3A_352, %parallel_loop3A_353], %parallel_loop3A_356 {strides = array<i32>} : memref<80x144xf32, #tpu.memory_space<vmem>>, vector<1x16xf32>,
      %parallel_loop3A_357 = arith.index_cast %parallel_loop3A_308 : i32 to index
      %parallel_loop3A_358 = arith.constant 32 : index
      %parallel_loop3A_359 = tpu.vector_load %arg15[%parallel_loop3A_357, %parallel_loop3A_358] {strides = array<i32>} : memref<80x144xf32, #tpu.memory_space<vmem>>, vector<1x16xf32>,
      %parallel_loop3A_360 = vector.shape_cast %parallel_loop3A_359 : vector<1x16xf32> to vector<16xf32>
      %parallel_loop3A_361 = vector.extract_strided_slice %parallel_loop3A_325 {offsets = [2], sizes = [1], strides = [1]} : vector<16xf32> to vector<1xf32>
      %parallel_loop3A_362 = vector.extract %parallel_loop3A_361[0] : f32 from vector<1xf32>
      %parallel_loop3A_363 = vector.broadcast %parallel_loop3A_362 : f32 to vector<16xf32>
      %parallel_loop3A_364 = arith.mulf %parallel_loop3A_360, %parallel_loop3A_363 : vector<16xf32>
      %parallel_loop3A_365 = arith.index_cast %parallel_loop3A_308 : i32 to index
      %parallel_loop3A_366 = arith.constant 32 : index
      %parallel_loop3A_367 = tpu.vector_load %arg15[%parallel_loop3A_365, %parallel_loop3A_366] {strides = array<i32>} : memref<80x144xf32, #tpu.memory_space<vmem>>, vector<1x16xf32>,
      %parallel_loop3A_368 = vector.shape_cast %parallel_loop3A_367 : vector<1x16xf32> to vector<16xf32>
      %parallel_loop3A_369 = vector.shape_cast %parallel_loop3A_364 : vector<16xf32> to vector<1x16xf32>
      tpu.vector_store %arg15[%parallel_loop3A_365, %parallel_loop3A_366], %parallel_loop3A_369 {strides = array<i32>} : memref<80x144xf32, #tpu.memory_space<vmem>>, vector<1x16xf32>,
      %parallel_loop3A_370 = arith.index_cast %parallel_loop3A_308 : i32 to index
      %parallel_loop3A_371 = arith.constant 48 : index
      %parallel_loop3A_372 = tpu.vector_load %arg15[%parallel_loop3A_370, %parallel_loop3A_371] {strides = array<i32>} : memref<80x144xf32, #tpu.memory_space<vmem>>, vector<1x16xf32>,
      %parallel_loop3A_373 = vector.shape_cast %parallel_loop3A_372 : vector<1x16xf32> to vector<16xf32>
      %parallel_loop3A_374 = vector.extract_strided_slice %parallel_loop3A_325 {offsets = [3], sizes = [1], strides = [1]} : vector<16xf32> to vector<1xf32>
      %parallel_loop3A_375 = vector.extract %parallel_loop3A_374[0] : f32 from vector<1xf32>
      %parallel_loop3A_376 = vector.broadcast %parallel_loop3A_375 : f32 to vector<16xf32>
      %parallel_loop3A_377 = arith.mulf %parallel_loop3A_373, %parallel_loop3A_376 : vector<16xf32>
      %parallel_loop3A_378 = arith.index_cast %parallel_loop3A_308 : i32 to index
      %parallel_loop3A_379 = arith.constant 48 : index
      %parallel_loop3A_380 = tpu.vector_load %arg15[%parallel_loop3A_378, %parallel_loop3A_379] {strides = array<i32>} : memref<80x144xf32, #tpu.memory_space<vmem>>, vector<1x16xf32>,
      %parallel_loop3A_381 = vector.shape_cast %parallel_loop3A_380 : vector<1x16xf32> to vector<16xf32>
      %parallel_loop3A_382 = vector.shape_cast %parallel_loop3A_377 : vector<16xf32> to vector<1x16xf32>
      tpu.vector_store %arg15[%parallel_loop3A_378, %parallel_loop3A_379], %parallel_loop3A_382 {strides = array<i32>} : memref<80x144xf32, #tpu.memory_space<vmem>>, vector<1x16xf32>,
      %parallel_loop3A_383 = arith.index_cast %parallel_loop3A_308 : i32 to index
      %parallel_loop3A_384 = arith.constant 64 : index
      %parallel_loop3A_385 = tpu.vector_load %arg15[%parallel_loop3A_383, %parallel_loop3A_384] {strides = array<i32>} : memref<80x144xf32, #tpu.memory_space<vmem>>, vector<1x16xf32>,
      %parallel_loop3A_386 = vector.shape_cast %parallel_loop3A_385 : vector<1x16xf32> to vector<16xf32>
      %parallel_loop3A_387 = vector.extract_strided_slice %parallel_loop3A_325 {offsets = [4], sizes = [1], strides = [1]} : vector<16xf32> to vector<1xf32>
      %parallel_loop3A_388 = vector.extract %parallel_loop3A_387[0] : f32 from vector<1xf32>
      %parallel_loop3A_389 = vector.broadcast %parallel_loop3A_388 : f32 to vector<16xf32>
      %parallel_loop3A_390 = arith.mulf %parallel_loop3A_386, %parallel_loop3A_389 : vector<16xf32>
      %parallel_loop3A_391 = arith.index_cast %parallel_loop3A_308 : i32 to index
      %parallel_loop3A_392 = arith.constant 64 : index
      %parallel_loop3A_393 = tpu.vector_load %arg15[%parallel_loop3A_391, %parallel_loop3A_392] {strides = array<i32>} : memref<80x144xf32, #tpu.memory_space<vmem>>, vector<1x16xf32>,
      %parallel_loop3A_394 = vector.shape_cast %parallel_loop3A_393 : vector<1x16xf32> to vector<16xf32>
      %parallel_loop3A_395 = vector.shape_cast %parallel_loop3A_390 : vector<16xf32> to vector<1x16xf32>
      tpu.vector_store %arg15[%parallel_loop3A_391, %parallel_loop3A_392], %parallel_loop3A_395 {strides = array<i32>} : memref<80x144xf32, #tpu.memory_space<vmem>>, vector<1x16xf32>,
      %parallel_loop3A_396 = arith.index_cast %parallel_loop3A_308 : i32 to index
      %parallel_loop3A_397 = arith.constant 80 : index
      %parallel_loop3A_398 = tpu.vector_load %arg15[%parallel_loop3A_396, %parallel_loop3A_397] {strides = array<i32>} : memref<80x144xf32, #tpu.memory_space<vmem>>, vector<1x16xf32>,
      %parallel_loop3A_399 = vector.shape_cast %parallel_loop3A_398 : vector<1x16xf32> to vector<16xf32>
      %parallel_loop3A_400 = vector.extract_strided_slice %parallel_loop3A_325 {offsets = [5], sizes = [1], strides = [1]} : vector<16xf32> to vector<1xf32>
      %parallel_loop3A_401 = vector.extract %parallel_loop3A_400[0] : f32 from vector<1xf32>
      %parallel_loop3A_402 = vector.broadcast %parallel_loop3A_401 : f32 to vector<16xf32>
      %parallel_loop3A_403 = arith.mulf %parallel_loop3A_399, %parallel_loop3A_402 : vector<16xf32>
      %parallel_loop3A_404 = arith.index_cast %parallel_loop3A_308 : i32 to index
      %parallel_loop3A_405 = arith.constant 80 : index
      %parallel_loop3A_406 = tpu.vector_load %arg15[%parallel_loop3A_404, %parallel_loop3A_405] {strides = array<i32>} : memref<80x144xf32, #tpu.memory_space<vmem>>, vector<1x16xf32>,
      %parallel_loop3A_407 = vector.shape_cast %parallel_loop3A_406 : vector<1x16xf32> to vector<16xf32>
      %parallel_loop3A_408 = vector.shape_cast %parallel_loop3A_403 : vector<16xf32> to vector<1x16xf32>
      tpu.vector_store %arg15[%parallel_loop3A_404, %parallel_loop3A_405], %parallel_loop3A_408 {strides = array<i32>} : memref<80x144xf32, #tpu.memory_space<vmem>>, vector<1x16xf32>,
      %parallel_loop3A_409 = arith.index_cast %parallel_loop3A_308 : i32 to index
      %parallel_loop3A_410 = arith.constant 96 : index
      %parallel_loop3A_411 = tpu.vector_load %arg15[%parallel_loop3A_409, %parallel_loop3A_410] {strides = array<i32>} : memref<80x144xf32, #tpu.memory_space<vmem>>, vector<1x16xf32>,
      %parallel_loop3A_412 = vector.shape_cast %parallel_loop3A_411 : vector<1x16xf32> to vector<16xf32>
      %parallel_loop3A_413 = vector.extract_strided_slice %parallel_loop3A_325 {offsets = [6], sizes = [1], strides = [1]} : vector<16xf32> to vector<1xf32>
      %parallel_loop3A_414 = vector.extract %parallel_loop3A_413[0] : f32 from vector<1xf32>
      %parallel_loop3A_415 = vector.broadcast %parallel_loop3A_414 : f32 to vector<16xf32>
      %parallel_loop3A_416 = arith.mulf %parallel_loop3A_412, %parallel_loop3A_415 : vector<16xf32>
      %parallel_loop3A_417 = arith.index_cast %parallel_loop3A_308 : i32 to index
      %parallel_loop3A_418 = arith.constant 96 : index
      %parallel_loop3A_419 = tpu.vector_load %arg15[%parallel_loop3A_417, %parallel_loop3A_418] {strides = array<i32>} : memref<80x144xf32, #tpu.memory_space<vmem>>, vector<1x16xf32>,
      %parallel_loop3A_420 = vector.shape_cast %parallel_loop3A_419 : vector<1x16xf32> to vector<16xf32>
      %parallel_loop3A_421 = vector.shape_cast %parallel_loop3A_416 : vector<16xf32> to vector<1x16xf32>
      tpu.vector_store %arg15[%parallel_loop3A_417, %parallel_loop3A_418], %parallel_loop3A_421 {strides = array<i32>} : memref<80x144xf32, #tpu.memory_space<vmem>>, vector<1x16xf32>,
      %parallel_loop3A_422 = arith.index_cast %parallel_loop3A_308 : i32 to index
      %parallel_loop3A_423 = arith.constant 112 : index
      %parallel_loop3A_424 = tpu.vector_load %arg15[%parallel_loop3A_422, %parallel_loop3A_423] {strides = array<i32>} : memref<80x144xf32, #tpu.memory_space<vmem>>, vector<1x16xf32>,
      %parallel_loop3A_425 = vector.shape_cast %parallel_loop3A_424 : vector<1x16xf32> to vector<16xf32>
      %parallel_loop3A_426 = vector.extract_strided_slice %parallel_loop3A_325 {offsets = [7], sizes = [1], strides = [1]} : vector<16xf32> to vector<1xf32>
      %parallel_loop3A_427 = vector.extract %parallel_loop3A_426[0] : f32 from vector<1xf32>
      %parallel_loop3A_428 = vector.broadcast %parallel_loop3A_427 : f32 to vector<16xf32>
      %parallel_loop3A_429 = arith.mulf %parallel_loop3A_425, %parallel_loop3A_428 : vector<16xf32>
      %parallel_loop3A_430 = arith.index_cast %parallel_loop3A_308 : i32 to index
      %parallel_loop3A_431 = arith.constant 112 : index
      %parallel_loop3A_432 = tpu.vector_load %arg15[%parallel_loop3A_430, %parallel_loop3A_431] {strides = array<i32>} : memref<80x144xf32, #tpu.memory_space<vmem>>, vector<1x16xf32>,
      %parallel_loop3A_433 = vector.shape_cast %parallel_loop3A_432 : vector<1x16xf32> to vector<16xf32>
      %parallel_loop3A_434 = vector.shape_cast %parallel_loop3A_429 : vector<16xf32> to vector<1x16xf32>
      tpu.vector_store %arg15[%parallel_loop3A_430, %parallel_loop3A_431], %parallel_loop3A_434 {strides = array<i32>} : memref<80x144xf32, #tpu.memory_space<vmem>>, vector<1x16xf32>,
    } {sc.loop_unroll_factor = 2 : i64, sc.parallel_access}
    %dma_start3A_155 = arith.constant 0 : i32
    %dma_start3A_156 = arith.constant 0 : i32
    %dma_start3A_157 = arith.constant 0 : i32
    %dma_start3A_158 = tpu.memref_slice %arg15[%dma_start3A_156, %dma_start3A_157] : memref<80x144xf32, #tpu.memory_space<vmem>> -> memref<40x144xf32, #tpu.memory_space<vmem>>
    %dma_start3A_159 = arith.constant 0 : i32
    %dma_start3A_160 = tpu.memref_slice %arg9[%dma_start3A_155, %dma_start3A_159] : memref<2x40xi32, #tpu.memory_space<vmem>> -> memref<1x40xi32, #tpu.memory_space<vmem>>
    %dma_start3A_161 = tpu.memref_squeeze %dma_start3A_160 : memref<1x40xi32, #tpu.memory_space<vmem>> -> memref<40xi32, #tpu.memory_space<vmem>>
    %dma_start3A_162 = arith.constant 0 : i32
    %dma_start3A_163 = arith.constant 0 : i32
    %dma_start3A_164 = tpu.memref_slice %arg17[%dma_start3A_162, %dma_start3A_163] : memref<10112x144xf32, #tpu.memory_space<vmem_shared>> -> memref<10112x144xf32, #tpu.memory_space<vmem_shared>>
    tpu.enqueue_indirect_dma source(%dma_start3A_158 : memref<40x144xf32, #tpu.memory_space<vmem>>) target(%dma_start3A_164 : memref<10112x144xf32, #tpu.memory_space<vmem_shared>>) offsets(%dma_start3A_161 : memref<40xi32, #tpu.memory_space<vmem>>) semaphore(%arg24 : memref<!tpu.dma_semaphore, #tpu.memory_space<semaphore_mem>>) {add = true}
    %parallel_loop3A_165 = arith.constant 40 : i32
    %parallel_loop3A_166 = arith.constant 80 : i32
    %parallel_loop3A_167 = arith.constant 1 : i32
    scf.for %parallel_loop3A_308 = %parallel_loop3A_165 to %parallel_loop3A_166 step %parallel_loop3A_167  : i32 {
      %parallel_loop3A_309 = arith.index_cast %parallel_loop3A_308 : i32 to index
      %parallel_loop3A_310 = arith.constant 128 : index
      %parallel_loop3A_311 = tpu.vector_load %arg15[%parallel_loop3A_309, %parallel_loop3A_310] {strides = array<i32>} : memref<80x144xf32, #tpu.memory_space<vmem>>, vector<1x16xf32>,
      %parallel_loop3A_312 = vector.shape_cast %parallel_loop3A_311 : vector<1x16xf32> to vector<16xf32>
      %parallel_loop3A_313 = arith.index_cast %parallel_loop3A_308 : i32 to index
      %parallel_loop3A_314 = arith.constant 0 : index
      %parallel_loop3A_315 = tpu.vector_load %arg13[%parallel_loop3A_313, %parallel_loop3A_314] {strides = array<i32>} : memref<80x16xf32, #tpu.memory_space<vmem>>, vector<1x16xf32>,
      %parallel_loop3A_316 = vector.shape_cast %parallel_loop3A_315 : vector<1x16xf32> to vector<16xf32>
      %parallel_loop3A_317 = arith.addf %parallel_loop3A_312, %parallel_loop3A_316 : vector<16xf32>
      %parallel_loop3A_318 = arith.constant 0.000000e+00 : f32
      %parallel_loop3A_319 = vector.broadcast %parallel_loop3A_318 : f32 to vector<16xf32>
      %parallel_loop3A_320 = arith.cmpf ogt, %parallel_loop3A_317, %parallel_loop3A_319 : vector<16xf32>
      %parallel_loop3A_321 = arith.constant 0.00999999977 : f32
      %parallel_loop3A_322 = vector.broadcast %parallel_loop3A_321 : f32 to vector<16xf32>
      %parallel_loop3A_323 = arith.mulf %parallel_loop3A_317, %parallel_loop3A_322 : vector<16xf32>
      %parallel_loop3A_324 = arith.select %parallel_loop3A_320, %parallel_loop3A_317, %parallel_loop3A_323 : vector<16xi1>, vector<16xf32>
      %parallel_loop3A_325 = math.exp %parallel_loop3A_324 : vector<16xf32>
      %parallel_loop3A_326 = arith.index_cast %parallel_loop3A_308 : i32 to index
      %parallel_loop3A_327 = arith.constant 128 : index
      %parallel_loop3A_328 = tpu.vector_load %arg15[%parallel_loop3A_326, %parallel_loop3A_327] {strides = array<i32>} : memref<80x144xf32, #tpu.memory_space<vmem>>, vector<1x16xf32>,
      %parallel_loop3A_329 = vector.shape_cast %parallel_loop3A_328 : vector<1x16xf32> to vector<16xf32>
      %parallel_loop3A_330 = vector.shape_cast %parallel_loop3A_325 : vector<16xf32> to vector<1x16xf32>
      tpu.vector_store %arg15[%parallel_loop3A_326, %parallel_loop3A_327], %parallel_loop3A_330 {strides = array<i32>} : memref<80x144xf32, #tpu.memory_space<vmem>>, vector<1x16xf32>,
      %parallel_loop3A_331 = arith.index_cast %parallel_loop3A_308 : i32 to index
      %parallel_loop3A_332 = arith.constant 0 : index
      %parallel_loop3A_333 = tpu.vector_load %arg15[%parallel_loop3A_331, %parallel_loop3A_332] {strides = array<i32>} : memref<80x144xf32, #tpu.memory_space<vmem>>, vector<1x16xf32>,
      %parallel_loop3A_334 = vector.shape_cast %parallel_loop3A_333 : vector<1x16xf32> to vector<16xf32>
      %parallel_loop3A_335 = vector.extract_strided_slice %parallel_loop3A_325 {offsets = [0], sizes = [1], strides = [1]} : vector<16xf32> to vector<1xf32>
      %parallel_loop3A_336 = vector.extract %parallel_loop3A_335[0] : f32 from vector<1xf32>
      %parallel_loop3A_337 = vector.broadcast %parallel_loop3A_336 : f32 to vector<16xf32>
      %parallel_loop3A_338 = arith.mulf %parallel_loop3A_334, %parallel_loop3A_337 : vector<16xf32>
      %parallel_loop3A_339 = arith.index_cast %parallel_loop3A_308 : i32 to index
      %parallel_loop3A_340 = arith.constant 0 : index
      %parallel_loop3A_341 = tpu.vector_load %arg15[%parallel_loop3A_339, %parallel_loop3A_340] {strides = array<i32>} : memref<80x144xf32, #tpu.memory_space<vmem>>, vector<1x16xf32>,
      %parallel_loop3A_342 = vector.shape_cast %parallel_loop3A_341 : vector<1x16xf32> to vector<16xf32>
      %parallel_loop3A_343 = vector.shape_cast %parallel_loop3A_338 : vector<16xf32> to vector<1x16xf32>
      tpu.vector_store %arg15[%parallel_loop3A_339, %parallel_loop3A_340], %parallel_loop3A_343 {strides = array<i32>} : memref<80x144xf32, #tpu.memory_space<vmem>>, vector<1x16xf32>,
      %parallel_loop3A_344 = arith.index_cast %parallel_loop3A_308 : i32 to index
      %parallel_loop3A_345 = arith.constant 16 : index
      %parallel_loop3A_346 = tpu.vector_load %arg15[%parallel_loop3A_344, %parallel_loop3A_345] {strides = array<i32>} : memref<80x144xf32, #tpu.memory_space<vmem>>, vector<1x16xf32>,
      %parallel_loop3A_347 = vector.shape_cast %parallel_loop3A_346 : vector<1x16xf32> to vector<16xf32>
      %parallel_loop3A_348 = vector.extract_strided_slice %parallel_loop3A_325 {offsets = [1], sizes = [1], strides = [1]} : vector<16xf32> to vector<1xf32>
      %parallel_loop3A_349 = vector.extract %parallel_loop3A_348[0] : f32 from vector<1xf32>
      %parallel_loop3A_350 = vector.broadcast %parallel_loop3A_349 : f32 to vector<16xf32>
      %parallel_loop3A_351 = arith.mulf %parallel_loop3A_347, %parallel_loop3A_350 : vector<16xf32>
      %parallel_loop3A_352 = arith.index_cast %parallel_loop3A_308 : i32 to index
      %parallel_loop3A_353 = arith.constant 16 : index
      %parallel_loop3A_354 = tpu.vector_load %arg15[%parallel_loop3A_352, %parallel_loop3A_353] {strides = array<i32>} : memref<80x144xf32, #tpu.memory_space<vmem>>, vector<1x16xf32>,
      %parallel_loop3A_355 = vector.shape_cast %parallel_loop3A_354 : vector<1x16xf32> to vector<16xf32>
      %parallel_loop3A_356 = vector.shape_cast %parallel_loop3A_351 : vector<16xf32> to vector<1x16xf32>
      tpu.vector_store %arg15[%parallel_loop3A_352, %parallel_loop3A_353], %parallel_loop3A_356 {strides = array<i32>} : memref<80x144xf32, #tpu.memory_space<vmem>>, vector<1x16xf32>,
      %parallel_loop3A_357 = arith.index_cast %parallel_loop3A_308 : i32 to index
      %parallel_loop3A_358 = arith.constant 32 : index
      %parallel_loop3A_359 = tpu.vector_load %arg15[%parallel_loop3A_357, %parallel_loop3A_358] {strides = array<i32>} : memref<80x144xf32, #tpu.memory_space<vmem>>, vector<1x16xf32>,
      %parallel_loop3A_360 = vector.shape_cast %parallel_loop3A_359 : vector<1x16xf32> to vector<16xf32>
      %parallel_loop3A_361 = vector.extract_strided_slice %parallel_loop3A_325 {offsets = [2], sizes = [1], strides = [1]} : vector<16xf32> to vector<1xf32>
      %parallel_loop3A_362 = vector.extract %parallel_loop3A_361[0] : f32 from vector<1xf32>
      %parallel_loop3A_363 = vector.broadcast %parallel_loop3A_362 : f32 to vector<16xf32>
      %parallel_loop3A_364 = arith.mulf %parallel_loop3A_360, %parallel_loop3A_363 : vector<16xf32>
      %parallel_loop3A_365 = arith.index_cast %parallel_loop3A_308 : i32 to index
      %parallel_loop3A_366 = arith.constant 32 : index
      %parallel_loop3A_367 = tpu.vector_load %arg15[%parallel_loop3A_365, %parallel_loop3A_366] {strides = array<i32>} : memref<80x144xf32, #tpu.memory_space<vmem>>, vector<1x16xf32>,
      %parallel_loop3A_368 = vector.shape_cast %parallel_loop3A_367 : vector<1x16xf32> to vector<16xf32>
      %parallel_loop3A_369 = vector.shape_cast %parallel_loop3A_364 : vector<16xf32> to vector<1x16xf32>
      tpu.vector_store %arg15[%parallel_loop3A_365, %parallel_loop3A_366], %parallel_loop3A_369 {strides = array<i32>} : memref<80x144xf32, #tpu.memory_space<vmem>>, vector<1x16xf32>,
      %parallel_loop3A_370 = arith.index_cast %parallel_loop3A_308 : i32 to index
      %parallel_loop3A_371 = arith.constant 48 : index
      %parallel_loop3A_372 = tpu.vector_load %arg15[%parallel_loop3A_370, %parallel_loop3A_371] {strides = array<i32>} : memref<80x144xf32, #tpu.memory_space<vmem>>, vector<1x16xf32>,
      %parallel_loop3A_373 = vector.shape_cast %parallel_loop3A_372 : vector<1x16xf32> to vector<16xf32>
      %parallel_loop3A_374 = vector.extract_strided_slice %parallel_loop3A_325 {offsets = [3], sizes = [1], strides = [1]} : vector<16xf32> to vector<1xf32>
      %parallel_loop3A_375 = vector.extract %parallel_loop3A_374[0] : f32 from vector<1xf32>
      %parallel_loop3A_376 = vector.broadcast %parallel_loop3A_375 : f32 to vector<16xf32>
      %parallel_loop3A_377 = arith.mulf %parallel_loop3A_373, %parallel_loop3A_376 : vector<16xf32>
      %parallel_loop3A_378 = arith.index_cast %parallel_loop3A_308 : i32 to index
      %parallel_loop3A_379 = arith.constant 48 : index
      %parallel_loop3A_380 = tpu.vector_load %arg15[%parallel_loop3A_378, %parallel_loop3A_379] {strides = array<i32>} : memref<80x144xf32, #tpu.memory_space<vmem>>, vector<1x16xf32>,
      %parallel_loop3A_381 = vector.shape_cast %parallel_loop3A_380 : vector<1x16xf32> to vector<16xf32>
      %parallel_loop3A_382 = vector.shape_cast %parallel_loop3A_377 : vector<16xf32> to vector<1x16xf32>
      tpu.vector_store %arg15[%parallel_loop3A_378, %parallel_loop3A_379], %parallel_loop3A_382 {strides = array<i32>} : memref<80x144xf32, #tpu.memory_space<vmem>>, vector<1x16xf32>,
      %parallel_loop3A_383 = arith.index_cast %parallel_loop3A_308 : i32 to index
      %parallel_loop3A_384 = arith.constant 64 : index
      %parallel_loop3A_385 = tpu.vector_load %arg15[%parallel_loop3A_383, %parallel_loop3A_384] {strides = array<i32>} : memref<80x144xf32, #tpu.memory_space<vmem>>, vector<1x16xf32>,
      %parallel_loop3A_386 = vector.shape_cast %parallel_loop3A_385 : vector<1x16xf32> to vector<16xf32>
      %parallel_loop3A_387 = vector.extract_strided_slice %parallel_loop3A_325 {offsets = [4], sizes = [1], strides = [1]} : vector<16xf32> to vector<1xf32>
      %parallel_loop3A_388 = vector.extract %parallel_loop3A_387[0] : f32 from vector<1xf32>
      %parallel_loop3A_389 = vector.broadcast %parallel_loop3A_388 : f32 to vector<16xf32>
      %parallel_loop3A_390 = arith.mulf %parallel_loop3A_386, %parallel_loop3A_389 : vector<16xf32>
      %parallel_loop3A_391 = arith.index_cast %parallel_loop3A_308 : i32 to index
      %parallel_loop3A_392 = arith.constant 64 : index
      %parallel_loop3A_393 = tpu.vector_load %arg15[%parallel_loop3A_391, %parallel_loop3A_392] {strides = array<i32>} : memref<80x144xf32, #tpu.memory_space<vmem>>, vector<1x16xf32>,
      %parallel_loop3A_394 = vector.shape_cast %parallel_loop3A_393 : vector<1x16xf32> to vector<16xf32>
      %parallel_loop3A_395 = vector.shape_cast %parallel_loop3A_390 : vector<16xf32> to vector<1x16xf32>
      tpu.vector_store %arg15[%parallel_loop3A_391, %parallel_loop3A_392], %parallel_loop3A_395 {strides = array<i32>} : memref<80x144xf32, #tpu.memory_space<vmem>>, vector<1x16xf32>,
      %parallel_loop3A_396 = arith.index_cast %parallel_loop3A_308 : i32 to index
      %parallel_loop3A_397 = arith.constant 80 : index
      %parallel_loop3A_398 = tpu.vector_load %arg15[%parallel_loop3A_396, %parallel_loop3A_397] {strides = array<i32>} : memref<80x144xf32, #tpu.memory_space<vmem>>, vector<1x16xf32>,
      %parallel_loop3A_399 = vector.shape_cast %parallel_loop3A_398 : vector<1x16xf32> to vector<16xf32>
      %parallel_loop3A_400 = vector.extract_strided_slice %parallel_loop3A_325 {offsets = [5], sizes = [1], strides = [1]} : vector<16xf32> to vector<1xf32>
      %parallel_loop3A_401 = vector.extract %parallel_loop3A_400[0] : f32 from vector<1xf32>
      %parallel_loop3A_402 = vector.broadcast %parallel_loop3A_401 : f32 to vector<16xf32>
      %parallel_loop3A_403 = arith.mulf %parallel_loop3A_399, %parallel_loop3A_402 : vector<16xf32>
      %parallel_loop3A_404 = arith.index_cast %parallel_loop3A_308 : i32 to index
      %parallel_loop3A_405 = arith.constant 80 : index
      %parallel_loop3A_406 = tpu.vector_load %arg15[%parallel_loop3A_404, %parallel_loop3A_405] {strides = array<i32>} : memref<80x144xf32, #tpu.memory_space<vmem>>, vector<1x16xf32>,
      %parallel_loop3A_407 = vector.shape_cast %parallel_loop3A_406 : vector<1x16xf32> to vector<16xf32>
      %parallel_loop3A_408 = vector.shape_cast %parallel_loop3A_403 : vector<16xf32> to vector<1x16xf32>
      tpu.vector_store %arg15[%parallel_loop3A_404, %parallel_loop3A_405], %parallel_loop3A_408 {strides = array<i32>} : memref<80x144xf32, #tpu.memory_space<vmem>>, vector<1x16xf32>,
      %parallel_loop3A_409 = arith.index_cast %parallel_loop3A_308 : i32 to index
      %parallel_loop3A_410 = arith.constant 96 : index
      %parallel_loop3A_411 = tpu.vector_load %arg15[%parallel_loop3A_409, %parallel_loop3A_410] {strides = array<i32>} : memref<80x144xf32, #tpu.memory_space<vmem>>, vector<1x16xf32>,
      %parallel_loop3A_412 = vector.shape_cast %parallel_loop3A_411 : vector<1x16xf32> to vector<16xf32>
      %parallel_loop3A_413 = vector.extract_strided_slice %parallel_loop3A_325 {offsets = [6], sizes = [1], strides = [1]} : vector<16xf32> to vector<1xf32>
      %parallel_loop3A_414 = vector.extract %parallel_loop3A_413[0] : f32 from vector<1xf32>
      %parallel_loop3A_415 = vector.broadcast %parallel_loop3A_414 : f32 to vector<16xf32>
      %parallel_loop3A_416 = arith.mulf %parallel_loop3A_412, %parallel_loop3A_415 : vector<16xf32>
      %parallel_loop3A_417 = arith.index_cast %parallel_loop3A_308 : i32 to index
      %parallel_loop3A_418 = arith.constant 96 : index
      %parallel_loop3A_419 = tpu.vector_load %arg15[%parallel_loop3A_417, %parallel_loop3A_418] {strides = array<i32>} : memref<80x144xf32, #tpu.memory_space<vmem>>, vector<1x16xf32>,
      %parallel_loop3A_420 = vector.shape_cast %parallel_loop3A_419 : vector<1x16xf32> to vector<16xf32>
      %parallel_loop3A_421 = vector.shape_cast %parallel_loop3A_416 : vector<16xf32> to vector<1x16xf32>
      tpu.vector_store %arg15[%parallel_loop3A_417, %parallel_loop3A_418], %parallel_loop3A_421 {strides = array<i32>} : memref<80x144xf32, #tpu.memory_space<vmem>>, vector<1x16xf32>,
      %parallel_loop3A_422 = arith.index_cast %parallel_loop3A_308 : i32 to index
      %parallel_loop3A_423 = arith.constant 112 : index
      %parallel_loop3A_424 = tpu.vector_load %arg15[%parallel_loop3A_422, %parallel_loop3A_423] {strides = array<i32>} : memref<80x144xf32, #tpu.memory_space<vmem>>, vector<1x16xf32>,
      %parallel_loop3A_425 = vector.shape_cast %parallel_loop3A_424 : vector<1x16xf32> to vector<16xf32>
      %parallel_loop3A_426 = vector.extract_strided_slice %parallel_loop3A_325 {offsets = [7], sizes = [1], strides = [1]} : vector<16xf32> to vector<1xf32>
      %parallel_loop3A_427 = vector.extract %parallel_loop3A_426[0] : f32 from vector<1xf32>
      %parallel_loop3A_428 = vector.broadcast %parallel_loop3A_427 : f32 to vector<16xf32>
      %parallel_loop3A_429 = arith.mulf %parallel_loop3A_425, %parallel_loop3A_428 : vector<16xf32>
      %parallel_loop3A_430 = arith.index_cast %parallel_loop3A_308 : i32 to index
      %parallel_loop3A_431 = arith.constant 112 : index
      %parallel_loop3A_432 = tpu.vector_load %arg15[%parallel_loop3A_430, %parallel_loop3A_431] {strides = array<i32>} : memref<80x144xf32, #tpu.memory_space<vmem>>, vector<1x16xf32>,
      %parallel_loop3A_433 = vector.shape_cast %parallel_loop3A_432 : vector<1x16xf32> to vector<16xf32>
      %parallel_loop3A_434 = vector.shape_cast %parallel_loop3A_429 : vector<16xf32> to vector<1x16xf32>
      tpu.vector_store %arg15[%parallel_loop3A_430, %parallel_loop3A_431], %parallel_loop3A_434 {strides = array<i32>} : memref<80x144xf32, #tpu.memory_space<vmem>>, vector<1x16xf32>,
    } {sc.loop_unroll_factor = 2 : i64, sc.parallel_access}
    %dma_start3A_168 = arith.constant 1 : i32
    %dma_start3A_169 = arith.constant 40 : i32
    %dma_start3A_170 = arith.constant 0 : i32
    %dma_start3A_171 = tpu.memref_slice %arg15[%dma_start3A_169, %dma_start3A_170] : memref<80x144xf32, #tpu.memory_space<vmem>> -> memref<40x144xf32, #tpu.memory_space<vmem>>
    %dma_start3A_172 = arith.constant 0 : i32
    %dma_start3A_173 = tpu.memref_slice %arg9[%dma_start3A_168, %dma_start3A_172] : memref<2x40xi32, #tpu.memory_space<vmem>> -> memref<1x40xi32, #tpu.memory_space<vmem>>
    %dma_start3A_174 = tpu.memref_squeeze %dma_start3A_173 : memref<1x40xi32, #tpu.memory_space<vmem>> -> memref<40xi32, #tpu.memory_space<vmem>>
    %dma_start3A_175 = arith.constant 0 : i32
    %dma_start3A_176 = arith.constant 0 : i32
    %dma_start3A_177 = tpu.memref_slice %arg17[%dma_start3A_175, %dma_start3A_176] : memref<10112x144xf32, #tpu.memory_space<vmem_shared>> -> memref<10112x144xf32, #tpu.memory_space<vmem_shared>>
    tpu.enqueue_indirect_dma source(%dma_start3A_171 : memref<40x144xf32, #tpu.memory_space<vmem>>) target(%dma_start3A_177 : memref<10112x144xf32, #tpu.memory_space<vmem_shared>>) offsets(%dma_start3A_174 : memref<40xi32, #tpu.memory_space<vmem>>) semaphore(%arg24 : memref<!tpu.dma_semaphore, #tpu.memory_space<semaphore_mem>>) {add = true}
    %dma_wait3A_178 = arith.constant 0 : i32
    %dma_wait3A_179 = arith.constant 0 : i32
    %dma_wait3A_180 = arith.constant 0 : i32
    %dma_wait3A_181 = tpu.memref_slice %arg15[%dma_wait3A_179, %dma_wait3A_180] : memref<80x144xf32, #tpu.memory_space<vmem>> -> memref<40x144xf32, #tpu.memory_space<vmem>>
    %dma_wait3A_182 = arith.constant 0 : i32
    %dma_wait3A_183 = tpu.memref_slice %arg9[%dma_wait3A_178, %dma_wait3A_182] : memref<2x40xi32, #tpu.memory_space<vmem>> -> memref<1x40xi32, #tpu.memory_space<vmem>>
    %dma_wait3A_184 = tpu.memref_squeeze %dma_wait3A_183 : memref<1x40xi32, #tpu.memory_space<vmem>> -> memref<40xi32, #tpu.memory_space<vmem>>
    %dma_wait3A_185 = arith.constant 0 : i32
    %dma_wait3A_186 = arith.constant 0 : i32
    %dma_wait3A_187 = tpu.memref_slice %arg17[%dma_wait3A_185, %dma_wait3A_186] : memref<10112x144xf32, #tpu.memory_space<vmem_shared>> -> memref<10112x144xf32, #tpu.memory_space<vmem_shared>>
    tpu.wait_indirect_dma semaphore(%arg24 : memref<!tpu.dma_semaphore, #tpu.memory_space<semaphore_mem>>) src(%dma_wait3A_181 : memref<40x144xf32, #tpu.memory_space<vmem>>) dst(%dma_wait3A_187 : memref<10112x144xf32, #tpu.memory_space<vmem_shared>>)
    %dma_wait3A_188 = arith.constant 1 : i32
    %dma_wait3A_189 = arith.constant 40 : i32
    %dma_wait3A_190 = arith.constant 0 : i32
    %dma_wait3A_191 = tpu.memref_slice %arg15[%dma_wait3A_189, %dma_wait3A_190] : memref<80x144xf32, #tpu.memory_space<vmem>> -> memref<40x144xf32, #tpu.memory_space<vmem>>
    %dma_wait3A_192 = arith.constant 0 : i32
    %dma_wait3A_193 = tpu.memref_slice %arg9[%dma_wait3A_188, %dma_wait3A_192] : memref<2x40xi32, #tpu.memory_space<vmem>> -> memref<1x40xi32, #tpu.memory_space<vmem>>
    %dma_wait3A_194 = tpu.memref_squeeze %dma_wait3A_193 : memref<1x40xi32, #tpu.memory_space<vmem>> -> memref<40xi32, #tpu.memory_space<vmem>>
    %dma_wait3A_195 = arith.constant 0 : i32
    %dma_wait3A_196 = arith.constant 0 : i32
    %dma_wait3A_197 = tpu.memref_slice %arg17[%dma_wait3A_195, %dma_wait3A_196] : memref<10112x144xf32, #tpu.memory_space<vmem_shared>> -> memref<10112x144xf32, #tpu.memory_space<vmem_shared>>
    tpu.wait_indirect_dma semaphore(%arg24 : memref<!tpu.dma_semaphore, #tpu.memory_space<semaphore_mem>>) src(%dma_wait3A_191 : memref<40x144xf32, #tpu.memory_space<vmem>>) dst(%dma_wait3A_197 : memref<10112x144xf32, #tpu.memory_space<vmem_shared>>)
    %barrier3A_198 = arith.constant 0 : index
    tpu.barrier barrier_id(%barrier3A_198)
    %mul3A_199 = arith.constant 632 : i32
    %mul3A_200 = arith.muli %arg1, %mul3A_199 : i32
    %add3A_201 = arith.constant 0 : i32
    %add3A_202 = arith.addi %mul3A_200, %add3A_201 : i32
    "tpu.region"() ({
      %run_scoped3A = tpu.sem_alloc : memref<!tpu.dma_semaphore, #tpu.memory_space<semaphore_mem>>
      %dma_start3A_308 = arith.constant 0 : i32
      %dma_start3A_309 = arith.constant 0 : i32
      %dma_start3A_310 = tpu.memref_slice %arg15[%dma_start3A_308, %dma_start3A_309] : memref<80x144xf32, #tpu.memory_space<vmem>> -> memref<80x144xf32, #tpu.memory_space<vmem>>
      %dma_start3A_311 = arith.constant 0 : i32
      %dma_start3A_312 = tpu.memref_slice %arg17[%add3A_202, %dma_start3A_311] : memref<10112x144xf32, #tpu.memory_space<vmem_shared>> -> memref<80x144xf32, #tpu.memory_space<vmem_shared>>
      %dma_start3A_313 = arith.constant 0 : i32
      %dma_start3A_314 = arith.constant 0 : i32
      %dma_start3A_315 = tpu.memref_slice %arg15[%dma_start3A_313, %dma_start3A_314] : memref<80x144xf32, #tpu.memory_space<vmem>> -> memref<80x144xf32, #tpu.memory_space<vmem>>
      %dma_start3A_316 = arith.constant 0 : i32
      %dma_start3A_317 = tpu.memref_slice %arg17[%add3A_202, %dma_start3A_316] : memref<10112x144xf32, #tpu.memory_space<vmem_shared>> -> memref<80x144xf32, #tpu.memory_space<vmem_shared>>
      tpu.enqueue_dma source(%dma_start3A_317 : memref<80x144xf32, #tpu.memory_space<vmem_shared>>) target(%dma_start3A_315 : memref<80x144xf32, #tpu.memory_space<vmem>>) target_semaphore(%run_scoped3A : memref<!tpu.dma_semaphore, #tpu.memory_space<semaphore_mem>>)
      %dma_wait3A_318 = arith.constant 0 : i32
      %dma_wait3A_319 = arith.constant 0 : i32
      %dma_wait3A_320 = tpu.memref_slice %arg15[%dma_wait3A_318, %dma_wait3A_319] : memref<80x144xf32, #tpu.memory_space<vmem>> -> memref<80x144xf32, #tpu.memory_space<vmem>>
      %dma_wait3A_321 = arith.constant 0 : i32
      %dma_wait3A_322 = tpu.memref_slice %arg17[%add3A_202, %dma_wait3A_321] : memref<10112x144xf32, #tpu.memory_space<vmem_shared>> -> memref<80x144xf32, #tpu.memory_space<vmem_shared>>
      %dma_wait3A_323 = arith.constant 0 : i32
      %dma_wait3A_324 = arith.constant 0 : i32
      %dma_wait3A_325 = tpu.memref_slice %arg15[%dma_wait3A_323, %dma_wait3A_324] : memref<80x144xf32, #tpu.memory_space<vmem>> -> memref<80x144xf32, #tpu.memory_space<vmem>>
      %dma_wait3A_326 = arith.constant 0 : i32
      %dma_wait3A_327 = tpu.memref_slice %arg17[%add3A_202, %dma_wait3A_326] : memref<10112x144xf32, #tpu.memory_space<vmem_shared>> -> memref<80x144xf32, #tpu.memory_space<vmem_shared>>
      tpu.wait_dma2 semaphore(%run_scoped3A : memref<!tpu.dma_semaphore, #tpu.memory_space<semaphore_mem>>) src(%dma_wait3A_327 : memref<80x144xf32, #tpu.memory_space<vmem_shared>>) dst(%dma_wait3A_325 : memref<80x144xf32, #tpu.memory_space<vmem>>)
      tpu.yield
    }) : () -> ()
    %eq3A = arith.constant 0 : i32
    %eq3A_203 = arith.cmpi eq, %arg0, %eq3A : i32
    %convert_element_type3A = arith.extui %eq3A_203 : i1 to i32
    %cond3A = arith.constant 0 : i32
    %cond3A_204 = arith.cmpi ne, %convert_element_type3A, %cond3A : i32
    scf.if %cond3A_204 {
      "tpu.region"() ({
        %run_scoped3A = tpu.sem_alloc : memref<!tpu.dma_semaphore, #tpu.memory_space<semaphore_mem>>
        %dma_start3A_308 = arith.constant 0 : i32
        %dma_start3A_309 = arith.constant 0 : i32
        %dma_start3A_310 = tpu.memref_slice %arg15[%dma_start3A_308, %dma_start3A_309] : memref<80x144xf32, #tpu.memory_space<vmem>> -> memref<80x144xf32, #tpu.memory_space<vmem>>
        %dma_start3A_311 = arith.constant 0 : i32
        %dma_start3A_312 = tpu.memref_slice %arg6[%add3A_202, %dma_start3A_311] : memref<10112x144xf32, #tpu.memory_space<hbm>> -> memref<80x144xf32, #tpu.memory_space<hbm>>
        %dma_start3A_313 = arith.constant 0 : i32
        %dma_start3A_314 = tpu.memref_slice %arg6[%add3A_202, %dma_start3A_313] : memref<10112x144xf32, #tpu.memory_space<hbm>> -> memref<80x144xf32, #tpu.memory_space<hbm>>
        %dma_start3A_315 = arith.constant 0 : i32
        %dma_start3A_316 = arith.constant 0 : i32
        %dma_start3A_317 = tpu.memref_slice %arg15[%dma_start3A_315, %dma_start3A_316] : memref<80x144xf32, #tpu.memory_space<vmem>> -> memref<80x144xf32, #tpu.memory_space<vmem>>
        tpu.enqueue_dma source(%dma_start3A_317 : memref<80x144xf32, #tpu.memory_space<vmem>>) target(%dma_start3A_314 : memref<80x144xf32, #tpu.memory_space<hbm>>) target_semaphore(%run_scoped3A : memref<!tpu.dma_semaphore, #tpu.memory_space<semaphore_mem>>)
        %dma_wait3A_318 = arith.constant 0 : i32
        %dma_wait3A_319 = arith.constant 0 : i32
        %dma_wait3A_320 = tpu.memref_slice %arg15[%dma_wait3A_318, %dma_wait3A_319] : memref<80x144xf32, #tpu.memory_space<vmem>> -> memref<80x144xf32, #tpu.memory_space<vmem>>
        %dma_wait3A_321 = arith.constant 0 : i32
        %dma_wait3A_322 = tpu.memref_slice %arg6[%add3A_202, %dma_wait3A_321] : memref<10112x144xf32, #tpu.memory_space<hbm>> -> memref<80x144xf32, #tpu.memory_space<hbm>>
        %dma_wait3A_323 = arith.constant 0 : i32
        %dma_wait3A_324 = tpu.memref_slice %arg6[%add3A_202, %dma_wait3A_323] : memref<10112x144xf32, #tpu.memory_space<hbm>> -> memref<80x144xf32, #tpu.memory_space<hbm>>
        %dma_wait3A_325 = arith.constant 0 : i32
        %dma_wait3A_326 = arith.constant 0 : i32
        %dma_wait3A_327 = tpu.memref_slice %arg15[%dma_wait3A_325, %dma_wait3A_326] : memref<80x144xf32, #tpu.memory_space<vmem>> -> memref<80x144xf32, #tpu.memory_space<vmem>>
        tpu.wait_dma2 semaphore(%run_scoped3A : memref<!tpu.dma_semaphore, #tpu.memory_space<semaphore_mem>>) src(%dma_wait3A_327 : memref<80x144xf32, #tpu.memory_space<vmem>>) dst(%dma_wait3A_324 : memref<80x144xf32, #tpu.memory_space<hbm>>)
        tpu.yield
      }) : () -> ()
    } else {
    }
    %eq3A_205 = arith.constant 1 : i32
    %eq3A_206 = arith.cmpi eq, %arg0, %eq3A_205 : i32
    %convert_element_type3A_207 = arith.extui %eq3A_206 : i1 to i32
    %cond3A_208 = arith.constant 0 : i32
    %cond3A_209 = arith.cmpi ne, %convert_element_type3A_207, %cond3A_208 : i32
    scf.if %cond3A_209 {
      "tpu.region"() ({
        %run_scoped3A = tpu.sem_alloc : memref<!tpu.dma_semaphore, #tpu.memory_space<semaphore_mem>>
        %dma_start3A_308 = arith.constant 0 : i32
        %dma_start3A_309 = arith.constant 0 : i32
        %dma_start3A_310 = tpu.memref_slice %arg15[%dma_start3A_308, %dma_start3A_309] : memref<80x144xf32, #tpu.memory_space<vmem>> -> memref<80x144xf32, #tpu.memory_space<vmem>>
        %dma_start3A_311 = arith.constant 0 : i32
        %dma_start3A_312 = tpu.memref_slice %arg7[%add3A_202, %dma_start3A_311] : memref<10112x144xf32, #tpu.memory_space<hbm>> -> memref<80x144xf32, #tpu.memory_space<hbm>>
        %dma_start3A_313 = arith.constant 0 : i32
        %dma_start3A_314 = tpu.memref_slice %arg7[%add3A_202, %dma_start3A_313] : memref<10112x144xf32, #tpu.memory_space<hbm>> -> memref<80x144xf32, #tpu.memory_space<hbm>>
        %dma_start3A_315 = arith.constant 0 : i32
        %dma_start3A_316 = arith.constant 0 : i32
        %dma_start3A_317 = tpu.memref_slice %arg15[%dma_start3A_315, %dma_start3A_316] : memref<80x144xf32, #tpu.memory_space<vmem>> -> memref<80x144xf32, #tpu.memory_space<vmem>>
        tpu.enqueue_dma source(%dma_start3A_317 : memref<80x144xf32, #tpu.memory_space<vmem>>) target(%dma_start3A_314 : memref<80x144xf32, #tpu.memory_space<hbm>>) target_semaphore(%run_scoped3A : memref<!tpu.dma_semaphore, #tpu.memory_space<semaphore_mem>>)
        %dma_wait3A_318 = arith.constant 0 : i32
        %dma_wait3A_319 = arith.constant 0 : i32
        %dma_wait3A_320 = tpu.memref_slice %arg15[%dma_wait3A_318, %dma_wait3A_319] : memref<80x144xf32, #tpu.memory_space<vmem>> -> memref<80x144xf32, #tpu.memory_space<vmem>>
        %dma_wait3A_321 = arith.constant 0 : i32
        %dma_wait3A_322 = tpu.memref_slice %arg7[%add3A_202, %dma_wait3A_321] : memref<10112x144xf32, #tpu.memory_space<hbm>> -> memref<80x144xf32, #tpu.memory_space<hbm>>
        %dma_wait3A_323 = arith.constant 0 : i32
        %dma_wait3A_324 = tpu.memref_slice %arg7[%add3A_202, %dma_wait3A_323] : memref<10112x144xf32, #tpu.memory_space<hbm>> -> memref<80x144xf32, #tpu.memory_space<hbm>>
        %dma_wait3A_325 = arith.constant 0 : i32
        %dma_wait3A_326 = arith.constant 0 : i32
        %dma_wait3A_327 = tpu.memref_slice %arg15[%dma_wait3A_325, %dma_wait3A_326] : memref<80x144xf32, #tpu.memory_space<vmem>> -> memref<80x144xf32, #tpu.memory_space<vmem>>
        tpu.wait_dma2 semaphore(%run_scoped3A : memref<!tpu.dma_semaphore, #tpu.memory_space<semaphore_mem>>) src(%dma_wait3A_327 : memref<80x144xf32, #tpu.memory_space<vmem>>) dst(%dma_wait3A_324 : memref<80x144xf32, #tpu.memory_space<hbm>>)
        tpu.yield
      }) : () -> ()
    } else {
    }
    %mul3A_210 = arith.constant 632 : i32
    %mul3A_211 = arith.muli %arg1, %mul3A_210 : i32
    %add3A_212 = arith.constant 80 : i32
    %add3A_213 = arith.addi %mul3A_211, %add3A_212 : i32
    "tpu.region"() ({
      %run_scoped3A = tpu.sem_alloc : memref<!tpu.dma_semaphore, #tpu.memory_space<semaphore_mem>>
      %dma_start3A_308 = arith.constant 0 : i32
      %dma_start3A_309 = arith.constant 0 : i32
      %dma_start3A_310 = tpu.memref_slice %arg15[%dma_start3A_308, %dma_start3A_309] : memref<80x144xf32, #tpu.memory_space<vmem>> -> memref<80x144xf32, #tpu.memory_space<vmem>>
      %dma_start3A_311 = arith.constant 0 : i32
      %dma_start3A_312 = tpu.memref_slice %arg17[%add3A_213, %dma_start3A_311] : memref<10112x144xf32, #tpu.memory_space<vmem_shared>> -> memref<80x144xf32, #tpu.memory_space<vmem_shared>>
      %dma_start3A_313 = arith.constant 0 : i32
      %dma_start3A_314 = arith.constant 0 : i32
      %dma_start3A_315 = tpu.memref_slice %arg15[%dma_start3A_313, %dma_start3A_314] : memref<80x144xf32, #tpu.memory_space<vmem>> -> memref<80x144xf32, #tpu.memory_space<vmem>>
      %dma_start3A_316 = arith.constant 0 : i32
      %dma_start3A_317 = tpu.memref_slice %arg17[%add3A_213, %dma_start3A_316] : memref<10112x144xf32, #tpu.memory_space<vmem_shared>> -> memref<80x144xf32, #tpu.memory_space<vmem_shared>>
      tpu.enqueue_dma source(%dma_start3A_317 : memref<80x144xf32, #tpu.memory_space<vmem_shared>>) target(%dma_start3A_315 : memref<80x144xf32, #tpu.memory_space<vmem>>) target_semaphore(%run_scoped3A : memref<!tpu.dma_semaphore, #tpu.memory_space<semaphore_mem>>)
      %dma_wait3A_318 = arith.constant 0 : i32
      %dma_wait3A_319 = arith.constant 0 : i32
      %dma_wait3A_320 = tpu.memref_slice %arg15[%dma_wait3A_318, %dma_wait3A_319] : memref<80x144xf32, #tpu.memory_space<vmem>> -> memref<80x144xf32, #tpu.memory_space<vmem>>
      %dma_wait3A_321 = arith.constant 0 : i32
      %dma_wait3A_322 = tpu.memref_slice %arg17[%add3A_213, %dma_wait3A_321] : memref<10112x144xf32, #tpu.memory_space<vmem_shared>> -> memref<80x144xf32, #tpu.memory_space<vmem_shared>>
      %dma_wait3A_323 = arith.constant 0 : i32
      %dma_wait3A_324 = arith.constant 0 : i32
      %dma_wait3A_325 = tpu.memref_slice %arg15[%dma_wait3A_323, %dma_wait3A_324] : memref<80x144xf32, #tpu.memory_space<vmem>> -> memref<80x144xf32, #tpu.memory_space<vmem>>
      %dma_wait3A_326 = arith.constant 0 : i32
      %dma_wait3A_327 = tpu.memref_slice %arg17[%add3A_213, %dma_wait3A_326] : memref<10112x144xf32, #tpu.memory_space<vmem_shared>> -> memref<80x144xf32, #tpu.memory_space<vmem_shared>>
      tpu.wait_dma2 semaphore(%run_scoped3A : memref<!tpu.dma_semaphore, #tpu.memory_space<semaphore_mem>>) src(%dma_wait3A_327 : memref<80x144xf32, #tpu.memory_space<vmem_shared>>) dst(%dma_wait3A_325 : memref<80x144xf32, #tpu.memory_space<vmem>>)
      tpu.yield
    }) : () -> ()
    %eq3A_214 = arith.constant 0 : i32
    %eq3A_215 = arith.cmpi eq, %arg0, %eq3A_214 : i32
    %convert_element_type3A_216 = arith.extui %eq3A_215 : i1 to i32
    %cond3A_217 = arith.constant 0 : i32
    %cond3A_218 = arith.cmpi ne, %convert_element_type3A_216, %cond3A_217 : i32
    scf.if %cond3A_218 {
      "tpu.region"() ({
        %run_scoped3A = tpu.sem_alloc : memref<!tpu.dma_semaphore, #tpu.memory_space<semaphore_mem>>
        %dma_start3A_308 = arith.constant 0 : i32
        %dma_start3A_309 = arith.constant 0 : i32
        %dma_start3A_310 = tpu.memref_slice %arg15[%dma_start3A_308, %dma_start3A_309] : memref<80x144xf32, #tpu.memory_space<vmem>> -> memref<80x144xf32, #tpu.memory_space<vmem>>
        %dma_start3A_311 = arith.constant 0 : i32
        %dma_start3A_312 = tpu.memref_slice %arg6[%add3A_213, %dma_start3A_311] : memref<10112x144xf32, #tpu.memory_space<hbm>> -> memref<80x144xf32, #tpu.memory_space<hbm>>
        %dma_start3A_313 = arith.constant 0 : i32
        %dma_start3A_314 = tpu.memref_slice %arg6[%add3A_213, %dma_start3A_313] : memref<10112x144xf32, #tpu.memory_space<hbm>> -> memref<80x144xf32, #tpu.memory_space<hbm>>
        %dma_start3A_315 = arith.constant 0 : i32
        %dma_start3A_316 = arith.constant 0 : i32
        %dma_start3A_317 = tpu.memref_slice %arg15[%dma_start3A_315, %dma_start3A_316] : memref<80x144xf32, #tpu.memory_space<vmem>> -> memref<80x144xf32, #tpu.memory_space<vmem>>
        tpu.enqueue_dma source(%dma_start3A_317 : memref<80x144xf32, #tpu.memory_space<vmem>>) target(%dma_start3A_314 : memref<80x144xf32, #tpu.memory_space<hbm>>) target_semaphore(%run_scoped3A : memref<!tpu.dma_semaphore, #tpu.memory_space<semaphore_mem>>)
        %dma_wait3A_318 = arith.constant 0 : i32
        %dma_wait3A_319 = arith.constant 0 : i32
        %dma_wait3A_320 = tpu.memref_slice %arg15[%dma_wait3A_318, %dma_wait3A_319] : memref<80x144xf32, #tpu.memory_space<vmem>> -> memref<80x144xf32, #tpu.memory_space<vmem>>
        %dma_wait3A_321 = arith.constant 0 : i32
        %dma_wait3A_322 = tpu.memref_slice %arg6[%add3A_213, %dma_wait3A_321] : memref<10112x144xf32, #tpu.memory_space<hbm>> -> memref<80x144xf32, #tpu.memory_space<hbm>>
        %dma_wait3A_323 = arith.constant 0 : i32
        %dma_wait3A_324 = tpu.memref_slice %arg6[%add3A_213, %dma_wait3A_323] : memref<10112x144xf32, #tpu.memory_space<hbm>> -> memref<80x144xf32, #tpu.memory_space<hbm>>
        %dma_wait3A_325 = arith.constant 0 : i32
        %dma_wait3A_326 = arith.constant 0 : i32
        %dma_wait3A_327 = tpu.memref_slice %arg15[%dma_wait3A_325, %dma_wait3A_326] : memref<80x144xf32, #tpu.memory_space<vmem>> -> memref<80x144xf32, #tpu.memory_space<vmem>>
        tpu.wait_dma2 semaphore(%run_scoped3A : memref<!tpu.dma_semaphore, #tpu.memory_space<semaphore_mem>>) src(%dma_wait3A_327 : memref<80x144xf32, #tpu.memory_space<vmem>>) dst(%dma_wait3A_324 : memref<80x144xf32, #tpu.memory_space<hbm>>)
        tpu.yield
      }) : () -> ()
    } else {
    }
    %eq3A_219 = arith.constant 1 : i32
    %eq3A_220 = arith.cmpi eq, %arg0, %eq3A_219 : i32
    %convert_element_type3A_221 = arith.extui %eq3A_220 : i1 to i32
    %cond3A_222 = arith.constant 0 : i32
    %cond3A_223 = arith.cmpi ne, %convert_element_type3A_221, %cond3A_222 : i32
    scf.if %cond3A_223 {
      "tpu.region"() ({
        %run_scoped3A = tpu.sem_alloc : memref<!tpu.dma_semaphore, #tpu.memory_space<semaphore_mem>>
        %dma_start3A_308 = arith.constant 0 : i32
        %dma_start3A_309 = arith.constant 0 : i32
        %dma_start3A_310 = tpu.memref_slice %arg15[%dma_start3A_308, %dma_start3A_309] : memref<80x144xf32, #tpu.memory_space<vmem>> -> memref<80x144xf32, #tpu.memory_space<vmem>>
        %dma_start3A_311 = arith.constant 0 : i32
        %dma_start3A_312 = tpu.memref_slice %arg7[%add3A_213, %dma_start3A_311] : memref<10112x144xf32, #tpu.memory_space<hbm>> -> memref<80x144xf32, #tpu.memory_space<hbm>>
        %dma_start3A_313 = arith.constant 0 : i32
        %dma_start3A_314 = tpu.memref_slice %arg7[%add3A_213, %dma_start3A_313] : memref<10112x144xf32, #tpu.memory_space<hbm>> -> memref<80x144xf32, #tpu.memory_space<hbm>>
        %dma_start3A_315 = arith.constant 0 : i32
        %dma_start3A_316 = arith.constant 0 : i32
        %dma_start3A_317 = tpu.memref_slice %arg15[%dma_start3A_315, %dma_start3A_316] : memref<80x144xf32, #tpu.memory_space<vmem>> -> memref<80x144xf32, #tpu.memory_space<vmem>>
        tpu.enqueue_dma source(%dma_start3A_317 : memref<80x144xf32, #tpu.memory_space<vmem>>) target(%dma_start3A_314 : memref<80x144xf32, #tpu.memory_space<hbm>>) target_semaphore(%run_scoped3A : memref<!tpu.dma_semaphore, #tpu.memory_space<semaphore_mem>>)
        %dma_wait3A_318 = arith.constant 0 : i32
        %dma_wait3A_319 = arith.constant 0 : i32
        %dma_wait3A_320 = tpu.memref_slice %arg15[%dma_wait3A_318, %dma_wait3A_319] : memref<80x144xf32, #tpu.memory_space<vmem>> -> memref<80x144xf32, #tpu.memory_space<vmem>>
        %dma_wait3A_321 = arith.constant 0 : i32
        %dma_wait3A_322 = tpu.memref_slice %arg7[%add3A_213, %dma_wait3A_321] : memref<10112x144xf32, #tpu.memory_space<hbm>> -> memref<80x144xf32, #tpu.memory_space<hbm>>
        %dma_wait3A_323 = arith.constant 0 : i32
        %dma_wait3A_324 = tpu.memref_slice %arg7[%add3A_213, %dma_wait3A_323] : memref<10112x144xf32, #tpu.memory_space<hbm>> -> memref<80x144xf32, #tpu.memory_space<hbm>>
        %dma_wait3A_325 = arith.constant 0 : i32
        %dma_wait3A_326 = arith.constant 0 : i32
        %dma_wait3A_327 = tpu.memref_slice %arg15[%dma_wait3A_325, %dma_wait3A_326] : memref<80x144xf32, #tpu.memory_space<vmem>> -> memref<80x144xf32, #tpu.memory_space<vmem>>
        tpu.wait_dma2 semaphore(%run_scoped3A : memref<!tpu.dma_semaphore, #tpu.memory_space<semaphore_mem>>) src(%dma_wait3A_327 : memref<80x144xf32, #tpu.memory_space<vmem>>) dst(%dma_wait3A_324 : memref<80x144xf32, #tpu.memory_space<hbm>>)
        tpu.yield
      }) : () -> ()
    } else {
    }
    %mul3A_224 = arith.constant 632 : i32
    %mul3A_225 = arith.muli %arg1, %mul3A_224 : i32
    %add3A_226 = arith.constant 160 : i32
    %add3A_227 = arith.addi %mul3A_225, %add3A_226 : i32
    "tpu.region"() ({
      %run_scoped3A = tpu.sem_alloc : memref<!tpu.dma_semaphore, #tpu.memory_space<semaphore_mem>>
      %dma_start3A_308 = arith.constant 0 : i32
      %dma_start3A_309 = arith.constant 0 : i32
      %dma_start3A_310 = tpu.memref_slice %arg15[%dma_start3A_308, %dma_start3A_309] : memref<80x144xf32, #tpu.memory_space<vmem>> -> memref<80x144xf32, #tpu.memory_space<vmem>>
      %dma_start3A_311 = arith.constant 0 : i32
      %dma_start3A_312 = tpu.memref_slice %arg17[%add3A_227, %dma_start3A_311] : memref<10112x144xf32, #tpu.memory_space<vmem_shared>> -> memref<80x144xf32, #tpu.memory_space<vmem_shared>>
      %dma_start3A_313 = arith.constant 0 : i32
      %dma_start3A_314 = arith.constant 0 : i32
      %dma_start3A_315 = tpu.memref_slice %arg15[%dma_start3A_313, %dma_start3A_314] : memref<80x144xf32, #tpu.memory_space<vmem>> -> memref<80x144xf32, #tpu.memory_space<vmem>>
      %dma_start3A_316 = arith.constant 0 : i32
      %dma_start3A_317 = tpu.memref_slice %arg17[%add3A_227, %dma_start3A_316] : memref<10112x144xf32, #tpu.memory_space<vmem_shared>> -> memref<80x144xf32, #tpu.memory_space<vmem_shared>>
      tpu.enqueue_dma source(%dma_start3A_317 : memref<80x144xf32, #tpu.memory_space<vmem_shared>>) target(%dma_start3A_315 : memref<80x144xf32, #tpu.memory_space<vmem>>) target_semaphore(%run_scoped3A : memref<!tpu.dma_semaphore, #tpu.memory_space<semaphore_mem>>)
      %dma_wait3A_318 = arith.constant 0 : i32
      %dma_wait3A_319 = arith.constant 0 : i32
      %dma_wait3A_320 = tpu.memref_slice %arg15[%dma_wait3A_318, %dma_wait3A_319] : memref<80x144xf32, #tpu.memory_space<vmem>> -> memref<80x144xf32, #tpu.memory_space<vmem>>
      %dma_wait3A_321 = arith.constant 0 : i32
      %dma_wait3A_322 = tpu.memref_slice %arg17[%add3A_227, %dma_wait3A_321] : memref<10112x144xf32, #tpu.memory_space<vmem_shared>> -> memref<80x144xf32, #tpu.memory_space<vmem_shared>>
      %dma_wait3A_323 = arith.constant 0 : i32
      %dma_wait3A_324 = arith.constant 0 : i32
      %dma_wait3A_325 = tpu.memref_slice %arg15[%dma_wait3A_323, %dma_wait3A_324] : memref<80x144xf32, #tpu.memory_space<vmem>> -> memref<80x144xf32, #tpu.memory_space<vmem>>
      %dma_wait3A_326 = arith.constant 0 : i32
      %dma_wait3A_327 = tpu.memref_slice %arg17[%add3A_227, %dma_wait3A_326] : memref<10112x144xf32, #tpu.memory_space<vmem_shared>> -> memref<80x144xf32, #tpu.memory_space<vmem_shared>>
      tpu.wait_dma2 semaphore(%run_scoped3A : memref<!tpu.dma_semaphore, #tpu.memory_space<semaphore_mem>>) src(%dma_wait3A_327 : memref<80x144xf32, #tpu.memory_space<vmem_shared>>) dst(%dma_wait3A_325 : memref<80x144xf32, #tpu.memory_space<vmem>>)
      tpu.yield
    }) : () -> ()
    %eq3A_228 = arith.constant 0 : i32
    %eq3A_229 = arith.cmpi eq, %arg0, %eq3A_228 : i32
    %convert_element_type3A_230 = arith.extui %eq3A_229 : i1 to i32
    %cond3A_231 = arith.constant 0 : i32
    %cond3A_232 = arith.cmpi ne, %convert_element_type3A_230, %cond3A_231 : i32
    scf.if %cond3A_232 {
      "tpu.region"() ({
        %run_scoped3A = tpu.sem_alloc : memref<!tpu.dma_semaphore, #tpu.memory_space<semaphore_mem>>
        %dma_start3A_308 = arith.constant 0 : i32
        %dma_start3A_309 = arith.constant 0 : i32
        %dma_start3A_310 = tpu.memref_slice %arg15[%dma_start3A_308, %dma_start3A_309] : memref<80x144xf32, #tpu.memory_space<vmem>> -> memref<80x144xf32, #tpu.memory_space<vmem>>
        %dma_start3A_311 = arith.constant 0 : i32
        %dma_start3A_312 = tpu.memref_slice %arg6[%add3A_227, %dma_start3A_311] : memref<10112x144xf32, #tpu.memory_space<hbm>> -> memref<80x144xf32, #tpu.memory_space<hbm>>
        %dma_start3A_313 = arith.constant 0 : i32
        %dma_start3A_314 = tpu.memref_slice %arg6[%add3A_227, %dma_start3A_313] : memref<10112x144xf32, #tpu.memory_space<hbm>> -> memref<80x144xf32, #tpu.memory_space<hbm>>
        %dma_start3A_315 = arith.constant 0 : i32
        %dma_start3A_316 = arith.constant 0 : i32
        %dma_start3A_317 = tpu.memref_slice %arg15[%dma_start3A_315, %dma_start3A_316] : memref<80x144xf32, #tpu.memory_space<vmem>> -> memref<80x144xf32, #tpu.memory_space<vmem>>
        tpu.enqueue_dma source(%dma_start3A_317 : memref<80x144xf32, #tpu.memory_space<vmem>>) target(%dma_start3A_314 : memref<80x144xf32, #tpu.memory_space<hbm>>) target_semaphore(%run_scoped3A : memref<!tpu.dma_semaphore, #tpu.memory_space<semaphore_mem>>)
        %dma_wait3A_318 = arith.constant 0 : i32
        %dma_wait3A_319 = arith.constant 0 : i32
        %dma_wait3A_320 = tpu.memref_slice %arg15[%dma_wait3A_318, %dma_wait3A_319] : memref<80x144xf32, #tpu.memory_space<vmem>> -> memref<80x144xf32, #tpu.memory_space<vmem>>
        %dma_wait3A_321 = arith.constant 0 : i32
        %dma_wait3A_322 = tpu.memref_slice %arg6[%add3A_227, %dma_wait3A_321] : memref<10112x144xf32, #tpu.memory_space<hbm>> -> memref<80x144xf32, #tpu.memory_space<hbm>>
        %dma_wait3A_323 = arith.constant 0 : i32
        %dma_wait3A_324 = tpu.memref_slice %arg6[%add3A_227, %dma_wait3A_323] : memref<10112x144xf32, #tpu.memory_space<hbm>> -> memref<80x144xf32, #tpu.memory_space<hbm>>
        %dma_wait3A_325 = arith.constant 0 : i32
        %dma_wait3A_326 = arith.constant 0 : i32
        %dma_wait3A_327 = tpu.memref_slice %arg15[%dma_wait3A_325, %dma_wait3A_326] : memref<80x144xf32, #tpu.memory_space<vmem>> -> memref<80x144xf32, #tpu.memory_space<vmem>>
        tpu.wait_dma2 semaphore(%run_scoped3A : memref<!tpu.dma_semaphore, #tpu.memory_space<semaphore_mem>>) src(%dma_wait3A_327 : memref<80x144xf32, #tpu.memory_space<vmem>>) dst(%dma_wait3A_324 : memref<80x144xf32, #tpu.memory_space<hbm>>)
        tpu.yield
      }) : () -> ()
    } else {
    }
    %eq3A_233 = arith.constant 1 : i32
    %eq3A_234 = arith.cmpi eq, %arg0, %eq3A_233 : i32
    %convert_element_type3A_235 = arith.extui %eq3A_234 : i1 to i32
    %cond3A_236 = arith.constant 0 : i32
    %cond3A_237 = arith.cmpi ne, %convert_element_type3A_235, %cond3A_236 : i32
    scf.if %cond3A_237 {
      "tpu.region"() ({
        %run_scoped3A = tpu.sem_alloc : memref<!tpu.dma_semaphore, #tpu.memory_space<semaphore_mem>>
        %dma_start3A_308 = arith.constant 0 : i32
        %dma_start3A_309 = arith.constant 0 : i32
        %dma_start3A_310 = tpu.memref_slice %arg15[%dma_start3A_308, %dma_start3A_309] : memref<80x144xf32, #tpu.memory_space<vmem>> -> memref<80x144xf32, #tpu.memory_space<vmem>>
        %dma_start3A_311 = arith.constant 0 : i32
        %dma_start3A_312 = tpu.memref_slice %arg7[%add3A_227, %dma_start3A_311] : memref<10112x144xf32, #tpu.memory_space<hbm>> -> memref<80x144xf32, #tpu.memory_space<hbm>>
        %dma_start3A_313 = arith.constant 0 : i32
        %dma_start3A_314 = tpu.memref_slice %arg7[%add3A_227, %dma_start3A_313] : memref<10112x144xf32, #tpu.memory_space<hbm>> -> memref<80x144xf32, #tpu.memory_space<hbm>>
        %dma_start3A_315 = arith.constant 0 : i32
        %dma_start3A_316 = arith.constant 0 : i32
        %dma_start3A_317 = tpu.memref_slice %arg15[%dma_start3A_315, %dma_start3A_316] : memref<80x144xf32, #tpu.memory_space<vmem>> -> memref<80x144xf32, #tpu.memory_space<vmem>>
        tpu.enqueue_dma source(%dma_start3A_317 : memref<80x144xf32, #tpu.memory_space<vmem>>) target(%dma_start3A_314 : memref<80x144xf32, #tpu.memory_space<hbm>>) target_semaphore(%run_scoped3A : memref<!tpu.dma_semaphore, #tpu.memory_space<semaphore_mem>>)
        %dma_wait3A_318 = arith.constant 0 : i32
        %dma_wait3A_319 = arith.constant 0 : i32
        %dma_wait3A_320 = tpu.memref_slice %arg15[%dma_wait3A_318, %dma_wait3A_319] : memref<80x144xf32, #tpu.memory_space<vmem>> -> memref<80x144xf32, #tpu.memory_space<vmem>>
        %dma_wait3A_321 = arith.constant 0 : i32
        %dma_wait3A_322 = tpu.memref_slice %arg7[%add3A_227, %dma_wait3A_321] : memref<10112x144xf32, #tpu.memory_space<hbm>> -> memref<80x144xf32, #tpu.memory_space<hbm>>
        %dma_wait3A_323 = arith.constant 0 : i32
        %dma_wait3A_324 = tpu.memref_slice %arg7[%add3A_227, %dma_wait3A_323] : memref<10112x144xf32, #tpu.memory_space<hbm>> -> memref<80x144xf32, #tpu.memory_space<hbm>>
        %dma_wait3A_325 = arith.constant 0 : i32
        %dma_wait3A_326 = arith.constant 0 : i32
        %dma_wait3A_327 = tpu.memref_slice %arg15[%dma_wait3A_325, %dma_wait3A_326] : memref<80x144xf32, #tpu.memory_space<vmem>> -> memref<80x144xf32, #tpu.memory_space<vmem>>
        tpu.wait_dma2 semaphore(%run_scoped3A : memref<!tpu.dma_semaphore, #tpu.memory_space<semaphore_mem>>) src(%dma_wait3A_327 : memref<80x144xf32, #tpu.memory_space<vmem>>) dst(%dma_wait3A_324 : memref<80x144xf32, #tpu.memory_space<hbm>>)
        tpu.yield
      }) : () -> ()
    } else {
    }
    %mul3A_238 = arith.constant 632 : i32
    %mul3A_239 = arith.muli %arg1, %mul3A_238 : i32
    %add3A_240 = arith.constant 240 : i32
    %add3A_241 = arith.addi %mul3A_239, %add3A_240 : i32
    "tpu.region"() ({
      %run_scoped3A = tpu.sem_alloc : memref<!tpu.dma_semaphore, #tpu.memory_space<semaphore_mem>>
      %dma_start3A_308 = arith.constant 0 : i32
      %dma_start3A_309 = arith.constant 0 : i32
      %dma_start3A_310 = tpu.memref_slice %arg15[%dma_start3A_308, %dma_start3A_309] : memref<80x144xf32, #tpu.memory_space<vmem>> -> memref<80x144xf32, #tpu.memory_space<vmem>>
      %dma_start3A_311 = arith.constant 0 : i32
      %dma_start3A_312 = tpu.memref_slice %arg17[%add3A_241, %dma_start3A_311] : memref<10112x144xf32, #tpu.memory_space<vmem_shared>> -> memref<80x144xf32, #tpu.memory_space<vmem_shared>>
      %dma_start3A_313 = arith.constant 0 : i32
      %dma_start3A_314 = arith.constant 0 : i32
      %dma_start3A_315 = tpu.memref_slice %arg15[%dma_start3A_313, %dma_start3A_314] : memref<80x144xf32, #tpu.memory_space<vmem>> -> memref<80x144xf32, #tpu.memory_space<vmem>>
      %dma_start3A_316 = arith.constant 0 : i32
      %dma_start3A_317 = tpu.memref_slice %arg17[%add3A_241, %dma_start3A_316] : memref<10112x144xf32, #tpu.memory_space<vmem_shared>> -> memref<80x144xf32, #tpu.memory_space<vmem_shared>>
      tpu.enqueue_dma source(%dma_start3A_317 : memref<80x144xf32, #tpu.memory_space<vmem_shared>>) target(%dma_start3A_315 : memref<80x144xf32, #tpu.memory_space<vmem>>) target_semaphore(%run_scoped3A : memref<!tpu.dma_semaphore, #tpu.memory_space<semaphore_mem>>)
      %dma_wait3A_318 = arith.constant 0 : i32
      %dma_wait3A_319 = arith.constant 0 : i32
      %dma_wait3A_320 = tpu.memref_slice %arg15[%dma_wait3A_318, %dma_wait3A_319] : memref<80x144xf32, #tpu.memory_space<vmem>> -> memref<80x144xf32, #tpu.memory_space<vmem>>
      %dma_wait3A_321 = arith.constant 0 : i32
      %dma_wait3A_322 = tpu.memref_slice %arg17[%add3A_241, %dma_wait3A_321] : memref<10112x144xf32, #tpu.memory_space<vmem_shared>> -> memref<80x144xf32, #tpu.memory_space<vmem_shared>>
      %dma_wait3A_323 = arith.constant 0 : i32
      %dma_wait3A_324 = arith.constant 0 : i32
      %dma_wait3A_325 = tpu.memref_slice %arg15[%dma_wait3A_323, %dma_wait3A_324] : memref<80x144xf32, #tpu.memory_space<vmem>> -> memref<80x144xf32, #tpu.memory_space<vmem>>
      %dma_wait3A_326 = arith.constant 0 : i32
      %dma_wait3A_327 = tpu.memref_slice %arg17[%add3A_241, %dma_wait3A_326] : memref<10112x144xf32, #tpu.memory_space<vmem_shared>> -> memref<80x144xf32, #tpu.memory_space<vmem_shared>>
      tpu.wait_dma2 semaphore(%run_scoped3A : memref<!tpu.dma_semaphore, #tpu.memory_space<semaphore_mem>>) src(%dma_wait3A_327 : memref<80x144xf32, #tpu.memory_space<vmem_shared>>) dst(%dma_wait3A_325 : memref<80x144xf32, #tpu.memory_space<vmem>>)
      tpu.yield
    }) : () -> ()
    %eq3A_242 = arith.constant 0 : i32
    %eq3A_243 = arith.cmpi eq, %arg0, %eq3A_242 : i32
    %convert_element_type3A_244 = arith.extui %eq3A_243 : i1 to i32
    %cond3A_245 = arith.constant 0 : i32
    %cond3A_246 = arith.cmpi ne, %convert_element_type3A_244, %cond3A_245 : i32
    scf.if %cond3A_246 {
      "tpu.region"() ({
        %run_scoped3A = tpu.sem_alloc : memref<!tpu.dma_semaphore, #tpu.memory_space<semaphore_mem>>
        %dma_start3A_308 = arith.constant 0 : i32
        %dma_start3A_309 = arith.constant 0 : i32
        %dma_start3A_310 = tpu.memref_slice %arg15[%dma_start3A_308, %dma_start3A_309] : memref<80x144xf32, #tpu.memory_space<vmem>> -> memref<80x144xf32, #tpu.memory_space<vmem>>
        %dma_start3A_311 = arith.constant 0 : i32
        %dma_start3A_312 = tpu.memref_slice %arg6[%add3A_241, %dma_start3A_311] : memref<10112x144xf32, #tpu.memory_space<hbm>> -> memref<80x144xf32, #tpu.memory_space<hbm>>
        %dma_start3A_313 = arith.constant 0 : i32
        %dma_start3A_314 = tpu.memref_slice %arg6[%add3A_241, %dma_start3A_313] : memref<10112x144xf32, #tpu.memory_space<hbm>> -> memref<80x144xf32, #tpu.memory_space<hbm>>
        %dma_start3A_315 = arith.constant 0 : i32
        %dma_start3A_316 = arith.constant 0 : i32
        %dma_start3A_317 = tpu.memref_slice %arg15[%dma_start3A_315, %dma_start3A_316] : memref<80x144xf32, #tpu.memory_space<vmem>> -> memref<80x144xf32, #tpu.memory_space<vmem>>
        tpu.enqueue_dma source(%dma_start3A_317 : memref<80x144xf32, #tpu.memory_space<vmem>>) target(%dma_start3A_314 : memref<80x144xf32, #tpu.memory_space<hbm>>) target_semaphore(%run_scoped3A : memref<!tpu.dma_semaphore, #tpu.memory_space<semaphore_mem>>)
        %dma_wait3A_318 = arith.constant 0 : i32
        %dma_wait3A_319 = arith.constant 0 : i32
        %dma_wait3A_320 = tpu.memref_slice %arg15[%dma_wait3A_318, %dma_wait3A_319] : memref<80x144xf32, #tpu.memory_space<vmem>> -> memref<80x144xf32, #tpu.memory_space<vmem>>
        %dma_wait3A_321 = arith.constant 0 : i32
        %dma_wait3A_322 = tpu.memref_slice %arg6[%add3A_241, %dma_wait3A_321] : memref<10112x144xf32, #tpu.memory_space<hbm>> -> memref<80x144xf32, #tpu.memory_space<hbm>>
        %dma_wait3A_323 = arith.constant 0 : i32
        %dma_wait3A_324 = tpu.memref_slice %arg6[%add3A_241, %dma_wait3A_323] : memref<10112x144xf32, #tpu.memory_space<hbm>> -> memref<80x144xf32, #tpu.memory_space<hbm>>
        %dma_wait3A_325 = arith.constant 0 : i32
        %dma_wait3A_326 = arith.constant 0 : i32
        %dma_wait3A_327 = tpu.memref_slice %arg15[%dma_wait3A_325, %dma_wait3A_326] : memref<80x144xf32, #tpu.memory_space<vmem>> -> memref<80x144xf32, #tpu.memory_space<vmem>>
        tpu.wait_dma2 semaphore(%run_scoped3A : memref<!tpu.dma_semaphore, #tpu.memory_space<semaphore_mem>>) src(%dma_wait3A_327 : memref<80x144xf32, #tpu.memory_space<vmem>>) dst(%dma_wait3A_324 : memref<80x144xf32, #tpu.memory_space<hbm>>)
        tpu.yield
      }) : () -> ()
    } else {
    }
    %eq3A_247 = arith.constant 1 : i32
    %eq3A_248 = arith.cmpi eq, %arg0, %eq3A_247 : i32
    %convert_element_type3A_249 = arith.extui %eq3A_248 : i1 to i32
    %cond3A_250 = arith.constant 0 : i32
    %cond3A_251 = arith.cmpi ne, %convert_element_type3A_249, %cond3A_250 : i32
    scf.if %cond3A_251 {
      "tpu.region"() ({
        %run_scoped3A = tpu.sem_alloc : memref<!tpu.dma_semaphore, #tpu.memory_space<semaphore_mem>>
        %dma_start3A_308 = arith.constant 0 : i32
        %dma_start3A_309 = arith.constant 0 : i32
        %dma_start3A_310 = tpu.memref_slice %arg15[%dma_start3A_308, %dma_start3A_309] : memref<80x144xf32, #tpu.memory_space<vmem>> -> memref<80x144xf32, #tpu.memory_space<vmem>>
        %dma_start3A_311 = arith.constant 0 : i32
        %dma_start3A_312 = tpu.memref_slice %arg7[%add3A_241, %dma_start3A_311] : memref<10112x144xf32, #tpu.memory_space<hbm>> -> memref<80x144xf32, #tpu.memory_space<hbm>>
        %dma_start3A_313 = arith.constant 0 : i32
        %dma_start3A_314 = tpu.memref_slice %arg7[%add3A_241, %dma_start3A_313] : memref<10112x144xf32, #tpu.memory_space<hbm>> -> memref<80x144xf32, #tpu.memory_space<hbm>>
        %dma_start3A_315 = arith.constant 0 : i32
        %dma_start3A_316 = arith.constant 0 : i32
        %dma_start3A_317 = tpu.memref_slice %arg15[%dma_start3A_315, %dma_start3A_316] : memref<80x144xf32, #tpu.memory_space<vmem>> -> memref<80x144xf32, #tpu.memory_space<vmem>>
        tpu.enqueue_dma source(%dma_start3A_317 : memref<80x144xf32, #tpu.memory_space<vmem>>) target(%dma_start3A_314 : memref<80x144xf32, #tpu.memory_space<hbm>>) target_semaphore(%run_scoped3A : memref<!tpu.dma_semaphore, #tpu.memory_space<semaphore_mem>>)
        %dma_wait3A_318 = arith.constant 0 : i32
        %dma_wait3A_319 = arith.constant 0 : i32
        %dma_wait3A_320 = tpu.memref_slice %arg15[%dma_wait3A_318, %dma_wait3A_319] : memref<80x144xf32, #tpu.memory_space<vmem>> -> memref<80x144xf32, #tpu.memory_space<vmem>>
        %dma_wait3A_321 = arith.constant 0 : i32
        %dma_wait3A_322 = tpu.memref_slice %arg7[%add3A_241, %dma_wait3A_321] : memref<10112x144xf32, #tpu.memory_space<hbm>> -> memref<80x144xf32, #tpu.memory_space<hbm>>
        %dma_wait3A_323 = arith.constant 0 : i32
        %dma_wait3A_324 = tpu.memref_slice %arg7[%add3A_241, %dma_wait3A_323] : memref<10112x144xf32, #tpu.memory_space<hbm>> -> memref<80x144xf32, #tpu.memory_space<hbm>>
        %dma_wait3A_325 = arith.constant 0 : i32
        %dma_wait3A_326 = arith.constant 0 : i32
        %dma_wait3A_327 = tpu.memref_slice %arg15[%dma_wait3A_325, %dma_wait3A_326] : memref<80x144xf32, #tpu.memory_space<vmem>> -> memref<80x144xf32, #tpu.memory_space<vmem>>
        tpu.wait_dma2 semaphore(%run_scoped3A : memref<!tpu.dma_semaphore, #tpu.memory_space<semaphore_mem>>) src(%dma_wait3A_327 : memref<80x144xf32, #tpu.memory_space<vmem>>) dst(%dma_wait3A_324 : memref<80x144xf32, #tpu.memory_space<hbm>>)
        tpu.yield
      }) : () -> ()
    } else {
    }
    %mul3A_252 = arith.constant 632 : i32
    %mul3A_253 = arith.muli %arg1, %mul3A_252 : i32
    %add3A_254 = arith.constant 320 : i32
    %add3A_255 = arith.addi %mul3A_253, %add3A_254 : i32
    "tpu.region"() ({
      %run_scoped3A = tpu.sem_alloc : memref<!tpu.dma_semaphore, #tpu.memory_space<semaphore_mem>>
      %dma_start3A_308 = arith.constant 0 : i32
      %dma_start3A_309 = arith.constant 0 : i32
      %dma_start3A_310 = tpu.memref_slice %arg15[%dma_start3A_308, %dma_start3A_309] : memref<80x144xf32, #tpu.memory_space<vmem>> -> memref<80x144xf32, #tpu.memory_space<vmem>>
      %dma_start3A_311 = arith.constant 0 : i32
      %dma_start3A_312 = tpu.memref_slice %arg17[%add3A_255, %dma_start3A_311] : memref<10112x144xf32, #tpu.memory_space<vmem_shared>> -> memref<80x144xf32, #tpu.memory_space<vmem_shared>>
      %dma_start3A_313 = arith.constant 0 : i32
      %dma_start3A_314 = arith.constant 0 : i32
      %dma_start3A_315 = tpu.memref_slice %arg15[%dma_start3A_313, %dma_start3A_314] : memref<80x144xf32, #tpu.memory_space<vmem>> -> memref<80x144xf32, #tpu.memory_space<vmem>>
      %dma_start3A_316 = arith.constant 0 : i32
      %dma_start3A_317 = tpu.memref_slice %arg17[%add3A_255, %dma_start3A_316] : memref<10112x144xf32, #tpu.memory_space<vmem_shared>> -> memref<80x144xf32, #tpu.memory_space<vmem_shared>>
      tpu.enqueue_dma source(%dma_start3A_317 : memref<80x144xf32, #tpu.memory_space<vmem_shared>>) target(%dma_start3A_315 : memref<80x144xf32, #tpu.memory_space<vmem>>) target_semaphore(%run_scoped3A : memref<!tpu.dma_semaphore, #tpu.memory_space<semaphore_mem>>)
      %dma_wait3A_318 = arith.constant 0 : i32
      %dma_wait3A_319 = arith.constant 0 : i32
      %dma_wait3A_320 = tpu.memref_slice %arg15[%dma_wait3A_318, %dma_wait3A_319] : memref<80x144xf32, #tpu.memory_space<vmem>> -> memref<80x144xf32, #tpu.memory_space<vmem>>
      %dma_wait3A_321 = arith.constant 0 : i32
      %dma_wait3A_322 = tpu.memref_slice %arg17[%add3A_255, %dma_wait3A_321] : memref<10112x144xf32, #tpu.memory_space<vmem_shared>> -> memref<80x144xf32, #tpu.memory_space<vmem_shared>>
      %dma_wait3A_323 = arith.constant 0 : i32
      %dma_wait3A_324 = arith.constant 0 : i32
      %dma_wait3A_325 = tpu.memref_slice %arg15[%dma_wait3A_323, %dma_wait3A_324] : memref<80x144xf32, #tpu.memory_space<vmem>> -> memref<80x144xf32, #tpu.memory_space<vmem>>
      %dma_wait3A_326 = arith.constant 0 : i32
      %dma_wait3A_327 = tpu.memref_slice %arg17[%add3A_255, %dma_wait3A_326] : memref<10112x144xf32, #tpu.memory_space<vmem_shared>> -> memref<80x144xf32, #tpu.memory_space<vmem_shared>>
      tpu.wait_dma2 semaphore(%run_scoped3A : memref<!tpu.dma_semaphore, #tpu.memory_space<semaphore_mem>>) src(%dma_wait3A_327 : memref<80x144xf32, #tpu.memory_space<vmem_shared>>) dst(%dma_wait3A_325 : memref<80x144xf32, #tpu.memory_space<vmem>>)
      tpu.yield
    }) : () -> ()
    %eq3A_256 = arith.constant 0 : i32
    %eq3A_257 = arith.cmpi eq, %arg0, %eq3A_256 : i32
    %convert_element_type3A_258 = arith.extui %eq3A_257 : i1 to i32
    %cond3A_259 = arith.constant 0 : i32
    %cond3A_260 = arith.cmpi ne, %convert_element_type3A_258, %cond3A_259 : i32
    scf.if %cond3A_260 {
      "tpu.region"() ({
        %run_scoped3A = tpu.sem_alloc : memref<!tpu.dma_semaphore, #tpu.memory_space<semaphore_mem>>
        %dma_start3A_308 = arith.constant 0 : i32
        %dma_start3A_309 = arith.constant 0 : i32
        %dma_start3A_310 = tpu.memref_slice %arg15[%dma_start3A_308, %dma_start3A_309] : memref<80x144xf32, #tpu.memory_space<vmem>> -> memref<80x144xf32, #tpu.memory_space<vmem>>
        %dma_start3A_311 = arith.constant 0 : i32
        %dma_start3A_312 = tpu.memref_slice %arg6[%add3A_255, %dma_start3A_311] : memref<10112x144xf32, #tpu.memory_space<hbm>> -> memref<80x144xf32, #tpu.memory_space<hbm>>
        %dma_start3A_313 = arith.constant 0 : i32
        %dma_start3A_314 = tpu.memref_slice %arg6[%add3A_255, %dma_start3A_313] : memref<10112x144xf32, #tpu.memory_space<hbm>> -> memref<80x144xf32, #tpu.memory_space<hbm>>
        %dma_start3A_315 = arith.constant 0 : i32
        %dma_start3A_316 = arith.constant 0 : i32
        %dma_start3A_317 = tpu.memref_slice %arg15[%dma_start3A_315, %dma_start3A_316] : memref<80x144xf32, #tpu.memory_space<vmem>> -> memref<80x144xf32, #tpu.memory_space<vmem>>
        tpu.enqueue_dma source(%dma_start3A_317 : memref<80x144xf32, #tpu.memory_space<vmem>>) target(%dma_start3A_314 : memref<80x144xf32, #tpu.memory_space<hbm>>) target_semaphore(%run_scoped3A : memref<!tpu.dma_semaphore, #tpu.memory_space<semaphore_mem>>)
        %dma_wait3A_318 = arith.constant 0 : i32
        %dma_wait3A_319 = arith.constant 0 : i32
        %dma_wait3A_320 = tpu.memref_slice %arg15[%dma_wait3A_318, %dma_wait3A_319] : memref<80x144xf32, #tpu.memory_space<vmem>> -> memref<80x144xf32, #tpu.memory_space<vmem>>
        %dma_wait3A_321 = arith.constant 0 : i32
        %dma_wait3A_322 = tpu.memref_slice %arg6[%add3A_255, %dma_wait3A_321] : memref<10112x144xf32, #tpu.memory_space<hbm>> -> memref<80x144xf32, #tpu.memory_space<hbm>>
        %dma_wait3A_323 = arith.constant 0 : i32
        %dma_wait3A_324 = tpu.memref_slice %arg6[%add3A_255, %dma_wait3A_323] : memref<10112x144xf32, #tpu.memory_space<hbm>> -> memref<80x144xf32, #tpu.memory_space<hbm>>
        %dma_wait3A_325 = arith.constant 0 : i32
        %dma_wait3A_326 = arith.constant 0 : i32
        %dma_wait3A_327 = tpu.memref_slice %arg15[%dma_wait3A_325, %dma_wait3A_326] : memref<80x144xf32, #tpu.memory_space<vmem>> -> memref<80x144xf32, #tpu.memory_space<vmem>>
        tpu.wait_dma2 semaphore(%run_scoped3A : memref<!tpu.dma_semaphore, #tpu.memory_space<semaphore_mem>>) src(%dma_wait3A_327 : memref<80x144xf32, #tpu.memory_space<vmem>>) dst(%dma_wait3A_324 : memref<80x144xf32, #tpu.memory_space<hbm>>)
        tpu.yield
      }) : () -> ()
    } else {
    }
    %eq3A_261 = arith.constant 1 : i32
    %eq3A_262 = arith.cmpi eq, %arg0, %eq3A_261 : i32
    %convert_element_type3A_263 = arith.extui %eq3A_262 : i1 to i32
    %cond3A_264 = arith.constant 0 : i32
    %cond3A_265 = arith.cmpi ne, %convert_element_type3A_263, %cond3A_264 : i32
    scf.if %cond3A_265 {
      "tpu.region"() ({
        %run_scoped3A = tpu.sem_alloc : memref<!tpu.dma_semaphore, #tpu.memory_space<semaphore_mem>>
        %dma_start3A_308 = arith.constant 0 : i32
        %dma_start3A_309 = arith.constant 0 : i32
        %dma_start3A_310 = tpu.memref_slice %arg15[%dma_start3A_308, %dma_start3A_309] : memref<80x144xf32, #tpu.memory_space<vmem>> -> memref<80x144xf32, #tpu.memory_space<vmem>>
        %dma_start3A_311 = arith.constant 0 : i32
        %dma_start3A_312 = tpu.memref_slice %arg7[%add3A_255, %dma_start3A_311] : memref<10112x144xf32, #tpu.memory_space<hbm>> -> memref<80x144xf32, #tpu.memory_space<hbm>>
        %dma_start3A_313 = arith.constant 0 : i32
        %dma_start3A_314 = tpu.memref_slice %arg7[%add3A_255, %dma_start3A_313] : memref<10112x144xf32, #tpu.memory_space<hbm>> -> memref<80x144xf32, #tpu.memory_space<hbm>>
        %dma_start3A_315 = arith.constant 0 : i32
        %dma_start3A_316 = arith.constant 0 : i32
        %dma_start3A_317 = tpu.memref_slice %arg15[%dma_start3A_315, %dma_start3A_316] : memref<80x144xf32, #tpu.memory_space<vmem>> -> memref<80x144xf32, #tpu.memory_space<vmem>>
        tpu.enqueue_dma source(%dma_start3A_317 : memref<80x144xf32, #tpu.memory_space<vmem>>) target(%dma_start3A_314 : memref<80x144xf32, #tpu.memory_space<hbm>>) target_semaphore(%run_scoped3A : memref<!tpu.dma_semaphore, #tpu.memory_space<semaphore_mem>>)
        %dma_wait3A_318 = arith.constant 0 : i32
        %dma_wait3A_319 = arith.constant 0 : i32
        %dma_wait3A_320 = tpu.memref_slice %arg15[%dma_wait3A_318, %dma_wait3A_319] : memref<80x144xf32, #tpu.memory_space<vmem>> -> memref<80x144xf32, #tpu.memory_space<vmem>>
        %dma_wait3A_321 = arith.constant 0 : i32
        %dma_wait3A_322 = tpu.memref_slice %arg7[%add3A_255, %dma_wait3A_321] : memref<10112x144xf32, #tpu.memory_space<hbm>> -> memref<80x144xf32, #tpu.memory_space<hbm>>
        %dma_wait3A_323 = arith.constant 0 : i32
        %dma_wait3A_324 = tpu.memref_slice %arg7[%add3A_255, %dma_wait3A_323] : memref<10112x144xf32, #tpu.memory_space<hbm>> -> memref<80x144xf32, #tpu.memory_space<hbm>>
        %dma_wait3A_325 = arith.constant 0 : i32
        %dma_wait3A_326 = arith.constant 0 : i32
        %dma_wait3A_327 = tpu.memref_slice %arg15[%dma_wait3A_325, %dma_wait3A_326] : memref<80x144xf32, #tpu.memory_space<vmem>> -> memref<80x144xf32, #tpu.memory_space<vmem>>
        tpu.wait_dma2 semaphore(%run_scoped3A : memref<!tpu.dma_semaphore, #tpu.memory_space<semaphore_mem>>) src(%dma_wait3A_327 : memref<80x144xf32, #tpu.memory_space<vmem>>) dst(%dma_wait3A_324 : memref<80x144xf32, #tpu.memory_space<hbm>>)
        tpu.yield
      }) : () -> ()
    } else {
    }
    %mul3A_266 = arith.constant 632 : i32
    %mul3A_267 = arith.muli %arg1, %mul3A_266 : i32
    %add3A_268 = arith.constant 400 : i32
    %add3A_269 = arith.addi %mul3A_267, %add3A_268 : i32
    "tpu.region"() ({
      %run_scoped3A = tpu.sem_alloc : memref<!tpu.dma_semaphore, #tpu.memory_space<semaphore_mem>>
      %dma_start3A_308 = arith.constant 0 : i32
      %dma_start3A_309 = arith.constant 0 : i32
      %dma_start3A_310 = tpu.memref_slice %arg15[%dma_start3A_308, %dma_start3A_309] : memref<80x144xf32, #tpu.memory_space<vmem>> -> memref<80x144xf32, #tpu.memory_space<vmem>>
      %dma_start3A_311 = arith.constant 0 : i32
      %dma_start3A_312 = tpu.memref_slice %arg17[%add3A_269, %dma_start3A_311] : memref<10112x144xf32, #tpu.memory_space<vmem_shared>> -> memref<80x144xf32, #tpu.memory_space<vmem_shared>>
      %dma_start3A_313 = arith.constant 0 : i32
      %dma_start3A_314 = arith.constant 0 : i32
      %dma_start3A_315 = tpu.memref_slice %arg15[%dma_start3A_313, %dma_start3A_314] : memref<80x144xf32, #tpu.memory_space<vmem>> -> memref<80x144xf32, #tpu.memory_space<vmem>>
      %dma_start3A_316 = arith.constant 0 : i32
      %dma_start3A_317 = tpu.memref_slice %arg17[%add3A_269, %dma_start3A_316] : memref<10112x144xf32, #tpu.memory_space<vmem_shared>> -> memref<80x144xf32, #tpu.memory_space<vmem_shared>>
      tpu.enqueue_dma source(%dma_start3A_317 : memref<80x144xf32, #tpu.memory_space<vmem_shared>>) target(%dma_start3A_315 : memref<80x144xf32, #tpu.memory_space<vmem>>) target_semaphore(%run_scoped3A : memref<!tpu.dma_semaphore, #tpu.memory_space<semaphore_mem>>)
      %dma_wait3A_318 = arith.constant 0 : i32
      %dma_wait3A_319 = arith.constant 0 : i32
      %dma_wait3A_320 = tpu.memref_slice %arg15[%dma_wait3A_318, %dma_wait3A_319] : memref<80x144xf32, #tpu.memory_space<vmem>> -> memref<80x144xf32, #tpu.memory_space<vmem>>
      %dma_wait3A_321 = arith.constant 0 : i32
      %dma_wait3A_322 = tpu.memref_slice %arg17[%add3A_269, %dma_wait3A_321] : memref<10112x144xf32, #tpu.memory_space<vmem_shared>> -> memref<80x144xf32, #tpu.memory_space<vmem_shared>>
      %dma_wait3A_323 = arith.constant 0 : i32
      %dma_wait3A_324 = arith.constant 0 : i32
      %dma_wait3A_325 = tpu.memref_slice %arg15[%dma_wait3A_323, %dma_wait3A_324] : memref<80x144xf32, #tpu.memory_space<vmem>> -> memref<80x144xf32, #tpu.memory_space<vmem>>
      %dma_wait3A_326 = arith.constant 0 : i32
      %dma_wait3A_327 = tpu.memref_slice %arg17[%add3A_269, %dma_wait3A_326] : memref<10112x144xf32, #tpu.memory_space<vmem_shared>> -> memref<80x144xf32, #tpu.memory_space<vmem_shared>>
      tpu.wait_dma2 semaphore(%run_scoped3A : memref<!tpu.dma_semaphore, #tpu.memory_space<semaphore_mem>>) src(%dma_wait3A_327 : memref<80x144xf32, #tpu.memory_space<vmem_shared>>) dst(%dma_wait3A_325 : memref<80x144xf32, #tpu.memory_space<vmem>>)
      tpu.yield
    }) : () -> ()
    %eq3A_270 = arith.constant 0 : i32
    %eq3A_271 = arith.cmpi eq, %arg0, %eq3A_270 : i32
    %convert_element_type3A_272 = arith.extui %eq3A_271 : i1 to i32
    %cond3A_273 = arith.constant 0 : i32
    %cond3A_274 = arith.cmpi ne, %convert_element_type3A_272, %cond3A_273 : i32
    scf.if %cond3A_274 {
      "tpu.region"() ({
        %run_scoped3A = tpu.sem_alloc : memref<!tpu.dma_semaphore, #tpu.memory_space<semaphore_mem>>
        %dma_start3A_308 = arith.constant 0 : i32
        %dma_start3A_309 = arith.constant 0 : i32
        %dma_start3A_310 = tpu.memref_slice %arg15[%dma_start3A_308, %dma_start3A_309] : memref<80x144xf32, #tpu.memory_space<vmem>> -> memref<80x144xf32, #tpu.memory_space<vmem>>
        %dma_start3A_311 = arith.constant 0 : i32
        %dma_start3A_312 = tpu.memref_slice %arg6[%add3A_269, %dma_start3A_311] : memref<10112x144xf32, #tpu.memory_space<hbm>> -> memref<80x144xf32, #tpu.memory_space<hbm>>
        %dma_start3A_313 = arith.constant 0 : i32
        %dma_start3A_314 = tpu.memref_slice %arg6[%add3A_269, %dma_start3A_313] : memref<10112x144xf32, #tpu.memory_space<hbm>> -> memref<80x144xf32, #tpu.memory_space<hbm>>
        %dma_start3A_315 = arith.constant 0 : i32
        %dma_start3A_316 = arith.constant 0 : i32
        %dma_start3A_317 = tpu.memref_slice %arg15[%dma_start3A_315, %dma_start3A_316] : memref<80x144xf32, #tpu.memory_space<vmem>> -> memref<80x144xf32, #tpu.memory_space<vmem>>
        tpu.enqueue_dma source(%dma_start3A_317 : memref<80x144xf32, #tpu.memory_space<vmem>>) target(%dma_start3A_314 : memref<80x144xf32, #tpu.memory_space<hbm>>) target_semaphore(%run_scoped3A : memref<!tpu.dma_semaphore, #tpu.memory_space<semaphore_mem>>)
        %dma_wait3A_318 = arith.constant 0 : i32
        %dma_wait3A_319 = arith.constant 0 : i32
        %dma_wait3A_320 = tpu.memref_slice %arg15[%dma_wait3A_318, %dma_wait3A_319] : memref<80x144xf32, #tpu.memory_space<vmem>> -> memref<80x144xf32, #tpu.memory_space<vmem>>
        %dma_wait3A_321 = arith.constant 0 : i32
        %dma_wait3A_322 = tpu.memref_slice %arg6[%add3A_269, %dma_wait3A_321] : memref<10112x144xf32, #tpu.memory_space<hbm>> -> memref<80x144xf32, #tpu.memory_space<hbm>>
        %dma_wait3A_323 = arith.constant 0 : i32
        %dma_wait3A_324 = tpu.memref_slice %arg6[%add3A_269, %dma_wait3A_323] : memref<10112x144xf32, #tpu.memory_space<hbm>> -> memref<80x144xf32, #tpu.memory_space<hbm>>
        %dma_wait3A_325 = arith.constant 0 : i32
        %dma_wait3A_326 = arith.constant 0 : i32
        %dma_wait3A_327 = tpu.memref_slice %arg15[%dma_wait3A_325, %dma_wait3A_326] : memref<80x144xf32, #tpu.memory_space<vmem>> -> memref<80x144xf32, #tpu.memory_space<vmem>>
        tpu.wait_dma2 semaphore(%run_scoped3A : memref<!tpu.dma_semaphore, #tpu.memory_space<semaphore_mem>>) src(%dma_wait3A_327 : memref<80x144xf32, #tpu.memory_space<vmem>>) dst(%dma_wait3A_324 : memref<80x144xf32, #tpu.memory_space<hbm>>)
        tpu.yield
      }) : () -> ()
    } else {
    }
    %eq3A_275 = arith.constant 1 : i32
    %eq3A_276 = arith.cmpi eq, %arg0, %eq3A_275 : i32
    %convert_element_type3A_277 = arith.extui %eq3A_276 : i1 to i32
    %cond3A_278 = arith.constant 0 : i32
    %cond3A_279 = arith.cmpi ne, %convert_element_type3A_277, %cond3A_278 : i32
    scf.if %cond3A_279 {
      "tpu.region"() ({
        %run_scoped3A = tpu.sem_alloc : memref<!tpu.dma_semaphore, #tpu.memory_space<semaphore_mem>>
        %dma_start3A_308 = arith.constant 0 : i32
        %dma_start3A_309 = arith.constant 0 : i32
        %dma_start3A_310 = tpu.memref_slice %arg15[%dma_start3A_308, %dma_start3A_309] : memref<80x144xf32, #tpu.memory_space<vmem>> -> memref<80x144xf32, #tpu.memory_space<vmem>>
        %dma_start3A_311 = arith.constant 0 : i32
        %dma_start3A_312 = tpu.memref_slice %arg7[%add3A_269, %dma_start3A_311] : memref<10112x144xf32, #tpu.memory_space<hbm>> -> memref<80x144xf32, #tpu.memory_space<hbm>>
        %dma_start3A_313 = arith.constant 0 : i32
        %dma_start3A_314 = tpu.memref_slice %arg7[%add3A_269, %dma_start3A_313] : memref<10112x144xf32, #tpu.memory_space<hbm>> -> memref<80x144xf32, #tpu.memory_space<hbm>>
        %dma_start3A_315 = arith.constant 0 : i32
        %dma_start3A_316 = arith.constant 0 : i32
        %dma_start3A_317 = tpu.memref_slice %arg15[%dma_start3A_315, %dma_start3A_316] : memref<80x144xf32, #tpu.memory_space<vmem>> -> memref<80x144xf32, #tpu.memory_space<vmem>>
        tpu.enqueue_dma source(%dma_start3A_317 : memref<80x144xf32, #tpu.memory_space<vmem>>) target(%dma_start3A_314 : memref<80x144xf32, #tpu.memory_space<hbm>>) target_semaphore(%run_scoped3A : memref<!tpu.dma_semaphore, #tpu.memory_space<semaphore_mem>>)
        %dma_wait3A_318 = arith.constant 0 : i32
        %dma_wait3A_319 = arith.constant 0 : i32
        %dma_wait3A_320 = tpu.memref_slice %arg15[%dma_wait3A_318, %dma_wait3A_319] : memref<80x144xf32, #tpu.memory_space<vmem>> -> memref<80x144xf32, #tpu.memory_space<vmem>>
        %dma_wait3A_321 = arith.constant 0 : i32
        %dma_wait3A_322 = tpu.memref_slice %arg7[%add3A_269, %dma_wait3A_321] : memref<10112x144xf32, #tpu.memory_space<hbm>> -> memref<80x144xf32, #tpu.memory_space<hbm>>
        %dma_wait3A_323 = arith.constant 0 : i32
        %dma_wait3A_324 = tpu.memref_slice %arg7[%add3A_269, %dma_wait3A_323] : memref<10112x144xf32, #tpu.memory_space<hbm>> -> memref<80x144xf32, #tpu.memory_space<hbm>>
        %dma_wait3A_325 = arith.constant 0 : i32
        %dma_wait3A_326 = arith.constant 0 : i32
        %dma_wait3A_327 = tpu.memref_slice %arg15[%dma_wait3A_325, %dma_wait3A_326] : memref<80x144xf32, #tpu.memory_space<vmem>> -> memref<80x144xf32, #tpu.memory_space<vmem>>
        tpu.wait_dma2 semaphore(%run_scoped3A : memref<!tpu.dma_semaphore, #tpu.memory_space<semaphore_mem>>) src(%dma_wait3A_327 : memref<80x144xf32, #tpu.memory_space<vmem>>) dst(%dma_wait3A_324 : memref<80x144xf32, #tpu.memory_space<hbm>>)
        tpu.yield
      }) : () -> ()
    } else {
    }
    %mul3A_280 = arith.constant 632 : i32
    %mul3A_281 = arith.muli %arg1, %mul3A_280 : i32
    %add3A_282 = arith.constant 480 : i32
    %add3A_283 = arith.addi %mul3A_281, %add3A_282 : i32
    "tpu.region"() ({
      %run_scoped3A = tpu.sem_alloc : memref<!tpu.dma_semaphore, #tpu.memory_space<semaphore_mem>>
      %dma_start3A_308 = arith.constant 0 : i32
      %dma_start3A_309 = arith.constant 0 : i32
      %dma_start3A_310 = tpu.memref_slice %arg15[%dma_start3A_308, %dma_start3A_309] : memref<80x144xf32, #tpu.memory_space<vmem>> -> memref<80x144xf32, #tpu.memory_space<vmem>>
      %dma_start3A_311 = arith.constant 0 : i32
      %dma_start3A_312 = tpu.memref_slice %arg17[%add3A_283, %dma_start3A_311] : memref<10112x144xf32, #tpu.memory_space<vmem_shared>> -> memref<80x144xf32, #tpu.memory_space<vmem_shared>>
      %dma_start3A_313 = arith.constant 0 : i32
      %dma_start3A_314 = arith.constant 0 : i32
      %dma_start3A_315 = tpu.memref_slice %arg15[%dma_start3A_313, %dma_start3A_314] : memref<80x144xf32, #tpu.memory_space<vmem>> -> memref<80x144xf32, #tpu.memory_space<vmem>>
      %dma_start3A_316 = arith.constant 0 : i32
      %dma_start3A_317 = tpu.memref_slice %arg17[%add3A_283, %dma_start3A_316] : memref<10112x144xf32, #tpu.memory_space<vmem_shared>> -> memref<80x144xf32, #tpu.memory_space<vmem_shared>>
      tpu.enqueue_dma source(%dma_start3A_317 : memref<80x144xf32, #tpu.memory_space<vmem_shared>>) target(%dma_start3A_315 : memref<80x144xf32, #tpu.memory_space<vmem>>) target_semaphore(%run_scoped3A : memref<!tpu.dma_semaphore, #tpu.memory_space<semaphore_mem>>)
      %dma_wait3A_318 = arith.constant 0 : i32
      %dma_wait3A_319 = arith.constant 0 : i32
      %dma_wait3A_320 = tpu.memref_slice %arg15[%dma_wait3A_318, %dma_wait3A_319] : memref<80x144xf32, #tpu.memory_space<vmem>> -> memref<80x144xf32, #tpu.memory_space<vmem>>
      %dma_wait3A_321 = arith.constant 0 : i32
      %dma_wait3A_322 = tpu.memref_slice %arg17[%add3A_283, %dma_wait3A_321] : memref<10112x144xf32, #tpu.memory_space<vmem_shared>> -> memref<80x144xf32, #tpu.memory_space<vmem_shared>>
      %dma_wait3A_323 = arith.constant 0 : i32
      %dma_wait3A_324 = arith.constant 0 : i32
      %dma_wait3A_325 = tpu.memref_slice %arg15[%dma_wait3A_323, %dma_wait3A_324] : memref<80x144xf32, #tpu.memory_space<vmem>> -> memref<80x144xf32, #tpu.memory_space<vmem>>
      %dma_wait3A_326 = arith.constant 0 : i32
      %dma_wait3A_327 = tpu.memref_slice %arg17[%add3A_283, %dma_wait3A_326] : memref<10112x144xf32, #tpu.memory_space<vmem_shared>> -> memref<80x144xf32, #tpu.memory_space<vmem_shared>>
      tpu.wait_dma2 semaphore(%run_scoped3A : memref<!tpu.dma_semaphore, #tpu.memory_space<semaphore_mem>>) src(%dma_wait3A_327 : memref<80x144xf32, #tpu.memory_space<vmem_shared>>) dst(%dma_wait3A_325 : memref<80x144xf32, #tpu.memory_space<vmem>>)
      tpu.yield
    }) : () -> ()
    %eq3A_284 = arith.constant 0 : i32
    %eq3A_285 = arith.cmpi eq, %arg0, %eq3A_284 : i32
    %convert_element_type3A_286 = arith.extui %eq3A_285 : i1 to i32
    %cond3A_287 = arith.constant 0 : i32
    %cond3A_288 = arith.cmpi ne, %convert_element_type3A_286, %cond3A_287 : i32
    scf.if %cond3A_288 {
      "tpu.region"() ({
        %run_scoped3A = tpu.sem_alloc : memref<!tpu.dma_semaphore, #tpu.memory_space<semaphore_mem>>
        %dma_start3A_308 = arith.constant 0 : i32
        %dma_start3A_309 = arith.constant 0 : i32
        %dma_start3A_310 = tpu.memref_slice %arg15[%dma_start3A_308, %dma_start3A_309] : memref<80x144xf32, #tpu.memory_space<vmem>> -> memref<80x144xf32, #tpu.memory_space<vmem>>
        %dma_start3A_311 = arith.constant 0 : i32
        %dma_start3A_312 = tpu.memref_slice %arg6[%add3A_283, %dma_start3A_311] : memref<10112x144xf32, #tpu.memory_space<hbm>> -> memref<80x144xf32, #tpu.memory_space<hbm>>
        %dma_start3A_313 = arith.constant 0 : i32
        %dma_start3A_314 = tpu.memref_slice %arg6[%add3A_283, %dma_start3A_313] : memref<10112x144xf32, #tpu.memory_space<hbm>> -> memref<80x144xf32, #tpu.memory_space<hbm>>
        %dma_start3A_315 = arith.constant 0 : i32
        %dma_start3A_316 = arith.constant 0 : i32
        %dma_start3A_317 = tpu.memref_slice %arg15[%dma_start3A_315, %dma_start3A_316] : memref<80x144xf32, #tpu.memory_space<vmem>> -> memref<80x144xf32, #tpu.memory_space<vmem>>
        tpu.enqueue_dma source(%dma_start3A_317 : memref<80x144xf32, #tpu.memory_space<vmem>>) target(%dma_start3A_314 : memref<80x144xf32, #tpu.memory_space<hbm>>) target_semaphore(%run_scoped3A : memref<!tpu.dma_semaphore, #tpu.memory_space<semaphore_mem>>)
        %dma_wait3A_318 = arith.constant 0 : i32
        %dma_wait3A_319 = arith.constant 0 : i32
        %dma_wait3A_320 = tpu.memref_slice %arg15[%dma_wait3A_318, %dma_wait3A_319] : memref<80x144xf32, #tpu.memory_space<vmem>> -> memref<80x144xf32, #tpu.memory_space<vmem>>
        %dma_wait3A_321 = arith.constant 0 : i32
        %dma_wait3A_322 = tpu.memref_slice %arg6[%add3A_283, %dma_wait3A_321] : memref<10112x144xf32, #tpu.memory_space<hbm>> -> memref<80x144xf32, #tpu.memory_space<hbm>>
        %dma_wait3A_323 = arith.constant 0 : i32
        %dma_wait3A_324 = tpu.memref_slice %arg6[%add3A_283, %dma_wait3A_323] : memref<10112x144xf32, #tpu.memory_space<hbm>> -> memref<80x144xf32, #tpu.memory_space<hbm>>
        %dma_wait3A_325 = arith.constant 0 : i32
        %dma_wait3A_326 = arith.constant 0 : i32
        %dma_wait3A_327 = tpu.memref_slice %arg15[%dma_wait3A_325, %dma_wait3A_326] : memref<80x144xf32, #tpu.memory_space<vmem>> -> memref<80x144xf32, #tpu.memory_space<vmem>>
        tpu.wait_dma2 semaphore(%run_scoped3A : memref<!tpu.dma_semaphore, #tpu.memory_space<semaphore_mem>>) src(%dma_wait3A_327 : memref<80x144xf32, #tpu.memory_space<vmem>>) dst(%dma_wait3A_324 : memref<80x144xf32, #tpu.memory_space<hbm>>)
        tpu.yield
      }) : () -> ()
    } else {
    }
    %eq3A_289 = arith.constant 1 : i32
    %eq3A_290 = arith.cmpi eq, %arg0, %eq3A_289 : i32
    %convert_element_type3A_291 = arith.extui %eq3A_290 : i1 to i32
    %cond3A_292 = arith.constant 0 : i32
    %cond3A_293 = arith.cmpi ne, %convert_element_type3A_291, %cond3A_292 : i32
    scf.if %cond3A_293 {
      "tpu.region"() ({
        %run_scoped3A = tpu.sem_alloc : memref<!tpu.dma_semaphore, #tpu.memory_space<semaphore_mem>>
        %dma_start3A_308 = arith.constant 0 : i32
        %dma_start3A_309 = arith.constant 0 : i32
        %dma_start3A_310 = tpu.memref_slice %arg15[%dma_start3A_308, %dma_start3A_309] : memref<80x144xf32, #tpu.memory_space<vmem>> -> memref<80x144xf32, #tpu.memory_space<vmem>>
        %dma_start3A_311 = arith.constant 0 : i32
        %dma_start3A_312 = tpu.memref_slice %arg7[%add3A_283, %dma_start3A_311] : memref<10112x144xf32, #tpu.memory_space<hbm>> -> memref<80x144xf32, #tpu.memory_space<hbm>>
        %dma_start3A_313 = arith.constant 0 : i32
        %dma_start3A_314 = tpu.memref_slice %arg7[%add3A_283, %dma_start3A_313] : memref<10112x144xf32, #tpu.memory_space<hbm>> -> memref<80x144xf32, #tpu.memory_space<hbm>>
        %dma_start3A_315 = arith.constant 0 : i32
        %dma_start3A_316 = arith.constant 0 : i32
        %dma_start3A_317 = tpu.memref_slice %arg15[%dma_start3A_315, %dma_start3A_316] : memref<80x144xf32, #tpu.memory_space<vmem>> -> memref<80x144xf32, #tpu.memory_space<vmem>>
        tpu.enqueue_dma source(%dma_start3A_317 : memref<80x144xf32, #tpu.memory_space<vmem>>) target(%dma_start3A_314 : memref<80x144xf32, #tpu.memory_space<hbm>>) target_semaphore(%run_scoped3A : memref<!tpu.dma_semaphore, #tpu.memory_space<semaphore_mem>>)
        %dma_wait3A_318 = arith.constant 0 : i32
        %dma_wait3A_319 = arith.constant 0 : i32
        %dma_wait3A_320 = tpu.memref_slice %arg15[%dma_wait3A_318, %dma_wait3A_319] : memref<80x144xf32, #tpu.memory_space<vmem>> -> memref<80x144xf32, #tpu.memory_space<vmem>>
        %dma_wait3A_321 = arith.constant 0 : i32
        %dma_wait3A_322 = tpu.memref_slice %arg7[%add3A_283, %dma_wait3A_321] : memref<10112x144xf32, #tpu.memory_space<hbm>> -> memref<80x144xf32, #tpu.memory_space<hbm>>
        %dma_wait3A_323 = arith.constant 0 : i32
        %dma_wait3A_324 = tpu.memref_slice %arg7[%add3A_283, %dma_wait3A_323] : memref<10112x144xf32, #tpu.memory_space<hbm>> -> memref<80x144xf32, #tpu.memory_space<hbm>>
        %dma_wait3A_325 = arith.constant 0 : i32
        %dma_wait3A_326 = arith.constant 0 : i32
        %dma_wait3A_327 = tpu.memref_slice %arg15[%dma_wait3A_325, %dma_wait3A_326] : memref<80x144xf32, #tpu.memory_space<vmem>> -> memref<80x144xf32, #tpu.memory_space<vmem>>
        tpu.wait_dma2 semaphore(%run_scoped3A : memref<!tpu.dma_semaphore, #tpu.memory_space<semaphore_mem>>) src(%dma_wait3A_327 : memref<80x144xf32, #tpu.memory_space<vmem>>) dst(%dma_wait3A_324 : memref<80x144xf32, #tpu.memory_space<hbm>>)
        tpu.yield
      }) : () -> ()
    } else {
    }
    %mul3A_294 = arith.constant 632 : i32
    %mul3A_295 = arith.muli %arg1, %mul3A_294 : i32
    %add3A_296 = arith.constant 560 : i32
    %add3A_297 = arith.addi %mul3A_295, %add3A_296 : i32
    "tpu.region"() ({
      %run_scoped3A = tpu.sem_alloc : memref<!tpu.dma_semaphore, #tpu.memory_space<semaphore_mem>>
      %dma_start3A_308 = arith.constant 0 : i32
      %dma_start3A_309 = arith.constant 0 : i32
      %dma_start3A_310 = tpu.memref_slice %arg15[%dma_start3A_308, %dma_start3A_309] : memref<80x144xf32, #tpu.memory_space<vmem>> -> memref<72x144xf32, #tpu.memory_space<vmem>>
      %dma_start3A_311 = arith.constant 0 : i32
      %dma_start3A_312 = tpu.memref_slice %arg17[%add3A_297, %dma_start3A_311] : memref<10112x144xf32, #tpu.memory_space<vmem_shared>> -> memref<72x144xf32, #tpu.memory_space<vmem_shared>>
      %dma_start3A_313 = arith.constant 0 : i32
      %dma_start3A_314 = arith.constant 0 : i32
      %dma_start3A_315 = tpu.memref_slice %arg15[%dma_start3A_313, %dma_start3A_314] : memref<80x144xf32, #tpu.memory_space<vmem>> -> memref<72x144xf32, #tpu.memory_space<vmem>>
      %dma_start3A_316 = arith.constant 0 : i32
      %dma_start3A_317 = tpu.memref_slice %arg17[%add3A_297, %dma_start3A_316] : memref<10112x144xf32, #tpu.memory_space<vmem_shared>> -> memref<72x144xf32, #tpu.memory_space<vmem_shared>>
      tpu.enqueue_dma source(%dma_start3A_317 : memref<72x144xf32, #tpu.memory_space<vmem_shared>>) target(%dma_start3A_315 : memref<72x144xf32, #tpu.memory_space<vmem>>) target_semaphore(%run_scoped3A : memref<!tpu.dma_semaphore, #tpu.memory_space<semaphore_mem>>)
      %dma_wait3A_318 = arith.constant 0 : i32
      %dma_wait3A_319 = arith.constant 0 : i32
      %dma_wait3A_320 = tpu.memref_slice %arg15[%dma_wait3A_318, %dma_wait3A_319] : memref<80x144xf32, #tpu.memory_space<vmem>> -> memref<72x144xf32, #tpu.memory_space<vmem>>
      %dma_wait3A_321 = arith.constant 0 : i32
      %dma_wait3A_322 = tpu.memref_slice %arg17[%add3A_297, %dma_wait3A_321] : memref<10112x144xf32, #tpu.memory_space<vmem_shared>> -> memref<72x144xf32, #tpu.memory_space<vmem_shared>>
      %dma_wait3A_323 = arith.constant 0 : i32
      %dma_wait3A_324 = arith.constant 0 : i32
      %dma_wait3A_325 = tpu.memref_slice %arg15[%dma_wait3A_323, %dma_wait3A_324] : memref<80x144xf32, #tpu.memory_space<vmem>> -> memref<72x144xf32, #tpu.memory_space<vmem>>
      %dma_wait3A_326 = arith.constant 0 : i32
      %dma_wait3A_327 = tpu.memref_slice %arg17[%add3A_297, %dma_wait3A_326] : memref<10112x144xf32, #tpu.memory_space<vmem_shared>> -> memref<72x144xf32, #tpu.memory_space<vmem_shared>>
      tpu.wait_dma2 semaphore(%run_scoped3A : memref<!tpu.dma_semaphore, #tpu.memory_space<semaphore_mem>>) src(%dma_wait3A_327 : memref<72x144xf32, #tpu.memory_space<vmem_shared>>) dst(%dma_wait3A_325 : memref<72x144xf32, #tpu.memory_space<vmem>>)
      tpu.yield
    }) : () -> ()
    %eq3A_298 = arith.constant 0 : i32
    %eq3A_299 = arith.cmpi eq, %arg0, %eq3A_298 : i32
    %convert_element_type3A_300 = arith.extui %eq3A_299 : i1 to i32
    %cond3A_301 = arith.constant 0 : i32
    %cond3A_302 = arith.cmpi ne, %convert_element_type3A_300, %cond3A_301 : i32
    scf.if %cond3A_302 {
      "tpu.region"() ({
        %run_scoped3A = tpu.sem_alloc : memref<!tpu.dma_semaphore, #tpu.memory_space<semaphore_mem>>
        %dma_start3A_308 = arith.constant 0 : i32
        %dma_start3A_309 = arith.constant 0 : i32
        %dma_start3A_310 = tpu.memref_slice %arg15[%dma_start3A_308, %dma_start3A_309] : memref<80x144xf32, #tpu.memory_space<vmem>> -> memref<72x144xf32, #tpu.memory_space<vmem>>
        %dma_start3A_311 = arith.constant 0 : i32
        %dma_start3A_312 = tpu.memref_slice %arg6[%add3A_297, %dma_start3A_311] : memref<10112x144xf32, #tpu.memory_space<hbm>> -> memref<72x144xf32, #tpu.memory_space<hbm>>
        %dma_start3A_313 = arith.constant 0 : i32
        %dma_start3A_314 = tpu.memref_slice %arg6[%add3A_297, %dma_start3A_313] : memref<10112x144xf32, #tpu.memory_space<hbm>> -> memref<72x144xf32, #tpu.memory_space<hbm>>
        %dma_start3A_315 = arith.constant 0 : i32
        %dma_start3A_316 = arith.constant 0 : i32
        %dma_start3A_317 = tpu.memref_slice %arg15[%dma_start3A_315, %dma_start3A_316] : memref<80x144xf32, #tpu.memory_space<vmem>> -> memref<72x144xf32, #tpu.memory_space<vmem>>
        tpu.enqueue_dma source(%dma_start3A_317 : memref<72x144xf32, #tpu.memory_space<vmem>>) target(%dma_start3A_314 : memref<72x144xf32, #tpu.memory_space<hbm>>) target_semaphore(%run_scoped3A : memref<!tpu.dma_semaphore, #tpu.memory_space<semaphore_mem>>)
        %dma_wait3A_318 = arith.constant 0 : i32
        %dma_wait3A_319 = arith.constant 0 : i32
        %dma_wait3A_320 = tpu.memref_slice %arg15[%dma_wait3A_318, %dma_wait3A_319] : memref<80x144xf32, #tpu.memory_space<vmem>> -> memref<72x144xf32, #tpu.memory_space<vmem>>
        %dma_wait3A_321 = arith.constant 0 : i32
        %dma_wait3A_322 = tpu.memref_slice %arg6[%add3A_297, %dma_wait3A_321] : memref<10112x144xf32, #tpu.memory_space<hbm>> -> memref<72x144xf32, #tpu.memory_space<hbm>>
        %dma_wait3A_323 = arith.constant 0 : i32
        %dma_wait3A_324 = tpu.memref_slice %arg6[%add3A_297, %dma_wait3A_323] : memref<10112x144xf32, #tpu.memory_space<hbm>> -> memref<72x144xf32, #tpu.memory_space<hbm>>
        %dma_wait3A_325 = arith.constant 0 : i32
        %dma_wait3A_326 = arith.constant 0 : i32
        %dma_wait3A_327 = tpu.memref_slice %arg15[%dma_wait3A_325, %dma_wait3A_326] : memref<80x144xf32, #tpu.memory_space<vmem>> -> memref<72x144xf32, #tpu.memory_space<vmem>>
        tpu.wait_dma2 semaphore(%run_scoped3A : memref<!tpu.dma_semaphore, #tpu.memory_space<semaphore_mem>>) src(%dma_wait3A_327 : memref<72x144xf32, #tpu.memory_space<vmem>>) dst(%dma_wait3A_324 : memref<72x144xf32, #tpu.memory_space<hbm>>)
        tpu.yield
      }) : () -> ()
    } else {
    }
    %eq3A_303 = arith.constant 1 : i32
    %eq3A_304 = arith.cmpi eq, %arg0, %eq3A_303 : i32
    %convert_element_type3A_305 = arith.extui %eq3A_304 : i1 to i32
    %cond3A_306 = arith.constant 0 : i32
    %cond3A_307 = arith.cmpi ne, %convert_element_type3A_305, %cond3A_306 : i32
    scf.if %cond3A_307 {
      "tpu.region"() ({
        %run_scoped3A = tpu.sem_alloc : memref<!tpu.dma_semaphore, #tpu.memory_space<semaphore_mem>>
        %dma_start3A_308 = arith.constant 0 : i32
        %dma_start3A_309 = arith.constant 0 : i32
        %dma_start3A_310 = tpu.memref_slice %arg15[%dma_start3A_308, %dma_start3A_309] : memref<80x144xf32, #tpu.memory_space<vmem>> -> memref<72x144xf32, #tpu.memory_space<vmem>>
        %dma_start3A_311 = arith.constant 0 : i32
        %dma_start3A_312 = tpu.memref_slice %arg7[%add3A_297, %dma_start3A_311] : memref<10112x144xf32, #tpu.memory_space<hbm>> -> memref<72x144xf32, #tpu.memory_space<hbm>>
        %dma_start3A_313 = arith.constant 0 : i32
        %dma_start3A_314 = tpu.memref_slice %arg7[%add3A_297, %dma_start3A_313] : memref<10112x144xf32, #tpu.memory_space<hbm>> -> memref<72x144xf32, #tpu.memory_space<hbm>>
        %dma_start3A_315 = arith.constant 0 : i32
        %dma_start3A_316 = arith.constant 0 : i32
        %dma_start3A_317 = tpu.memref_slice %arg15[%dma_start3A_315, %dma_start3A_316] : memref<80x144xf32, #tpu.memory_space<vmem>> -> memref<72x144xf32, #tpu.memory_space<vmem>>
        tpu.enqueue_dma source(%dma_start3A_317 : memref<72x144xf32, #tpu.memory_space<vmem>>) target(%dma_start3A_314 : memref<72x144xf32, #tpu.memory_space<hbm>>) target_semaphore(%run_scoped3A : memref<!tpu.dma_semaphore, #tpu.memory_space<semaphore_mem>>)
        %dma_wait3A_318 = arith.constant 0 : i32
        %dma_wait3A_319 = arith.constant 0 : i32
        %dma_wait3A_320 = tpu.memref_slice %arg15[%dma_wait3A_318, %dma_wait3A_319] : memref<80x144xf32, #tpu.memory_space<vmem>> -> memref<72x144xf32, #tpu.memory_space<vmem>>
        %dma_wait3A_321 = arith.constant 0 : i32
        %dma_wait3A_322 = tpu.memref_slice %arg7[%add3A_297, %dma_wait3A_321] : memref<10112x144xf32, #tpu.memory_space<hbm>> -> memref<72x144xf32, #tpu.memory_space<hbm>>
        %dma_wait3A_323 = arith.constant 0 : i32
        %dma_wait3A_324 = tpu.memref_slice %arg7[%add3A_297, %dma_wait3A_323] : memref<10112x144xf32, #tpu.memory_space<hbm>> -> memref<72x144xf32, #tpu.memory_space<hbm>>
        %dma_wait3A_325 = arith.constant 0 : i32
        %dma_wait3A_326 = arith.constant 0 : i32
        %dma_wait3A_327 = tpu.memref_slice %arg15[%dma_wait3A_325, %dma_wait3A_326] : memref<80x144xf32, #tpu.memory_space<vmem>> -> memref<72x144xf32, #tpu.memory_space<vmem>>
        tpu.wait_dma2 semaphore(%run_scoped3A : memref<!tpu.dma_semaphore, #tpu.memory_space<semaphore_mem>>) src(%dma_wait3A_327 : memref<72x144xf32, #tpu.memory_space<vmem>>) dst(%dma_wait3A_324 : memref<72x144xf32, #tpu.memory_space<hbm>>)
        tpu.yield
      }) : () -> ()
    } else {
    }
    return
  }
}

module attributes {stable_mosaic.version = 14 : i64} {
  func.func @_dense_body(%arg0: i32, %arg1: memref<2000x128xf32, #tpu.memory_space<vmem>>, %arg2: memref<128x128xf32, #tpu.memory_space<vmem>>, %arg3: memref<128x128xf32, #tpu.memory_space<vmem>>, %arg4: memref<1x128xf32, #tpu.memory_space<vmem>>, %arg5: memref<1x128xf32, #tpu.memory_space<vmem>>, %arg6: memref<128x16xf32, #tpu.memory_space<vmem>>, %arg7: memref<128x16xf32, #tpu.memory_space<vmem>>, %arg8: memref<2000x144xf32, #tpu.memory_space<vmem>>, %arg9: memref<2000x16xf32, #tpu.memory_space<vmem>>) attributes {dimension_semantics = [#tpu.dimension_semantics<arbitrary>], iteration_bounds = array<i64: 5>, scalar_prefetch = 0 : i64, scratch_operands = 0 : i64, tpu.core_type = #tpu.core_type<tc>, window_params = [{transform_indices = @transform_0, window_bounds = array<i64: 2000, 128>}, {pipeline_mode = #tpu.pipeline_mode<synchronous>, transform_indices = @transform_1, window_bounds = array<i64: 128, 128>}, {pipeline_mode = #tpu.pipeline_mode<synchronous>, transform_indices = @transform_2, window_bounds = array<i64: 128, 128>}, {pipeline_mode = #tpu.pipeline_mode<synchronous>, transform_indices = @transform_3, window_bounds = array<i64: 1, 128>}, {pipeline_mode = #tpu.pipeline_mode<synchronous>, transform_indices = @transform_4, window_bounds = array<i64: 1, 128>}, {pipeline_mode = #tpu.pipeline_mode<synchronous>, transform_indices = @transform_5, window_bounds = array<i64: 128, 16>}, {pipeline_mode = #tpu.pipeline_mode<synchronous>, transform_indices = @transform_6, window_bounds = array<i64: 128, 16>}, {transform_indices = @transform_7, window_bounds = array<i64: 2000, 144>}, {transform_indices = @transform_8, window_bounds = array<i64: 2000, 16>}]} {
    %get3A = arith.constant 0 : index
    %get3A_0 = arith.constant 0 : index
    %get3A_1 = vector.load %arg1[%get3A, %get3A_0] : memref<2000x128xf32, #tpu.memory_space<vmem>>, vector<2000x128xf32>
    %get3A_2 = arith.constant 0 : index
    %get3A_3 = arith.constant 0 : index
    %get3A_4 = vector.load %arg2[%get3A_2, %get3A_3] : memref<128x128xf32, #tpu.memory_space<vmem>>, vector<128x128xf32>
    %dot_general3A = arith.constant dense<0.000000e+00> : vector<2000x128xf32>
    %dot_general3A_5 = tpu.matmul %get3A_1, %get3A_4, %dot_general3A {dimension_numbers = #tpu.dot_dimension_numbers<[1], [0], [0], [1], [0, 0, 1, 1], [], []>, transpose_lhs_hint = false} : vector<2000x128xf32>, vector<128x128xf32>, vector<2000x128xf32> -> vector<2000x128xf32>
    %get3A_6 = arith.constant 0 : index
    %get3A_7 = arith.constant 0 : index
    %get3A_8 = vector.load %arg4[%get3A_6, %get3A_7] : memref<1x128xf32, #tpu.memory_space<vmem>>, vector<1x128xf32>
    %add3A = vector.broadcast %get3A_8 : vector<1x128xf32> to vector<2000x128xf32>
    %add3A_9 = arith.addf %dot_general3A_5, %add3A : vector<2000x128xf32>
    %get3A_10 = arith.constant 0 : index
    %get3A_11 = arith.constant 0 : index
    %get3A_12 = vector.load %arg3[%get3A_10, %get3A_11] : memref<128x128xf32, #tpu.memory_space<vmem>>, vector<128x128xf32>
    %dot_general3A_13 = arith.constant dense<0.000000e+00> : vector<2000x128xf32>
    %dot_general3A_14 = tpu.matmul %get3A_1, %get3A_12, %dot_general3A_13 {dimension_numbers = #tpu.dot_dimension_numbers<[1], [0], [0], [1], [0, 0, 1, 1], [], []>, transpose_lhs_hint = false} : vector<2000x128xf32>, vector<128x128xf32>, vector<2000x128xf32> -> vector<2000x128xf32>
    %get3A_15 = arith.constant 0 : index
    %get3A_16 = arith.constant 0 : index
    %get3A_17 = vector.load %arg5[%get3A_15, %get3A_16] : memref<1x128xf32, #tpu.memory_space<vmem>>, vector<1x128xf32>
    %add3A_18 = vector.broadcast %get3A_17 : vector<1x128xf32> to vector<2000x128xf32>
    %add3A_19 = arith.addf %dot_general3A_14, %add3A_18 : vector<2000x128xf32>
    %swap3A = arith.constant 0 : index
    %swap3A_20 = arith.constant 0 : index
    %swap3A_21 = vector.load %arg8[%swap3A, %swap3A_20] : memref<2000x144xf32, #tpu.memory_space<vmem>>, vector<2000x128xf32>
    tpu.vector_store %arg8[%swap3A, %swap3A_20], %add3A_9 {strides = array<i32>} : memref<2000x144xf32, #tpu.memory_space<vmem>>, vector<2000x128xf32>,
    %get3A_22 = arith.constant 0 : index
    %get3A_23 = arith.constant 0 : index
    %get3A_24 = vector.load %arg6[%get3A_22, %get3A_23] : memref<128x16xf32, #tpu.memory_space<vmem>>, vector<128x16xf32>
    %dot_general3A_25 = arith.constant dense<0.000000e+00> : vector<2000x16xf32>
    %dot_general3A_26 = tpu.matmul %add3A_9, %get3A_24, %dot_general3A_25 {dimension_numbers = #tpu.dot_dimension_numbers<[1], [0], [0], [1], [0, 0, 1, 1], [], []>, transpose_lhs_hint = false} : vector<2000x128xf32>, vector<128x16xf32>, vector<2000x16xf32> -> vector<2000x16xf32>
    %swap3A_27 = arith.constant 0 : index
    %swap3A_28 = arith.constant 128 : index
    %swap3A_29 = vector.load %arg8[%swap3A_27, %swap3A_28] : memref<2000x144xf32, #tpu.memory_space<vmem>>, vector<2000x16xf32>
    tpu.vector_store %arg8[%swap3A_27, %swap3A_28], %dot_general3A_26 {strides = array<i32>} : memref<2000x144xf32, #tpu.memory_space<vmem>>, vector<2000x16xf32>,
    %get3A_30 = arith.constant 0 : index
    %get3A_31 = arith.constant 0 : index
    %get3A_32 = vector.load %arg7[%get3A_30, %get3A_31] : memref<128x16xf32, #tpu.memory_space<vmem>>, vector<128x16xf32>
    %dot_general3A_33 = arith.constant dense<0.000000e+00> : vector<2000x16xf32>
    %dot_general3A_34 = tpu.matmul %add3A_19, %get3A_32, %dot_general3A_33 {dimension_numbers = #tpu.dot_dimension_numbers<[1], [0], [0], [1], [0, 0, 1, 1], [], []>, transpose_lhs_hint = false} : vector<2000x128xf32>, vector<128x16xf32>, vector<2000x16xf32> -> vector<2000x16xf32>
    %swap3A_35 = arith.constant 0 : index
    %swap3A_36 = arith.constant 0 : index
    %swap3A_37 = vector.load %arg9[%swap3A_35, %swap3A_36] : memref<2000x16xf32, #tpu.memory_space<vmem>>, vector<2000x16xf32>
    tpu.vector_store %arg9[%swap3A_35, %swap3A_36], %dot_general3A_34 {strides = array<i32>} : memref<2000x16xf32, #tpu.memory_space<vmem>>, vector<2000x16xf32>,
    return
  }
  func.func @transform_0(%arg0: i32) -> (i32, i32) {
    %c0_i32 = arith.constant 0 : i32
    %c0_i32_0 = arith.constant 0 : i32
    return %arg0, %c0_i32 : i32, i32
  }
  func.func @transform_1(%arg0: i32) -> (i32, i32) {
    %c0_i32 = arith.constant 0 : i32
    %c0_i32_0 = arith.constant 0 : i32
    %c0_i32_1 = arith.constant 0 : i32
    return %c0_i32, %c0_i32_0 : i32, i32
  }
  func.func @transform_2(%arg0: i32) -> (i32, i32) {
    %c0_i32 = arith.constant 0 : i32
    %c0_i32_0 = arith.constant 0 : i32
    %c0_i32_1 = arith.constant 0 : i32
    return %c0_i32, %c0_i32_0 : i32, i32
  }
  func.func @transform_3(%arg0: i32) -> (i32, i32) {
    %c0_i32 = arith.constant 0 : i32
    %c0_i32_0 = arith.constant 0 : i32
    %c0_i32_1 = arith.constant 0 : i32
    return %c0_i32, %c0_i32_0 : i32, i32
  }
  func.func @transform_4(%arg0: i32) -> (i32, i32) {
    %c0_i32 = arith.constant 0 : i32
    %c0_i32_0 = arith.constant 0 : i32
    %c0_i32_1 = arith.constant 0 : i32
    return %c0_i32, %c0_i32_0 : i32, i32
  }
  func.func @transform_5(%arg0: i32) -> (i32, i32) {
    %c0_i32 = arith.constant 0 : i32
    %c0_i32_0 = arith.constant 0 : i32
    %c0_i32_1 = arith.constant 0 : i32
    return %c0_i32, %c0_i32_0 : i32, i32
  }
  func.func @transform_6(%arg0: i32) -> (i32, i32) {
    %c0_i32 = arith.constant 0 : i32
    %c0_i32_0 = arith.constant 0 : i32
    %c0_i32_1 = arith.constant 0 : i32
    return %c0_i32, %c0_i32_0 : i32, i32
  }
  func.func @transform_7(%arg0: i32) -> (i32, i32) {
    %c0_i32 = arith.constant 0 : i32
    %c0_i32_0 = arith.constant 0 : i32
    return %arg0, %c0_i32 : i32, i32
  }
  func.func @transform_8(%arg0: i32) -> (i32, i32) {
    %c0_i32 = arith.constant 0 : i32
    %c0_i32_0 = arith.constant 0 : i32
    return %arg0, %c0_i32 : i32, i32
  }
}

module attributes {stable_mosaic.version = 14 : i64} {
  func.func @_norm_body(%arg0: i32, %arg1: memref<2000x144xf32, #tpu.memory_space<vmem>>, %arg2: memref<2000x144xf32, #tpu.memory_space<vmem>>, %arg3: memref<16x128xf32, #tpu.memory_space<vmem>>, %arg4: memref<2000x128xf32, #tpu.memory_space<vmem>>) attributes {dimension_semantics = [#tpu.dimension_semantics<arbitrary>], iteration_bounds = array<i64: 5>, scalar_prefetch = 0 : i64, scratch_operands = 0 : i64, tpu.core_type = #tpu.core_type<tc>, window_params = [{transform_indices = @transform_0, window_bounds = array<i64: 2000, 144>}, {transform_indices = @transform_1, window_bounds = array<i64: 2000, 144>}, {pipeline_mode = #tpu.pipeline_mode<synchronous>, transform_indices = @transform_2, window_bounds = array<i64: 16, 128>}, {transform_indices = @transform_3, window_bounds = array<i64: 2000, 128>}]} {
    %get3A = arith.constant 0 : index
    %get3A_0 = arith.constant 0 : index
    %get3A_1 = vector.load %arg1[%get3A, %get3A_0] : memref<2000x144xf32, #tpu.memory_space<vmem>>, vector<2000x144xf32>
    %get3A_2 = arith.constant 0 : index
    %get3A_3 = arith.constant 0 : index
    %get3A_4 = vector.load %arg2[%get3A_2, %get3A_3] : memref<2000x144xf32, #tpu.memory_space<vmem>>, vector<2000x144xf32>
    %add3A = arith.addf %get3A_1, %get3A_4 : vector<2000x144xf32>
    %slice3A = vector.extract_strided_slice %add3A {offsets = [0, 128], sizes = [2000, 16], strides = [1, 1]} : vector<2000x144xf32> to vector<2000x16xf32>
    %get3A_5 = arith.constant 0 : index
    %get3A_6 = arith.constant 0 : index
    %get3A_7 = vector.load %arg3[%get3A_5, %get3A_6] : memref<16x128xf32, #tpu.memory_space<vmem>>, vector<16x128xf32>
    %dot_general3A = arith.constant dense<0.000000e+00> : vector<2000x128xf32>
    %dot_general3A_8 = tpu.matmul %slice3A, %get3A_7, %dot_general3A {dimension_numbers = #tpu.dot_dimension_numbers<[1], [0], [0], [1], [0, 0, 1, 1], [], []>, transpose_lhs_hint = false} : vector<2000x16xf32>, vector<16x128xf32>, vector<2000x128xf32> -> vector<2000x128xf32>
    %slice3A_9 = vector.extract_strided_slice %add3A {offsets = [0, 0], sizes = [2000, 128], strides = [1, 1]} : vector<2000x144xf32> to vector<2000x128xf32>
    %div3A = arith.divf %slice3A_9, %dot_general3A_8 : vector<2000x128xf32>
    %swap3A = arith.constant 0 : index
    %swap3A_10 = arith.constant 0 : index
    %swap3A_11 = vector.load %arg4[%swap3A, %swap3A_10] : memref<2000x128xf32, #tpu.memory_space<vmem>>, vector<2000x128xf32>
    tpu.vector_store %arg4[%swap3A, %swap3A_10], %div3A {strides = array<i32>} : memref<2000x128xf32, #tpu.memory_space<vmem>>, vector<2000x128xf32>,
    return
  }
  func.func @transform_0(%arg0: i32) -> (i32, i32) {
    %c0_i32 = arith.constant 0 : i32
    %c0_i32_0 = arith.constant 0 : i32
    return %arg0, %c0_i32 : i32, i32
  }
  func.func @transform_1(%arg0: i32) -> (i32, i32) {
    %c0_i32 = arith.constant 0 : i32
    %c0_i32_0 = arith.constant 0 : i32
    return %arg0, %c0_i32 : i32, i32
  }
  func.func @transform_2(%arg0: i32) -> (i32, i32) {
    %c0_i32 = arith.constant 0 : i32
    %c0_i32_0 = arith.constant 0 : i32
    %c0_i32_1 = arith.constant 0 : i32
    return %c0_i32, %c0_i32_0 : i32, i32
  }
  func.func @transform_3(%arg0: i32) -> (i32, i32) {
    %c0_i32 = arith.constant 0 : i32
    %c0_i32_0 = arith.constant 0 : i32
    return %arg0, %c0_i32 : i32, i32
  }
}

</mosaic_0001>

<sc_bundles>
// kernel: kernel.5.cloned.1.call-start
scs
__scs_entry_jumppad:
0x0: {  	(pc) =	sbr.rel $0x88, $3  }
0x1: {  	(tag) =	ssettag $0x0;
	lr =	simm.s32 $0x1  }
0x2: {  	[smem:$0x3F99] =	sst lr;
	_ =	strace $0xD0000000  }
0x3: {  	_ = 	snop  }
0x4: {  	_ = 	snop  }
0x5: {  	_ = 	snop  }
0x6: {  	_ = 	snop  }
0x7: {  	_ = 	snop  }
__scs_overlays_trampoline_lowered:
0x8: {  	[smem:$0x3FA8] =	sst s0  }
0x9: {  	[smem:$0x3FA9] =	sst s1  }
0xa: {  	[smem:$0x3FAA] =	sst s2  }
0xb: {  	[smem:$0x3FAB] =	sst s3  }
0xc: {  	[smem:$0x3FAC] =	sst s4  }
0xd: {  	[smem:$0x3FAD] =	sst s5  }
0xe: {  	[smem:$0x3FAE] =	sst s6  }
0xf: {  	[smem:$0x3FAF] =	sst s7  }
0x10: {  	[smem:$0x3FB0] =	sst s8  }
0x11: {  	[smem:$0x3FB1] =	sst s9;
	s0 =	simm.s32 @!p0 $0x0  }
0x12: {  	s1 =	sld [smem:$0x3F97];
	s0 =	simm.s32 @p0 $0x1  }
0x13: {  	[smem:$0x3FB2] =	sst s0;
	s0 =	simm.s32 @!p1 $0x0  }
0x14: {  	s2 =	sld [smem:$0x3F96];
	s0 =	simm.s32 @p1 $0x1  }
0x15: {  	[smem:$0x3FB3] =	sst s0;
	s0 =	simm.s32 @!p2 $0x0  }
0x16: {  	s3 =	sld [smem:$0x3FDB];
	s0 =	simm.s32 @p2 $0x1  }
0x17: {  	s4 =	simm.s32 $0x1BF5;
	[smem:$0x3FB5] =	sst s0  }
0x18: {  	s0 =	sld [smem:$0x3F98];
	_ =	swait.ge [sflag:s4], $0x0  }
0x19: {  	s7 =	sld [smem:$0x3F99]  }
0x1a: {  	s8 =	sadd.s32 $0xFFFFE003, lr  }
0x1b: {  	s9 =	sadd.s32 $0xFFFFFEF7, lr;
	s5 =	simm.s32 $0xFFFFFFFF;
	p2 =	slt.u32 s8, $0xFFFFF086  }
0x1c: {  	p1 =	slt.u32 s9, $0xF7A;
	s5 =	simm.s32 @!p2 $0x0  }
0x1d: {  	s5 =	simm.s32 @p1 $0x1;
	p0 =	seq.s32 s7, s2  }
0x1e: {  	s7 =	smul.u32 @!p0 $0xF7A, s2;
	p2 =	seq.s32 @!p0 s5, $0x0  }
0x1f: {  	s9 =	smul.u32 $0xF7A, s1;
	s8 =	simm.s32 @!p0 $0x1BF5;
	p2 =	por !p2, p0  }
0x20: {  	[sflag:s8] =	ssyncset.s32 @!p0 $0xFFFFF086;
	s6 =	sadd.s32 @!p0 s3, s7;
	s7 =	simm.s32 @!p0 $0x108  }
0x21: {  	s3 =	sadd.s32 s3, s9;
	s6 =	sadd.s32 @!p0 $0x88, s6;
	s7 =	simm.s32 @p2 $0x1082  }
0x22: {  	[simem:s7], [sflag:s8] =	dma.local @!p0 [hbm:s6], $0xF7A  }
0x23: {  	s9 =	sor.u32 $0xD0000000, s2;
	s6 =	simm.s32 $0x108;
	_ =	swait.ge @!p0 [sflag:s8], $0x0  }
0x24: {  	s3 =	sadd.s32 $0x88, s3;
	s6 =	simm.s32 @!p1 $0x1082;
	[sflag:s4] =	ssyncset.s32 $0xFFFFF086  }
0x25: {  	[simem:s6], [sflag:s4] =	dma.local [hbm:s3], $0xF7A  }
0x26: {  	[smem:$0x3F99] =	sst s1;
	(tag) =	ssettag s2;
	_ =	strace s9  }
0x27: {  	s1 =	sld [smem:$0x3FA9]  }
0x28: {  	s2 =	sld [smem:$0x3FAA]  }
0x29: {  	s4 =	sld [smem:$0x3FAC]  }
0x2a: {  	p0 =	seq.s32 s5, $0x0;
	s5 =	sld [smem:$0x3FAD]  }
0x2b: {  	s6 =	sld [smem:$0x3FAE]  }
0x2c: {  	s7 =	sld [smem:$0x3FAF]  }
0x2d: {  	s3 =	simm.s32 $0x108;
	s8 =	sld [smem:$0x3FB0]  }
0x2e: {  	s3 =	simm.s32 @!p0 $0x1082;
	s9 =	sld [smem:$0x3FB1]  }
0x2f: {  	lr =	sadd.s32 s0, s3;
	s0 =	sld [smem:$0x3FA8]  }
0x30: {  	s3 =	sld [smem:$0x3FAB]  }
0x31: {  	[smem:$0x3FB4] =	sst s10  }
0x32: {  	s10 =	sld [smem:$0x3FB2];
	_ =	sdelay $0x3  }
0x33: {  	p0 =	seq.s32 s10, $0x1;
	s10 =	sld [smem:$0x3FB4];
	_ =	sdelay $0x3  }
0x34: {  	[smem:$0x3FB4] =	sst s10  }
0x35: {  	s10 =	sld [smem:$0x3FB3];
	_ =	sdelay $0x3  }
0x36: {  	p1 =	seq.s32 s10, $0x1;
	s10 =	sld [smem:$0x3FB4];
	_ =	sdelay $0x3  }
0x37: {  	[smem:$0x3FB4] =	sst s10  }
0x38: {  	s10 =	sld [smem:$0x3FB5]  }
0x39: {  	_ = 	snop;
	(pc) =	sbr.ind lr, $3  }
0x3a: {  	_ = 	snop  }
0x3b: {  	_ = 	snop  }
0x3c: {  	p2 =	seq.s32 s10, $0x1;
	s10 =	sld [smem:$0x3FB4]  }
0x3d: {  	_ =	shalt  }
0x3e: {  	_ =	shalt  }
0x3f: {  	_ =	shalt  }
0x40: {  	_ =	shalt  }
0x41: {  	_ =	shalt  }
0x42: {  	_ =	shalt  }
0x43: {  	_ =	shalt  }
0x44: {  	_ =	shalt  }
0x45: {  	_ =	shalt  }
0x46: {  	_ =	shalt  }
0x47: {  	_ =	shalt  }
0x48: {  	_ =	shalt  }
0x49: {  	_ =	shalt  }
0x4a: {  	_ =	shalt  }
0x4b: {  	_ =	shalt  }
0x4c: {  	_ =	shalt  }
0x4d: {  	_ =	shalt  }
0x4e: {  	_ =	shalt  }
0x4f: {  	_ =	shalt  }
0x50: {  	_ =	shalt  }
0x51: {  	_ =	shalt  }
0x52: {  	_ =	shalt  }
0x53: {  	_ =	shalt  }
0x54: {  	_ =	shalt  }
0x55: {  	_ =	shalt  }
0x56: {  	_ =	shalt  }
0x57: {  	_ =	shalt  }
0x58: {  	_ =	shalt  }
0x59: {  	_ =	shalt  }
0x5a: {  	_ =	shalt  }
0x5b: {  	_ =	shalt  }
0x5c: {  	_ =	shalt  }
0x5d: {  	_ =	shalt  }
0x5e: {  	_ =	shalt  }
0x5f: {  	_ =	shalt  }
0x60: {  	_ =	shalt  }
0x61: {  	_ =	shalt  }
0x62: {  	_ =	shalt  }
0x63: {  	_ =	shalt  }
0x64: {  	_ =	shalt  }
0x65: {  	_ =	shalt  }
0x66: {  	_ =	shalt  }
0x67: {  	_ =	shalt  }
0x68: {  	_ =	shalt  }
0x69: {  	_ =	shalt  }
0x6a: {  	_ =	shalt  }
0x6b: {  	_ =	shalt  }
0x6c: {  	_ =	shalt  }
0x6d: {  	_ =	shalt  }
0x6e: {  	_ =	shalt  }
0x6f: {  	_ =	shalt  }
0x70: {  	_ =	shalt  }
0x71: {  	_ =	shalt  }
0x72: {  	_ =	shalt  }
0x73: {  	_ =	shalt  }
0x74: {  	_ =	shalt  }
0x75: {  	_ =	shalt  }
0x76: {  	_ =	shalt  }
0x77: {  	_ =	shalt  }
0x78: {  	_ =	shalt  }
0x79: {  	_ =	shalt  }
0x7a: {  	_ =	shalt  }
0x7b: {  	_ =	shalt  }
0x7c: {  	_ =	shalt  }
0x7d: {  	_ =	shalt  }
0x7e: {  	_ =	shalt  }
0x7f: {  	_ =	shalt  }
0x80: {  	_ =	shalt  }
0x81: {  	_ =	shalt  }
0x82: {  	_ =	shalt  }
0x83: {  	_ =	shalt  }
0x84: {  	_ =	shalt  }
0x85: {  	_ =	shalt  }
0x86: {  	_ =	shalt  }
0x87: {  	_ =	shalt  }
.Lfunc_end0:
.L_simem_size_0:
called_computation_lowered:
.L_overlay_start_0:
0x88: {  	s2 =	sld [smem:$0x3FD9]  }
0x89: {  	s3 =	sld [smem:$0x3FFE];
	_ =	sdelay $0x1  }
0x8a: {  	s1 =	srdreg.scid  }
0x8b: {  	s0 =	sand.u32 $0x1, s1  }
0x8c: {  	s17 =	sshll.u32 s0, $0xA;
	s2 =	sadd.s32 s3, s2  }
0x8d: {  	s2 =	sadd.s32 s2, s17  }
0x8e: {  	[smem:$0x3FC0] =	sst s2  }
0x8f: {  	_ = 	snop  }
0x90: {  	s2 =	sld [smem:$0x3FD0];
	(tm) =	ssettm $0x1  }
0x91: {  	s18 =	sld [smem:$0x3FFB];
	_ =	sdelay $0x3  }
0x92: {  	_ =	strace s18  }
0x93: {  	s3 =	sld [smem:$0x3FFC];
	_ =	sdelay $0x3  }
0x94: {  	_ =	strace s3  }
0x95: {  	s3 =	sld [smem:$0x3FFD];
	_ =	sdelay $0x3  }
0x96: {  	_ =	strace s3  }
0x97: {  	_ =	strace $0x8FFFFFFF  }
0x98: {  	s19 =	sld [smem:$0x3FDB];
	_ =	sdelay $0x1  }
0x99: {  	s4 =	simm.s32 $_scs_section_size  }
0x9a: {  	s5 =	simm.s32 $_size__tile_overlayer_lowered;
	s6 =	simm.s32 $_tile_overlayer_lowered  }
0x9b: {  	s22 =	simm.s32 $0x1BFF;
	s21 =	sshll.u32 s6, $0x1;
	s3 =	sadd.s32 s4, s19  }
0x9c: {  	s7 =	simm.s32 $0x0;
	s20 =	sshll.u32 s5, $0x1;
	s5 =	sadd.s32 s21, s3  }
0x9d: {  	[timem:s7], [sflag:s22] =	dma.local [hbm:s5], s20  }
0x9e: {  	_ =	swait.ge [sflag:s22], s20  }
0x9f: {  	s4 =	ssub.s32 $0x0, s20;
	[sflag:s22] =	ssyncset.done $0x0  }
0xa0: {  	[sflag:s22] =	ssyncadd.s32 s4;
	_ =	sdelay $0x1  }
0xa1: {  	s23 =	simm.s32 $0x1B8B  }
0xa2: {  	_ =	swait.ge [sflag:s23], $0x1  }
0xa3: {  	[sflag:s23] =	ssyncset.done $0x0  }
0xa4: {  	s25 =	simm.s32 $0x1B8E;
	s24 =	sld [smem:$0x3FFE];
	[sflag:s23] =	ssyncadd.s32 $0xFFFFFFFF  }
0xa5: {  	s26 =	simm.s32 $execute0_lowered;
	[smem:$0x3FD2] =	sst s25  }
0xa6: {  	s5 =	sshll.u32 s26, $0x1;
	_ =	strace $0x80000046;
	[dreg:$0x1] =	wrdreg $0xFFFFFFFF  }
0xa7: {  	s28 =	simm.s32 $_size_execute0_lowered;
	s3 =	sadd.s32 s3, s5;
	[dreg:$0x0] =	wrdreg $0x0  }
0xa8: {  	s5 =	sshll.u32 s28, $0x1;
	[dreg:$0x2] =	wrdreg s3  }
0xa9: {  	[dreg:$0x3] =	wrdreg s5  }
0xaa: {  	[dreg:$0x4] =	wrdreg $0xC0  }
0xab: {  	_ =	task [dreg:s7], $0x5FFFF  }
0xac: {  	[dreg:$0x1] =	wrdreg $0xFFFFFFFF  }
0xad: {  	[dreg:$0x0] =	wrdreg $0x60  }
0xae: {  	[dreg:$0x2] =	wrdreg s24  }
0xaf: {  	[dreg:$0x3] =	wrdreg s2  }
0xb0: {  	[dreg:$0x4] =	wrdreg $0x8C500  }
0xb1: {  	[dreg:$0x5] =	wrdreg $0x9  }
0xb2: {  	_ =	task.clear_ibuf [dreg:s7], $0x6FFFF;
	_ =	strace $0x90000046  }
0xb3: {  	s29 =	simm.s32 $0x9;
	_ =	strace $0x80000048  }
0xb4: {  	_ =	swait.ge [sflag:s29], $0x1  }
0xb5: {  	[sflag:s29] =	ssyncadd.s32 $0xFFFFFFFF  }
0xb6: {  	_ =	strace $0x90000048  }
0xb7: {  	_ =	sfence  }
0xb8: {  	s30 =	sld [smem:$0x0];
	_ =	sdelay $0x2  }
0xb9: {  	s31 =	sshll.u32 s1, $0xD;
	s1 =	sshrl.u32 s1, $0x2  }
0xba: {  	s3 =	sand.u32 $0x4000, s31;
	s1 =	sadd.s32 s1, s30  }
0xbb: {  	s0 =	sor.u32 s3, s0;
	s1 =	sshll.u32 s1, $0x11  }
0xbc: {  	s0 =	sor.u32 s1, s0  }
0xbd: {  	s0 =	sadd.s32 $0x8F2B, s0  }
0xbe: {  	[sflag:s0] =	ssyncadd.remote.s32 $0x1  }
0xbf: {  	_ =	sfence.sel $0xFFFF  }
0xc0: {  	[dreg:$0x0] =	wrdreg $0xFFFFFFFF;
	(pc) =	sbr.abs _section_cstart, $3  }
0xc1: {  	[dreg:$0x1] =	wrdreg $0xFFFFFFFF  }
0xc2: {  	_ =	task.clear_ibuf [dreg:s7], $0x2FFFF;
	_ =	strace $0x9FFFFFFF  }
0xc3: {  	(tm) =	ssettm $0x7FFFFFFF  }
tec
execute0_lowered:
.L_overlay_start_1:
0x0: {  	(tag) =	ssettag $0x1  }
0x1: {  	s0 =	rddreg [dreg:$0x0]  }
0x2: {  	s1 =	srdreg.scid;
	s2 =	rddreg [dreg:$0x1]  }
0x3: {  	s7 =	stileid.u32;
	s3 =	rddreg [dreg:$0x2];
	s19 =	simm.s32 $0x67A00  }
0x4: {  	s28 =	simm.s32 $0x2800;
	s29 =	simm.s32 $0x2;
	s31 =	simm.s32 $0x8  }
0x5: {  	s1 =	sand.u32 $0x1, s1;
	s4 =	sshll.u32 s7, $0x1;
	s7 =	smul.u32 $0x16380, s7  }
0x6: {  	s5 =	sor.u32 s1, s4;
	s4 =	simm.s32 $0x0;
	s6 =	ssub.s32 $0x2, s1  }
0x7: {  	p0 =	seq.s32 s1, $0x0;
	s5 =	smul.u32 $0x2710, s5;
	[smem:$0x7FF] =	sst s4  }
0x8: {  	s8 =	sshrl.u32 s6, $0x1;
	s10 =	sadd.s32 $0x5A00, s7;
	s11 =	sadd.s32 $0x8700, s7  }
0x9: {  	s12 =	sadd.s32 $0xB400, s7;
	s13 =	sadd.s32 $0xE100, s7;
	s16 =	sadd.s32 $0x10E00, s7  }
0xa: {  	s30 =	sshrl.u32 s7, $0x3;
	s19 =	simm.s32 @!p0 $0x3B200;
	_ =	strace $0x80000047  }
0xb: {  	s15 =	sshrl.u32 s10, $0x3;
	s20 =	sshrl.u32 s12, $0x3;
	s10 =	sadd.s32 s10, s3  }
0xc: {  	s22 =	sshrl.u32 s16, $0x3;
	s12 =	sadd.s32 s12, s3;
	[dreg:$0xf] =	wrdreg s10  }
0xd: {  	s19 =	sadd.s32 s19, s0;
	s16 =	sadd.s32 s16, s3;
	[dreg:$0x11] =	wrdreg s12  }
0xe: {  	s17 =	sadd.s32 $0x13B00, s7;
	s1 =	sadd.s32 s19, s30;
	[dreg:$0x13] =	wrdreg s16  }
0xf: {  	s18 =	sshrl.u32 s11, $0x3;
	s15 =	sadd.s32 s19, s15;
	[dreg:$0x4] =	wrdreg s1  }
0x10: {  	s6 =	ssub.s32 s6, s8;
	s18 =	sadd.s32 s19, s18;
	[dreg:$0x6] =	wrdreg s15  }
0x11: {  	s21 =	sshrl.u32 s13, $0x3;
	s20 =	sadd.s32 s19, s20;
	[dreg:$0x7] =	wrdreg s18  }
0x12: {  	s8 =	sadd.s32 $0x2D00, s7;
	s24 =	sadd.s32 s19, s21;
	[dreg:$0x8] =	wrdreg s20  }
0x13: {  	s23 =	sshrl.u32 s17, $0x3;
	s25 =	sadd.s32 s19, s22;
	[dreg:$0x9] =	wrdreg s24  }
0x14: {  	s9 =	sshrl.u32 s5, $0x3;
	s26 =	sadd.s32 s19, s23;
	[dreg:$0xa] =	wrdreg s25  }
0x15: {  	s14 =	sshrl.u32 s8, $0x3;
	s21 =	sadd.s32 s13, s3;
	[dreg:$0xb] =	wrdreg s26  }
0x16: {  	s22 =	sadd.s32 s17, s3;
	s10 =	simm.s32 $0x50;
	[dreg:$0x12] =	wrdreg s21  }
0x17: {  	s13 =	simm.s32 $0x2738;
	s14 =	sadd.s32 s19, s14;
	[dreg:$0x14] =	wrdreg s22  }
0x18: {  	s17 =	simm.s32 $0x4;
	s20 =	sadd.s32 s11, s3;
	[dreg:$0x5] =	wrdreg s14  }
0x19: {  	s30 =	sadd.s32 s9, s0;
	s24 =	smax.u32 s6, $0x1;
	[dreg:$0x10] =	wrdreg s20  }
0x1a: {  	s15 =	sadd.s32 $0x2C400, s0;
	s23 =	sadd.s32 s2, s9;
	[dreg:$0x16] =	wrdreg s24  }
0x1b: {  	s18 =	sadd.s32 s7, s3;
	s26 =	sadd.s32 $0x190, s5;
	[dreg:$0x15] =	wrdreg s23  }
0x1c: {  	s19 =	sadd.s32 s8, s3;
	s6 =	simm.s32 $0x2710;
	[dreg:$0x19] =	wrdreg s26  }
0x1d: {  	s9 =	simm.s32 $0x1;
	s11 =	simm.s32 $0x28;
	[dreg:$0xd] =	wrdreg s18  }
0x1e: {  	s22 =	simm.s32 $0x7;
	s1 =	sadd.s32 $0x31400, s30;
	[dreg:$0xe] =	wrdreg s19  }
0x1f: {  	s8 =	simm.s32 $0x0;
	s25 =	sadd.s32 $0xA, s23;
	[dreg:$0xc] =	wrdreg s1  }
0x20: {  	s14 =	sadd.s32 $0x400, s0;
	s0 =	sadd.s32 $0x14, s23;
	[dreg:$0x17] =	wrdreg s25  }
0x21: {  	s30 =	sadd.s32 $0x1E0, s5;
	s26 =	simm.s32 $0x3;
	[dreg:$0x18] =	wrdreg s0  }
0x22: {  	s20 =	simm.s32 $0x5;
	s24 =	simm.s32 $0x6;
	[dreg:$0x1a] =	wrdreg s30  }
0x23: {  	v0 =	vimm.f32 $0.0e+00;
	s1 =	simm.s32 $0x9;
	s0 =	simm.s32 $0x3250;
	s25 =	simm.s32 $0x5F50  }
.LBB2_1:
0x24: {  	[dreg:$0x1b] =	wrdreg s8  }
0x25: {  	s7 =	rddreg [dreg:$0xc]  }
0x26: {  	[tilespmem:s4], [sflag:$0x9] =	stream.linear.gather [hbm4b:s7+s4], $0x2710, $0x38;
	[tilespmem:$0x1EFD0] =	vst v63  }
0x27: {  	_ =	swait.ge [sflag:s1], $0x2710  }
0x28: {  	[sflag:s1] =	ssyncset.done $0x0  }
0x29: {  	s8 =	simm.s32 $0x240;
	s7 =	simm.s32 $0x0;
	[sflag:s1] =	ssyncadd.s32 $0xFFFFD8F0  }
.LBB2_2:
0x2a: {  	p0 =	sne.s32 s8, $0xB1C0;
	[tilespmem:s7+$0x32D0] =	vst v0  }
0x2b: {  	[tilespmem:s7+$0x3250] =	vst v0  }
0x2c: {  	[tilespmem:s7+$0x3260] =	vst v0  }
0x2d: {  	[tilespmem:s7+$0x3270] =	vst v0  }
.Ltmp0:
0x2e: {  	[tilespmem:s7+$0x3280] =	vst v0;
	(pc) =	sbr.rel @p0 .LBB2_2-.Ltmp0, $4  }
0x2f: {  	[tilespmem:s7+$0x3290] =	vst v0  }
0x30: {  	[tilespmem:s7+$0x32A0] =	vst v0  }
0x31: {  	[tilespmem:s7+$0x32B0] =	vst v0  }
0x32: {  	[tilespmem:s7+$0x32C0] =	vst v0;
	s7 =	sshra.s32 s8, $0x2;
	s8 =	sadd.s32 $0x240, s8  }
0x33: {  	[tilespmem:s7+$0x32D0] =	vst v0  }
0x34: {  	[tilespmem:s7+$0x3250] =	vst v0  }
0x35: {  	[tilespmem:s7+$0x3260] =	vst v0  }
0x36: {  	[tilespmem:s7+$0x3270] =	vst v0  }
0x37: {  	[tilespmem:s7+$0x3280] =	vst v0  }
0x38: {  	[tilespmem:s7+$0x3290] =	vst v0  }
0x39: {  	[tilespmem:s7+$0x32A0] =	vst v0  }
0x3a: {  	[tilespmem:s7+$0x32B0] =	vst v0  }
0x3b: {  	[tilespmem:s7+$0x32C0] =	vst v0  }
0x3c: {  	[spmem:s18] =	stream.linear.scatter [tilespmem:s0], [sflag:$0x9], $0x2D00, $0x38;
	[tilespmem:$0x1EFD0] =	vst v63  }
0x3d: {  	_ =	swait.ge [sflag:s1], $0x2D00  }
0x3e: {  	[sflag:s1] =	ssyncset.done $0x0  }
0x3f: {  	[sflag:s1] =	ssyncadd.s32 $0xFFFFD300  }
0x40: {  	[spmem:s19] =	stream.linear.scatter [tilespmem:s0], [sflag:$0x9], $0x2D00, $0x38;
	[tilespmem:$0x1EFD0] =	vst v63  }
0x41: {  	_ =	swait.ge [sflag:s1], $0x2D00  }
0x42: {  	[sflag:s1] =	ssyncset.done $0x0  }
0x43: {  	s21 =	rddreg [dreg:$0xf];
	[sflag:s1] =	ssyncadd.s32 $0xFFFFD300  }
0x44: {  	[spmem:s21] =	stream.linear.scatter [tilespmem:s0], [sflag:$0x9], $0x2D00, $0x38;
	[tilespmem:$0x1EFD0] =	vst v63  }
0x45: {  	_ =	swait.ge [sflag:s1], $0x2D00  }
0x46: {  	[sflag:s1] =	ssyncset.done $0x0  }
0x47: {  	s23 =	rddreg [dreg:$0x10];
	[sflag:s1] =	ssyncadd.s32 $0xFFFFD300  }
0x48: {  	[spmem:s23] =	stream.linear.scatter [tilespmem:s0], [sflag:$0x9], $0x2D00, $0x38;
	[tilespmem:$0x1EFD0] =	vst v63  }
0x49: {  	_ =	swait.ge [sflag:s1], $0x2D00  }
0x4a: {  	[sflag:s1] =	ssyncset.done $0x0  }
0x4b: {  	[sflag:s1] =	ssyncadd.s32 $0xFFFFD300  }
0x4c: {  	[spmem:s12] =	stream.linear.scatter [tilespmem:s0], [sflag:$0x9], $0x2D00, $0x38;
	[tilespmem:$0x1EFD0] =	vst v63  }
0x4d: {  	_ =	swait.ge [sflag:s1], $0x2D00  }
0x4e: {  	[sflag:s1] =	ssyncset.done $0x0  }
0x4f: {  	s30 =	rddreg [dreg:$0x12];
	[sflag:s1] =	ssyncadd.s32 $0xFFFFD300  }
0x50: {  	[spmem:s30] =	stream.linear.scatter [tilespmem:s0], [sflag:$0x9], $0x2D00, $0x38;
	[tilespmem:$0x1EFD0] =	vst v63  }
0x51: {  	_ =	swait.ge [sflag:s1], $0x2D00  }
0x52: {  	[sflag:s1] =	ssyncset.done $0x0  }
0x53: {  	[sflag:s1] =	ssyncadd.s32 $0xFFFFD300  }
0x54: {  	[spmem:s16] =	stream.linear.scatter [tilespmem:s0], [sflag:$0x9], $0x2D00, $0x38;
	[tilespmem:$0x1EFD0] =	vst v63  }
0x55: {  	_ =	swait.ge [sflag:s1], $0x2D00  }
0x56: {  	[sflag:s1] =	ssyncset.done $0x0  }
0x57: {  	s8 =	rddreg [dreg:$0x14];
	[sflag:s1] =	ssyncadd.s32 $0xFFFFD300  }
0x58: {  	[spmem:s8] =	stream.linear.scatter [tilespmem:s0], [sflag:$0x9], $0x2880, $0x38;
	[tilespmem:$0x1EFD0] =	vst v63  }
0x59: {  	_ =	swait.ge [sflag:s1], $0x2880  }
0x5a: {  	[sflag:s1] =	ssyncset.done $0x0  }
0x5b: {  	[sflag:s1] =	ssyncadd.s32 $0xFFFFD780  }
0x5c: {  	[bflag:$0x0] =	sbarrier.arrive $0xFFFF  }
0x5d: {  	s19 =	simm.s32 $0x0;
	s12 =	rddreg [dreg:$0x15]  }
0x5e: {  	[tilespmem:s6], [sflag:$0x1] =	stream.linear.gather [hbm4b:s12+s19], $0x50, $0x38;
	[tilespmem:$0x1EFD0] =	vst v63  }
0x5f: {  	s8 =	simm.s32 $0x2760;
	s16 =	rddreg [dreg:$0x17]  }
0x60: {  	[tilespmem:s8], [sflag:$0x2] =	stream.linear.gather [hbm4b:s16+s19], $0x50, $0x38;
	[tilespmem:$0x1EFD0] =	vst v63  }
0x61: {  	s21 =	simm.s32 $0x27B0;
	s18 =	rddreg [dreg:$0x18]  }
0x62: {  	[tilespmem:s21], [sflag:$0x3] =	stream.linear.gather [hbm4b:s18+s19], $0x50, $0x38;
	[tilespmem:$0x1EFD0] =	vst v63  }
0x63: {  	_ =	swait.ge [sflag:s9], $0x50  }
0x64: {  	[sflag:s9] =	ssyncset.done $0x0  }
0x65: {  	[sflag:s9] =	ssyncadd.s32 $0xFFFFFFB0  }
0x66: {  	[tilespmem:s0], [sflag:$0x5] =	stream.indirect.gather [hbm4b:s14+s10], $0x90, s19, s10, $0xb8;
	[tilespmem:$0x1EFD0] =	vst v63  }
0x67: {  	s23 =	simm.s32 $0x2850  }
0x68: {  	[tilespmem:s23], [sflag:$0x5] =	stream.indirect.gather [hbm4b:s15+s11], $0x10, s6, s11, $0xb8;
	[tilespmem:$0x1EFD0] =	vst v63  }
0x69: {  	s30 =	simm.s32 $0x2AD0  }
0x6a: {  	[tilespmem:s30], [sflag:$0x5] =	stream.indirect.gather [hbm4b:s15+s11], $0x10, s13, s11, $0xb8;
	[tilespmem:$0x1EFD0] =	vst v63  }
.LBB2_4:
0x6b: {  	s30 =	sshll.u32 s19, $0x2;
	p0 =	seq.s32 s19, $0x0  }
0x6c: {  	s7 =	simm.s32 @!p0 $0x8;
	s23 =	sor.u32 @!p0 $0x3, s30  }
0x6d: {  	_ =	swait.ge @!p0 [sflag:s7], $0x1680;
	s23 =	simm.s32 @p0 $0x3  }
0x6e: {  	[sflag:s7] =	ssyncset.done @!p0 $0x0;
	s8 =	smul.u32 $0x50, s23  }
0x6f: {  	[sflag:s7] =	ssyncadd.s32 @!p0 $0xFFFFE980  }
0x70: {  	_ =	swait.ge @!p0 [sflag:s7], $0x1680;
	s8 =	sadd.s32 s5, s8  }
0x71: {  	[sflag:s7] =	ssyncset.done @!p0 $0x0;
	s8 =	sshrl.u32 s8, $0x3  }
0x72: {  	s12 =	smul.u32 $0x500, s19;
	[sflag:s7] =	ssyncadd.s32 @!p0 $0xFFFFE980;
	s8 =	sadd.s32 s2, s8  }
0x73: {  	[tilespmem:s28], [sflag:$0x4] =	stream.linear.gather [hbm4b:s8+s4], $0x50, $0x38;
	[tilespmem:$0x1EFD0] =	vst v63  }
0x74: {  	_ =	swait.ge [sflag:s29], $0x50  }
0x75: {  	s18 =	sshra.s32 s12, $0x2;
	[sflag:s29] =	ssyncset.done $0x0  }
0x76: {  	s7 =	sadd.s32 $0x50, s18;
	[sflag:s29] =	ssyncadd.s32 $0xFFFFFFB0  }
0x77: {  	[tilespmem:s25], [sflag:$0x6] =	stream.indirect.gather [hbm4b:s14+s10], $0x90, s7, s10, $0xb8;
	[tilespmem:$0x1EFD0] =	vst v63  }
0x78: {  	s16 =	simm.s32 $0x2760;
	s21 =	simm.s32 $0x2D50  }
0x79: {  	[tilespmem:s21], [sflag:$0x6] =	stream.indirect.gather [hbm4b:s15+s11], $0x10, s16, s11, $0xb8;
	[tilespmem:$0x1EFD0] =	vst v63  }
0x7a: {  	s12 =	simm.s32 $0x2788;
	s16 =	simm.s32 $0x2FD0  }
0x7b: {  	[tilespmem:s16], [sflag:$0x6] =	stream.indirect.gather [hbm4b:s15+s11], $0x10, s12, s11, $0xb8;
	[tilespmem:$0x1EFD0] =	vst v63  }
0x7c: {  	_ =	swait.ge [sflag:s20], $0x2D00  }
0x7d: {  	[sflag:s20] =	ssyncset.done $0x0  }
0x7e: {  	[sflag:s20] =	ssyncadd.s32 $0xFFFFD300  }
0x7f: {  	_ =	swait.ge [sflag:s20], $0x280  }
0x80: {  	[sflag:s20] =	ssyncset.done $0x0  }
0x81: {  	[sflag:s20] =	ssyncadd.s32 $0xFFFFFD80  }
0x82: {  	_ =	swait.ge [sflag:s20], $0x280  }
0x83: {  	[sflag:s20] =	ssyncset.done $0x0  }
0x84: {  	s8 =	simm.s32 $0x32E0;
	[sflag:s20] =	ssyncadd.s32 $0xFFFFFD80  }
0x85: {  	s21 =	simm.s32 $0x2860;
	v1 =	vld [tilespmem:s8+$0x80]  }
0x86: {  	v2 =	vld [tilespmem:s21+$0x0]  }
0x87: {  	v3 =	vld [tilespmem:s21+$0xFFFFFFF0]  }
0x88: {  	v4 =	vld [tilespmem:s8+$0xFFFFFFF0]  }
0x89: {  	v18 =	vld [tilespmem:s8+$0xFFFFFF70]  }
0x8a: {  	v20 =	vld [tilespmem:s8+$0xFFFFFF80]  }
0x8b: {  	v21 =	vld [tilespmem:s8+$0xFFFFFF90]  }
0x8c: {  	v26 =	vld [tilespmem:s8+$0xFFFFFFA0];
	v1 =	vadd.f32 v2, v1  }
0x8d: {  	v27 =	vld [tilespmem:s8+$0xFFFFFFB0];
	v2 =	vadd.f32 v3, v4  }
0x8e: {  	v28 =	vld [tilespmem:s8+$0xFFFFFFC0];
	v3 =	vmul.f32 $9.999999770e-03, v1  }
0x8f: {  	v29 =	vld [tilespmem:s8+$0xFFFFFFD0];
	vm0 =	vgt.f32 v1, $0.0e+00;
	v4 =	vmul.f32 $9.999999770e-03, v2  }
0x90: {  	v33 =	vld [tilespmem:s8+$0xFFFFFFE0];
	vm13 =	vgt.f32 v2, $0.0e+00;
	v1 =	vsel vm0, v1, v3  }
0x91: {  	s12 =	simm.s32 $0x2880;
	v34 =	vld [tilespmem:s8+$0x0];
	v2 =	vsel vm13, v2, v4;
	v1 =	vmul.f32 $1.442695020e+00, v1  }
0x92: {  	s7 =	simm.s32 $0x3400;
	v10 =	vld [tilespmem:s12+$0xFFFFFFF0];
	v2 =	vmul.f32 $1.442695020e+00, v2  }
0x93: {  	v12 =	vld [tilespmem:s7+$0xFFFFFFF0];
	(erf) = vpow2.f32 v1  }
0x94: {  	v35 =	vld [tilespmem:s8+$0x10];
	(erf) = vpow2.f32 v2  }
0x95: {  	v6 =	vld [tilespmem:s8+$0x20]  }
0x96: {  	v11 =	vld [tilespmem:s8+$0x50]  }
0x97: {  	v7 =	vld [tilespmem:s8+$0x60]  }
0x98: {  	v5 =	vld [tilespmem:s8+$0x70];
	v14 =	vadd.f32 v10, v12  }
0x99: {  	v8 =	vld [tilespmem:s7+$0x80]  }
0x9a: {  	v9 =	vld [tilespmem:s12+$0x0];
	v23 =	vmul.f32 $9.999999770e-03, v14  }
0x9b: {  	v10 =	vld [tilespmem:s7+$0xFFFFFFC0];
	vm15 =	vgt.f32 v14, $0.0e+00  }
0x9c: {  	v12 =	vld [tilespmem:s7+$0xFFFFFFD0];
	v43 =	vsel vm15, v14, v23;
	v19 =	vpop (erf)  }
0x9d: {  	v3 =	vld [tilespmem:s7+$0xFFFFFF70];
	v43 =	vmul.f32 $1.442695020e+00, v43;
	v13 =	vbroadcast v19, $0x7;
	v17 =	vpop (erf)  }
0x9e: {  	v4 =	vld [tilespmem:s7+$0xFFFFFF80];
	v25 =	vbroadcast v17, $0x0;
	v30 =	vbroadcast v17, $0x1  }
0x9f: {  	v14 =	vld [tilespmem:s7+$0x0];
	v31 =	vbroadcast v17, $0x2;
	v15 =	vmul.f32 v5, v13;
	v13 =	vadd.f32 v9, v8  }
0xa0: {  	v1 =	vld [tilespmem:s8+$0x30];
	v32 =	vbroadcast v17, $0x3;
	v38 =	vbroadcast v17, $0x4  }
0xa1: {  	v2 =	vld [tilespmem:s8+$0x40];
	v39 =	vbroadcast v17, $0x5;
	v22 =	vmul.f32 $9.999999770e-03, v13  }
0xa2: {  	v40 =	vbroadcast v17, $0x6;
	v41 =	vbroadcast v17, $0x7;
	[tilespmem:s8+$0xFFFFFFF0] =	vst v17;
	v17 =	vld [tilespmem:s7+$0x20];
	vm14 =	vgt.f32 v13, $0.0e+00  }
0xa3: {  	v36 =	vbroadcast v19, $0x0;
	v37 =	vbroadcast v19, $0x1;
	v5 =	vld [tilespmem:s7+$0xFFFFFF90];
	v22 =	vsel vm14, v13, v22  }
0xa4: {  	v16 =	vbroadcast v19, $0x2;
	v8 =	vld [tilespmem:s7+$0xFFFFFFA0];
	v42 =	vmul.f32 $1.442695020e+00, v22  }
0xa5: {  	v24 =	vbroadcast v19, $0x4;
	v23 =	vbroadcast v19, $0x5;
	v9 =	vld [tilespmem:s7+$0xFFFFFFB0]  }
0xa6: {  	v61 =	vmul.f32 v25, v18;
	v18 =	vld [tilespmem:s7+$0x40];
	(erf) = vpow2.f32 v42  }
0xa7: {  	[tilespmem:s8+$0x80] =	vst v19;
	v25 =	vbroadcast v19, $0x6;
	v30 =	vmul.f32 v30, v20;
	v20 =	vld [tilespmem:s7+$0x50]  }
0xa8: {  	[tilespmem:s8+$0x70] =	vst v15;
	v22 =	vbroadcast v19, $0x3;
	v19 =	vld [tilespmem:s7+$0x30];
	(erf) = vpow2.f32 v43  }
0xa9: {  	v62 =	vmul.f32 v31, v21;
	v63 =	vmul.f32 v26, v32;
	v21 =	vld [tilespmem:s7+$0x60];
	[tilespmem:s8+$0xFFFFFF70] =	vst v61  }
0xaa: {  	v32 =	vmul.f32 v27, v38;
	v31 =	vmul.f32 v28, v39;
	v26 =	vld [tilespmem:s7+$0x70];
	[tilespmem:s8+$0xFFFFFF80] =	vst v30  }
0xab: {  	v28 =	vmul.f32 v33, v41;
	v27 =	vmul.f32 v37, v35;
	v15 =	vld [tilespmem:s7+$0x10];
	[tilespmem:s8+$0xFFFFFF90] =	vst v62  }
0xac: {  	s16 =	simm.s32 $0x2;
	s21 =	simm.s32 $0x3520;
	v30 =	vmul.f32 v29, v40;
	[tilespmem:s8+$0xFFFFFFA0] =	vst v63;
	v29 =	vmul.f32 v36, v34;
	v13 =	vld [tilespmem:s7+$0xFFFFFFE0]  }
.LBB2_5:
0xad: {  	v33 =	vld [tilespmem:s21+$0x80];
	s12 =	sadd.s32 $0x20, s12;
	[tilespmem:s8+$0xFFFFFFB0] =	vst v32;
	v32 =	vmul.f32 v16, v6;
	v22 =	vmul.f32 v1, v22;
	v6 =	vmovc v17;
	v1 =	vmov v19  }
0xae: {  	s16 =	sadd.s32 $0x2, s16;
	v19 =	vmul.f32 v2, v24;
	v23 =	vmul.f32 v11, v23;
	v17 =	vld [tilespmem:s12+$0x0];
	[tilespmem:s8+$0xFFFFFFC0] =	vst v31;
	v2 =	vmov v18  }
0xaf: {  	v24 =	vmul.f32 v7, v25;
	p0 =	slt.u32 s16, $0x26;
	v18 =	vld [tilespmem:s12+$0xFFFFFFF0];
	v31 =	vpop (erf);
	[tilespmem:s8+$0xFFFFFFD0] =	vst v30;
	v11 =	vmov v20  }
0xb0: {  	v20 =	vld [tilespmem:s21+$0xFFFFFFF0];
	v34 =	vbroadcast v31, $0x0;
	v25 =	vbroadcast v31, $0x7;
	[tilespmem:s8+$0xFFFFFFE0] =	vst v28;
	v7 =	vmov v21  }
0xb1: {  	v35 =	vbroadcast v31, $0x1;
	v16 =	vbroadcast v31, $0x2;
	v21 =	vld [tilespmem:s21+$0xFFFFFF70];
	v28 =	vpop (erf);
	[tilespmem:s8+$0x0] =	vst v29  }
0xb2: {  	v29 =	vld [tilespmem:s21+$0xFFFFFF80];
	v30 =	vbroadcast v28, $0x0;
	v25 =	vmul.f32 v26, v25;
	[tilespmem:s8+$0x10] =	vst v27  }
0xb3: {  	v27 =	vbroadcast v28, $0x1;
	v26 =	vld [tilespmem:s21+$0xFFFFFF90];
	v17 =	vadd.f32 v17, v33;
	v33 =	vbroadcast v28, $0x2;
	[tilespmem:s8+$0x20] =	vst v32  }
0xb4: {  	v36 =	vbroadcast v28, $0x3;
	v37 =	vbroadcast v28, $0x4;
	v32 =	vld [tilespmem:s21+$0xFFFFFFA0];
	[tilespmem:s7+$0x70] =	vst v25  }
0xb5: {  	v39 =	vbroadcast v28, $0x5;
	v18 =	vadd.f32 v18, v20;
	v38 =	vld [tilespmem:s21+$0xFFFFFFB0];
	v20 =	vmul.f32 $9.999999770e-03, v17;
	[tilespmem:s8+$0x30] =	vst v22  }
0xb6: {  	v41 =	vbroadcast v28, $0x6;
	v42 =	vbroadcast v28, $0x7;
	vm0 =	vgt.f32 v17, $0.0e+00;
	v40 =	vld [tilespmem:s21+$0xFFFFFFC0];
	[tilespmem:s8+$0x40] =	vst v19  }
0xb7: {  	vm1 =	vgt.f32 v18, $0.0e+00;
	v19 =	vmul.f32 $9.999999770e-03, v18;
	v43 =	vld [tilespmem:s21+$0xFFFFFFD0];
	v17 =	vsel vm0, v17, v20;
	[tilespmem:s8+$0x50] =	vst v23  }
0xb8: {  	v22 =	vbroadcast v31, $0x3;
	v44 =	vld [tilespmem:s21+$0xFFFFFFE0];
	v17 =	vmul.f32 $1.442695020e+00, v17;
	[tilespmem:s8+$0x60] =	vst v24;
	s8 =	smov.u32 s7;
	s7 =	smov.u32 s21  }
0xb9: {  	v23 =	vbroadcast v31, $0x5;
	v24 =	vbroadcast v31, $0x4;
	v18 =	vsel vm1, v18, v19;
	v45 =	vld [tilespmem:s21+$0x0];
	[tilespmem:s8+$0xFFFFFFF0] =	vst v28  }
0xba: {  	v18 =	vmul.f32 $1.442695020e+00, v18;
	v46 =	vld [tilespmem:s21+$0x10];
	(erf) = vpow2.f32 v17;
	[tilespmem:s8+$0x80] =	vst v31  }
0xbb: {  	v25 =	vbroadcast v31, $0x6;
	v20 =	vmul.f32 v30, v3;
	v3 =	vmov v21;
	v17 =	vld [tilespmem:s21+$0x20]  }
.Ltmp1:
0xbc: {  	v21 =	vmul.f32 v27, v4;
	v4 =	vmov v29;
	v19 =	vld [tilespmem:s21+$0x30];
	(erf) = vpow2.f32 v18;
	(pc) =	sbr.rel @p0 .LBB2_5-.Ltmp1, $4  }
0xbd: {  	v27 =	vmul.f32 v33, v5;
	v29 =	vmul.f32 v8, v36;
	v5 =	vmovc v26;
	v8 =	vmov v32;
	v18 =	vld [tilespmem:s21+$0x40];
	[tilespmem:s8+$0xFFFFFF70] =	vst v20  }
0xbe: {  	v32 =	vmul.f32 v9, v37;
	v31 =	vmul.f32 v10, v39;
	v9 =	vmovc v38;
	v10 =	vmov v40;
	v20 =	vld [tilespmem:s21+$0x50];
	[tilespmem:s8+$0xFFFFFF80] =	vst v21  }
0xbf: {  	v30 =	vmul.f32 v12, v41;
	v28 =	vmul.f32 v13, v42;
	v12 =	vmovc v43;
	v13 =	vmov v44;
	v21 =	vld [tilespmem:s21+$0x60];
	[tilespmem:s8+$0xFFFFFF90] =	vst v27  }
0xc0: {  	s21 =	sadd.s32 $0x120, s21;
	v27 =	vmul.f32 v35, v15;
	v15 =	vmovc v46;
	v26 =	vld [tilespmem:s7+$0x70];
	[tilespmem:s8+$0xFFFFFFA0] =	vst v29;
	v29 =	vmul.f32 v34, v14;
	v14 =	vmov v45  }
0xc1: {  	[tilespmem:s8+$0xFFFFFFB0] =	vst v32  }
0xc2: {  	[tilespmem:s8+$0xFFFFFFC0] =	vst v31  }
0xc3: {  	[tilespmem:s8+$0xFFFFFFD0] =	vst v30  }
0xc4: {  	[tilespmem:s8+$0xFFFFFFE0] =	vst v28  }
0xc5: {  	v6 =	vmul.f32 v16, v6;
	[tilespmem:s8+$0x0] =	vst v29  }
0xc6: {  	v1 =	vmul.f32 v1, v22;
	[tilespmem:s8+$0x10] =	vst v27  }
0xc7: {  	v2 =	vmul.f32 v2, v24;
	[tilespmem:s8+$0x20] =	vst v6  }
0xc8: {  	[tilespmem:s8+$0x30] =	vst v1  }
0xc9: {  	v31 =	vpop (erf);
	v6 =	vmul.f32 v11, v23;
	[tilespmem:s8+$0x40] =	vst v2  }
0xca: {  	v1 =	vmul.f32 v7, v25;
	v30 =	vbroadcast v31, $0x7;
	[tilespmem:s7+$0x80] =	vst v31;
	v7 =	vpop (erf)  }
0xcb: {  	[tilespmem:s8+$0x50] =	vst v6;
	v2 =	vbroadcast v7, $0x0  }
0xcc: {  	[tilespmem:s8+$0x60] =	vst v1;
	v16 =	vmul.f32 v26, v30;
	v6 =	vbroadcast v7, $0x1  }
0xcd: {  	v1 =	vbroadcast v7, $0x2;
	[tilespmem:s7+$0xFFFFFFF0] =	vst v7;
	v2 =	vmul.f32 v2, v3  }
0xce: {  	[tilespmem:s7+$0x70] =	vst v16;
	v3 =	vbroadcast v7, $0x3;
	v4 =	vmul.f32 v6, v4  }
0xcf: {  	v6 =	vbroadcast v7, $0x4;
	v1 =	vmul.f32 v1, v5;
	[tilespmem:s7+$0xFFFFFF70] =	vst v2  }
0xd0: {  	v2 =	vbroadcast v7, $0x5;
	v3 =	vmul.f32 v8, v3;
	[tilespmem:s7+$0xFFFFFF80] =	vst v4  }
0xd1: {  	v4 =	vbroadcast v7, $0x6;
	v5 =	vmul.f32 v9, v6;
	[tilespmem:s7+$0xFFFFFF90] =	vst v1  }
0xd2: {  	v1 =	vbroadcast v7, $0x7;
	v2 =	vmul.f32 v10, v2;
	[tilespmem:s7+$0xFFFFFFA0] =	vst v3  }
0xd3: {  	v3 =	vbroadcast v31, $0x0;
	v4 =	vmul.f32 v12, v4;
	[tilespmem:s7+$0xFFFFFFB0] =	vst v5  }
0xd4: {  	v5 =	vbroadcast v31, $0x1;
	v1 =	vmul.f32 v13, v1;
	[tilespmem:s7+$0xFFFFFFC0] =	vst v2  }
0xd5: {  	v2 =	vbroadcast v31, $0x2;
	v3 =	vmul.f32 v3, v14;
	[tilespmem:s7+$0xFFFFFFD0] =	vst v4  }
0xd6: {  	v4 =	vbroadcast v31, $0x3;
	v5 =	vmul.f32 v5, v15;
	[tilespmem:s7+$0xFFFFFFE0] =	vst v1  }
0xd7: {  	v1 =	vbroadcast v31, $0x4;
	v2 =	vmul.f32 v2, v17;
	[tilespmem:s7+$0x0] =	vst v3  }
0xd8: {  	v3 =	vbroadcast v31, $0x5;
	v4 =	vmul.f32 v19, v4;
	[tilespmem:s7+$0x10] =	vst v5  }
0xd9: {  	v5 =	vbroadcast v31, $0x6;
	v1 =	vmul.f32 v18, v1;
	[tilespmem:s7+$0x20] =	vst v2  }
0xda: {  	v2 =	vmul.f32 v20, v3;
	[tilespmem:s7+$0x30] =	vst v4  }
0xdb: {  	v3 =	vmul.f32 v21, v5;
	[tilespmem:s7+$0x40] =	vst v1  }
0xdc: {  	[tilespmem:s7+$0x50] =	vst v2  }
0xdd: {  	s8 =	simm.s32 $0x49E0;
	[tilespmem:s7+$0x60] =	vst v3  }
0xde: {  	[spmem:s3] =	stream.indirect.scatter.add.f32 [tilespmem:s0], [sflag:$0x7], $0x90, s6, s11, $0xb8;
	[tilespmem:$0x1EFD0] =	vst v63  }
0xdf: {  	s21 =	simm.s32 $0x2AE0;
	v1 =	vld [tilespmem:s8+$0x0]  }
0xe0: {  	v2 =	vld [tilespmem:s21+$0x0]  }
0xe1: {  	v3 =	vld [tilespmem:s21+$0xFFFFFFF0]  }
0xe2: {  	v4 =	vld [tilespmem:s8+$0xFFFFFF70]  }
0xe3: {  	v18 =	vld [tilespmem:s8+$0xFFFFFEF0]  }
0xe4: {  	v20 =	vld [tilespmem:s8+$0xFFFFFF00]  }
0xe5: {  	v21 =	vld [tilespmem:s8+$0xFFFFFF10]  }
0xe6: {  	v26 =	vld [tilespmem:s8+$0xFFFFFF20];
	v1 =	vadd.f32 v2, v1  }
0xe7: {  	v27 =	vld [tilespmem:s8+$0xFFFFFF30];
	v2 =	vadd.f32 v3, v4  }
0xe8: {  	v28 =	vld [tilespmem:s8+$0xFFFFFF40];
	v3 =	vmul.f32 $9.999999770e-03, v1  }
0xe9: {  	v29 =	vld [tilespmem:s8+$0xFFFFFF50];
	vm0 =	vgt.f32 v1, $0.0e+00;
	v4 =	vmul.f32 $9.999999770e-03, v2  }
0xea: {  	v33 =	vld [tilespmem:s8+$0xFFFFFF60];
	vm13 =	vgt.f32 v2, $0.0e+00;
	v1 =	vsel vm0, v1, v3  }
0xeb: {  	s12 =	simm.s32 $0x2B00;
	v34 =	vld [tilespmem:s8+$0xFFFFFF80];
	v2 =	vsel vm13, v2, v4;
	v1 =	vmul.f32 $1.442695020e+00, v1  }
0xec: {  	s7 =	simm.s32 $0x4B00;
	v10 =	vld [tilespmem:s12+$0xFFFFFFF0];
	v2 =	vmul.f32 $1.442695020e+00, v2  }
0xed: {  	v12 =	vld [tilespmem:s7+$0xFFFFFF70];
	(erf) = vpow2.f32 v1  }
0xee: {  	v35 =	vld [tilespmem:s8+$0xFFFFFF90];
	(erf) = vpow2.f32 v2  }
0xef: {  	v6 =	vld [tilespmem:s8+$0xFFFFFFA0]  }
0xf0: {  	v11 =	vld [tilespmem:s8+$0xFFFFFFD0]  }
0xf1: {  	v7 =	vld [tilespmem:s8+$0xFFFFFFE0]  }
0xf2: {  	v5 =	vld [tilespmem:s8+$0xFFFFFFF0];
	v14 =	vadd.f32 v10, v12  }
0xf3: {  	v8 =	vld [tilespmem:s7+$0x0]  }
0xf4: {  	v9 =	vld [tilespmem:s12+$0x0];
	v23 =	vmul.f32 $9.999999770e-03, v14  }
0xf5: {  	v10 =	vld [tilespmem:s7+$0xFFFFFF40];
	vm15 =	vgt.f32 v14, $0.0e+00  }
0xf6: {  	v12 =	vld [tilespmem:s7+$0xFFFFFF50];
	v43 =	vsel vm15, v14, v23;
	v19 =	vpop (erf)  }
0xf7: {  	v3 =	vld [tilespmem:s7+$0xFFFFFEF0];
	v43 =	vmul.f32 $1.442695020e+00, v43;
	v13 =	vbroadcast v19, $0x7;
	v17 =	vpop (erf)  }
0xf8: {  	v4 =	vld [tilespmem:s7+$0xFFFFFF00];
	v25 =	vbroadcast v17, $0x0;
	v30 =	vbroadcast v17, $0x1  }
0xf9: {  	v14 =	vld [tilespmem:s7+$0xFFFFFF80];
	v31 =	vbroadcast v17, $0x2;
	v15 =	vmul.f32 v5, v13;
	v13 =	vadd.f32 v9, v8  }
0xfa: {  	v1 =	vld [tilespmem:s8+$0xFFFFFFB0];
	v60 =	vbroadcast v17, $0x3;
	v38 =	vbroadcast v17, $0x4  }
0xfb: {  	v2 =	vld [tilespmem:s8+$0xFFFFFFC0];
	v39 =	vbroadcast v17, $0x5;
	v22 =	vmul.f32 $9.999999770e-03, v13  }
0xfc: {  	v40 =	vbroadcast v17, $0x6;
	v41 =	vbroadcast v17, $0x7;
	[tilespmem:s8+$0xFFFFFF70] =	vst v17;
	v17 =	vld [tilespmem:s7+$0xFFFFFFA0];
	vm14 =	vgt.f32 v13, $0.0e+00  }
0xfd: {  	v36 =	vbroadcast v19, $0x0;
	v37 =	vbroadcast v19, $0x1;
	v5 =	vld [tilespmem:s7+$0xFFFFFF10];
	v22 =	vsel vm14, v13, v22  }
0xfe: {  	v16 =	vbroadcast v19, $0x2;
	v8 =	vld [tilespmem:s7+$0xFFFFFF20];
	v42 =	vmul.f32 $1.442695020e+00, v22  }
0xff: {  	v24 =	vbroadcast v19, $0x4;
	v23 =	vbroadcast v19, $0x5;
	v9 =	vld [tilespmem:s7+$0xFFFFFF30]  }
0x100: {  	v61 =	vmul.f32 v25, v18;
	v18 =	vld [tilespmem:s7+$0xFFFFFFC0];
	(erf) = vpow2.f32 v42  }
0x101: {  	[tilespmem:s8+$0x0] =	vst v19;
	v25 =	vbroadcast v19, $0x6;
	v30 =	vmul.f32 v30, v20;
	v20 =	vld [tilespmem:s7+$0xFFFFFFD0]  }
0x102: {  	[tilespmem:s8+$0xFFFFFFF0] =	vst v15;
	v22 =	vbroadcast v19, $0x3;
	v19 =	vld [tilespmem:s7+$0xFFFFFFB0];
	(erf) = vpow2.f32 v43  }
0x103: {  	v62 =	vmul.f32 v31, v21;
	v63 =	vmul.f32 v26, v60;
	v21 =	vld [tilespmem:s7+$0xFFFFFFE0];
	[tilespmem:s8+$0xFFFFFEF0] =	vst v61  }
0x104: {  	v32 =	vmul.f32 v27, v38;
	v31 =	vmul.f32 v28, v39;
	v26 =	vld [tilespmem:s7+$0xFFFFFFF0];
	[tilespmem:s8+$0xFFFFFF00] =	vst v30  }
0x105: {  	v28 =	vmul.f32 v33, v41;
	v27 =	vmul.f32 v37, v35;
	v15 =	vld [tilespmem:s7+$0xFFFFFF90];
	[tilespmem:s8+$0xFFFFFF10] =	vst v62  }
0x106: {  	s16 =	simm.s32 $0x2A;
	s21 =	simm.s32 $0x4C20;
	v30 =	vmul.f32 v29, v40;
	[tilespmem:s8+$0xFFFFFF20] =	vst v63;
	v29 =	vmul.f32 v36, v34;
	v13 =	vld [tilespmem:s7+$0xFFFFFF60]  }
.LBB2_7:
0x107: {  	v33 =	vld [tilespmem:s21+$0x0];
	s12 =	sadd.s32 $0x20, s12;
	[tilespmem:s8+$0xFFFFFF30] =	vst v32;
	v32 =	vmul.f32 v16, v6;
	v22 =	vmul.f32 v1, v22;
	v6 =	vmovc v17;
	v1 =	vmov v19  }
0x108: {  	s16 =	sadd.s32 $0x2, s16;
	v19 =	vmul.f32 v2, v24;
	v23 =	vmul.f32 v11, v23;
	v17 =	vld [tilespmem:s12+$0x0];
	[tilespmem:s8+$0xFFFFFF40] =	vst v31;
	v2 =	vmov v18  }
0x109: {  	v24 =	vmul.f32 v7, v25;
	p0 =	slt.u32 s16, $0x4E;
	v18 =	vld [tilespmem:s12+$0xFFFFFFF0];
	v31 =	vpop (erf);
	[tilespmem:s8+$0xFFFFFF50] =	vst v30;
	v11 =	vmov v20  }
0x10a: {  	v20 =	vld [tilespmem:s21+$0xFFFFFF70];
	v34 =	vbroadcast v31, $0x0;
	v25 =	vbroadcast v31, $0x7;
	[tilespmem:s8+$0xFFFFFF60] =	vst v28;
	v7 =	vmov v21  }
0x10b: {  	v35 =	vbroadcast v31, $0x1;
	v16 =	vbroadcast v31, $0x2;
	v21 =	vld [tilespmem:s21+$0xFFFFFEF0];
	v28 =	vpop (erf);
	[tilespmem:s8+$0xFFFFFF80] =	vst v29  }
0x10c: {  	v29 =	vld [tilespmem:s21+$0xFFFFFF00];
	v30 =	vbroadcast v28, $0x0;
	v25 =	vmul.f32 v26, v25;
	[tilespmem:s8+$0xFFFFFF90] =	vst v27  }
0x10d: {  	v27 =	vbroadcast v28, $0x1;
	v26 =	vld [tilespmem:s21+$0xFFFFFF10];
	v17 =	vadd.f32 v17, v33;
	v33 =	vbroadcast v28, $0x2;
	[tilespmem:s8+$0xFFFFFFA0] =	vst v32  }
0x10e: {  	v36 =	vbroadcast v28, $0x3;
	v37 =	vbroadcast v28, $0x4;
	v32 =	vld [tilespmem:s21+$0xFFFFFF20];
	[tilespmem:s7+$0xFFFFFFF0] =	vst v25  }
0x10f: {  	v39 =	vbroadcast v28, $0x5;
	v18 =	vadd.f32 v18, v20;
	v38 =	vld [tilespmem:s21+$0xFFFFFF30];
	v20 =	vmul.f32 $9.999999770e-03, v17;
	[tilespmem:s8+$0xFFFFFFB0] =	vst v22  }
0x110: {  	v41 =	vbroadcast v28, $0x6;
	v42 =	vbroadcast v28, $0x7;
	vm0 =	vgt.f32 v17, $0.0e+00;
	v40 =	vld [tilespmem:s21+$0xFFFFFF40];
	[tilespmem:s8+$0xFFFFFFC0] =	vst v19  }
0x111: {  	vm1 =	vgt.f32 v18, $0.0e+00;
	v19 =	vmul.f32 $9.999999770e-03, v18;
	v43 =	vld [tilespmem:s21+$0xFFFFFF50];
	v17 =	vsel vm0, v17, v20;
	[tilespmem:s8+$0xFFFFFFD0] =	vst v23  }
0x112: {  	v22 =	vbroadcast v31, $0x3;
	v44 =	vld [tilespmem:s21+$0xFFFFFF60];
	v17 =	vmul.f32 $1.442695020e+00, v17;
	[tilespmem:s8+$0xFFFFFFE0] =	vst v24;
	s8 =	smov.u32 s7;
	s7 =	smov.u32 s21  }
0x113: {  	v23 =	vbroadcast v31, $0x5;
	v24 =	vbroadcast v31, $0x4;
	v18 =	vsel vm1, v18, v19;
	v45 =	vld [tilespmem:s21+$0xFFFFFF80];
	[tilespmem:s8+$0xFFFFFF70] =	vst v28  }
0x114: {  	v18 =	vmul.f32 $1.442695020e+00, v18;
	v46 =	vld [tilespmem:s21+$0xFFFFFF90];
	(erf) = vpow2.f32 v17;
	[tilespmem:s8+$0x0] =	vst v31  }
0x115: {  	v25 =	vbroadcast v31, $0x6;
	v20 =	vmul.f32 v30, v3;
	v3 =	vmov v21;
	v17 =	vld [tilespmem:s21+$0xFFFFFFA0]  }
.Ltmp2:
0x116: {  	v21 =	vmul.f32 v27, v4;
	v4 =	vmov v29;
	v19 =	vld [tilespmem:s21+$0xFFFFFFB0];
	(erf) = vpow2.f32 v18;
	(pc) =	sbr.rel @p0 .LBB2_7-.Ltmp2, $4  }
0x117: {  	v27 =	vmul.f32 v33, v5;
	v29 =	vmul.f32 v8, v36;
	v5 =	vmovc v26;
	v8 =	vmov v32;
	v18 =	vld [tilespmem:s21+$0xFFFFFFC0];
	[tilespmem:s8+$0xFFFFFEF0] =	vst v20  }
0x118: {  	v32 =	vmul.f32 v9, v37;
	v31 =	vmul.f32 v10, v39;
	v9 =	vmovc v38;
	v10 =	vmov v40;
	v20 =	vld [tilespmem:s21+$0xFFFFFFD0];
	[tilespmem:s8+$0xFFFFFF00] =	vst v21  }
0x119: {  	v30 =	vmul.f32 v12, v41;
	v28 =	vmul.f32 v13, v42;
	v12 =	vmovc v43;
	v13 =	vmov v44;
	v21 =	vld [tilespmem:s21+$0xFFFFFFE0];
	[tilespmem:s8+$0xFFFFFF10] =	vst v27  }
0x11a: {  	s21 =	sadd.s32 $0x120, s21;
	v27 =	vmul.f32 v35, v15;
	v15 =	vmovc v46;
	v26 =	vld [tilespmem:s7+$0xFFFFFFF0];
	[tilespmem:s8+$0xFFFFFF20] =	vst v29;
	v29 =	vmul.f32 v34, v14;
	v14 =	vmov v45  }
0x11b: {  	[tilespmem:s8+$0xFFFFFF30] =	vst v32  }
0x11c: {  	[tilespmem:s8+$0xFFFFFF40] =	vst v31  }
0x11d: {  	[tilespmem:s8+$0xFFFFFF50] =	vst v30  }
0x11e: {  	[tilespmem:s8+$0xFFFFFF60] =	vst v28  }
0x11f: {  	v6 =	vmul.f32 v16, v6;
	[tilespmem:s8+$0xFFFFFF80] =	vst v29  }
0x120: {  	v1 =	vmul.f32 v1, v22;
	[tilespmem:s8+$0xFFFFFF90] =	vst v27  }
0x121: {  	v2 =	vmul.f32 v2, v24;
	[tilespmem:s8+$0xFFFFFFA0] =	vst v6  }
0x122: {  	[tilespmem:s8+$0xFFFFFFB0] =	vst v1  }
0x123: {  	v31 =	vpop (erf);
	v6 =	vmul.f32 v11, v23;
	[tilespmem:s8+$0xFFFFFFC0] =	vst v2  }
0x124: {  	v1 =	vmul.f32 v7, v25;
	v30 =	vbroadcast v31, $0x7;
	[tilespmem:s7+$0x0] =	vst v31;
	v7 =	vpop (erf)  }
0x125: {  	[tilespmem:s8+$0xFFFFFFD0] =	vst v6;
	v2 =	vbroadcast v7, $0x0  }
0x126: {  	[tilespmem:s8+$0xFFFFFFE0] =	vst v1;
	v16 =	vmul.f32 v26, v30;
	v6 =	vbroadcast v7, $0x1  }
0x127: {  	v1 =	vbroadcast v7, $0x2;
	[tilespmem:s7+$0xFFFFFF70] =	vst v7;
	v2 =	vmul.f32 v2, v3  }
0x128: {  	[tilespmem:s7+$0xFFFFFFF0] =	vst v16;
	v3 =	vbroadcast v7, $0x3;
	v4 =	vmul.f32 v6, v4  }
0x129: {  	v6 =	vbroadcast v7, $0x4;
	v1 =	vmul.f32 v1, v5;
	[tilespmem:s7+$0xFFFFFEF0] =	vst v2  }
0x12a: {  	v2 =	vbroadcast v7, $0x5;
	v3 =	vmul.f32 v8, v3;
	[tilespmem:s7+$0xFFFFFF00] =	vst v4  }
0x12b: {  	v4 =	vbroadcast v7, $0x6;
	v5 =	vmul.f32 v9, v6;
	[tilespmem:s7+$0xFFFFFF10] =	vst v1  }
0x12c: {  	v1 =	vbroadcast v7, $0x7;
	v2 =	vmul.f32 v10, v2;
	[tilespmem:s7+$0xFFFFFF20] =	vst v3  }
0x12d: {  	v3 =	vbroadcast v31, $0x0;
	v4 =	vmul.f32 v12, v4;
	[tilespmem:s7+$0xFFFFFF30] =	vst v5  }
0x12e: {  	v5 =	vbroadcast v31, $0x1;
	v1 =	vmul.f32 v13, v1;
	[tilespmem:s7+$0xFFFFFF40] =	vst v2  }
0x12f: {  	v2 =	vbroadcast v31, $0x2;
	v3 =	vmul.f32 v3, v14;
	[tilespmem:s7+$0xFFFFFF50] =	vst v4  }
0x130: {  	v4 =	vbroadcast v31, $0x3;
	v5 =	vmul.f32 v5, v15;
	[tilespmem:s7+$0xFFFFFF60] =	vst v1  }
0x131: {  	v1 =	vbroadcast v31, $0x4;
	v2 =	vmul.f32 v2, v17;
	[tilespmem:s7+$0xFFFFFF80] =	vst v3  }
0x132: {  	v3 =	vbroadcast v31, $0x5;
	v4 =	vmul.f32 v19, v4;
	[tilespmem:s7+$0xFFFFFF90] =	vst v5  }
0x133: {  	v5 =	vbroadcast v31, $0x6;
	v1 =	vmul.f32 v18, v1;
	[tilespmem:s7+$0xFFFFFFA0] =	vst v2  }
0x134: {  	v2 =	vmul.f32 v20, v3;
	[tilespmem:s7+$0xFFFFFFB0] =	vst v4  }
0x135: {  	v3 =	vmul.f32 v21, v5;
	[tilespmem:s7+$0xFFFFFFC0] =	vst v1  }
0x136: {  	[tilespmem:s7+$0xFFFFFFD0] =	vst v2  }
0x137: {  	s12 =	simm.s32 $0x48D0;
	[tilespmem:s7+$0xFFFFFFE0] =	vst v3  }
0x138: {  	[spmem:s3] =	stream.indirect.scatter.add.f32 [tilespmem:s12], [sflag:$0x7], $0x90, s13, s11, $0xb8;
	[tilespmem:$0x1EFD0] =	vst v63  }
0x139: {  	s30 =	sadd.s32 $0x4, s30;
	_ =	swait.ge [sflag:s22], $0x1680  }
0x13a: {  	s16 =	smul.u32 $0x50, s30;
	[sflag:s22] =	ssyncset.done $0x0  }
0x13b: {  	[sflag:s22] =	ssyncadd.s32 $0xFFFFE980  }
0x13c: {  	s7 =	sadd.s32 s5, s16;
	_ =	swait.ge [sflag:s22], $0x1680  }
0x13d: {  	s7 =	sshrl.u32 s7, $0x3;
	[sflag:s22] =	ssyncset.done $0x0  }
0x13e: {  	s7 =	sadd.s32 s2, s7;
	[sflag:s22] =	ssyncadd.s32 $0xFFFFE980  }
0x13f: {  	[tilespmem:s6], [sflag:$0x1] =	stream.linear.gather [hbm4b:s7+s4], $0x50, $0x38;
	[tilespmem:$0x1EFD0] =	vst v63  }
0x140: {  	_ =	swait.ge [sflag:s26], $0x50  }
0x141: {  	[sflag:s26] =	ssyncset.done $0x0  }
0x142: {  	s21 =	sadd.s32 $0xA0, s18;
	[sflag:s26] =	ssyncadd.s32 $0xFFFFFFB0  }
0x143: {  	[tilespmem:s0], [sflag:$0x5] =	stream.indirect.gather [hbm4b:s14+s10], $0x90, s21, s10, $0xb8;
	[tilespmem:$0x1EFD0] =	vst v63  }
0x144: {  	s8 =	simm.s32 $0x27B0;
	s12 =	simm.s32 $0x2850  }
0x145: {  	[tilespmem:s12], [sflag:$0x5] =	stream.indirect.gather [hbm4b:s15+s11], $0x10, s8, s11, $0xb8;
	[tilespmem:$0x1EFD0] =	vst v63  }
0x146: {  	s18 =	simm.s32 $0x27D8;
	s16 =	simm.s32 $0x2AD0  }
0x147: {  	[tilespmem:s16], [sflag:$0x5] =	stream.indirect.gather [hbm4b:s15+s11], $0x10, s18, s11, $0xb8;
	[tilespmem:$0x1EFD0] =	vst v63  }
0x148: {  	_ =	swait.ge [sflag:s24], $0x2D00  }
0x149: {  	[sflag:s24] =	ssyncset.done $0x0  }
0x14a: {  	[sflag:s24] =	ssyncadd.s32 $0xFFFFD300  }
0x14b: {  	_ =	swait.ge [sflag:s24], $0x280  }
0x14c: {  	[sflag:s24] =	ssyncset.done $0x0  }
0x14d: {  	[sflag:s24] =	ssyncadd.s32 $0xFFFFFD80  }
0x14e: {  	_ =	swait.ge [sflag:s24], $0x280  }
0x14f: {  	[sflag:s24] =	ssyncset.done $0x0  }
0x150: {  	s8 =	simm.s32 $0x5FE0;
	[sflag:s24] =	ssyncadd.s32 $0xFFFFFD80  }
0x151: {  	s21 =	simm.s32 $0x2D60;
	v1 =	vld [tilespmem:s8+$0x80]  }
0x152: {  	v2 =	vld [tilespmem:s21+$0x0]  }
0x153: {  	v3 =	vld [tilespmem:s21+$0xFFFFFFF0]  }
0x154: {  	v4 =	vld [tilespmem:s8+$0xFFFFFFF0]  }
0x155: {  	v18 =	vld [tilespmem:s8+$0xFFFFFF70]  }
0x156: {  	v20 =	vld [tilespmem:s8+$0xFFFFFF80]  }
0x157: {  	v21 =	vld [tilespmem:s8+$0xFFFFFF90]  }
0x158: {  	v26 =	vld [tilespmem:s8+$0xFFFFFFA0];
	v1 =	vadd.f32 v2, v1  }
0x159: {  	v27 =	vld [tilespmem:s8+$0xFFFFFFB0];
	v2 =	vadd.f32 v3, v4  }
0x15a: {  	v28 =	vld [tilespmem:s8+$0xFFFFFFC0];
	v3 =	vmul.f32 $9.999999770e-03, v1  }
0x15b: {  	v29 =	vld [tilespmem:s8+$0xFFFFFFD0];
	vm0 =	vgt.f32 v1, $0.0e+00;
	v4 =	vmul.f32 $9.999999770e-03, v2  }
0x15c: {  	v33 =	vld [tilespmem:s8+$0xFFFFFFE0];
	vm13 =	vgt.f32 v2, $0.0e+00;
	v1 =	vsel vm0, v1, v3  }
0x15d: {  	s12 =	simm.s32 $0x2D80;
	v34 =	vld [tilespmem:s8+$0x0];
	v2 =	vsel vm13, v2, v4;
	v1 =	vmul.f32 $1.442695020e+00, v1  }
0x15e: {  	s7 =	simm.s32 $0x6100;
	v10 =	vld [tilespmem:s12+$0xFFFFFFF0];
	v2 =	vmul.f32 $1.442695020e+00, v2  }
0x15f: {  	v12 =	vld [tilespmem:s7+$0xFFFFFFF0];
	(erf) = vpow2.f32 v1  }
0x160: {  	v35 =	vld [tilespmem:s8+$0x10];
	(erf) = vpow2.f32 v2  }
0x161: {  	v6 =	vld [tilespmem:s8+$0x20]  }
0x162: {  	v11 =	vld [tilespmem:s8+$0x50]  }
0x163: {  	v7 =	vld [tilespmem:s8+$0x60]  }
0x164: {  	v5 =	vld [tilespmem:s8+$0x70];
	v14 =	vadd.f32 v10, v12  }
0x165: {  	v8 =	vld [tilespmem:s7+$0x80]  }
0x166: {  	v9 =	vld [tilespmem:s12+$0x0];
	v23 =	vmul.f32 $9.999999770e-03, v14  }
0x167: {  	v10 =	vld [tilespmem:s7+$0xFFFFFFC0];
	vm15 =	vgt.f32 v14, $0.0e+00  }
0x168: {  	v12 =	vld [tilespmem:s7+$0xFFFFFFD0];
	v43 =	vsel vm15, v14, v23;
	v19 =	vpop (erf)  }
0x169: {  	v3 =	vld [tilespmem:s7+$0xFFFFFF70];
	v43 =	vmul.f32 $1.442695020e+00, v43;
	v13 =	vbroadcast v19, $0x7;
	v17 =	vpop (erf)  }
0x16a: {  	v4 =	vld [tilespmem:s7+$0xFFFFFF80];
	v25 =	vbroadcast v17, $0x0;
	v30 =	vbroadcast v17, $0x1  }
0x16b: {  	v14 =	vld [tilespmem:s7+$0x0];
	v31 =	vbroadcast v17, $0x2;
	v15 =	vmul.f32 v5, v13;
	v13 =	vadd.f32 v9, v8  }
0x16c: {  	v1 =	vld [tilespmem:s8+$0x30];
	v60 =	vbroadcast v17, $0x3;
	v38 =	vbroadcast v17, $0x4  }
0x16d: {  	v2 =	vld [tilespmem:s8+$0x40];
	v39 =	vbroadcast v17, $0x5;
	v22 =	vmul.f32 $9.999999770e-03, v13  }
0x16e: {  	v40 =	vbroadcast v17, $0x6;
	v41 =	vbroadcast v17, $0x7;
	[tilespmem:s8+$0xFFFFFFF0] =	vst v17;
	v17 =	vld [tilespmem:s7+$0x20];
	vm14 =	vgt.f32 v13, $0.0e+00  }
0x16f: {  	v36 =	vbroadcast v19, $0x0;
	v37 =	vbroadcast v19, $0x1;
	v5 =	vld [tilespmem:s7+$0xFFFFFF90];
	v22 =	vsel vm14, v13, v22  }
0x170: {  	v16 =	vbroadcast v19, $0x2;
	v8 =	vld [tilespmem:s7+$0xFFFFFFA0];
	v42 =	vmul.f32 $1.442695020e+00, v22  }
0x171: {  	v24 =	vbroadcast v19, $0x4;
	v23 =	vbroadcast v19, $0x5;
	v9 =	vld [tilespmem:s7+$0xFFFFFFB0]  }
0x172: {  	v61 =	vmul.f32 v25, v18;
	v18 =	vld [tilespmem:s7+$0x40];
	(erf) = vpow2.f32 v42  }
0x173: {  	[tilespmem:s8+$0x80] =	vst v19;
	v25 =	vbroadcast v19, $0x6;
	v30 =	vmul.f32 v30, v20;
	v20 =	vld [tilespmem:s7+$0x50]  }
0x174: {  	[tilespmem:s8+$0x70] =	vst v15;
	v22 =	vbroadcast v19, $0x3;
	v19 =	vld [tilespmem:s7+$0x30];
	(erf) = vpow2.f32 v43  }
0x175: {  	v62 =	vmul.f32 v31, v21;
	v63 =	vmul.f32 v26, v60;
	v21 =	vld [tilespmem:s7+$0x60];
	[tilespmem:s8+$0xFFFFFF70] =	vst v61  }
0x176: {  	v32 =	vmul.f32 v27, v38;
	v31 =	vmul.f32 v28, v39;
	v26 =	vld [tilespmem:s7+$0x70];
	[tilespmem:s8+$0xFFFFFF80] =	vst v30  }
0x177: {  	v28 =	vmul.f32 v33, v41;
	v27 =	vmul.f32 v37, v35;
	v15 =	vld [tilespmem:s7+$0x10];
	[tilespmem:s8+$0xFFFFFF90] =	vst v62  }
0x178: {  	s16 =	simm.s32 $0x2;
	s18 =	simm.s32 $0x6220;
	v30 =	vmul.f32 v29, v40;
	[tilespmem:s8+$0xFFFFFFA0] =	vst v63;
	v29 =	vmul.f32 v36, v34;
	v13 =	vld [tilespmem:s7+$0xFFFFFFE0]  }
.LBB2_9:
0x179: {  	v33 =	vld [tilespmem:s18+$0x80];
	s12 =	sadd.s32 $0x20, s12;
	[tilespmem:s8+$0xFFFFFFB0] =	vst v32;
	v32 =	vmul.f32 v16, v6;
	v22 =	vmul.f32 v1, v22;
	v6 =	vmovc v17;
	v1 =	vmov v19  }
0x17a: {  	s16 =	sadd.s32 $0x2, s16;
	v19 =	vmul.f32 v2, v24;
	v23 =	vmul.f32 v11, v23;
	v17 =	vld [tilespmem:s12+$0x0];
	[tilespmem:s8+$0xFFFFFFC0] =	vst v31;
	v2 =	vmov v18  }
0x17b: {  	v24 =	vmul.f32 v7, v25;
	p0 =	slt.u32 s16, $0x26;
	v18 =	vld [tilespmem:s12+$0xFFFFFFF0];
	v31 =	vpop (erf);
	[tilespmem:s8+$0xFFFFFFD0] =	vst v30;
	v11 =	vmov v20  }
0x17c: {  	v20 =	vld [tilespmem:s18+$0xFFFFFFF0];
	v34 =	vbroadcast v31, $0x0;
	v25 =	vbroadcast v31, $0x7;
	[tilespmem:s8+$0xFFFFFFE0] =	vst v28;
	v7 =	vmov v21  }
0x17d: {  	v35 =	vbroadcast v31, $0x1;
	v16 =	vbroadcast v31, $0x2;
	v21 =	vld [tilespmem:s18+$0xFFFFFF70];
	v28 =	vpop (erf);
	[tilespmem:s8+$0x0] =	vst v29  }
0x17e: {  	v29 =	vld [tilespmem:s18+$0xFFFFFF80];
	v30 =	vbroadcast v28, $0x0;
	v25 =	vmul.f32 v26, v25;
	[tilespmem:s8+$0x10] =	vst v27  }
0x17f: {  	v27 =	vbroadcast v28, $0x1;
	v26 =	vld [tilespmem:s18+$0xFFFFFF90];
	v17 =	vadd.f32 v17, v33;
	v33 =	vbroadcast v28, $0x2;
	[tilespmem:s8+$0x20] =	vst v32  }
0x180: {  	v36 =	vbroadcast v28, $0x3;
	v37 =	vbroadcast v28, $0x4;
	v32 =	vld [tilespmem:s18+$0xFFFFFFA0];
	[tilespmem:s7+$0x70] =	vst v25  }
0x181: {  	v39 =	vbroadcast v28, $0x5;
	v18 =	vadd.f32 v18, v20;
	v38 =	vld [tilespmem:s18+$0xFFFFFFB0];
	v20 =	vmul.f32 $9.999999770e-03, v17;
	[tilespmem:s8+$0x30] =	vst v22  }
0x182: {  	v41 =	vbroadcast v28, $0x6;
	v42 =	vbroadcast v28, $0x7;
	vm0 =	vgt.f32 v17, $0.0e+00;
	v40 =	vld [tilespmem:s18+$0xFFFFFFC0];
	[tilespmem:s8+$0x40] =	vst v19  }
0x183: {  	vm1 =	vgt.f32 v18, $0.0e+00;
	v19 =	vmul.f32 $9.999999770e-03, v18;
	v43 =	vld [tilespmem:s18+$0xFFFFFFD0];
	v17 =	vsel vm0, v17, v20;
	[tilespmem:s8+$0x50] =	vst v23  }
0x184: {  	v22 =	vbroadcast v31, $0x3;
	v44 =	vld [tilespmem:s18+$0xFFFFFFE0];
	v17 =	vmul.f32 $1.442695020e+00, v17;
	[tilespmem:s8+$0x60] =	vst v24;
	s8 =	smov.u32 s7;
	s7 =	smov.u32 s18  }
0x185: {  	v23 =	vbroadcast v31, $0x5;
	v24 =	vbroadcast v31, $0x4;
	v18 =	vsel vm1, v18, v19;
	v45 =	vld [tilespmem:s18+$0x0];
	[tilespmem:s8+$0xFFFFFFF0] =	vst v28  }
0x186: {  	v18 =	vmul.f32 $1.442695020e+00, v18;
	v46 =	vld [tilespmem:s18+$0x10];
	(erf) = vpow2.f32 v17;
	[tilespmem:s8+$0x80] =	vst v31  }
0x187: {  	v25 =	vbroadcast v31, $0x6;
	v20 =	vmul.f32 v30, v3;
	v3 =	vmov v21;
	v17 =	vld [tilespmem:s18+$0x20]  }
.Ltmp3:
0x188: {  	v21 =	vmul.f32 v27, v4;
	v4 =	vmov v29;
	v19 =	vld [tilespmem:s18+$0x30];
	(erf) = vpow2.f32 v18;
	(pc) =	sbr.rel @p0 .LBB2_9-.Ltmp3, $4  }
0x189: {  	v27 =	vmul.f32 v33, v5;
	v29 =	vmul.f32 v8, v36;
	v5 =	vmovc v26;
	v8 =	vmov v32;
	v18 =	vld [tilespmem:s18+$0x40];
	[tilespmem:s8+$0xFFFFFF70] =	vst v20  }
0x18a: {  	v32 =	vmul.f32 v9, v37;
	v31 =	vmul.f32 v10, v39;
	v9 =	vmovc v38;
	v10 =	vmov v40;
	v20 =	vld [tilespmem:s18+$0x50];
	[tilespmem:s8+$0xFFFFFF80] =	vst v21  }
0x18b: {  	v30 =	vmul.f32 v12, v41;
	v28 =	vmul.f32 v13, v42;
	v12 =	vmovc v43;
	v13 =	vmov v44;
	v21 =	vld [tilespmem:s18+$0x60];
	[tilespmem:s8+$0xFFFFFF90] =	vst v27  }
0x18c: {  	s18 =	sadd.s32 $0x120, s18;
	v27 =	vmul.f32 v35, v15;
	v15 =	vmovc v46;
	v26 =	vld [tilespmem:s7+$0x70];
	[tilespmem:s8+$0xFFFFFFA0] =	vst v29;
	v29 =	vmul.f32 v34, v14;
	v14 =	vmov v45  }
0x18d: {  	[tilespmem:s8+$0xFFFFFFB0] =	vst v32  }
0x18e: {  	[tilespmem:s8+$0xFFFFFFC0] =	vst v31  }
0x18f: {  	[tilespmem:s8+$0xFFFFFFD0] =	vst v30  }
0x190: {  	[tilespmem:s8+$0xFFFFFFE0] =	vst v28  }
0x191: {  	v6 =	vmul.f32 v16, v6;
	[tilespmem:s8+$0x0] =	vst v29  }
0x192: {  	v1 =	vmul.f32 v1, v22;
	[tilespmem:s8+$0x10] =	vst v27  }
0x193: {  	v2 =	vmul.f32 v2, v24;
	[tilespmem:s8+$0x20] =	vst v6  }
0x194: {  	[tilespmem:s8+$0x30] =	vst v1  }
0x195: {  	v31 =	vpop (erf);
	v6 =	vmul.f32 v11, v23;
	[tilespmem:s8+$0x40] =	vst v2  }
0x196: {  	v1 =	vmul.f32 v7, v25;
	v30 =	vbroadcast v31, $0x7;
	[tilespmem:s7+$0x80] =	vst v31;
	v7 =	vpop (erf)  }
0x197: {  	[tilespmem:s8+$0x50] =	vst v6;
	v2 =	vbroadcast v7, $0x0  }
0x198: {  	[tilespmem:s8+$0x60] =	vst v1;
	v16 =	vmul.f32 v26, v30;
	v6 =	vbroadcast v7, $0x1  }
0x199: {  	v1 =	vbroadcast v7, $0x2;
	[tilespmem:s7+$0xFFFFFFF0] =	vst v7;
	v2 =	vmul.f32 v2, v3  }
0x19a: {  	[tilespmem:s7+$0x70] =	vst v16;
	v3 =	vbroadcast v7, $0x3;
	v4 =	vmul.f32 v6, v4  }
0x19b: {  	v6 =	vbroadcast v7, $0x4;
	v1 =	vmul.f32 v1, v5;
	[tilespmem:s7+$0xFFFFFF70] =	vst v2  }
0x19c: {  	v2 =	vbroadcast v7, $0x5;
	v3 =	vmul.f32 v8, v3;
	[tilespmem:s7+$0xFFFFFF80] =	vst v4  }
0x19d: {  	v4 =	vbroadcast v7, $0x6;
	v5 =	vmul.f32 v9, v6;
	[tilespmem:s7+$0xFFFFFF90] =	vst v1  }
0x19e: {  	v1 =	vbroadcast v7, $0x7;
	v2 =	vmul.f32 v10, v2;
	[tilespmem:s7+$0xFFFFFFA0] =	vst v3  }
0x19f: {  	v3 =	vbroadcast v31, $0x0;
	v4 =	vmul.f32 v12, v4;
	[tilespmem:s7+$0xFFFFFFB0] =	vst v5  }
0x1a0: {  	v5 =	vbroadcast v31, $0x1;
	v1 =	vmul.f32 v13, v1;
	[tilespmem:s7+$0xFFFFFFC0] =	vst v2  }
0x1a1: {  	v2 =	vbroadcast v31, $0x2;
	v3 =	vmul.f32 v3, v14;
	[tilespmem:s7+$0xFFFFFFD0] =	vst v4  }
0x1a2: {  	v4 =	vbroadcast v31, $0x3;
	v5 =	vmul.f32 v5, v15;
	[tilespmem:s7+$0xFFFFFFE0] =	vst v1  }
0x1a3: {  	v1 =	vbroadcast v31, $0x4;
	v2 =	vmul.f32 v2, v17;
	[tilespmem:s7+$0x0] =	vst v3  }
0x1a4: {  	v3 =	vbroadcast v31, $0x5;
	v4 =	vmul.f32 v19, v4;
	[tilespmem:s7+$0x10] =	vst v5  }
0x1a5: {  	v5 =	vbroadcast v31, $0x6;
	v1 =	vmul.f32 v18, v1;
	[tilespmem:s7+$0x20] =	vst v2  }
0x1a6: {  	v2 =	vmul.f32 v20, v3;
	[tilespmem:s7+$0x30] =	vst v4  }
0x1a7: {  	v3 =	vmul.f32 v21, v5;
	[tilespmem:s7+$0x40] =	vst v1  }
0x1a8: {  	[tilespmem:s7+$0x50] =	vst v2  }
0x1a9: {  	s18 =	simm.s32 $0x2760;
	s8 =	simm.s32 $0x76E0;
	[tilespmem:s7+$0x60] =	vst v3  }
0x1aa: {  	[spmem:s3] =	stream.indirect.scatter.add.f32 [tilespmem:s25], [sflag:$0x8], $0x90, s18, s11, $0xb8;
	[tilespmem:$0x1EFD0] =	vst v63  }
0x1ab: {  	s21 =	simm.s32 $0x2FE0;
	v1 =	vld [tilespmem:s8+$0x0]  }
0x1ac: {  	v2 =	vld [tilespmem:s21+$0x0]  }
0x1ad: {  	v3 =	vld [tilespmem:s21+$0xFFFFFFF0]  }
0x1ae: {  	v4 =	vld [tilespmem:s8+$0xFFFFFF70]  }
0x1af: {  	v18 =	vld [tilespmem:s8+$0xFFFFFEF0]  }
0x1b0: {  	v20 =	vld [tilespmem:s8+$0xFFFFFF00]  }
0x1b1: {  	v21 =	vld [tilespmem:s8+$0xFFFFFF10]  }
0x1b2: {  	v26 =	vld [tilespmem:s8+$0xFFFFFF20];
	v1 =	vadd.f32 v2, v1  }
0x1b3: {  	v27 =	vld [tilespmem:s8+$0xFFFFFF30];
	v2 =	vadd.f32 v3, v4  }
0x1b4: {  	v28 =	vld [tilespmem:s8+$0xFFFFFF40];
	v3 =	vmul.f32 $9.999999770e-03, v1  }
0x1b5: {  	v29 =	vld [tilespmem:s8+$0xFFFFFF50];
	vm0 =	vgt.f32 v1, $0.0e+00;
	v4 =	vmul.f32 $9.999999770e-03, v2  }
0x1b6: {  	v33 =	vld [tilespmem:s8+$0xFFFFFF60];
	vm13 =	vgt.f32 v2, $0.0e+00;
	v1 =	vsel vm0, v1, v3  }
0x1b7: {  	s12 =	simm.s32 $0x3000;
	v34 =	vld [tilespmem:s8+$0xFFFFFF80];
	v2 =	vsel vm13, v2, v4;
	v1 =	vmul.f32 $1.442695020e+00, v1  }
0x1b8: {  	s7 =	simm.s32 $0x7800;
	v10 =	vld [tilespmem:s12+$0xFFFFFFF0];
	v2 =	vmul.f32 $1.442695020e+00, v2  }
0x1b9: {  	v12 =	vld [tilespmem:s7+$0xFFFFFF70];
	(erf) = vpow2.f32 v1  }
0x1ba: {  	v35 =	vld [tilespmem:s8+$0xFFFFFF90];
	(erf) = vpow2.f32 v2  }
0x1bb: {  	v6 =	vld [tilespmem:s8+$0xFFFFFFA0]  }
0x1bc: {  	v11 =	vld [tilespmem:s8+$0xFFFFFFD0]  }
0x1bd: {  	v7 =	vld [tilespmem:s8+$0xFFFFFFE0]  }
0x1be: {  	v5 =	vld [tilespmem:s8+$0xFFFFFFF0];
	v14 =	vadd.f32 v10, v12  }
0x1bf: {  	v8 =	vld [tilespmem:s7+$0x0]  }
0x1c0: {  	v9 =	vld [tilespmem:s12+$0x0];
	v23 =	vmul.f32 $9.999999770e-03, v14  }
0x1c1: {  	v10 =	vld [tilespmem:s7+$0xFFFFFF40];
	vm15 =	vgt.f32 v14, $0.0e+00  }
0x1c2: {  	v12 =	vld [tilespmem:s7+$0xFFFFFF50];
	v43 =	vsel vm15, v14, v23;
	v19 =	vpop (erf)  }
0x1c3: {  	v3 =	vld [tilespmem:s7+$0xFFFFFEF0];
	v43 =	vmul.f32 $1.442695020e+00, v43;
	v13 =	vbroadcast v19, $0x7;
	v17 =	vpop (erf)  }
0x1c4: {  	v4 =	vld [tilespmem:s7+$0xFFFFFF00];
	v25 =	vbroadcast v17, $0x0;
	v30 =	vbroadcast v17, $0x1  }
0x1c5: {  	v14 =	vld [tilespmem:s7+$0xFFFFFF80];
	v31 =	vbroadcast v17, $0x2;
	v15 =	vmul.f32 v5, v13;
	v13 =	vadd.f32 v9, v8  }
0x1c6: {  	v1 =	vld [tilespmem:s8+$0xFFFFFFB0];
	v60 =	vbroadcast v17, $0x3;
	v38 =	vbroadcast v17, $0x4  }
0x1c7: {  	v2 =	vld [tilespmem:s8+$0xFFFFFFC0];
	v39 =	vbroadcast v17, $0x5;
	v22 =	vmul.f32 $9.999999770e-03, v13  }
0x1c8: {  	v40 =	vbroadcast v17, $0x6;
	v41 =	vbroadcast v17, $0x7;
	[tilespmem:s8+$0xFFFFFF70] =	vst v17;
	v17 =	vld [tilespmem:s7+$0xFFFFFFA0];
	vm14 =	vgt.f32 v13, $0.0e+00  }
0x1c9: {  	v36 =	vbroadcast v19, $0x0;
	v37 =	vbroadcast v19, $0x1;
	v5 =	vld [tilespmem:s7+$0xFFFFFF10];
	v22 =	vsel vm14, v13, v22  }
0x1ca: {  	v16 =	vbroadcast v19, $0x2;
	v8 =	vld [tilespmem:s7+$0xFFFFFF20];
	v42 =	vmul.f32 $1.442695020e+00, v22  }
0x1cb: {  	v24 =	vbroadcast v19, $0x4;
	v23 =	vbroadcast v19, $0x5;
	v9 =	vld [tilespmem:s7+$0xFFFFFF30]  }
0x1cc: {  	v61 =	vmul.f32 v25, v18;
	v18 =	vld [tilespmem:s7+$0xFFFFFFC0];
	(erf) = vpow2.f32 v42  }
0x1cd: {  	[tilespmem:s8+$0x0] =	vst v19;
	v25 =	vbroadcast v19, $0x6;
	v30 =	vmul.f32 v30, v20;
	v20 =	vld [tilespmem:s7+$0xFFFFFFD0]  }
0x1ce: {  	[tilespmem:s8+$0xFFFFFFF0] =	vst v15;
	v22 =	vbroadcast v19, $0x3;
	v19 =	vld [tilespmem:s7+$0xFFFFFFB0];
	(erf) = vpow2.f32 v43  }
0x1cf: {  	v62 =	vmul.f32 v31, v21;
	v63 =	vmul.f32 v26, v60;
	v21 =	vld [tilespmem:s7+$0xFFFFFFE0];
	[tilespmem:s8+$0xFFFFFEF0] =	vst v61  }
0x1d0: {  	v32 =	vmul.f32 v27, v38;
	v31 =	vmul.f32 v28, v39;
	v26 =	vld [tilespmem:s7+$0xFFFFFFF0];
	[tilespmem:s8+$0xFFFFFF00] =	vst v30  }
0x1d1: {  	v28 =	vmul.f32 v33, v41;
	v27 =	vmul.f32 v37, v35;
	v15 =	vld [tilespmem:s7+$0xFFFFFF90];
	[tilespmem:s8+$0xFFFFFF10] =	vst v62  }
0x1d2: {  	s16 =	simm.s32 $0x2A;
	s18 =	simm.s32 $0x7920;
	v30 =	vmul.f32 v29, v40;
	[tilespmem:s8+$0xFFFFFF20] =	vst v63;
	v29 =	vmul.f32 v36, v34;
	v13 =	vld [tilespmem:s7+$0xFFFFFF60]  }
.LBB2_11:
0x1d3: {  	v33 =	vld [tilespmem:s18+$0x0];
	s12 =	sadd.s32 $0x20, s12;
	[tilespmem:s8+$0xFFFFFF30] =	vst v32;
	v32 =	vmul.f32 v16, v6;
	v22 =	vmul.f32 v1, v22;
	v6 =	vmovc v17;
	v1 =	vmov v19  }
0x1d4: {  	s16 =	sadd.s32 $0x2, s16;
	v19 =	vmul.f32 v2, v24;
	v23 =	vmul.f32 v11, v23;
	v17 =	vld [tilespmem:s12+$0x0];
	[tilespmem:s8+$0xFFFFFF40] =	vst v31;
	v2 =	vmov v18  }
0x1d5: {  	v24 =	vmul.f32 v7, v25;
	p0 =	slt.u32 s16, $0x4E;
	v18 =	vld [tilespmem:s12+$0xFFFFFFF0];
	v31 =	vpop (erf);
	[tilespmem:s8+$0xFFFFFF50] =	vst v30;
	v11 =	vmov v20  }
0x1d6: {  	v20 =	vld [tilespmem:s18+$0xFFFFFF70];
	v34 =	vbroadcast v31, $0x0;
	v25 =	vbroadcast v31, $0x7;
	[tilespmem:s8+$0xFFFFFF60] =	vst v28;
	v7 =	vmov v21  }
0x1d7: {  	v35 =	vbroadcast v31, $0x1;
	v16 =	vbroadcast v31, $0x2;
	v21 =	vld [tilespmem:s18+$0xFFFFFEF0];
	v28 =	vpop (erf);
	[tilespmem:s8+$0xFFFFFF80] =	vst v29  }
0x1d8: {  	v29 =	vld [tilespmem:s18+$0xFFFFFF00];
	v30 =	vbroadcast v28, $0x0;
	v25 =	vmul.f32 v26, v25;
	[tilespmem:s8+$0xFFFFFF90] =	vst v27  }
0x1d9: {  	v27 =	vbroadcast v28, $0x1;
	v26 =	vld [tilespmem:s18+$0xFFFFFF10];
	v17 =	vadd.f32 v17, v33;
	v33 =	vbroadcast v28, $0x2;
	[tilespmem:s8+$0xFFFFFFA0] =	vst v32  }
0x1da: {  	v36 =	vbroadcast v28, $0x3;
	v37 =	vbroadcast v28, $0x4;
	v32 =	vld [tilespmem:s18+$0xFFFFFF20];
	[tilespmem:s7+$0xFFFFFFF0] =	vst v25  }
0x1db: {  	v39 =	vbroadcast v28, $0x5;
	v18 =	vadd.f32 v18, v20;
	v38 =	vld [tilespmem:s18+$0xFFFFFF30];
	v20 =	vmul.f32 $9.999999770e-03, v17;
	[tilespmem:s8+$0xFFFFFFB0] =	vst v22  }
0x1dc: {  	v41 =	vbroadcast v28, $0x6;
	v42 =	vbroadcast v28, $0x7;
	vm0 =	vgt.f32 v17, $0.0e+00;
	v40 =	vld [tilespmem:s18+$0xFFFFFF40];
	[tilespmem:s8+$0xFFFFFFC0] =	vst v19  }
0x1dd: {  	vm1 =	vgt.f32 v18, $0.0e+00;
	v19 =	vmul.f32 $9.999999770e-03, v18;
	v43 =	vld [tilespmem:s18+$0xFFFFFF50];
	v17 =	vsel vm0, v17, v20;
	[tilespmem:s8+$0xFFFFFFD0] =	vst v23  }
0x1de: {  	v22 =	vbroadcast v31, $0x3;
	v44 =	vld [tilespmem:s18+$0xFFFFFF60];
	v17 =	vmul.f32 $1.442695020e+00, v17;
	[tilespmem:s8+$0xFFFFFFE0] =	vst v24;
	s8 =	smov.u32 s7;
	s7 =	smov.u32 s18  }
0x1df: {  	v23 =	vbroadcast v31, $0x5;
	v24 =	vbroadcast v31, $0x4;
	v18 =	vsel vm1, v18, v19;
	v45 =	vld [tilespmem:s18+$0xFFFFFF80];
	[tilespmem:s8+$0xFFFFFF70] =	vst v28  }
0x1e0: {  	v18 =	vmul.f32 $1.442695020e+00, v18;
	v46 =	vld [tilespmem:s18+$0xFFFFFF90];
	(erf) = vpow2.f32 v17;
	[tilespmem:s8+$0x0] =	vst v31  }
0x1e1: {  	v25 =	vbroadcast v31, $0x6;
	v20 =	vmul.f32 v30, v3;
	v3 =	vmov v21;
	v17 =	vld [tilespmem:s18+$0xFFFFFFA0]  }
.Ltmp4:
0x1e2: {  	v21 =	vmul.f32 v27, v4;
	v4 =	vmov v29;
	v19 =	vld [tilespmem:s18+$0xFFFFFFB0];
	(erf) = vpow2.f32 v18;
	(pc) =	sbr.rel @p0 .LBB2_11-.Ltmp4, $4  }
0x1e3: {  	v27 =	vmul.f32 v33, v5;
	v29 =	vmul.f32 v8, v36;
	v5 =	vmovc v26;
	v8 =	vmov v32;
	v18 =	vld [tilespmem:s18+$0xFFFFFFC0];
	[tilespmem:s8+$0xFFFFFEF0] =	vst v20  }
0x1e4: {  	v32 =	vmul.f32 v9, v37;
	v31 =	vmul.f32 v10, v39;
	v9 =	vmovc v38;
	v10 =	vmov v40;
	v20 =	vld [tilespmem:s18+$0xFFFFFFD0];
	[tilespmem:s8+$0xFFFFFF00] =	vst v21  }
0x1e5: {  	v30 =	vmul.f32 v12, v41;
	v28 =	vmul.f32 v13, v42;
	v12 =	vmovc v43;
	v13 =	vmov v44;
	v21 =	vld [tilespmem:s18+$0xFFFFFFE0];
	[tilespmem:s8+$0xFFFFFF10] =	vst v27  }
0x1e6: {  	s18 =	sadd.s32 $0x120, s18;
	v27 =	vmul.f32 v35, v15;
	v15 =	vmovc v46;
	v26 =	vld [tilespmem:s7+$0xFFFFFFF0];
	[tilespmem:s8+$0xFFFFFF20] =	vst v29;
	v29 =	vmul.f32 v34, v14;
	v14 =	vmov v45  }
0x1e7: {  	[tilespmem:s8+$0xFFFFFF30] =	vst v32  }
0x1e8: {  	[tilespmem:s8+$0xFFFFFF40] =	vst v31  }
0x1e9: {  	[tilespmem:s8+$0xFFFFFF50] =	vst v30  }
0x1ea: {  	[tilespmem:s8+$0xFFFFFF60] =	vst v28  }
0x1eb: {  	v6 =	vmul.f32 v16, v6;
	[tilespmem:s8+$0xFFFFFF80] =	vst v29  }
0x1ec: {  	v1 =	vmul.f32 v1, v22;
	[tilespmem:s8+$0xFFFFFF90] =	vst v27  }
0x1ed: {  	v2 =	vmul.f32 v2, v24;
	[tilespmem:s8+$0xFFFFFFA0] =	vst v6  }
0x1ee: {  	[tilespmem:s8+$0xFFFFFFB0] =	vst v1  }
0x1ef: {  	v31 =	vpop (erf);
	v6 =	vmul.f32 v11, v23;
	[tilespmem:s8+$0xFFFFFFC0] =	vst v2  }
0x1f0: {  	v1 =	vmul.f32 v7, v25;
	v30 =	vbroadcast v31, $0x7;
	[tilespmem:s7+$0x0] =	vst v31;
	v7 =	vpop (erf)  }
0x1f1: {  	[tilespmem:s8+$0xFFFFFFD0] =	vst v6;
	v2 =	vbroadcast v7, $0x0  }
0x1f2: {  	[tilespmem:s8+$0xFFFFFFE0] =	vst v1;
	v16 =	vmul.f32 v26, v30;
	v6 =	vbroadcast v7, $0x1  }
0x1f3: {  	v1 =	vbroadcast v7, $0x2;
	[tilespmem:s7+$0xFFFFFF70] =	vst v7;
	v2 =	vmul.f32 v2, v3  }
0x1f4: {  	[tilespmem:s7+$0xFFFFFFF0] =	vst v16;
	v3 =	vbroadcast v7, $0x3;
	v4 =	vmul.f32 v6, v4  }
0x1f5: {  	v6 =	vbroadcast v7, $0x4;
	v1 =	vmul.f32 v1, v5;
	[tilespmem:s7+$0xFFFFFEF0] =	vst v2  }
0x1f6: {  	v2 =	vbroadcast v7, $0x5;
	v3 =	vmul.f32 v8, v3;
	[tilespmem:s7+$0xFFFFFF00] =	vst v4  }
0x1f7: {  	v4 =	vbroadcast v7, $0x6;
	v5 =	vmul.f32 v9, v6;
	[tilespmem:s7+$0xFFFFFF10] =	vst v1  }
0x1f8: {  	v1 =	vbroadcast v7, $0x7;
	v2 =	vmul.f32 v10, v2;
	[tilespmem:s7+$0xFFFFFF20] =	vst v3  }
0x1f9: {  	v3 =	vbroadcast v31, $0x0;
	v4 =	vmul.f32 v12, v4;
	[tilespmem:s7+$0xFFFFFF30] =	vst v5  }
0x1fa: {  	v5 =	vbroadcast v31, $0x1;
	v1 =	vmul.f32 v13, v1;
	[tilespmem:s7+$0xFFFFFF40] =	vst v2  }
0x1fb: {  	v2 =	vbroadcast v31, $0x2;
	v3 =	vmul.f32 v3, v14;
	[tilespmem:s7+$0xFFFFFF50] =	vst v4  }
0x1fc: {  	v4 =	vbroadcast v31, $0x3;
	v5 =	vmul.f32 v5, v15;
	[tilespmem:s7+$0xFFFFFF60] =	vst v1  }
0x1fd: {  	v1 =	vbroadcast v31, $0x4;
	v2 =	vmul.f32 v2, v17;
	[tilespmem:s7+$0xFFFFFF80] =	vst v3  }
0x1fe: {  	v3 =	vbroadcast v31, $0x5;
	v4 =	vmul.f32 v19, v4;
	[tilespmem:s7+$0xFFFFFF90] =	vst v5  }
0x1ff: {  	v5 =	vbroadcast v31, $0x6;
	v1 =	vmul.f32 v18, v1;
	[tilespmem:s7+$0xFFFFFFA0] =	vst v2  }
0x200: {  	v2 =	vmul.f32 v20, v3;
	[tilespmem:s7+$0xFFFFFFB0] =	vst v4  }
0x201: {  	v3 =	vmul.f32 v21, v5;
	[tilespmem:s7+$0xFFFFFFC0] =	vst v1  }
0x202: {  	[tilespmem:s7+$0xFFFFFFD0] =	vst v2  }
0x203: {  	s18 =	simm.s32 $0x2788;
	s21 =	simm.s32 $0x75D0;
	[tilespmem:s7+$0xFFFFFFE0] =	vst v3  }
0x204: {  	[spmem:s3] =	stream.indirect.scatter.add.f32 [tilespmem:s21], [sflag:$0x8], $0x90, s18, s11, $0xb8;
	[tilespmem:$0x1EFD0] =	vst v63  }
0x205: {  	_ =	swait.ge [sflag:s31], $0x1680  }
0x206: {  	[sflag:s31] =	ssyncset.done $0x0  }
0x207: {  	p0 =	seq.s32 s19, $0x1E;
	[sflag:s31] =	ssyncadd.s32 $0xFFFFE980  }
0x208: {  	s18 =	smul.u32 @!p0 $0x140, s19;
	_ =	swait.ge [sflag:s31], $0x1680  }
0x209: {  	s7 =	rddreg [dreg:$0x19]  }
0x20a: {  	s7 =	sadd.s32 @!p0 s18, s7  }
0x20b: {  	s12 =	simm.s32 @!p0 $0x2760;
	[sflag:s31] =	ssyncset.done $0x0;
	s7 =	sshrl.u32 @!p0 s7, $0x3  }
0x20c: {  	s8 =	simm.s32 @!p0 $0x0;
	[sflag:s31] =	ssyncadd.s32 $0xFFFFE980;
	s7 =	sadd.s32 @!p0 s2, s7  }
0x20d: {  	[tilespmem:s12], [sflag:$0x2] =	stream.linear.gather @!p0 [hbm4b:s7+s8], $0x50, $0x38;
	[tilespmem:$0x1EFD0] =	vst v63  }
0x20e: {  	s8 =	smul.u32 $0x140, s23;
	_ =	swait.ge [sflag:s17], $0x50  }
0x20f: {  	[sflag:s17] =	ssyncset.done $0x0  }
0x210: {  	s7 =	sshra.s32 s8, $0x2;
	[sflag:s17] =	ssyncadd.s32 $0xFFFFFFB0  }
0x211: {  	[tilespmem:s25], [sflag:$0x6] =	stream.indirect.gather [hbm4b:s14+s10], $0x90, s7, s10, $0xb8;
	[tilespmem:$0x1EFD0] =	vst v63  }
0x212: {  	s12 =	simm.s32 $0x2D50  }
0x213: {  	[tilespmem:s12], [sflag:$0x6] =	stream.indirect.gather [hbm4b:s15+s11], $0x10, s28, s11, $0xb8;
	[tilespmem:$0x1EFD0] =	vst v63  }
0x214: {  	s16 =	simm.s32 $0x2FD0;
	s23 =	simm.s32 $0x2828  }
0x215: {  	[tilespmem:s16], [sflag:$0x6] =	stream.indirect.gather [hbm4b:s15+s11], $0x10, s23, s11, $0xb8;
	[tilespmem:$0x1EFD0] =	vst v63  }
0x216: {  	_ =	swait.ge [sflag:s20], $0x2D00  }
0x217: {  	[sflag:s20] =	ssyncset.done $0x0  }
0x218: {  	[sflag:s20] =	ssyncadd.s32 $0xFFFFD300  }
0x219: {  	_ =	swait.ge [sflag:s20], $0x280  }
0x21a: {  	[sflag:s20] =	ssyncset.done $0x0  }
0x21b: {  	[sflag:s20] =	ssyncadd.s32 $0xFFFFFD80  }
0x21c: {  	_ =	swait.ge [sflag:s20], $0x280  }
0x21d: {  	[sflag:s20] =	ssyncset.done $0x0  }
0x21e: {  	s8 =	simm.s32 $0x32E0;
	[sflag:s20] =	ssyncadd.s32 $0xFFFFFD80  }
0x21f: {  	s21 =	simm.s32 $0x2860;
	v1 =	vld [tilespmem:s8+$0x80]  }
0x220: {  	v2 =	vld [tilespmem:s21+$0x0]  }
0x221: {  	v3 =	vld [tilespmem:s21+$0xFFFFFFF0]  }
0x222: {  	v4 =	vld [tilespmem:s8+$0xFFFFFFF0]  }
0x223: {  	v18 =	vld [tilespmem:s8+$0xFFFFFF70]  }
0x224: {  	v20 =	vld [tilespmem:s8+$0xFFFFFF80]  }
0x225: {  	v21 =	vld [tilespmem:s8+$0xFFFFFF90]  }
0x226: {  	v26 =	vld [tilespmem:s8+$0xFFFFFFA0];
	v1 =	vadd.f32 v2, v1  }
0x227: {  	v27 =	vld [tilespmem:s8+$0xFFFFFFB0];
	v2 =	vadd.f32 v3, v4  }
0x228: {  	v28 =	vld [tilespmem:s8+$0xFFFFFFC0];
	v3 =	vmul.f32 $9.999999770e-03, v1  }
0x229: {  	v29 =	vld [tilespmem:s8+$0xFFFFFFD0];
	vm0 =	vgt.f32 v1, $0.0e+00;
	v4 =	vmul.f32 $9.999999770e-03, v2  }
0x22a: {  	v33 =	vld [tilespmem:s8+$0xFFFFFFE0];
	vm13 =	vgt.f32 v2, $0.0e+00;
	v1 =	vsel vm0, v1, v3  }
0x22b: {  	s12 =	simm.s32 $0x2880;
	v34 =	vld [tilespmem:s8+$0x0];
	v2 =	vsel vm13, v2, v4;
	v1 =	vmul.f32 $1.442695020e+00, v1  }
0x22c: {  	s7 =	simm.s32 $0x3400;
	v10 =	vld [tilespmem:s12+$0xFFFFFFF0];
	v2 =	vmul.f32 $1.442695020e+00, v2  }
0x22d: {  	v12 =	vld [tilespmem:s7+$0xFFFFFFF0];
	(erf) = vpow2.f32 v1  }
0x22e: {  	v35 =	vld [tilespmem:s8+$0x10];
	(erf) = vpow2.f32 v2  }
0x22f: {  	v6 =	vld [tilespmem:s8+$0x20]  }
0x230: {  	v11 =	vld [tilespmem:s8+$0x50]  }
0x231: {  	v7 =	vld [tilespmem:s8+$0x60]  }
0x232: {  	v5 =	vld [tilespmem:s8+$0x70];
	v14 =	vadd.f32 v10, v12  }
0x233: {  	v8 =	vld [tilespmem:s7+$0x80]  }
0x234: {  	v9 =	vld [tilespmem:s12+$0x0];
	v23 =	vmul.f32 $9.999999770e-03, v14  }
0x235: {  	v10 =	vld [tilespmem:s7+$0xFFFFFFC0];
	vm15 =	vgt.f32 v14, $0.0e+00  }
0x236: {  	v12 =	vld [tilespmem:s7+$0xFFFFFFD0];
	v43 =	vsel vm15, v14, v23;
	v19 =	vpop (erf)  }
0x237: {  	v3 =	vld [tilespmem:s7+$0xFFFFFF70];
	v43 =	vmul.f32 $1.442695020e+00, v43;
	v13 =	vbroadcast v19, $0x7;
	v17 =	vpop (erf)  }
0x238: {  	v4 =	vld [tilespmem:s7+$0xFFFFFF80];
	v25 =	vbroadcast v17, $0x0;
	v30 =	vbroadcast v17, $0x1  }
0x239: {  	v14 =	vld [tilespmem:s7+$0x0];
	v31 =	vbroadcast v17, $0x2;
	v15 =	vmul.f32 v5, v13;
	v13 =	vadd.f32 v9, v8  }
0x23a: {  	v1 =	vld [tilespmem:s8+$0x30];
	v60 =	vbroadcast v17, $0x3;
	v38 =	vbroadcast v17, $0x4  }
0x23b: {  	v2 =	vld [tilespmem:s8+$0x40];
	v39 =	vbroadcast v17, $0x5;
	v22 =	vmul.f32 $9.999999770e-03, v13  }
0x23c: {  	v40 =	vbroadcast v17, $0x6;
	v41 =	vbroadcast v17, $0x7;
	[tilespmem:s8+$0xFFFFFFF0] =	vst v17;
	v17 =	vld [tilespmem:s7+$0x20];
	vm14 =	vgt.f32 v13, $0.0e+00  }
0x23d: {  	v36 =	vbroadcast v19, $0x0;
	v37 =	vbroadcast v19, $0x1;
	v5 =	vld [tilespmem:s7+$0xFFFFFF90];
	v22 =	vsel vm14, v13, v22  }
0x23e: {  	v16 =	vbroadcast v19, $0x2;
	v8 =	vld [tilespmem:s7+$0xFFFFFFA0];
	v42 =	vmul.f32 $1.442695020e+00, v22  }
0x23f: {  	v24 =	vbroadcast v19, $0x4;
	v23 =	vbroadcast v19, $0x5;
	v9 =	vld [tilespmem:s7+$0xFFFFFFB0]  }
0x240: {  	v61 =	vmul.f32 v25, v18;
	v18 =	vld [tilespmem:s7+$0x40];
	(erf) = vpow2.f32 v42  }
0x241: {  	[tilespmem:s8+$0x80] =	vst v19;
	v25 =	vbroadcast v19, $0x6;
	v30 =	vmul.f32 v30, v20;
	v20 =	vld [tilespmem:s7+$0x50]  }
0x242: {  	[tilespmem:s8+$0x70] =	vst v15;
	v22 =	vbroadcast v19, $0x3;
	v19 =	vld [tilespmem:s7+$0x30];
	(erf) = vpow2.f32 v43  }
0x243: {  	v62 =	vmul.f32 v31, v21;
	v63 =	vmul.f32 v26, v60;
	v21 =	vld [tilespmem:s7+$0x60];
	[tilespmem:s8+$0xFFFFFF70] =	vst v61  }
0x244: {  	v32 =	vmul.f32 v27, v38;
	v31 =	vmul.f32 v28, v39;
	v26 =	vld [tilespmem:s7+$0x70];
	[tilespmem:s8+$0xFFFFFF80] =	vst v30  }
0x245: {  	v28 =	vmul.f32 v33, v41;
	v27 =	vmul.f32 v37, v35;
	v15 =	vld [tilespmem:s7+$0x10];
	[tilespmem:s8+$0xFFFFFF90] =	vst v62  }
0x246: {  	s16 =	simm.s32 $0x2;
	s21 =	simm.s32 $0x3520;
	v30 =	vmul.f32 v29, v40;
	[tilespmem:s8+$0xFFFFFFA0] =	vst v63;
	v29 =	vmul.f32 v36, v34;
	v13 =	vld [tilespmem:s7+$0xFFFFFFE0]  }
.LBB2_13:
0x247: {  	v33 =	vld [tilespmem:s21+$0x80];
	s12 =	sadd.s32 $0x20, s12;
	[tilespmem:s8+$0xFFFFFFB0] =	vst v32;
	v32 =	vmul.f32 v16, v6;
	v22 =	vmul.f32 v1, v22;
	v6 =	vmovc v17;
	v1 =	vmov v19  }
0x248: {  	s16 =	sadd.s32 $0x2, s16;
	v19 =	vmul.f32 v2, v24;
	v23 =	vmul.f32 v11, v23;
	v17 =	vld [tilespmem:s12+$0x0];
	[tilespmem:s8+$0xFFFFFFC0] =	vst v31;
	v2 =	vmov v18  }
0x249: {  	v24 =	vmul.f32 v7, v25;
	p1 =	slt.u32 s16, $0x26;
	v18 =	vld [tilespmem:s12+$0xFFFFFFF0];
	v31 =	vpop (erf);
	[tilespmem:s8+$0xFFFFFFD0] =	vst v30;
	v11 =	vmov v20  }
0x24a: {  	v20 =	vld [tilespmem:s21+$0xFFFFFFF0];
	v34 =	vbroadcast v31, $0x0;
	v25 =	vbroadcast v31, $0x7;
	[tilespmem:s8+$0xFFFFFFE0] =	vst v28;
	v7 =	vmov v21  }
0x24b: {  	v35 =	vbroadcast v31, $0x1;
	v16 =	vbroadcast v31, $0x2;
	v21 =	vld [tilespmem:s21+$0xFFFFFF70];
	v28 =	vpop (erf);
	[tilespmem:s8+$0x0] =	vst v29  }
0x24c: {  	v29 =	vld [tilespmem:s21+$0xFFFFFF80];
	v30 =	vbroadcast v28, $0x0;
	v25 =	vmul.f32 v26, v25;
	[tilespmem:s8+$0x10] =	vst v27  }
0x24d: {  	v27 =	vbroadcast v28, $0x1;
	v26 =	vld [tilespmem:s21+$0xFFFFFF90];
	v17 =	vadd.f32 v17, v33;
	v33 =	vbroadcast v28, $0x2;
	[tilespmem:s8+$0x20] =	vst v32  }
0x24e: {  	v36 =	vbroadcast v28, $0x3;
	v37 =	vbroadcast v28, $0x4;
	v32 =	vld [tilespmem:s21+$0xFFFFFFA0];
	[tilespmem:s7+$0x70] =	vst v25  }
0x24f: {  	v39 =	vbroadcast v28, $0x5;
	v18 =	vadd.f32 v18, v20;
	v38 =	vld [tilespmem:s21+$0xFFFFFFB0];
	v20 =	vmul.f32 $9.999999770e-03, v17;
	[tilespmem:s8+$0x30] =	vst v22  }
0x250: {  	v41 =	vbroadcast v28, $0x6;
	v42 =	vbroadcast v28, $0x7;
	vm0 =	vgt.f32 v17, $0.0e+00;
	v40 =	vld [tilespmem:s21+$0xFFFFFFC0];
	[tilespmem:s8+$0x40] =	vst v19  }
0x251: {  	vm1 =	vgt.f32 v18, $0.0e+00;
	v19 =	vmul.f32 $9.999999770e-03, v18;
	v43 =	vld [tilespmem:s21+$0xFFFFFFD0];
	v17 =	vsel vm0, v17, v20;
	[tilespmem:s8+$0x50] =	vst v23  }
0x252: {  	v22 =	vbroadcast v31, $0x3;
	v44 =	vld [tilespmem:s21+$0xFFFFFFE0];
	v17 =	vmul.f32 $1.442695020e+00, v17;
	[tilespmem:s8+$0x60] =	vst v24;
	s8 =	smov.u32 s7;
	s7 =	smov.u32 s21  }
0x253: {  	v23 =	vbroadcast v31, $0x5;
	v24 =	vbroadcast v31, $0x4;
	v18 =	vsel vm1, v18, v19;
	v45 =	vld [tilespmem:s21+$0x0];
	[tilespmem:s8+$0xFFFFFFF0] =	vst v28  }
0x254: {  	v18 =	vmul.f32 $1.442695020e+00, v18;
	v46 =	vld [tilespmem:s21+$0x10];
	(erf) = vpow2.f32 v17;
	[tilespmem:s8+$0x80] =	vst v31  }
0x255: {  	v25 =	vbroadcast v31, $0x6;
	v20 =	vmul.f32 v30, v3;
	v3 =	vmov v21;
	v17 =	vld [tilespmem:s21+$0x20]  }
.Ltmp5:
0x256: {  	v21 =	vmul.f32 v27, v4;
	v4 =	vmov v29;
	v19 =	vld [tilespmem:s21+$0x30];
	(erf) = vpow2.f32 v18;
	(pc) =	sbr.rel @p1 .LBB2_13-.Ltmp5, $4  }
0x257: {  	v27 =	vmul.f32 v33, v5;
	v29 =	vmul.f32 v8, v36;
	v5 =	vmovc v26;
	v8 =	vmov v32;
	v18 =	vld [tilespmem:s21+$0x40];
	[tilespmem:s8+$0xFFFFFF70] =	vst v20  }
0x258: {  	v32 =	vmul.f32 v9, v37;
	v31 =	vmul.f32 v10, v39;
	v9 =	vmovc v38;
	v10 =	vmov v40;
	v20 =	vld [tilespmem:s21+$0x50];
	[tilespmem:s8+$0xFFFFFF80] =	vst v21  }
0x259: {  	v30 =	vmul.f32 v12, v41;
	v28 =	vmul.f32 v13, v42;
	v12 =	vmovc v43;
	v13 =	vmov v44;
	v21 =	vld [tilespmem:s21+$0x60];
	[tilespmem:s8+$0xFFFFFF90] =	vst v27  }
0x25a: {  	s21 =	sadd.s32 $0x120, s21;
	v27 =	vmul.f32 v35, v15;
	v15 =	vmovc v46;
	v26 =	vld [tilespmem:s7+$0x70];
	[tilespmem:s8+$0xFFFFFFA0] =	vst v29;
	v29 =	vmul.f32 v34, v14;
	v14 =	vmov v45  }
0x25b: {  	[tilespmem:s8+$0xFFFFFFB0] =	vst v32  }
0x25c: {  	[tilespmem:s8+$0xFFFFFFC0] =	vst v31  }
0x25d: {  	[tilespmem:s8+$0xFFFFFFD0] =	vst v30  }
0x25e: {  	[tilespmem:s8+$0xFFFFFFE0] =	vst v28  }
0x25f: {  	v6 =	vmul.f32 v16, v6;
	[tilespmem:s8+$0x0] =	vst v29  }
0x260: {  	v1 =	vmul.f32 v1, v22;
	[tilespmem:s8+$0x10] =	vst v27  }
0x261: {  	v2 =	vmul.f32 v2, v24;
	[tilespmem:s8+$0x20] =	vst v6  }
0x262: {  	[tilespmem:s8+$0x30] =	vst v1  }
0x263: {  	v31 =	vpop (erf);
	v6 =	vmul.f32 v11, v23;
	[tilespmem:s8+$0x40] =	vst v2  }
0x264: {  	v1 =	vmul.f32 v7, v25;
	v30 =	vbroadcast v31, $0x7;
	[tilespmem:s7+$0x80] =	vst v31;
	v7 =	vpop (erf)  }
0x265: {  	[tilespmem:s8+$0x50] =	vst v6;
	v2 =	vbroadcast v7, $0x0  }
0x266: {  	[tilespmem:s8+$0x60] =	vst v1;
	v16 =	vmul.f32 v26, v30;
	v6 =	vbroadcast v7, $0x1  }
0x267: {  	v1 =	vbroadcast v7, $0x2;
	[tilespmem:s7+$0xFFFFFFF0] =	vst v7;
	v2 =	vmul.f32 v2, v3  }
0x268: {  	[tilespmem:s7+$0x70] =	vst v16;
	v3 =	vbroadcast v7, $0x3;
	v4 =	vmul.f32 v6, v4  }
0x269: {  	v6 =	vbroadcast v7, $0x4;
	v1 =	vmul.f32 v1, v5;
	[tilespmem:s7+$0xFFFFFF70] =	vst v2  }
0x26a: {  	v2 =	vbroadcast v7, $0x5;
	v3 =	vmul.f32 v8, v3;
	[tilespmem:s7+$0xFFFFFF80] =	vst v4  }
0x26b: {  	v4 =	vbroadcast v7, $0x6;
	v5 =	vmul.f32 v9, v6;
	[tilespmem:s7+$0xFFFFFF90] =	vst v1  }
0x26c: {  	v1 =	vbroadcast v7, $0x7;
	v2 =	vmul.f32 v10, v2;
	[tilespmem:s7+$0xFFFFFFA0] =	vst v3  }
0x26d: {  	v3 =	vbroadcast v31, $0x0;
	v4 =	vmul.f32 v12, v4;
	[tilespmem:s7+$0xFFFFFFB0] =	vst v5  }
0x26e: {  	v5 =	vbroadcast v31, $0x1;
	v1 =	vmul.f32 v13, v1;
	[tilespmem:s7+$0xFFFFFFC0] =	vst v2  }
0x26f: {  	v2 =	vbroadcast v31, $0x2;
	v3 =	vmul.f32 v3, v14;
	[tilespmem:s7+$0xFFFFFFD0] =	vst v4  }
0x270: {  	v4 =	vbroadcast v31, $0x3;
	v5 =	vmul.f32 v5, v15;
	[tilespmem:s7+$0xFFFFFFE0] =	vst v1  }
0x271: {  	v1 =	vbroadcast v31, $0x4;
	v2 =	vmul.f32 v2, v17;
	[tilespmem:s7+$0x0] =	vst v3  }
0x272: {  	v3 =	vbroadcast v31, $0x5;
	v4 =	vmul.f32 v19, v4;
	[tilespmem:s7+$0x10] =	vst v5  }
0x273: {  	v5 =	vbroadcast v31, $0x6;
	v1 =	vmul.f32 v18, v1;
	[tilespmem:s7+$0x20] =	vst v2  }
0x274: {  	v2 =	vmul.f32 v20, v3;
	[tilespmem:s7+$0x30] =	vst v4  }
0x275: {  	v3 =	vmul.f32 v21, v5;
	[tilespmem:s7+$0x40] =	vst v1  }
0x276: {  	[tilespmem:s7+$0x50] =	vst v2  }
0x277: {  	s16 =	simm.s32 $0x27B0;
	s8 =	simm.s32 $0x49E0;
	[tilespmem:s7+$0x60] =	vst v3  }
0x278: {  	[spmem:s3] =	stream.indirect.scatter.add.f32 [tilespmem:s0], [sflag:$0x7], $0x90, s16, s11, $0xb8;
	[tilespmem:$0x1EFD0] =	vst v63  }
0x279: {  	s21 =	simm.s32 $0x2AE0;
	v1 =	vld [tilespmem:s8+$0x0]  }
0x27a: {  	v2 =	vld [tilespmem:s21+$0x0]  }
0x27b: {  	v3 =	vld [tilespmem:s21+$0xFFFFFFF0]  }
0x27c: {  	v4 =	vld [tilespmem:s8+$0xFFFFFF70]  }
0x27d: {  	v18 =	vld [tilespmem:s8+$0xFFFFFEF0]  }
0x27e: {  	v20 =	vld [tilespmem:s8+$0xFFFFFF00]  }
0x27f: {  	v21 =	vld [tilespmem:s8+$0xFFFFFF10]  }
0x280: {  	v26 =	vld [tilespmem:s8+$0xFFFFFF20];
	v1 =	vadd.f32 v2, v1  }
0x281: {  	v27 =	vld [tilespmem:s8+$0xFFFFFF30];
	v2 =	vadd.f32 v3, v4  }
0x282: {  	v28 =	vld [tilespmem:s8+$0xFFFFFF40];
	v3 =	vmul.f32 $9.999999770e-03, v1  }
0x283: {  	v29 =	vld [tilespmem:s8+$0xFFFFFF50];
	vm0 =	vgt.f32 v1, $0.0e+00;
	v4 =	vmul.f32 $9.999999770e-03, v2  }
0x284: {  	v33 =	vld [tilespmem:s8+$0xFFFFFF60];
	vm13 =	vgt.f32 v2, $0.0e+00;
	v1 =	vsel vm0, v1, v3  }
0x285: {  	s12 =	simm.s32 $0x2B00;
	v34 =	vld [tilespmem:s8+$0xFFFFFF80];
	v2 =	vsel vm13, v2, v4;
	v1 =	vmul.f32 $1.442695020e+00, v1  }
0x286: {  	s7 =	simm.s32 $0x4B00;
	v10 =	vld [tilespmem:s12+$0xFFFFFFF0];
	v2 =	vmul.f32 $1.442695020e+00, v2  }
0x287: {  	v12 =	vld [tilespmem:s7+$0xFFFFFF70];
	(erf) = vpow2.f32 v1  }
0x288: {  	v35 =	vld [tilespmem:s8+$0xFFFFFF90];
	(erf) = vpow2.f32 v2  }
0x289: {  	v6 =	vld [tilespmem:s8+$0xFFFFFFA0]  }
0x28a: {  	v11 =	vld [tilespmem:s8+$0xFFFFFFD0]  }
0x28b: {  	v7 =	vld [tilespmem:s8+$0xFFFFFFE0]  }
0x28c: {  	v5 =	vld [tilespmem:s8+$0xFFFFFFF0];
	v14 =	vadd.f32 v10, v12  }
0x28d: {  	v8 =	vld [tilespmem:s7+$0x0]  }
0x28e: {  	v9 =	vld [tilespmem:s12+$0x0];
	v23 =	vmul.f32 $9.999999770e-03, v14  }
0x28f: {  	v10 =	vld [tilespmem:s7+$0xFFFFFF40];
	vm15 =	vgt.f32 v14, $0.0e+00  }
0x290: {  	v12 =	vld [tilespmem:s7+$0xFFFFFF50];
	v43 =	vsel vm15, v14, v23;
	v19 =	vpop (erf)  }
0x291: {  	v3 =	vld [tilespmem:s7+$0xFFFFFEF0];
	v43 =	vmul.f32 $1.442695020e+00, v43;
	v13 =	vbroadcast v19, $0x7;
	v17 =	vpop (erf)  }
0x292: {  	v4 =	vld [tilespmem:s7+$0xFFFFFF00];
	v25 =	vbroadcast v17, $0x0;
	v30 =	vbroadcast v17, $0x1  }
0x293: {  	v14 =	vld [tilespmem:s7+$0xFFFFFF80];
	v31 =	vbroadcast v17, $0x2;
	v15 =	vmul.f32 v5, v13;
	v13 =	vadd.f32 v9, v8  }
0x294: {  	v1 =	vld [tilespmem:s8+$0xFFFFFFB0];
	v60 =	vbroadcast v17, $0x3;
	v38 =	vbroadcast v17, $0x4  }
0x295: {  	v2 =	vld [tilespmem:s8+$0xFFFFFFC0];
	v39 =	vbroadcast v17, $0x5;
	v22 =	vmul.f32 $9.999999770e-03, v13  }
0x296: {  	v40 =	vbroadcast v17, $0x6;
	v41 =	vbroadcast v17, $0x7;
	[tilespmem:s8+$0xFFFFFF70] =	vst v17;
	v17 =	vld [tilespmem:s7+$0xFFFFFFA0];
	vm14 =	vgt.f32 v13, $0.0e+00  }
0x297: {  	v36 =	vbroadcast v19, $0x0;
	v37 =	vbroadcast v19, $0x1;
	v5 =	vld [tilespmem:s7+$0xFFFFFF10];
	v22 =	vsel vm14, v13, v22  }
0x298: {  	v16 =	vbroadcast v19, $0x2;
	v8 =	vld [tilespmem:s7+$0xFFFFFF20];
	v42 =	vmul.f32 $1.442695020e+00, v22  }
0x299: {  	v24 =	vbroadcast v19, $0x4;
	v23 =	vbroadcast v19, $0x5;
	v9 =	vld [tilespmem:s7+$0xFFFFFF30]  }
0x29a: {  	v61 =	vmul.f32 v25, v18;
	v18 =	vld [tilespmem:s7+$0xFFFFFFC0];
	(erf) = vpow2.f32 v42  }
0x29b: {  	[tilespmem:s8+$0x0] =	vst v19;
	v25 =	vbroadcast v19, $0x6;
	v30 =	vmul.f32 v30, v20;
	v20 =	vld [tilespmem:s7+$0xFFFFFFD0]  }
0x29c: {  	[tilespmem:s8+$0xFFFFFFF0] =	vst v15;
	v22 =	vbroadcast v19, $0x3;
	v19 =	vld [tilespmem:s7+$0xFFFFFFB0];
	(erf) = vpow2.f32 v43  }
0x29d: {  	v62 =	vmul.f32 v31, v21;
	v63 =	vmul.f32 v26, v60;
	v21 =	vld [tilespmem:s7+$0xFFFFFFE0];
	[tilespmem:s8+$0xFFFFFEF0] =	vst v61  }
0x29e: {  	v32 =	vmul.f32 v27, v38;
	v31 =	vmul.f32 v28, v39;
	v26 =	vld [tilespmem:s7+$0xFFFFFFF0];
	[tilespmem:s8+$0xFFFFFF00] =	vst v30  }
0x29f: {  	v28 =	vmul.f32 v33, v41;
	v27 =	vmul.f32 v37, v35;
	v15 =	vld [tilespmem:s7+$0xFFFFFF90];
	[tilespmem:s8+$0xFFFFFF10] =	vst v62  }
0x2a0: {  	s16 =	simm.s32 $0x2A;
	s21 =	simm.s32 $0x4C20;
	v30 =	vmul.f32 v29, v40;
	[tilespmem:s8+$0xFFFFFF20] =	vst v63;
	v29 =	vmul.f32 v36, v34;
	v13 =	vld [tilespmem:s7+$0xFFFFFF60]  }
.LBB2_15:
0x2a1: {  	v33 =	vld [tilespmem:s21+$0x0];
	s12 =	sadd.s32 $0x20, s12;
	[tilespmem:s8+$0xFFFFFF30] =	vst v32;
	v32 =	vmul.f32 v16, v6;
	v22 =	vmul.f32 v1, v22;
	v6 =	vmovc v17;
	v1 =	vmov v19  }
0x2a2: {  	s16 =	sadd.s32 $0x2, s16;
	v19 =	vmul.f32 v2, v24;
	v23 =	vmul.f32 v11, v23;
	v17 =	vld [tilespmem:s12+$0x0];
	[tilespmem:s8+$0xFFFFFF40] =	vst v31;
	v2 =	vmov v18  }
0x2a3: {  	v24 =	vmul.f32 v7, v25;
	p1 =	slt.u32 s16, $0x4E;
	v18 =	vld [tilespmem:s12+$0xFFFFFFF0];
	v31 =	vpop (erf);
	[tilespmem:s8+$0xFFFFFF50] =	vst v30;
	v11 =	vmov v20  }
0x2a4: {  	v20 =	vld [tilespmem:s21+$0xFFFFFF70];
	v34 =	vbroadcast v31, $0x0;
	v25 =	vbroadcast v31, $0x7;
	[tilespmem:s8+$0xFFFFFF60] =	vst v28;
	v7 =	vmov v21  }
0x2a5: {  	v35 =	vbroadcast v31, $0x1;
	v16 =	vbroadcast v31, $0x2;
	v21 =	vld [tilespmem:s21+$0xFFFFFEF0];
	v28 =	vpop (erf);
	[tilespmem:s8+$0xFFFFFF80] =	vst v29  }
0x2a6: {  	v29 =	vld [tilespmem:s21+$0xFFFFFF00];
	v30 =	vbroadcast v28, $0x0;
	v25 =	vmul.f32 v26, v25;
	[tilespmem:s8+$0xFFFFFF90] =	vst v27  }
0x2a7: {  	v27 =	vbroadcast v28, $0x1;
	v26 =	vld [tilespmem:s21+$0xFFFFFF10];
	v17 =	vadd.f32 v17, v33;
	v33 =	vbroadcast v28, $0x2;
	[tilespmem:s8+$0xFFFFFFA0] =	vst v32  }
0x2a8: {  	v36 =	vbroadcast v28, $0x3;
	v37 =	vbroadcast v28, $0x4;
	v32 =	vld [tilespmem:s21+$0xFFFFFF20];
	[tilespmem:s7+$0xFFFFFFF0] =	vst v25  }
0x2a9: {  	v39 =	vbroadcast v28, $0x5;
	v18 =	vadd.f32 v18, v20;
	v38 =	vld [tilespmem:s21+$0xFFFFFF30];
	v20 =	vmul.f32 $9.999999770e-03, v17;
	[tilespmem:s8+$0xFFFFFFB0] =	vst v22  }
0x2aa: {  	v41 =	vbroadcast v28, $0x6;
	v42 =	vbroadcast v28, $0x7;
	vm0 =	vgt.f32 v17, $0.0e+00;
	v40 =	vld [tilespmem:s21+$0xFFFFFF40];
	[tilespmem:s8+$0xFFFFFFC0] =	vst v19  }
0x2ab: {  	vm1 =	vgt.f32 v18, $0.0e+00;
	v19 =	vmul.f32 $9.999999770e-03, v18;
	v43 =	vld [tilespmem:s21+$0xFFFFFF50];
	v17 =	vsel vm0, v17, v20;
	[tilespmem:s8+$0xFFFFFFD0] =	vst v23  }
0x2ac: {  	v22 =	vbroadcast v31, $0x3;
	v44 =	vld [tilespmem:s21+$0xFFFFFF60];
	v17 =	vmul.f32 $1.442695020e+00, v17;
	[tilespmem:s8+$0xFFFFFFE0] =	vst v24;
	s8 =	smov.u32 s7;
	s7 =	smov.u32 s21  }
0x2ad: {  	v23 =	vbroadcast v31, $0x5;
	v24 =	vbroadcast v31, $0x4;
	v18 =	vsel vm1, v18, v19;
	v45 =	vld [tilespmem:s21+$0xFFFFFF80];
	[tilespmem:s8+$0xFFFFFF70] =	vst v28  }
0x2ae: {  	v18 =	vmul.f32 $1.442695020e+00, v18;
	v46 =	vld [tilespmem:s21+$0xFFFFFF90];
	(erf) = vpow2.f32 v17;
	[tilespmem:s8+$0x0] =	vst v31  }
0x2af: {  	v25 =	vbroadcast v31, $0x6;
	v20 =	vmul.f32 v30, v3;
	v3 =	vmov v21;
	v17 =	vld [tilespmem:s21+$0xFFFFFFA0]  }
.Ltmp6:
0x2b0: {  	v21 =	vmul.f32 v27, v4;
	v4 =	vmov v29;
	v19 =	vld [tilespmem:s21+$0xFFFFFFB0];
	(erf) = vpow2.f32 v18;
	(pc) =	sbr.rel @p1 .LBB2_15-.Ltmp6, $4  }
0x2b1: {  	v27 =	vmul.f32 v33, v5;
	v29 =	vmul.f32 v8, v36;
	v5 =	vmovc v26;
	v8 =	vmov v32;
	v18 =	vld [tilespmem:s21+$0xFFFFFFC0];
	[tilespmem:s8+$0xFFFFFEF0] =	vst v20  }
0x2b2: {  	v32 =	vmul.f32 v9, v37;
	v31 =	vmul.f32 v10, v39;
	v9 =	vmovc v38;
	v10 =	vmov v40;
	v20 =	vld [tilespmem:s21+$0xFFFFFFD0];
	[tilespmem:s8+$0xFFFFFF00] =	vst v21  }
0x2b3: {  	v30 =	vmul.f32 v12, v41;
	v28 =	vmul.f32 v13, v42;
	v12 =	vmovc v43;
	v13 =	vmov v44;
	v21 =	vld [tilespmem:s21+$0xFFFFFFE0];
	[tilespmem:s8+$0xFFFFFF10] =	vst v27  }
0x2b4: {  	s21 =	sadd.s32 $0x120, s21;
	v27 =	vmul.f32 v35, v15;
	v15 =	vmovc v46;
	v26 =	vld [tilespmem:s7+$0xFFFFFFF0];
	[tilespmem:s8+$0xFFFFFF20] =	vst v29;
	v29 =	vmul.f32 v34, v14;
	v14 =	vmov v45  }
0x2b5: {  	[tilespmem:s8+$0xFFFFFF30] =	vst v32  }
0x2b6: {  	[tilespmem:s8+$0xFFFFFF40] =	vst v31  }
0x2b7: {  	[tilespmem:s8+$0xFFFFFF50] =	vst v30  }
0x2b8: {  	[tilespmem:s8+$0xFFFFFF60] =	vst v28  }
0x2b9: {  	v6 =	vmul.f32 v16, v6;
	[tilespmem:s8+$0xFFFFFF80] =	vst v29  }
0x2ba: {  	v1 =	vmul.f32 v1, v22;
	[tilespmem:s8+$0xFFFFFF90] =	vst v27  }
0x2bb: {  	v2 =	vmul.f32 v2, v24;
	[tilespmem:s8+$0xFFFFFFA0] =	vst v6  }
0x2bc: {  	[tilespmem:s8+$0xFFFFFFB0] =	vst v1  }
0x2bd: {  	v31 =	vpop (erf);
	v6 =	vmul.f32 v11, v23;
	[tilespmem:s8+$0xFFFFFFC0] =	vst v2  }
0x2be: {  	v1 =	vmul.f32 v7, v25;
	v30 =	vbroadcast v31, $0x7;
	[tilespmem:s7+$0x0] =	vst v31;
	v7 =	vpop (erf)  }
0x2bf: {  	[tilespmem:s8+$0xFFFFFFD0] =	vst v6;
	v2 =	vbroadcast v7, $0x0  }
0x2c0: {  	[tilespmem:s8+$0xFFFFFFE0] =	vst v1;
	v16 =	vmul.f32 v26, v30;
	v6 =	vbroadcast v7, $0x1  }
0x2c1: {  	v1 =	vbroadcast v7, $0x2;
	[tilespmem:s7+$0xFFFFFF70] =	vst v7;
	v2 =	vmul.f32 v2, v3  }
0x2c2: {  	[tilespmem:s7+$0xFFFFFFF0] =	vst v16;
	v3 =	vbroadcast v7, $0x3;
	v4 =	vmul.f32 v6, v4  }
0x2c3: {  	v6 =	vbroadcast v7, $0x4;
	v1 =	vmul.f32 v1, v5;
	[tilespmem:s7+$0xFFFFFEF0] =	vst v2  }
0x2c4: {  	v2 =	vbroadcast v7, $0x5;
	v3 =	vmul.f32 v8, v3;
	[tilespmem:s7+$0xFFFFFF00] =	vst v4  }
0x2c5: {  	v4 =	vbroadcast v7, $0x6;
	v5 =	vmul.f32 v9, v6;
	[tilespmem:s7+$0xFFFFFF10] =	vst v1  }
0x2c6: {  	v1 =	vbroadcast v7, $0x7;
	v2 =	vmul.f32 v10, v2;
	[tilespmem:s7+$0xFFFFFF20] =	vst v3  }
0x2c7: {  	v3 =	vbroadcast v31, $0x0;
	v4 =	vmul.f32 v12, v4;
	[tilespmem:s7+$0xFFFFFF30] =	vst v5  }
0x2c8: {  	v5 =	vbroadcast v31, $0x1;
	v1 =	vmul.f32 v13, v1;
	[tilespmem:s7+$0xFFFFFF40] =	vst v2  }
0x2c9: {  	v2 =	vbroadcast v31, $0x2;
	v3 =	vmul.f32 v3, v14;
	[tilespmem:s7+$0xFFFFFF50] =	vst v4  }
0x2ca: {  	v4 =	vbroadcast v31, $0x3;
	v5 =	vmul.f32 v5, v15;
	[tilespmem:s7+$0xFFFFFF60] =	vst v1  }
0x2cb: {  	v1 =	vbroadcast v31, $0x4;
	v2 =	vmul.f32 v2, v17;
	[tilespmem:s7+$0xFFFFFF80] =	vst v3  }
0x2cc: {  	v3 =	vbroadcast v31, $0x5;
	v4 =	vmul.f32 v19, v4;
	[tilespmem:s7+$0xFFFFFF90] =	vst v5  }
0x2cd: {  	v5 =	vbroadcast v31, $0x6;
	v1 =	vmul.f32 v18, v1;
	[tilespmem:s7+$0xFFFFFFA0] =	vst v2  }
0x2ce: {  	v2 =	vmul.f32 v20, v3;
	[tilespmem:s7+$0xFFFFFFB0] =	vst v4  }
0x2cf: {  	v3 =	vmul.f32 v21, v5;
	[tilespmem:s7+$0xFFFFFFC0] =	vst v1  }
0x2d0: {  	[tilespmem:s7+$0xFFFFFFD0] =	vst v2  }
0x2d1: {  	s12 =	simm.s32 $0x27D8;
	s8 =	simm.s32 $0x48D0;
	[tilespmem:s7+$0xFFFFFFE0] =	vst v3  }
0x2d2: {  	[spmem:s3] =	stream.indirect.scatter.add.f32 [tilespmem:s8], [sflag:$0x7], $0x90, s12, s11, $0xb8;
	[tilespmem:$0x1EFD0] =	vst v63  }
0x2d3: {  	_ =	swait.ge [sflag:s22], $0x1680  }
0x2d4: {  	[sflag:s22] =	ssyncset.done $0x0  }
0x2d5: {  	[sflag:s22] =	ssyncadd.s32 $0xFFFFE980  }
0x2d6: {  	_ =	swait.ge [sflag:s22], $0x1680  }
0x2d7: {  	s7 =	rddreg [dreg:$0x1a]  }
0x2d8: {  	s7 =	sadd.s32 @!p0 s18, s7  }
0x2d9: {  	s8 =	simm.s32 @!p0 $0x0;
	[sflag:s22] =	ssyncset.done $0x0;
	s7 =	sshrl.u32 @!p0 s7, $0x3  }
0x2da: {  	s12 =	simm.s32 @!p0 $0x27B0;
	[sflag:s22] =	ssyncadd.s32 $0xFFFFE980;
	s7 =	sadd.s32 @!p0 s2, s7  }
0x2db: {  	[tilespmem:s12], [sflag:$0x3] =	stream.linear.gather @!p0 [hbm4b:s7+s8], $0x50, $0x38;
	[tilespmem:$0x1EFD0] =	vst v63  }
0x2dc: {  	s16 =	smul.u32 $0x140, s30;
	_ =	swait.ge [sflag:s9], $0x50  }
0x2dd: {  	[sflag:s9] =	ssyncset.done $0x0  }
0x2de: {  	s7 =	sshra.s32 s16, $0x2;
	[sflag:s9] =	ssyncadd.s32 $0xFFFFFFB0  }
0x2df: {  	[tilespmem:s0], [sflag:$0x5] =	stream.indirect.gather [hbm4b:s14+s10], $0x90, s7, s10, $0xb8;
	[tilespmem:$0x1EFD0] =	vst v63  }
0x2e0: {  	s18 =	simm.s32 $0x2850  }
0x2e1: {  	[tilespmem:s18], [sflag:$0x5] =	stream.indirect.gather [hbm4b:s15+s11], $0x10, s6, s11, $0xb8;
	[tilespmem:$0x1EFD0] =	vst v63  }
0x2e2: {  	s21 =	simm.s32 $0x2AD0  }
0x2e3: {  	[tilespmem:s21], [sflag:$0x5] =	stream.indirect.gather [hbm4b:s15+s11], $0x10, s13, s11, $0xb8;
	[tilespmem:$0x1EFD0] =	vst v63  }
0x2e4: {  	_ =	swait.ge [sflag:s24], $0x2D00  }
0x2e5: {  	[sflag:s24] =	ssyncset.done $0x0  }
0x2e6: {  	[sflag:s24] =	ssyncadd.s32 $0xFFFFD300  }
0x2e7: {  	_ =	swait.ge [sflag:s24], $0x280  }
0x2e8: {  	[sflag:s24] =	ssyncset.done $0x0  }
0x2e9: {  	[sflag:s24] =	ssyncadd.s32 $0xFFFFFD80  }
0x2ea: {  	_ =	swait.ge [sflag:s24], $0x280  }
0x2eb: {  	[sflag:s24] =	ssyncset.done $0x0  }
0x2ec: {  	s8 =	simm.s32 $0x5FE0;
	[sflag:s24] =	ssyncadd.s32 $0xFFFFFD80  }
0x2ed: {  	s30 =	simm.s32 $0x2D60;
	v1 =	vld [tilespmem:s8+$0x80]  }
0x2ee: {  	v2 =	vld [tilespmem:s30+$0x0]  }
0x2ef: {  	v3 =	vld [tilespmem:s30+$0xFFFFFFF0]  }
0x2f0: {  	v4 =	vld [tilespmem:s8+$0xFFFFFFF0]  }
0x2f1: {  	v18 =	vld [tilespmem:s8+$0xFFFFFF70]  }
0x2f2: {  	v20 =	vld [tilespmem:s8+$0xFFFFFF80]  }
0x2f3: {  	v21 =	vld [tilespmem:s8+$0xFFFFFF90]  }
0x2f4: {  	v26 =	vld [tilespmem:s8+$0xFFFFFFA0];
	v1 =	vadd.f32 v2, v1  }
0x2f5: {  	v27 =	vld [tilespmem:s8+$0xFFFFFFB0];
	v2 =	vadd.f32 v3, v4  }
0x2f6: {  	v28 =	vld [tilespmem:s8+$0xFFFFFFC0];
	v3 =	vmul.f32 $9.999999770e-03, v1  }
0x2f7: {  	v29 =	vld [tilespmem:s8+$0xFFFFFFD0];
	vm0 =	vgt.f32 v1, $0.0e+00;
	v4 =	vmul.f32 $9.999999770e-03, v2  }
0x2f8: {  	v33 =	vld [tilespmem:s8+$0xFFFFFFE0];
	vm13 =	vgt.f32 v2, $0.0e+00;
	v1 =	vsel vm0, v1, v3  }
0x2f9: {  	s12 =	simm.s32 $0x2D80;
	v34 =	vld [tilespmem:s8+$0x0];
	v2 =	vsel vm13, v2, v4;
	v1 =	vmul.f32 $1.442695020e+00, v1  }
0x2fa: {  	s7 =	simm.s32 $0x6100;
	v10 =	vld [tilespmem:s12+$0xFFFFFFF0];
	v2 =	vmul.f32 $1.442695020e+00, v2  }
0x2fb: {  	v12 =	vld [tilespmem:s7+$0xFFFFFFF0];
	(erf) = vpow2.f32 v1  }
0x2fc: {  	v35 =	vld [tilespmem:s8+$0x10];
	(erf) = vpow2.f32 v2  }
0x2fd: {  	v6 =	vld [tilespmem:s8+$0x20]  }
0x2fe: {  	v11 =	vld [tilespmem:s8+$0x50]  }
0x2ff: {  	v7 =	vld [tilespmem:s8+$0x60]  }
0x300: {  	v5 =	vld [tilespmem:s8+$0x70];
	v14 =	vadd.f32 v10, v12  }
0x301: {  	v8 =	vld [tilespmem:s7+$0x80]  }
0x302: {  	v9 =	vld [tilespmem:s12+$0x0];
	v23 =	vmul.f32 $9.999999770e-03, v14  }
0x303: {  	v10 =	vld [tilespmem:s7+$0xFFFFFFC0];
	vm15 =	vgt.f32 v14, $0.0e+00  }
0x304: {  	v12 =	vld [tilespmem:s7+$0xFFFFFFD0];
	v43 =	vsel vm15, v14, v23;
	v19 =	vpop (erf)  }
0x305: {  	v3 =	vld [tilespmem:s7+$0xFFFFFF70];
	v43 =	vmul.f32 $1.442695020e+00, v43;
	v13 =	vbroadcast v19, $0x7;
	v17 =	vpop (erf)  }
0x306: {  	v4 =	vld [tilespmem:s7+$0xFFFFFF80];
	v25 =	vbroadcast v17, $0x0;
	v30 =	vbroadcast v17, $0x1  }
0x307: {  	v14 =	vld [tilespmem:s7+$0x0];
	v31 =	vbroadcast v17, $0x2;
	v15 =	vmul.f32 v5, v13;
	v13 =	vadd.f32 v9, v8  }
0x308: {  	v1 =	vld [tilespmem:s8+$0x30];
	v60 =	vbroadcast v17, $0x3;
	v38 =	vbroadcast v17, $0x4  }
0x309: {  	v2 =	vld [tilespmem:s8+$0x40];
	v39 =	vbroadcast v17, $0x5;
	v22 =	vmul.f32 $9.999999770e-03, v13  }
0x30a: {  	v40 =	vbroadcast v17, $0x6;
	v41 =	vbroadcast v17, $0x7;
	[tilespmem:s8+$0xFFFFFFF0] =	vst v17;
	v17 =	vld [tilespmem:s7+$0x20];
	vm14 =	vgt.f32 v13, $0.0e+00  }
0x30b: {  	v36 =	vbroadcast v19, $0x0;
	v37 =	vbroadcast v19, $0x1;
	v5 =	vld [tilespmem:s7+$0xFFFFFF90];
	v22 =	vsel vm14, v13, v22  }
0x30c: {  	v16 =	vbroadcast v19, $0x2;
	v8 =	vld [tilespmem:s7+$0xFFFFFFA0];
	v42 =	vmul.f32 $1.442695020e+00, v22  }
0x30d: {  	v24 =	vbroadcast v19, $0x4;
	v23 =	vbroadcast v19, $0x5;
	v9 =	vld [tilespmem:s7+$0xFFFFFFB0]  }
0x30e: {  	v61 =	vmul.f32 v25, v18;
	v18 =	vld [tilespmem:s7+$0x40];
	(erf) = vpow2.f32 v42  }
0x30f: {  	[tilespmem:s8+$0x80] =	vst v19;
	v25 =	vbroadcast v19, $0x6;
	v30 =	vmul.f32 v30, v20;
	v20 =	vld [tilespmem:s7+$0x50]  }
0x310: {  	[tilespmem:s8+$0x70] =	vst v15;
	v22 =	vbroadcast v19, $0x3;
	v19 =	vld [tilespmem:s7+$0x30];
	(erf) = vpow2.f32 v43  }
0x311: {  	v62 =	vmul.f32 v31, v21;
	v63 =	vmul.f32 v26, v60;
	v21 =	vld [tilespmem:s7+$0x60];
	[tilespmem:s8+$0xFFFFFF70] =	vst v61  }
0x312: {  	v32 =	vmul.f32 v27, v38;
	v31 =	vmul.f32 v28, v39;
	v26 =	vld [tilespmem:s7+$0x70];
	[tilespmem:s8+$0xFFFFFF80] =	vst v30  }
0x313: {  	v28 =	vmul.f32 v33, v41;
	v27 =	vmul.f32 v37, v35;
	v15 =	vld [tilespmem:s7+$0x10];
	[tilespmem:s8+$0xFFFFFF90] =	vst v62  }
0x314: {  	s16 =	simm.s32 $0x2;
	s18 =	simm.s32 $0x6220;
	v30 =	vmul.f32 v29, v40;
	[tilespmem:s8+$0xFFFFFFA0] =	vst v63;
	v29 =	vmul.f32 v36, v34;
	v13 =	vld [tilespmem:s7+$0xFFFFFFE0]  }
.LBB2_17:
0x315: {  	v33 =	vld [tilespmem:s18+$0x80];
	s12 =	sadd.s32 $0x20, s12;
	[tilespmem:s8+$0xFFFFFFB0] =	vst v32;
	v32 =	vmul.f32 v16, v6;
	v22 =	vmul.f32 v1, v22;
	v6 =	vmovc v17;
	v1 =	vmov v19  }
0x316: {  	s16 =	sadd.s32 $0x2, s16;
	v19 =	vmul.f32 v2, v24;
	v23 =	vmul.f32 v11, v23;
	v17 =	vld [tilespmem:s12+$0x0];
	[tilespmem:s8+$0xFFFFFFC0] =	vst v31;
	v2 =	vmov v18  }
0x317: {  	v24 =	vmul.f32 v7, v25;
	p0 =	slt.u32 s16, $0x26;
	v18 =	vld [tilespmem:s12+$0xFFFFFFF0];
	v31 =	vpop (erf);
	[tilespmem:s8+$0xFFFFFFD0] =	vst v30;
	v11 =	vmov v20  }
0x318: {  	v20 =	vld [tilespmem:s18+$0xFFFFFFF0];
	v34 =	vbroadcast v31, $0x0;
	v25 =	vbroadcast v31, $0x7;
	[tilespmem:s8+$0xFFFFFFE0] =	vst v28;
	v7 =	vmov v21  }
0x319: {  	v35 =	vbroadcast v31, $0x1;
	v16 =	vbroadcast v31, $0x2;
	v21 =	vld [tilespmem:s18+$0xFFFFFF70];
	v28 =	vpop (erf);
	[tilespmem:s8+$0x0] =	vst v29  }
0x31a: {  	v29 =	vld [tilespmem:s18+$0xFFFFFF80];
	v30 =	vbroadcast v28, $0x0;
	v25 =	vmul.f32 v26, v25;
	[tilespmem:s8+$0x10] =	vst v27  }
0x31b: {  	v27 =	vbroadcast v28, $0x1;
	v26 =	vld [tilespmem:s18+$0xFFFFFF90];
	v17 =	vadd.f32 v17, v33;
	v33 =	vbroadcast v28, $0x2;
	[tilespmem:s8+$0x20] =	vst v32  }
0x31c: {  	v36 =	vbroadcast v28, $0x3;
	v37 =	vbroadcast v28, $0x4;
	v32 =	vld [tilespmem:s18+$0xFFFFFFA0];
	[tilespmem:s7+$0x70] =	vst v25  }
0x31d: {  	v39 =	vbroadcast v28, $0x5;
	v18 =	vadd.f32 v18, v20;
	v38 =	vld [tilespmem:s18+$0xFFFFFFB0];
	v20 =	vmul.f32 $9.999999770e-03, v17;
	[tilespmem:s8+$0x30] =	vst v22  }
0x31e: {  	v41 =	vbroadcast v28, $0x6;
	v42 =	vbroadcast v28, $0x7;
	vm0 =	vgt.f32 v17, $0.0e+00;
	v40 =	vld [tilespmem:s18+$0xFFFFFFC0];
	[tilespmem:s8+$0x40] =	vst v19  }
0x31f: {  	vm1 =	vgt.f32 v18, $0.0e+00;
	v19 =	vmul.f32 $9.999999770e-03, v18;
	v43 =	vld [tilespmem:s18+$0xFFFFFFD0];
	v17 =	vsel vm0, v17, v20;
	[tilespmem:s8+$0x50] =	vst v23  }
0x320: {  	v22 =	vbroadcast v31, $0x3;
	v44 =	vld [tilespmem:s18+$0xFFFFFFE0];
	v17 =	vmul.f32 $1.442695020e+00, v17;
	[tilespmem:s8+$0x60] =	vst v24;
	s8 =	smov.u32 s7;
	s7 =	smov.u32 s18  }
0x321: {  	v23 =	vbroadcast v31, $0x5;
	v24 =	vbroadcast v31, $0x4;
	v18 =	vsel vm1, v18, v19;
	v45 =	vld [tilespmem:s18+$0x0];
	[tilespmem:s8+$0xFFFFFFF0] =	vst v28  }
0x322: {  	v18 =	vmul.f32 $1.442695020e+00, v18;
	v46 =	vld [tilespmem:s18+$0x10];
	(erf) = vpow2.f32 v17;
	[tilespmem:s8+$0x80] =	vst v31  }
0x323: {  	v25 =	vbroadcast v31, $0x6;
	v20 =	vmul.f32 v30, v3;
	v3 =	vmov v21;
	v17 =	vld [tilespmem:s18+$0x20]  }
.Ltmp7:
0x324: {  	v21 =	vmul.f32 v27, v4;
	v4 =	vmov v29;
	v19 =	vld [tilespmem:s18+$0x30];
	(erf) = vpow2.f32 v18;
	(pc) =	sbr.rel @p0 .LBB2_17-.Ltmp7, $4  }
0x325: {  	v27 =	vmul.f32 v33, v5;
	v29 =	vmul.f32 v8, v36;
	v5 =	vmovc v26;
	v8 =	vmov v32;
	v18 =	vld [tilespmem:s18+$0x40];
	[tilespmem:s8+$0xFFFFFF70] =	vst v20  }
0x326: {  	v32 =	vmul.f32 v9, v37;
	v31 =	vmul.f32 v10, v39;
	v9 =	vmovc v38;
	v10 =	vmov v40;
	v20 =	vld [tilespmem:s18+$0x50];
	[tilespmem:s8+$0xFFFFFF80] =	vst v21  }
0x327: {  	v30 =	vmul.f32 v12, v41;
	v28 =	vmul.f32 v13, v42;
	v12 =	vmovc v43;
	v13 =	vmov v44;
	v21 =	vld [tilespmem:s18+$0x60];
	[tilespmem:s8+$0xFFFFFF90] =	vst v27  }
0x328: {  	s18 =	sadd.s32 $0x120, s18;
	v27 =	vmul.f32 v35, v15;
	v15 =	vmovc v46;
	v26 =	vld [tilespmem:s7+$0x70];
	[tilespmem:s8+$0xFFFFFFA0] =	vst v29;
	v29 =	vmul.f32 v34, v14;
	v14 =	vmov v45  }
0x329: {  	[tilespmem:s8+$0xFFFFFFB0] =	vst v32  }
0x32a: {  	[tilespmem:s8+$0xFFFFFFC0] =	vst v31  }
0x32b: {  	[tilespmem:s8+$0xFFFFFFD0] =	vst v30  }
0x32c: {  	[tilespmem:s8+$0xFFFFFFE0] =	vst v28  }
0x32d: {  	v6 =	vmul.f32 v16, v6;
	[tilespmem:s8+$0x0] =	vst v29  }
0x32e: {  	v1 =	vmul.f32 v1, v22;
	[tilespmem:s8+$0x10] =	vst v27  }
0x32f: {  	v2 =	vmul.f32 v2, v24;
	[tilespmem:s8+$0x20] =	vst v6  }
0x330: {  	[tilespmem:s8+$0x30] =	vst v1  }
0x331: {  	v31 =	vpop (erf);
	v6 =	vmul.f32 v11, v23;
	[tilespmem:s8+$0x40] =	vst v2  }
0x332: {  	v1 =	vmul.f32 v7, v25;
	v30 =	vbroadcast v31, $0x7;
	[tilespmem:s7+$0x80] =	vst v31;
	v7 =	vpop (erf)  }
0x333: {  	[tilespmem:s8+$0x50] =	vst v6;
	v2 =	vbroadcast v7, $0x0  }
0x334: {  	[tilespmem:s8+$0x60] =	vst v1;
	v16 =	vmul.f32 v26, v30;
	v6 =	vbroadcast v7, $0x1  }
0x335: {  	v1 =	vbroadcast v7, $0x2;
	[tilespmem:s7+$0xFFFFFFF0] =	vst v7;
	v2 =	vmul.f32 v2, v3  }
0x336: {  	[tilespmem:s7+$0x70] =	vst v16;
	v3 =	vbroadcast v7, $0x3;
	v4 =	vmul.f32 v6, v4  }
0x337: {  	v6 =	vbroadcast v7, $0x4;
	v1 =	vmul.f32 v1, v5;
	[tilespmem:s7+$0xFFFFFF70] =	vst v2  }
0x338: {  	v2 =	vbroadcast v7, $0x5;
	v3 =	vmul.f32 v8, v3;
	[tilespmem:s7+$0xFFFFFF80] =	vst v4  }
0x339: {  	v4 =	vbroadcast v7, $0x6;
	v5 =	vmul.f32 v9, v6;
	[tilespmem:s7+$0xFFFFFF90] =	vst v1  }
0x33a: {  	v1 =	vbroadcast v7, $0x7;
	v2 =	vmul.f32 v10, v2;
	[tilespmem:s7+$0xFFFFFFA0] =	vst v3  }
0x33b: {  	v3 =	vbroadcast v31, $0x0;
	v4 =	vmul.f32 v12, v4;
	[tilespmem:s7+$0xFFFFFFB0] =	vst v5  }
0x33c: {  	v5 =	vbroadcast v31, $0x1;
	v1 =	vmul.f32 v13, v1;
	[tilespmem:s7+$0xFFFFFFC0] =	vst v2  }
0x33d: {  	v2 =	vbroadcast v31, $0x2;
	v3 =	vmul.f32 v3, v14;
	[tilespmem:s7+$0xFFFFFFD0] =	vst v4  }
0x33e: {  	v4 =	vbroadcast v31, $0x3;
	v5 =	vmul.f32 v5, v15;
	[tilespmem:s7+$0xFFFFFFE0] =	vst v1  }
0x33f: {  	v1 =	vbroadcast v31, $0x4;
	v2 =	vmul.f32 v2, v17;
	[tilespmem:s7+$0x0] =	vst v3  }
0x340: {  	v3 =	vbroadcast v31, $0x5;
	v4 =	vmul.f32 v19, v4;
	[tilespmem:s7+$0x10] =	vst v5  }
0x341: {  	v5 =	vbroadcast v31, $0x6;
	v1 =	vmul.f32 v18, v1;
	[tilespmem:s7+$0x20] =	vst v2  }
0x342: {  	v2 =	vmul.f32 v20, v3;
	[tilespmem:s7+$0x30] =	vst v4  }
0x343: {  	v3 =	vmul.f32 v21, v5;
	[tilespmem:s7+$0x40] =	vst v1  }
0x344: {  	[tilespmem:s7+$0x50] =	vst v2  }
0x345: {  	s8 =	simm.s32 $0x76E0;
	[tilespmem:s7+$0x60] =	vst v3  }
0x346: {  	[spmem:s3] =	stream.indirect.scatter.add.f32 [tilespmem:s25], [sflag:$0x8], $0x90, s28, s11, $0xb8;
	[tilespmem:$0x1EFD0] =	vst v63  }
0x347: {  	s30 =	simm.s32 $0x2FE0;
	v1 =	vld [tilespmem:s8+$0x0]  }
0x348: {  	v2 =	vld [tilespmem:s30+$0x0]  }
0x349: {  	v3 =	vld [tilespmem:s30+$0xFFFFFFF0]  }
0x34a: {  	v4 =	vld [tilespmem:s8+$0xFFFFFF70]  }
0x34b: {  	v18 =	vld [tilespmem:s8+$0xFFFFFEF0]  }
0x34c: {  	v20 =	vld [tilespmem:s8+$0xFFFFFF00]  }
0x34d: {  	v21 =	vld [tilespmem:s8+$0xFFFFFF10]  }
0x34e: {  	v26 =	vld [tilespmem:s8+$0xFFFFFF20];
	v1 =	vadd.f32 v2, v1  }
0x34f: {  	v27 =	vld [tilespmem:s8+$0xFFFFFF30];
	v2 =	vadd.f32 v3, v4  }
0x350: {  	v28 =	vld [tilespmem:s8+$0xFFFFFF40];
	v3 =	vmul.f32 $9.999999770e-03, v1  }
0x351: {  	v29 =	vld [tilespmem:s8+$0xFFFFFF50];
	vm0 =	vgt.f32 v1, $0.0e+00;
	v4 =	vmul.f32 $9.999999770e-03, v2  }
0x352: {  	v33 =	vld [tilespmem:s8+$0xFFFFFF60];
	vm13 =	vgt.f32 v2, $0.0e+00;
	v1 =	vsel vm0, v1, v3  }
0x353: {  	s12 =	simm.s32 $0x3000;
	v34 =	vld [tilespmem:s8+$0xFFFFFF80];
	v2 =	vsel vm13, v2, v4;
	v1 =	vmul.f32 $1.442695020e+00, v1  }
0x354: {  	s7 =	simm.s32 $0x7800;
	v10 =	vld [tilespmem:s12+$0xFFFFFFF0];
	v2 =	vmul.f32 $1.442695020e+00, v2  }
0x355: {  	v12 =	vld [tilespmem:s7+$0xFFFFFF70];
	(erf) = vpow2.f32 v1  }
0x356: {  	v35 =	vld [tilespmem:s8+$0xFFFFFF90];
	(erf) = vpow2.f32 v2  }
0x357: {  	v6 =	vld [tilespmem:s8+$0xFFFFFFA0]  }
0x358: {  	v11 =	vld [tilespmem:s8+$0xFFFFFFD0]  }
0x359: {  	v7 =	vld [tilespmem:s8+$0xFFFFFFE0]  }
0x35a: {  	v5 =	vld [tilespmem:s8+$0xFFFFFFF0];
	v14 =	vadd.f32 v10, v12  }
0x35b: {  	v8 =	vld [tilespmem:s7+$0x0]  }
0x35c: {  	v9 =	vld [tilespmem:s12+$0x0];
	v23 =	vmul.f32 $9.999999770e-03, v14  }
0x35d: {  	v10 =	vld [tilespmem:s7+$0xFFFFFF40];
	vm15 =	vgt.f32 v14, $0.0e+00  }
0x35e: {  	v12 =	vld [tilespmem:s7+$0xFFFFFF50];
	v43 =	vsel vm15, v14, v23;
	v19 =	vpop (erf)  }
0x35f: {  	v3 =	vld [tilespmem:s7+$0xFFFFFEF0];
	v43 =	vmul.f32 $1.442695020e+00, v43;
	v13 =	vbroadcast v19, $0x7;
	v17 =	vpop (erf)  }
0x360: {  	v4 =	vld [tilespmem:s7+$0xFFFFFF00];
	v25 =	vbroadcast v17, $0x0;
	v30 =	vbroadcast v17, $0x1  }
0x361: {  	v14 =	vld [tilespmem:s7+$0xFFFFFF80];
	v31 =	vbroadcast v17, $0x2;
	v15 =	vmul.f32 v5, v13;
	v13 =	vadd.f32 v9, v8  }
0x362: {  	v1 =	vld [tilespmem:s8+$0xFFFFFFB0];
	v60 =	vbroadcast v17, $0x3;
	v38 =	vbroadcast v17, $0x4  }
0x363: {  	v2 =	vld [tilespmem:s8+$0xFFFFFFC0];
	v39 =	vbroadcast v17, $0x5;
	v22 =	vmul.f32 $9.999999770e-03, v13  }
0x364: {  	v40 =	vbroadcast v17, $0x6;
	v41 =	vbroadcast v17, $0x7;
	[tilespmem:s8+$0xFFFFFF70] =	vst v17;
	v17 =	vld [tilespmem:s7+$0xFFFFFFA0];
	vm14 =	vgt.f32 v13, $0.0e+00  }
0x365: {  	v36 =	vbroadcast v19, $0x0;
	v37 =	vbroadcast v19, $0x1;
	v5 =	vld [tilespmem:s7+$0xFFFFFF10];
	v22 =	vsel vm14, v13, v22  }
0x366: {  	v16 =	vbroadcast v19, $0x2;
	v8 =	vld [tilespmem:s7+$0xFFFFFF20];
	v42 =	vmul.f32 $1.442695020e+00, v22  }
0x367: {  	v24 =	vbroadcast v19, $0x4;
	v23 =	vbroadcast v19, $0x5;
	v9 =	vld [tilespmem:s7+$0xFFFFFF30]  }
0x368: {  	v61 =	vmul.f32 v25, v18;
	v18 =	vld [tilespmem:s7+$0xFFFFFFC0];
	(erf) = vpow2.f32 v42  }
0x369: {  	[tilespmem:s8+$0x0] =	vst v19;
	v25 =	vbroadcast v19, $0x6;
	v30 =	vmul.f32 v30, v20;
	v20 =	vld [tilespmem:s7+$0xFFFFFFD0]  }
0x36a: {  	[tilespmem:s8+$0xFFFFFFF0] =	vst v15;
	v22 =	vbroadcast v19, $0x3;
	v19 =	vld [tilespmem:s7+$0xFFFFFFB0];
	(erf) = vpow2.f32 v43  }
0x36b: {  	v62 =	vmul.f32 v31, v21;
	v63 =	vmul.f32 v26, v60;
	v21 =	vld [tilespmem:s7+$0xFFFFFFE0];
	[tilespmem:s8+$0xFFFFFEF0] =	vst v61  }
0x36c: {  	v32 =	vmul.f32 v27, v38;
	v31 =	vmul.f32 v28, v39;
	v26 =	vld [tilespmem:s7+$0xFFFFFFF0];
	[tilespmem:s8+$0xFFFFFF00] =	vst v30  }
0x36d: {  	v28 =	vmul.f32 v33, v41;
	v27 =	vmul.f32 v37, v35;
	v15 =	vld [tilespmem:s7+$0xFFFFFF90];
	[tilespmem:s8+$0xFFFFFF10] =	vst v62  }
0x36e: {  	s16 =	simm.s32 $0x2A;
	s18 =	simm.s32 $0x7920;
	v30 =	vmul.f32 v29, v40;
	[tilespmem:s8+$0xFFFFFF20] =	vst v63;
	v29 =	vmul.f32 v36, v34;
	v13 =	vld [tilespmem:s7+$0xFFFFFF60]  }
.LBB2_19:
0x36f: {  	v33 =	vld [tilespmem:s18+$0x0];
	s12 =	sadd.s32 $0x20, s12;
	[tilespmem:s8+$0xFFFFFF30] =	vst v32;
	v32 =	vmul.f32 v16, v6;
	v22 =	vmul.f32 v1, v22;
	v6 =	vmovc v17;
	v1 =	vmov v19  }
0x370: {  	s16 =	sadd.s32 $0x2, s16;
	v19 =	vmul.f32 v2, v24;
	v23 =	vmul.f32 v11, v23;
	v17 =	vld [tilespmem:s12+$0x0];
	[tilespmem:s8+$0xFFFFFF40] =	vst v31;
	v2 =	vmov v18  }
0x371: {  	v24 =	vmul.f32 v7, v25;
	p0 =	slt.u32 s16, $0x4E;
	v18 =	vld [tilespmem:s12+$0xFFFFFFF0];
	v31 =	vpop (erf);
	[tilespmem:s8+$0xFFFFFF50] =	vst v30;
	v11 =	vmov v20  }
0x372: {  	v20 =	vld [tilespmem:s18+$0xFFFFFF70];
	v34 =	vbroadcast v31, $0x0;
	v25 =	vbroadcast v31, $0x7;
	[tilespmem:s8+$0xFFFFFF60] =	vst v28;
	v7 =	vmov v21  }
0x373: {  	v35 =	vbroadcast v31, $0x1;
	v16 =	vbroadcast v31, $0x2;
	v21 =	vld [tilespmem:s18+$0xFFFFFEF0];
	v28 =	vpop (erf);
	[tilespmem:s8+$0xFFFFFF80] =	vst v29  }
0x374: {  	v29 =	vld [tilespmem:s18+$0xFFFFFF00];
	v30 =	vbroadcast v28, $0x0;
	v25 =	vmul.f32 v26, v25;
	[tilespmem:s8+$0xFFFFFF90] =	vst v27  }
0x375: {  	v27 =	vbroadcast v28, $0x1;
	v26 =	vld [tilespmem:s18+$0xFFFFFF10];
	v17 =	vadd.f32 v17, v33;
	v33 =	vbroadcast v28, $0x2;
	[tilespmem:s8+$0xFFFFFFA0] =	vst v32  }
0x376: {  	v36 =	vbroadcast v28, $0x3;
	v37 =	vbroadcast v28, $0x4;
	v32 =	vld [tilespmem:s18+$0xFFFFFF20];
	[tilespmem:s7+$0xFFFFFFF0] =	vst v25  }
0x377: {  	v39 =	vbroadcast v28, $0x5;
	v18 =	vadd.f32 v18, v20;
	v38 =	vld [tilespmem:s18+$0xFFFFFF30];
	v20 =	vmul.f32 $9.999999770e-03, v17;
	[tilespmem:s8+$0xFFFFFFB0] =	vst v22  }
0x378: {  	v41 =	vbroadcast v28, $0x6;
	v42 =	vbroadcast v28, $0x7;
	vm0 =	vgt.f32 v17, $0.0e+00;
	v40 =	vld [tilespmem:s18+$0xFFFFFF40];
	[tilespmem:s8+$0xFFFFFFC0] =	vst v19  }
0x379: {  	vm1 =	vgt.f32 v18, $0.0e+00;
	v19 =	vmul.f32 $9.999999770e-03, v18;
	v43 =	vld [tilespmem:s18+$0xFFFFFF50];
	v17 =	vsel vm0, v17, v20;
	[tilespmem:s8+$0xFFFFFFD0] =	vst v23  }
0x37a: {  	v22 =	vbroadcast v31, $0x3;
	v44 =	vld [tilespmem:s18+$0xFFFFFF60];
	v17 =	vmul.f32 $1.442695020e+00, v17;
	[tilespmem:s8+$0xFFFFFFE0] =	vst v24;
	s8 =	smov.u32 s7;
	s7 =	smov.u32 s18  }
0x37b: {  	v23 =	vbroadcast v31, $0x5;
	v24 =	vbroadcast v31, $0x4;
	v18 =	vsel vm1, v18, v19;
	v45 =	vld [tilespmem:s18+$0xFFFFFF80];
	[tilespmem:s8+$0xFFFFFF70] =	vst v28  }
0x37c: {  	v18 =	vmul.f32 $1.442695020e+00, v18;
	v46 =	vld [tilespmem:s18+$0xFFFFFF90];
	(erf) = vpow2.f32 v17;
	[tilespmem:s8+$0x0] =	vst v31  }
0x37d: {  	v25 =	vbroadcast v31, $0x6;
	v20 =	vmul.f32 v30, v3;
	v3 =	vmov v21;
	v17 =	vld [tilespmem:s18+$0xFFFFFFA0]  }
.Ltmp8:
0x37e: {  	v21 =	vmul.f32 v27, v4;
	v4 =	vmov v29;
	v19 =	vld [tilespmem:s18+$0xFFFFFFB0];
	(erf) = vpow2.f32 v18;
	(pc) =	sbr.rel @p0 .LBB2_19-.Ltmp8, $4  }
0x37f: {  	v27 =	vmul.f32 v33, v5;
	v29 =	vmul.f32 v8, v36;
	v5 =	vmovc v26;
	v8 =	vmov v32;
	v18 =	vld [tilespmem:s18+$0xFFFFFFC0];
	[tilespmem:s8+$0xFFFFFEF0] =	vst v20  }
0x380: {  	v32 =	vmul.f32 v9, v37;
	v31 =	vmul.f32 v10, v39;
	v9 =	vmovc v38;
	v10 =	vmov v40;
	v20 =	vld [tilespmem:s18+$0xFFFFFFD0];
	[tilespmem:s8+$0xFFFFFF00] =	vst v21  }
0x381: {  	v30 =	vmul.f32 v12, v41;
	v28 =	vmul.f32 v13, v42;
	v12 =	vmovc v43;
	v13 =	vmov v44;
	v21 =	vld [tilespmem:s18+$0xFFFFFFE0];
	[tilespmem:s8+$0xFFFFFF10] =	vst v27  }
0x382: {  	s18 =	sadd.s32 $0x120, s18;
	v27 =	vmul.f32 v35, v15;
	v15 =	vmovc v46;
	v26 =	vld [tilespmem:s7+$0xFFFFFFF0];
	[tilespmem:s8+$0xFFFFFF20] =	vst v29;
	v29 =	vmul.f32 v34, v14;
	v14 =	vmov v45  }
0x383: {  	[tilespmem:s8+$0xFFFFFF30] =	vst v32  }
0x384: {  	[tilespmem:s8+$0xFFFFFF40] =	vst v31  }
0x385: {  	[tilespmem:s8+$0xFFFFFF50] =	vst v30  }
0x386: {  	[tilespmem:s8+$0xFFFFFF60] =	vst v28  }
0x387: {  	v6 =	vmul.f32 v16, v6;
	[tilespmem:s8+$0xFFFFFF80] =	vst v29  }
0x388: {  	v1 =	vmul.f32 v1, v22;
	[tilespmem:s8+$0xFFFFFF90] =	vst v27  }
0x389: {  	v2 =	vmul.f32 v2, v24;
	[tilespmem:s8+$0xFFFFFFA0] =	vst v6  }
0x38a: {  	v55 =	vmul.f32 v11, v23;
	[tilespmem:s8+$0xFFFFFFB0] =	vst v1  }
0x38b: {  	v52 =	vpop (erf);
	[tilespmem:s8+$0xFFFFFFC0] =	vst v2  }
0x38c: {  	v1 =	vmul.f32 v7, v25;
	[tilespmem:s8+$0xFFFFFFD0] =	vst v55;
	v53 =	vbroadcast v52, $0x7;
	v56 =	vpop (erf)  }
0x38d: {  	[tilespmem:s7+$0x0] =	vst v52;
	v2 =	vbroadcast v56, $0x0  }
0x38e: {  	[tilespmem:s8+$0xFFFFFFE0] =	vst v1;
	v54 =	vmul.f32 v26, v53;
	v57 =	vbroadcast v56, $0x1  }
0x38f: {  	v1 =	vbroadcast v56, $0x2;
	[tilespmem:s7+$0xFFFFFF70] =	vst v56;
	v2 =	vmul.f32 v2, v3  }
0x390: {  	v58 =	vbroadcast v56, $0x4;
	[tilespmem:s7+$0xFFFFFFF0] =	vst v54;
	v4 =	vmul.f32 v57, v4  }
0x391: {  	v61 =	vbroadcast v52, $0x1;
	v1 =	vmul.f32 v1, v5;
	[tilespmem:s7+$0xFFFFFEF0] =	vst v2  }
0x392: {  	v3 =	vbroadcast v56, $0x3;
	v60 =	vmul.f32 v9, v58;
	[tilespmem:s7+$0xFFFFFF00] =	vst v4  }
0x393: {  	v59 =	vbroadcast v56, $0x6;
	v5 =	vmul.f32 v61, v15;
	[tilespmem:s7+$0xFFFFFF10] =	vst v1  }
0x394: {  	v2 =	vbroadcast v56, $0x5;
	v3 =	vmul.f32 v8, v3;
	[tilespmem:s7+$0xFFFFFF30] =	vst v60  }
0x395: {  	v1 =	vbroadcast v56, $0x7;
	v4 =	vmul.f32 v12, v59;
	[tilespmem:s7+$0xFFFFFF90] =	vst v5  }
0x396: {  	v2 =	vmul.f32 v10, v2;
	[tilespmem:s7+$0xFFFFFF20] =	vst v3;
	v3 =	vbroadcast v52, $0x0  }
0x397: {  	v62 =	vbroadcast v52, $0x3;
	v1 =	vmul.f32 v13, v1;
	[tilespmem:s7+$0xFFFFFF50] =	vst v4  }
0x398: {  	[tilespmem:s7+$0xFFFFFF40] =	vst v2;
	v2 =	vbroadcast v52, $0x2;
	v3 =	vmul.f32 v3, v14  }
0x399: {  	v4 =	vmul.f32 v19, v62;
	[tilespmem:s7+$0xFFFFFF60] =	vst v1;
	v1 =	vbroadcast v52, $0x4  }
0x39a: {  	s19 =	sadd.s32 $0x1, s19;
	v2 =	vmul.f32 v2, v17;
	[tilespmem:s7+$0xFFFFFF80] =	vst v3;
	v3 =	vbroadcast v52, $0x5  }
0x39b: {  	p0 =	sne.s32 s19, $0x1F;
	v63 =	vbroadcast v52, $0x6;
	[tilespmem:s7+$0xFFFFFFB0] =	vst v4;
	v1 =	vmul.f32 v18, v1  }
.Ltmp9:
0x39c: {  	[tilespmem:s7+$0xFFFFFFA0] =	vst v2;
	v2 =	vmul.f32 v20, v3;
	(pc) =	sbr.rel @p0 .LBB2_4-.Ltmp9, $4  }
0x39d: {  	v3 =	vmul.f32 v21, v63;
	[tilespmem:s7+$0xFFFFFFC0] =	vst v1  }
0x39e: {  	[tilespmem:s7+$0xFFFFFFD0] =	vst v2  }
0x39f: {  	s30 =	simm.s32 $0x75D0;
	[tilespmem:s7+$0xFFFFFFE0] =	vst v3  }
0x3a0: {  	[spmem:s3] =	stream.indirect.scatter.add.f32 [tilespmem:s30], [sflag:$0x8], $0x90, s23, s11, $0xb8;
	[tilespmem:$0x1EFD0] =	vst v63  }
0x3a1: {  	_ =	swait.ge [sflag:s31], $0x1680  }
0x3a2: {  	[sflag:s31] =	ssyncset.done $0x0  }
0x3a3: {  	[sflag:s31] =	ssyncadd.s32 $0xFFFFE980  }
0x3a4: {  	_ =	swait.ge [sflag:s31], $0x1680  }
0x3a5: {  	[sflag:s31] =	ssyncset.done $0x0  }
0x3a6: {  	[sflag:s31] =	ssyncadd.s32 $0xFFFFE980  }
0x3a7: {  	_ =	swait.ge [sflag:s20], $0x2D00  }
0x3a8: {  	[sflag:s20] =	ssyncset.done $0x0  }
0x3a9: {  	[sflag:s20] =	ssyncadd.s32 $0xFFFFD300  }
0x3aa: {  	_ =	swait.ge [sflag:s20], $0x280  }
0x3ab: {  	[sflag:s20] =	ssyncset.done $0x0  }
0x3ac: {  	[sflag:s20] =	ssyncadd.s32 $0xFFFFFD80  }
0x3ad: {  	_ =	swait.ge [sflag:s20], $0x280  }
0x3ae: {  	[sflag:s20] =	ssyncset.done $0x0  }
0x3af: {  	s8 =	simm.s32 $0x32E0;
	[sflag:s20] =	ssyncadd.s32 $0xFFFFFD80  }
0x3b0: {  	s7 =	simm.s32 $0x2860;
	v1 =	vld [tilespmem:s8+$0x80]  }
0x3b1: {  	v2 =	vld [tilespmem:s7+$0x0]  }
0x3b2: {  	v3 =	vld [tilespmem:s7+$0xFFFFFFF0]  }
0x3b3: {  	v4 =	vld [tilespmem:s8+$0xFFFFFFF0]  }
0x3b4: {  	v18 =	vld [tilespmem:s8+$0xFFFFFF70]  }
0x3b5: {  	v20 =	vld [tilespmem:s8+$0xFFFFFF80]  }
0x3b6: {  	v21 =	vld [tilespmem:s8+$0xFFFFFF90]  }
0x3b7: {  	v26 =	vld [tilespmem:s8+$0xFFFFFFA0];
	v1 =	vadd.f32 v2, v1  }
0x3b8: {  	v27 =	vld [tilespmem:s8+$0xFFFFFFB0];
	v2 =	vadd.f32 v3, v4  }
0x3b9: {  	v28 =	vld [tilespmem:s8+$0xFFFFFFC0];
	v3 =	vmul.f32 $9.999999770e-03, v1  }
0x3ba: {  	v29 =	vld [tilespmem:s8+$0xFFFFFFD0];
	vm0 =	vgt.f32 v1, $0.0e+00;
	v4 =	vmul.f32 $9.999999770e-03, v2  }
0x3bb: {  	v33 =	vld [tilespmem:s8+$0xFFFFFFE0];
	vm13 =	vgt.f32 v2, $0.0e+00;
	v1 =	vsel vm0, v1, v3  }
0x3bc: {  	s12 =	simm.s32 $0x2880;
	v34 =	vld [tilespmem:s8+$0x0];
	v2 =	vsel vm13, v2, v4;
	v1 =	vmul.f32 $1.442695020e+00, v1  }
0x3bd: {  	s7 =	simm.s32 $0x3400;
	v10 =	vld [tilespmem:s12+$0xFFFFFFF0];
	v2 =	vmul.f32 $1.442695020e+00, v2  }
0x3be: {  	v12 =	vld [tilespmem:s7+$0xFFFFFFF0];
	(erf) = vpow2.f32 v1  }
0x3bf: {  	v35 =	vld [tilespmem:s8+$0x10];
	(erf) = vpow2.f32 v2  }
0x3c0: {  	v6 =	vld [tilespmem:s8+$0x20]  }
0x3c1: {  	v11 =	vld [tilespmem:s8+$0x50]  }
0x3c2: {  	v7 =	vld [tilespmem:s8+$0x60]  }
0x3c3: {  	v5 =	vld [tilespmem:s8+$0x70];
	v14 =	vadd.f32 v10, v12  }
0x3c4: {  	v9 =	vld [tilespmem:s12+$0x0]  }
0x3c5: {  	v8 =	vld [tilespmem:s7+$0x80];
	v23 =	vmul.f32 $9.999999770e-03, v14  }
0x3c6: {  	v10 =	vld [tilespmem:s7+$0xFFFFFFC0];
	vm15 =	vgt.f32 v14, $0.0e+00  }
0x3c7: {  	v12 =	vld [tilespmem:s7+$0xFFFFFFD0];
	v43 =	vsel vm15, v14, v23;
	v19 =	vpop (erf)  }
0x3c8: {  	v3 =	vld [tilespmem:s7+$0xFFFFFF70];
	v43 =	vmul.f32 $1.442695020e+00, v43;
	v13 =	vbroadcast v19, $0x7;
	v17 =	vpop (erf)  }
0x3c9: {  	v4 =	vld [tilespmem:s7+$0xFFFFFF80];
	v25 =	vbroadcast v17, $0x0;
	v30 =	vbroadcast v17, $0x1  }
0x3ca: {  	v14 =	vld [tilespmem:s7+$0x0];
	v31 =	vbroadcast v17, $0x2;
	v15 =	vmul.f32 v5, v13;
	v13 =	vadd.f32 v9, v8  }
0x3cb: {  	v1 =	vld [tilespmem:s8+$0x30];
	v32 =	vbroadcast v17, $0x3;
	v38 =	vbroadcast v17, $0x4  }
0x3cc: {  	v2 =	vld [tilespmem:s8+$0x40];
	v39 =	vbroadcast v17, $0x5;
	v22 =	vmul.f32 $9.999999770e-03, v13  }
0x3cd: {  	v40 =	vbroadcast v17, $0x6;
	v41 =	vbroadcast v17, $0x7;
	[tilespmem:s8+$0xFFFFFFF0] =	vst v17;
	v17 =	vld [tilespmem:s7+$0x20];
	vm14 =	vgt.f32 v13, $0.0e+00  }
0x3ce: {  	v36 =	vbroadcast v19, $0x0;
	v37 =	vbroadcast v19, $0x1;
	v5 =	vld [tilespmem:s7+$0xFFFFFF90];
	v22 =	vsel vm14, v13, v22  }
0x3cf: {  	v16 =	vbroadcast v19, $0x2;
	v8 =	vld [tilespmem:s7+$0xFFFFFFA0];
	v42 =	vmul.f32 $1.442695020e+00, v22  }
0x3d0: {  	v24 =	vbroadcast v19, $0x4;
	v23 =	vbroadcast v19, $0x5;
	v9 =	vld [tilespmem:s7+$0xFFFFFFB0]  }
0x3d1: {  	v61 =	vmul.f32 v25, v18;
	v18 =	vld [tilespmem:s7+$0x40];
	(erf) = vpow2.f32 v42  }
0x3d2: {  	[tilespmem:s8+$0x80] =	vst v19;
	v25 =	vbroadcast v19, $0x6;
	v30 =	vmul.f32 v30, v20;
	v20 =	vld [tilespmem:s7+$0x50]  }
0x3d3: {  	[tilespmem:s8+$0x70] =	vst v15;
	v22 =	vbroadcast v19, $0x3;
	v19 =	vld [tilespmem:s7+$0x30];
	(erf) = vpow2.f32 v43  }
0x3d4: {  	v62 =	vmul.f32 v31, v21;
	v63 =	vmul.f32 v26, v32;
	v21 =	vld [tilespmem:s7+$0x60];
	[tilespmem:s8+$0xFFFFFF70] =	vst v61  }
0x3d5: {  	v32 =	vmul.f32 v27, v38;
	v31 =	vmul.f32 v28, v39;
	v26 =	vld [tilespmem:s7+$0x70];
	[tilespmem:s8+$0xFFFFFF80] =	vst v30  }
0x3d6: {  	v28 =	vmul.f32 v33, v41;
	v27 =	vmul.f32 v37, v35;
	v15 =	vld [tilespmem:s7+$0x10];
	[tilespmem:s8+$0xFFFFFF90] =	vst v62  }
0x3d7: {  	s16 =	simm.s32 $0x2;
	s18 =	simm.s32 $0x3520;
	v30 =	vmul.f32 v29, v40;
	[tilespmem:s8+$0xFFFFFFA0] =	vst v63;
	v29 =	vmul.f32 v36, v34;
	v13 =	vld [tilespmem:s7+$0xFFFFFFE0]  }
.LBB2_22:
0x3d8: {  	v33 =	vld [tilespmem:s18+$0x80];
	s12 =	sadd.s32 $0x20, s12;
	[tilespmem:s8+$0xFFFFFFB0] =	vst v32;
	v32 =	vmul.f32 v16, v6;
	v22 =	vmul.f32 v1, v22;
	v6 =	vmovc v17;
	v1 =	vmov v19  }
0x3d9: {  	s16 =	sadd.s32 $0x2, s16;
	v19 =	vmul.f32 v2, v24;
	v23 =	vmul.f32 v11, v23;
	v17 =	vld [tilespmem:s12+$0x0];
	[tilespmem:s8+$0xFFFFFFC0] =	vst v31;
	v2 =	vmov v18  }
0x3da: {  	v24 =	vmul.f32 v7, v25;
	p0 =	slt.u32 s16, $0x26;
	v18 =	vld [tilespmem:s12+$0xFFFFFFF0];
	v31 =	vpop (erf);
	[tilespmem:s8+$0xFFFFFFD0] =	vst v30;
	v11 =	vmov v20  }
0x3db: {  	v20 =	vld [tilespmem:s18+$0xFFFFFFF0];
	v34 =	vbroadcast v31, $0x0;
	v25 =	vbroadcast v31, $0x7;
	[tilespmem:s8+$0xFFFFFFE0] =	vst v28;
	v7 =	vmov v21  }
0x3dc: {  	v35 =	vbroadcast v31, $0x1;
	v16 =	vbroadcast v31, $0x2;
	v21 =	vld [tilespmem:s18+$0xFFFFFF70];
	v28 =	vpop (erf);
	[tilespmem:s8+$0x0] =	vst v29  }
0x3dd: {  	v29 =	vld [tilespmem:s18+$0xFFFFFF80];
	v30 =	vbroadcast v28, $0x0;
	v25 =	vmul.f32 v26, v25;
	[tilespmem:s8+$0x10] =	vst v27  }
0x3de: {  	v27 =	vbroadcast v28, $0x1;
	v26 =	vld [tilespmem:s18+$0xFFFFFF90];
	v17 =	vadd.f32 v17, v33;
	v33 =	vbroadcast v28, $0x2;
	[tilespmem:s8+$0x20] =	vst v32  }
0x3df: {  	v36 =	vbroadcast v28, $0x3;
	v37 =	vbroadcast v28, $0x4;
	v32 =	vld [tilespmem:s18+$0xFFFFFFA0];
	[tilespmem:s7+$0x70] =	vst v25  }
0x3e0: {  	v39 =	vbroadcast v28, $0x5;
	v18 =	vadd.f32 v18, v20;
	v38 =	vld [tilespmem:s18+$0xFFFFFFB0];
	v20 =	vmul.f32 $9.999999770e-03, v17;
	[tilespmem:s8+$0x30] =	vst v22  }
0x3e1: {  	v41 =	vbroadcast v28, $0x6;
	v42 =	vbroadcast v28, $0x7;
	vm0 =	vgt.f32 v17, $0.0e+00;
	v40 =	vld [tilespmem:s18+$0xFFFFFFC0];
	[tilespmem:s8+$0x40] =	vst v19  }
0x3e2: {  	vm1 =	vgt.f32 v18, $0.0e+00;
	v19 =	vmul.f32 $9.999999770e-03, v18;
	v43 =	vld [tilespmem:s18+$0xFFFFFFD0];
	v17 =	vsel vm0, v17, v20;
	[tilespmem:s8+$0x50] =	vst v23  }
0x3e3: {  	v22 =	vbroadcast v31, $0x3;
	v44 =	vld [tilespmem:s18+$0xFFFFFFE0];
	v17 =	vmul.f32 $1.442695020e+00, v17;
	[tilespmem:s8+$0x60] =	vst v24;
	s8 =	smov.u32 s7;
	s7 =	smov.u32 s18  }
0x3e4: {  	v23 =	vbroadcast v31, $0x5;
	v24 =	vbroadcast v31, $0x4;
	v18 =	vsel vm1, v18, v19;
	v45 =	vld [tilespmem:s18+$0x0];
	[tilespmem:s8+$0xFFFFFFF0] =	vst v28  }
0x3e5: {  	v18 =	vmul.f32 $1.442695020e+00, v18;
	v46 =	vld [tilespmem:s18+$0x10];
	(erf) = vpow2.f32 v17;
	[tilespmem:s8+$0x80] =	vst v31  }
0x3e6: {  	v25 =	vbroadcast v31, $0x6;
	v20 =	vmul.f32 v30, v3;
	v3 =	vmov v21;
	v17 =	vld [tilespmem:s18+$0x20]  }
.Ltmp10:
0x3e7: {  	v21 =	vmul.f32 v27, v4;
	v4 =	vmov v29;
	v19 =	vld [tilespmem:s18+$0x30];
	(erf) = vpow2.f32 v18;
	(pc) =	sbr.rel @p0 .LBB2_22-.Ltmp10, $4  }
0x3e8: {  	v27 =	vmul.f32 v33, v5;
	v29 =	vmul.f32 v8, v36;
	v5 =	vmovc v26;
	v8 =	vmov v32;
	v18 =	vld [tilespmem:s18+$0x40];
	[tilespmem:s8+$0xFFFFFF70] =	vst v20  }
0x3e9: {  	v32 =	vmul.f32 v9, v37;
	v31 =	vmul.f32 v10, v39;
	v9 =	vmovc v38;
	v10 =	vmov v40;
	v20 =	vld [tilespmem:s18+$0x50];
	[tilespmem:s8+$0xFFFFFF80] =	vst v21  }
0x3ea: {  	v30 =	vmul.f32 v12, v41;
	v28 =	vmul.f32 v13, v42;
	v12 =	vmovc v43;
	v13 =	vmov v44;
	v21 =	vld [tilespmem:s18+$0x60];
	[tilespmem:s8+$0xFFFFFF90] =	vst v27  }
0x3eb: {  	s18 =	sadd.s32 $0x120, s18;
	v27 =	vmul.f32 v35, v15;
	v15 =	vmovc v46;
	v26 =	vld [tilespmem:s7+$0x70];
	[tilespmem:s8+$0xFFFFFFA0] =	vst v29;
	v29 =	vmul.f32 v34, v14;
	v14 =	vmov v45  }
0x3ec: {  	[tilespmem:s8+$0xFFFFFFB0] =	vst v32  }
0x3ed: {  	[tilespmem:s8+$0xFFFFFFC0] =	vst v31  }
0x3ee: {  	[tilespmem:s8+$0xFFFFFFD0] =	vst v30  }
0x3ef: {  	[tilespmem:s8+$0xFFFFFFE0] =	vst v28  }
0x3f0: {  	v6 =	vmul.f32 v16, v6;
	[tilespmem:s8+$0x0] =	vst v29  }
0x3f1: {  	v1 =	vmul.f32 v1, v22;
	[tilespmem:s8+$0x10] =	vst v27  }
0x3f2: {  	v2 =	vmul.f32 v2, v24;
	[tilespmem:s8+$0x20] =	vst v6  }
0x3f3: {  	[tilespmem:s8+$0x30] =	vst v1  }
0x3f4: {  	v31 =	vpop (erf);
	v6 =	vmul.f32 v11, v23;
	[tilespmem:s8+$0x40] =	vst v2  }
0x3f5: {  	v1 =	vmul.f32 v7, v25;
	v30 =	vbroadcast v31, $0x7;
	[tilespmem:s7+$0x80] =	vst v31;
	v7 =	vpop (erf)  }
0x3f6: {  	[tilespmem:s8+$0x50] =	vst v6;
	v2 =	vbroadcast v7, $0x0  }
0x3f7: {  	[tilespmem:s8+$0x60] =	vst v1;
	v16 =	vmul.f32 v26, v30;
	v6 =	vbroadcast v7, $0x1  }
0x3f8: {  	v1 =	vbroadcast v7, $0x2;
	[tilespmem:s7+$0xFFFFFFF0] =	vst v7;
	v2 =	vmul.f32 v2, v3  }
0x3f9: {  	[tilespmem:s7+$0x70] =	vst v16;
	v3 =	vbroadcast v7, $0x3;
	v4 =	vmul.f32 v6, v4  }
0x3fa: {  	v6 =	vbroadcast v7, $0x4;
	v1 =	vmul.f32 v1, v5;
	[tilespmem:s7+$0xFFFFFF70] =	vst v2  }
0x3fb: {  	v2 =	vbroadcast v7, $0x5;
	v3 =	vmul.f32 v8, v3;
	[tilespmem:s7+$0xFFFFFF80] =	vst v4  }
0x3fc: {  	v4 =	vbroadcast v7, $0x6;
	v5 =	vmul.f32 v9, v6;
	[tilespmem:s7+$0xFFFFFF90] =	vst v1  }
0x3fd: {  	v1 =	vbroadcast v7, $0x7;
	v2 =	vmul.f32 v10, v2;
	[tilespmem:s7+$0xFFFFFFA0] =	vst v3  }
0x3fe: {  	v3 =	vbroadcast v31, $0x0;
	v4 =	vmul.f32 v12, v4;
	[tilespmem:s7+$0xFFFFFFB0] =	vst v5  }
0x3ff: {  	v5 =	vbroadcast v31, $0x1;
	v1 =	vmul.f32 v13, v1;
	[tilespmem:s7+$0xFFFFFFC0] =	vst v2  }
0x400: {  	v2 =	vbroadcast v31, $0x2;
	v3 =	vmul.f32 v3, v14;
	[tilespmem:s7+$0xFFFFFFD0] =	vst v4  }
0x401: {  	v4 =	vbroadcast v31, $0x3;
	v5 =	vmul.f32 v5, v15;
	[tilespmem:s7+$0xFFFFFFE0] =	vst v1  }
0x402: {  	v1 =	vbroadcast v31, $0x4;
	v2 =	vmul.f32 v2, v17;
	[tilespmem:s7+$0x0] =	vst v3  }
0x403: {  	v3 =	vbroadcast v31, $0x5;
	v4 =	vmul.f32 v19, v4;
	[tilespmem:s7+$0x10] =	vst v5  }
0x404: {  	v5 =	vbroadcast v31, $0x6;
	v1 =	vmul.f32 v18, v1;
	[tilespmem:s7+$0x20] =	vst v2  }
0x405: {  	v2 =	vmul.f32 v20, v3;
	[tilespmem:s7+$0x30] =	vst v4  }
0x406: {  	v3 =	vmul.f32 v21, v5;
	[tilespmem:s7+$0x40] =	vst v1  }
0x407: {  	[tilespmem:s7+$0x50] =	vst v2  }
0x408: {  	s8 =	simm.s32 $0x49E0;
	[tilespmem:s7+$0x60] =	vst v3  }
0x409: {  	[spmem:s3] =	stream.indirect.scatter.add.f32 [tilespmem:s0], [sflag:$0x7], $0x90, s6, s11, $0xb8;
	[tilespmem:$0x1EFD0] =	vst v63  }
0x40a: {  	s30 =	simm.s32 $0x2AE0;
	v1 =	vld [tilespmem:s8+$0x0]  }
0x40b: {  	v2 =	vld [tilespmem:s30+$0x0]  }
0x40c: {  	v3 =	vld [tilespmem:s30+$0xFFFFFFF0]  }
0x40d: {  	v4 =	vld [tilespmem:s8+$0xFFFFFF70]  }
0x40e: {  	v18 =	vld [tilespmem:s8+$0xFFFFFEF0]  }
0x40f: {  	v20 =	vld [tilespmem:s8+$0xFFFFFF00]  }
0x410: {  	v21 =	vld [tilespmem:s8+$0xFFFFFF10]  }
0x411: {  	v26 =	vld [tilespmem:s8+$0xFFFFFF20];
	v1 =	vadd.f32 v2, v1  }
0x412: {  	v27 =	vld [tilespmem:s8+$0xFFFFFF30];
	v2 =	vadd.f32 v3, v4  }
0x413: {  	v28 =	vld [tilespmem:s8+$0xFFFFFF40];
	v3 =	vmul.f32 $9.999999770e-03, v1  }
0x414: {  	v29 =	vld [tilespmem:s8+$0xFFFFFF50];
	vm0 =	vgt.f32 v1, $0.0e+00;
	v4 =	vmul.f32 $9.999999770e-03, v2  }
0x415: {  	s12 =	simm.s32 $0x2B00;
	v33 =	vld [tilespmem:s8+$0xFFFFFF60];
	vm13 =	vgt.f32 v2, $0.0e+00;
	v1 =	vsel vm0, v1, v3  }
0x416: {  	s7 =	simm.s32 $0x4B00;
	v8 =	vld [tilespmem:s12+$0xFFFFFFF0];
	v2 =	vsel vm13, v2, v4;
	v1 =	vmul.f32 $1.442695020e+00, v1  }
0x417: {  	v11 =	vld [tilespmem:s7+$0xFFFFFF70];
	v2 =	vmul.f32 $1.442695020e+00, v2  }
0x418: {  	v34 =	vld [tilespmem:s8+$0xFFFFFF80];
	(erf) = vpow2.f32 v1  }
0x419: {  	v35 =	vld [tilespmem:s8+$0xFFFFFF90];
	(erf) = vpow2.f32 v2  }
0x41a: {  	v9 =	vld [tilespmem:s8+$0xFFFFFFA0]  }
0x41b: {  	v5 =	vld [tilespmem:s8+$0xFFFFFFB0]  }
0x41c: {  	v6 =	vld [tilespmem:s8+$0xFFFFFFC0];
	v13 =	vadd.f32 v8, v11  }
0x41d: {  	v7 =	vld [tilespmem:s12+$0x0]  }
0x41e: {  	v23 =	vmul.f32 $9.999999770e-03, v13;
	v3 =	vld [tilespmem:s8+$0xFFFFFFF0]  }
0x41f: {  	vm15 =	vgt.f32 v13, $0.0e+00;
	v4 =	vld [tilespmem:s7+$0x0]  }
0x420: {  	v14 =	vld [tilespmem:s8+$0xFFFFFFD0];
	v43 =	vsel vm15, v13, v23  }
0x421: {  	v10 =	vld [tilespmem:s8+$0xFFFFFFE0];
	v43 =	vmul.f32 $1.442695020e+00, v43;
	v19 =	vpop (erf)  }
0x422: {  	v8 =	vld [tilespmem:s7+$0xFFFFFF40];
	v36 =	vbroadcast v19, $0x0;
	v12 =	vbroadcast v19, $0x7;
	v17 =	vpop (erf)  }
0x423: {  	v11 =	vld [tilespmem:s7+$0xFFFFFF50];
	v25 =	vbroadcast v17, $0x0;
	v30 =	vbroadcast v17, $0x1  }
0x424: {  	v13 =	vld [tilespmem:s7+$0xFFFFFF80];
	v31 =	vbroadcast v17, $0x2;
	v15 =	vmul.f32 v3, v12;
	v12 =	vadd.f32 v7, v4  }
0x425: {  	v1 =	vld [tilespmem:s7+$0xFFFFFEF0];
	v61 =	vbroadcast v17, $0x3;
	v38 =	vbroadcast v17, $0x4  }
0x426: {  	v2 =	vld [tilespmem:s7+$0xFFFFFF00];
	v39 =	vbroadcast v17, $0x5;
	v22 =	vmul.f32 $9.999999770e-03, v12  }
0x427: {  	v40 =	vbroadcast v17, $0x6;
	v41 =	vbroadcast v17, $0x7;
	[tilespmem:s8+$0xFFFFFF70] =	vst v17;
	v17 =	vld [tilespmem:s7+$0xFFFFFFA0];
	vm14 =	vgt.f32 v12, $0.0e+00  }
0x428: {  	v37 =	vbroadcast v19, $0x1;
	v16 =	vbroadcast v19, $0x2;
	v3 =	vld [tilespmem:s7+$0xFFFFFF10];
	v22 =	vsel vm14, v12, v22  }
0x429: {  	v24 =	vbroadcast v19, $0x4;
	v4 =	vld [tilespmem:s7+$0xFFFFFF20];
	v42 =	vmul.f32 $1.442695020e+00, v22  }
0x42a: {  	v23 =	vbroadcast v19, $0x5;
	v7 =	vld [tilespmem:s7+$0xFFFFFF30];
	v62 =	vmul.f32 v25, v18  }
0x42b: {  	[tilespmem:s8+$0x0] =	vst v19;
	v25 =	vbroadcast v19, $0x6;
	v18 =	vld [tilespmem:s7+$0xFFFFFFC0];
	(erf) = vpow2.f32 v42  }
0x42c: {  	v30 =	vmul.f32 v30, v20;
	v31 =	vmul.f32 v31, v21;
	v20 =	vld [tilespmem:s7+$0xFFFFFFD0];
	[tilespmem:s8+$0xFFFFFFF0] =	vst v15  }
0x42d: {  	[tilespmem:s8+$0xFFFFFEF0] =	vst v62;
	v22 =	vbroadcast v19, $0x3;
	v19 =	vld [tilespmem:s7+$0xFFFFFFB0];
	(erf) = vpow2.f32 v43  }
0x42e: {  	v63 =	vmul.f32 v26, v61;
	v21 =	vld [tilespmem:s7+$0xFFFFFFE0];
	[tilespmem:s8+$0xFFFFFF00] =	vst v30  }
0x42f: {  	v32 =	vmul.f32 v27, v38;
	v26 =	vld [tilespmem:s7+$0xFFFFFFF0];
	v27 =	vmul.f32 v37, v35;
	[tilespmem:s8+$0xFFFFFF10] =	vst v31  }
0x430: {  	v15 =	vld [tilespmem:s7+$0xFFFFFF90];
	v30 =	vmul.f32 v28, v39;
	v31 =	vmul.f32 v29, v40;
	[tilespmem:s8+$0xFFFFFF20] =	vst v63  }
0x431: {  	s16 =	simm.s32 $0x2A;
	s18 =	simm.s32 $0x4C20;
	v28 =	vmul.f32 v33, v41;
	v29 =	vmul.f32 v36, v34;
	v12 =	vld [tilespmem:s7+$0xFFFFFF60];
	s19 =	rddreg [dreg:$0xe]  }
.LBB2_24:
0x432: {  	v33 =	vld [tilespmem:s18+$0x0];
	s12 =	sadd.s32 $0x20, s12;
	[tilespmem:s8+$0xFFFFFF30] =	vst v32;
	v32 =	vmul.f32 v16, v9;
	v22 =	vmul.f32 v5, v22;
	v9 =	vmovc v17;
	v5 =	vmov v19  }
0x433: {  	s16 =	sadd.s32 $0x2, s16;
	v19 =	vmul.f32 v6, v24;
	v23 =	vmul.f32 v14, v23;
	v17 =	vld [tilespmem:s12+$0x0];
	[tilespmem:s8+$0xFFFFFF40] =	vst v30;
	v6 =	vmov v18  }
0x434: {  	v24 =	vmul.f32 v10, v25;
	p0 =	slt.u32 s16, $0x4E;
	v18 =	vld [tilespmem:s12+$0xFFFFFFF0];
	v30 =	vpop (erf);
	[tilespmem:s8+$0xFFFFFF50] =	vst v31;
	v14 =	vmov v20  }
0x435: {  	v20 =	vld [tilespmem:s18+$0xFFFFFF70];
	v34 =	vbroadcast v30, $0x0;
	v25 =	vbroadcast v30, $0x7;
	[tilespmem:s8+$0xFFFFFF60] =	vst v28;
	v10 =	vmov v21  }
0x436: {  	v35 =	vbroadcast v30, $0x1;
	v16 =	vbroadcast v30, $0x2;
	v21 =	vld [tilespmem:s18+$0xFFFFFEF0];
	v28 =	vpop (erf);
	[tilespmem:s8+$0xFFFFFF80] =	vst v29  }
0x437: {  	v29 =	vld [tilespmem:s18+$0xFFFFFF00];
	v31 =	vbroadcast v28, $0x0;
	v25 =	vmul.f32 v26, v25;
	[tilespmem:s8+$0xFFFFFF90] =	vst v27  }
0x438: {  	v27 =	vbroadcast v28, $0x1;
	v26 =	vld [tilespmem:s18+$0xFFFFFF10];
	v17 =	vadd.f32 v17, v33;
	v33 =	vbroadcast v28, $0x2;
	[tilespmem:s8+$0xFFFFFFA0] =	vst v32  }
0x439: {  	v36 =	vbroadcast v28, $0x3;
	v37 =	vbroadcast v28, $0x4;
	v32 =	vld [tilespmem:s18+$0xFFFFFF20];
	[tilespmem:s7+$0xFFFFFFF0] =	vst v25  }
0x43a: {  	v39 =	vbroadcast v28, $0x5;
	v18 =	vadd.f32 v18, v20;
	v38 =	vld [tilespmem:s18+$0xFFFFFF30];
	v20 =	vmul.f32 $9.999999770e-03, v17;
	[tilespmem:s8+$0xFFFFFFB0] =	vst v22  }
0x43b: {  	v41 =	vbroadcast v28, $0x6;
	v42 =	vbroadcast v28, $0x7;
	vm0 =	vgt.f32 v17, $0.0e+00;
	v40 =	vld [tilespmem:s18+$0xFFFFFF40];
	[tilespmem:s8+$0xFFFFFFC0] =	vst v19  }
0x43c: {  	vm1 =	vgt.f32 v18, $0.0e+00;
	v19 =	vmul.f32 $9.999999770e-03, v18;
	v43 =	vld [tilespmem:s18+$0xFFFFFF50];
	v17 =	vsel vm0, v17, v20;
	[tilespmem:s8+$0xFFFFFFD0] =	vst v23  }
0x43d: {  	v22 =	vbroadcast v30, $0x3;
	v44 =	vld [tilespmem:s18+$0xFFFFFF60];
	v17 =	vmul.f32 $1.442695020e+00, v17;
	[tilespmem:s8+$0xFFFFFFE0] =	vst v24;
	s8 =	smov.u32 s7;
	s7 =	smov.u32 s18  }
0x43e: {  	v23 =	vbroadcast v30, $0x5;
	v24 =	vbroadcast v30, $0x4;
	v18 =	vsel vm1, v18, v19;
	v45 =	vld [tilespmem:s18+$0xFFFFFF80];
	[tilespmem:s8+$0xFFFFFF70] =	vst v28  }
0x43f: {  	v18 =	vmul.f32 $1.442695020e+00, v18;
	v46 =	vld [tilespmem:s18+$0xFFFFFF90];
	(erf) = vpow2.f32 v17;
	[tilespmem:s8+$0x0] =	vst v30  }
0x440: {  	v25 =	vbroadcast v30, $0x6;
	v20 =	vmul.f32 v31, v1;
	v1 =	vmov v21;
	v17 =	vld [tilespmem:s18+$0xFFFFFFA0]  }
.Ltmp11:
0x441: {  	v21 =	vmul.f32 v27, v2;
	v2 =	vmov v29;
	v19 =	vld [tilespmem:s18+$0xFFFFFFB0];
	(erf) = vpow2.f32 v18;
	(pc) =	sbr.rel @p0 .LBB2_24-.Ltmp11, $4  }
0x442: {  	v27 =	vmul.f32 v33, v3;
	v29 =	vmul.f32 v4, v36;
	v3 =	vmovc v26;
	v4 =	vmov v32;
	v18 =	vld [tilespmem:s18+$0xFFFFFFC0];
	[tilespmem:s8+$0xFFFFFEF0] =	vst v20  }
0x443: {  	v32 =	vmul.f32 v7, v37;
	v30 =	vmul.f32 v8, v39;
	v7 =	vmovc v38;
	v8 =	vmov v40;
	v20 =	vld [tilespmem:s18+$0xFFFFFFD0];
	[tilespmem:s8+$0xFFFFFF00] =	vst v21  }
0x444: {  	v31 =	vmul.f32 v11, v41;
	v28 =	vmul.f32 v12, v42;
	v11 =	vmovc v43;
	v12 =	vmov v44;
	v21 =	vld [tilespmem:s18+$0xFFFFFFE0];
	[tilespmem:s8+$0xFFFFFF10] =	vst v27  }
0x445: {  	s18 =	sadd.s32 $0x120, s18;
	v27 =	vmul.f32 v35, v15;
	v15 =	vmovc v46;
	v26 =	vld [tilespmem:s7+$0xFFFFFFF0];
	[tilespmem:s8+$0xFFFFFF20] =	vst v29;
	v29 =	vmul.f32 v34, v13;
	v13 =	vmov v45  }
0x446: {  	[tilespmem:s8+$0xFFFFFF30] =	vst v32  }
0x447: {  	[tilespmem:s8+$0xFFFFFF40] =	vst v30  }
0x448: {  	[tilespmem:s8+$0xFFFFFF50] =	vst v31  }
0x449: {  	[tilespmem:s8+$0xFFFFFF60] =	vst v28  }
0x44a: {  	v9 =	vmul.f32 v16, v9;
	[tilespmem:s8+$0xFFFFFF80] =	vst v29  }
0x44b: {  	v5 =	vmul.f32 v5, v22;
	[tilespmem:s8+$0xFFFFFF90] =	vst v27  }
0x44c: {  	v6 =	vmul.f32 v6, v24;
	[tilespmem:s8+$0xFFFFFFA0] =	vst v9  }
0x44d: {  	v49 =	vmul.f32 v14, v23;
	[tilespmem:s8+$0xFFFFFFB0] =	vst v5  }
0x44e: {  	v51 =	vmul.f32 v10, v25;
	v48 =	vpop (erf);
	[tilespmem:s8+$0xFFFFFFC0] =	vst v6  }
0x44f: {  	[tilespmem:s8+$0xFFFFFFD0] =	vst v49;
	v50 =	vbroadcast v48, $0x7  }
0x450: {  	[tilespmem:s8+$0xFFFFFFE0] =	vst v51;
	v61 =	vbroadcast v48, $0x1;
	v52 =	vpop (erf)  }
0x451: {  	[tilespmem:s7+$0x0] =	vst v48;
	v53 =	vmul.f32 v26, v50;
	v54 =	vbroadcast v52, $0x0  }
0x452: {  	v55 =	vbroadcast v52, $0x1;
	[tilespmem:s7+$0xFFFFFF70] =	vst v52;
	v5 =	vmul.f32 v61, v15  }
0x453: {  	v57 =	vbroadcast v52, $0x3;
	[tilespmem:s7+$0xFFFFFFF0] =	vst v53;
	v1 =	vmul.f32 v54, v1  }
0x454: {  	v56 =	vbroadcast v52, $0x2;
	v2 =	vmul.f32 v55, v2;
	[tilespmem:s7+$0xFFFFFF90] =	vst v5  }
0x455: {  	v58 =	vbroadcast v52, $0x4;
	v4 =	vmul.f32 v4, v57;
	[tilespmem:s7+$0xFFFFFEF0] =	vst v1  }
0x456: {  	v1 =	vmul.f32 v56, v3;
	v3 =	vbroadcast v52, $0x5;
	[tilespmem:s7+$0xFFFFFF00] =	vst v2  }
0x457: {  	v59 =	vmul.f32 v7, v58;
	v2 =	vbroadcast v52, $0x6;
	[tilespmem:s7+$0xFFFFFF20] =	vst v4  }
0x458: {  	[tilespmem:s7+$0xFFFFFF10] =	vst v1;
	v1 =	vbroadcast v52, $0x7;
	v3 =	vmul.f32 v8, v3  }
0x459: {  	v60 =	vbroadcast v48, $0x0;
	[tilespmem:s7+$0xFFFFFF30] =	vst v59;
	v2 =	vmul.f32 v11, v2  }
0x45a: {  	v1 =	vmul.f32 v12, v1;
	[tilespmem:s7+$0xFFFFFF40] =	vst v3;
	v3 =	vbroadcast v48, $0x2  }
0x45b: {  	v4 =	vmul.f32 v60, v13;
	[tilespmem:s7+$0xFFFFFF50] =	vst v2;
	v2 =	vbroadcast v48, $0x3  }
0x45c: {  	[tilespmem:s7+$0xFFFFFF60] =	vst v1;
	v1 =	vbroadcast v48, $0x4;
	v3 =	vmul.f32 v3, v17  }
0x45d: {  	v62 =	vbroadcast v48, $0x5;
	[tilespmem:s7+$0xFFFFFF80] =	vst v4;
	v2 =	vmul.f32 v19, v2  }
0x45e: {  	v63 =	vbroadcast v48, $0x6;
	v1 =	vmul.f32 v18, v1;
	[tilespmem:s7+$0xFFFFFFA0] =	vst v3  }
0x45f: {  	v3 =	vmul.f32 v20, v62;
	[tilespmem:s7+$0xFFFFFFB0] =	vst v2  }
0x460: {  	v2 =	vmul.f32 v21, v63;
	[tilespmem:s7+$0xFFFFFFC0] =	vst v1  }
0x461: {  	[tilespmem:s7+$0xFFFFFFD0] =	vst v3  }
0x462: {  	s12 =	simm.s32 $0x48D0;
	[tilespmem:s7+$0xFFFFFFE0] =	vst v2  }
0x463: {  	[spmem:s3] =	stream.indirect.scatter.add.f32 [tilespmem:s12], [sflag:$0x7], $0x90, s13, s11, $0xb8;
	[tilespmem:$0x1EFD0] =	vst v63  }
0x464: {  	_ =	swait.ge [sflag:s22], $0x1680  }
0x465: {  	[sflag:s22] =	ssyncset.done $0x0  }
0x466: {  	[sflag:s22] =	ssyncadd.s32 $0xFFFFE980  }
0x467: {  	_ =	swait.ge [sflag:s22], $0x1680  }
0x468: {  	[sflag:s22] =	ssyncset.done $0x0  }
0x469: {  	[sflag:s22] =	ssyncadd.s32 $0xFFFFE980  }
0x46a: {  	[bflag:$0x0] =	sbarrier.arrive $0xFFFF  }
0x46b: {  	s18 =	rddreg [dreg:$0xd]  }
0x46c: {  	[tilespmem:s0], [sflag:$0x9] =	stream.linear.gather [spmem:s18], $0x2D00, $0x38;
	[tilespmem:$0x1EFD0] =	vst v63  }
0x46d: {  	_ =	swait.ge [sflag:s1], $0x2D00  }
0x46e: {  	[sflag:s1] =	ssyncset.done $0x0  }
0x46f: {  	s16 =	rddreg [dreg:$0x4];
	[sflag:s1] =	ssyncadd.s32 $0xFFFFD300  }
0x470: {  	[hbm4b:s16+s4] =	stream.linear.scatter [tilespmem:s0], [sflag:$0x9], $0x2D00, $0x38;
	[tilespmem:$0x1EFD0] =	vst v63  }
0x471: {  	_ =	swait.ge [sflag:s1], $0x2D00  }
0x472: {  	[sflag:s1] =	ssyncset.done $0x0  }
0x473: {  	[sflag:s1] =	ssyncadd.s32 $0xFFFFD300  }
0x474: {  	[tilespmem:s0], [sflag:$0x9] =	stream.linear.gather [spmem:s19], $0x2D00, $0x38;
	[tilespmem:$0x1EFD0] =	vst v63  }
0x475: {  	_ =	swait.ge [sflag:s1], $0x2D00  }
0x476: {  	[sflag:s1] =	ssyncset.done $0x0  }
0x477: {  	s21 =	rddreg [dreg:$0x5];
	[sflag:s1] =	ssyncadd.s32 $0xFFFFD300  }
0x478: {  	[hbm4b:s21+s4] =	stream.linear.scatter [tilespmem:s0], [sflag:$0x9], $0x2D00, $0x38;
	[tilespmem:$0x1EFD0] =	vst v63  }
0x479: {  	_ =	swait.ge [sflag:s1], $0x2D00  }
0x47a: {  	[sflag:s1] =	ssyncset.done $0x0  }
0x47b: {  	s23 =	rddreg [dreg:$0xf];
	[sflag:s1] =	ssyncadd.s32 $0xFFFFD300  }
0x47c: {  	[tilespmem:s0], [sflag:$0x9] =	stream.linear.gather [spmem:s23], $0x2D00, $0x38;
	[tilespmem:$0x1EFD0] =	vst v63  }
0x47d: {  	_ =	swait.ge [sflag:s1], $0x2D00  }
0x47e: {  	[sflag:s1] =	ssyncset.done $0x0  }
0x47f: {  	s30 =	rddreg [dreg:$0x6];
	[sflag:s1] =	ssyncadd.s32 $0xFFFFD300  }
0x480: {  	[hbm4b:s30+s4] =	stream.linear.scatter [tilespmem:s0], [sflag:$0x9], $0x2D00, $0x38;
	[tilespmem:$0x1EFD0] =	vst v63  }
0x481: {  	_ =	swait.ge [sflag:s1], $0x2D00  }
0x482: {  	[sflag:s1] =	ssyncset.done $0x0  }
0x483: {  	s8 =	rddreg [dreg:$0x10];
	[sflag:s1] =	ssyncadd.s32 $0xFFFFD300  }
0x484: {  	[tilespmem:s0], [sflag:$0x9] =	stream.linear.gather [spmem:s8], $0x2D00, $0x38;
	[tilespmem:$0x1EFD0] =	vst v63  }
0x485: {  	_ =	swait.ge [sflag:s1], $0x2D00  }
0x486: {  	[sflag:s1] =	ssyncset.done $0x0  }
0x487: {  	s12 =	rddreg [dreg:$0x7];
	[sflag:s1] =	ssyncadd.s32 $0xFFFFD300  }
0x488: {  	[hbm4b:s12+s4] =	stream.linear.scatter [tilespmem:s0], [sflag:$0x9], $0x2D00, $0x38;
	[tilespmem:$0x1EFD0] =	vst v63  }
0x489: {  	_ =	swait.ge [sflag:s1], $0x2D00  }
0x48a: {  	[sflag:s1] =	ssyncset.done $0x0  }
0x48b: {  	s12 =	rddreg [dreg:$0x11];
	[sflag:s1] =	ssyncadd.s32 $0xFFFFD300  }
0x48c: {  	[tilespmem:s0], [sflag:$0x9] =	stream.linear.gather [spmem:s12], $0x2D00, $0x38;
	[tilespmem:$0x1EFD0] =	vst v63  }
0x48d: {  	_ =	swait.ge [sflag:s1], $0x2D00  }
0x48e: {  	[sflag:s1] =	ssyncset.done $0x0  }
0x48f: {  	s16 =	rddreg [dreg:$0x8];
	[sflag:s1] =	ssyncadd.s32 $0xFFFFD300  }
0x490: {  	[hbm4b:s16+s4] =	stream.linear.scatter [tilespmem:s0], [sflag:$0x9], $0x2D00, $0x38;
	[tilespmem:$0x1EFD0] =	vst v63  }
0x491: {  	_ =	swait.ge [sflag:s1], $0x2D00  }
0x492: {  	[sflag:s1] =	ssyncset.done $0x0  }
0x493: {  	s21 =	rddreg [dreg:$0x12];
	[sflag:s1] =	ssyncadd.s32 $0xFFFFD300  }
0x494: {  	[tilespmem:s0], [sflag:$0x9] =	stream.linear.gather [spmem:s21], $0x2D00, $0x38;
	[tilespmem:$0x1EFD0] =	vst v63  }
0x495: {  	_ =	swait.ge [sflag:s1], $0x2D00  }
0x496: {  	[sflag:s1] =	ssyncset.done $0x0  }
0x497: {  	s23 =	rddreg [dreg:$0x9];
	[sflag:s1] =	ssyncadd.s32 $0xFFFFD300  }
0x498: {  	[hbm4b:s23+s4] =	stream.linear.scatter [tilespmem:s0], [sflag:$0x9], $0x2D00, $0x38;
	[tilespmem:$0x1EFD0] =	vst v63  }
0x499: {  	_ =	swait.ge [sflag:s1], $0x2D00  }
0x49a: {  	[sflag:s1] =	ssyncset.done $0x0  }
0x49b: {  	s16 =	rddreg [dreg:$0x13];
	[sflag:s1] =	ssyncadd.s32 $0xFFFFD300  }
0x49c: {  	[tilespmem:s0], [sflag:$0x9] =	stream.linear.gather [spmem:s16], $0x2D00, $0x38;
	[tilespmem:$0x1EFD0] =	vst v63  }
0x49d: {  	_ =	swait.ge [sflag:s1], $0x2D00  }
0x49e: {  	[sflag:s1] =	ssyncset.done $0x0  }
0x49f: {  	s30 =	rddreg [dreg:$0xa];
	[sflag:s1] =	ssyncadd.s32 $0xFFFFD300  }
0x4a0: {  	[hbm4b:s30+s4] =	stream.linear.scatter [tilespmem:s0], [sflag:$0x9], $0x2D00, $0x38;
	[tilespmem:$0x1EFD0] =	vst v63  }
0x4a1: {  	_ =	swait.ge [sflag:s1], $0x2D00  }
0x4a2: {  	[sflag:s1] =	ssyncset.done $0x0  }
0x4a3: {  	s8 =	rddreg [dreg:$0x14];
	[sflag:s1] =	ssyncadd.s32 $0xFFFFD300  }
0x4a4: {  	[tilespmem:s0], [sflag:$0x9] =	stream.linear.gather [spmem:s8], $0x2880, $0x38;
	[tilespmem:$0x1EFD0] =	vst v63  }
0x4a5: {  	_ =	swait.ge [sflag:s1], $0x2880  }
0x4a6: {  	[sflag:s1] =	ssyncset.done $0x0  }
0x4a7: {  	s21 =	rddreg [dreg:$0xb];
	[sflag:s1] =	ssyncadd.s32 $0xFFFFD780  }
0x4a8: {  	[hbm4b:s21+s4] =	stream.linear.scatter [tilespmem:s0], [sflag:$0x9], $0x2880, $0x38;
	[tilespmem:$0x1EFD0] =	vst v63  }
0x4a9: {  	_ =	swait.ge [sflag:s1], $0x2880  }
0x4aa: {  	s23 =	rddreg [dreg:$0x1b]  }
0x4ab: {  	s30 =	rddreg [dreg:$0x16];
	s8 =	sadd.s32 $0x1, s23  }
0x4ac: {  	p0 =	sne.s32 s8, s30  }
.Ltmp12:
0x4ad: {  	_ = 	snop;
	(pc) =	sbr.rel @p0 .LBB2_1-.Ltmp12, $3  }
0x4ae: {  	_ =	sdelay $0x1  }
0x4af: {  	[sflag:s1] =	ssyncset.done $0x0  }
0x4b0: {  	[sflag:s1] =	ssyncadd.s32 $0xFFFFD780  }
0x4b1: {  	_ =	sfence.sel $0x180000  }
0x4b2: {  	[bflag:$0x0] =	sbarrier.arrive $0xFFFF  }
0x4b3: {  	_ =	strace $0x90000047  }
0x4b4: {  	s0 =	stileid.u32;
	[bflag:$0x2] =	sbarrier.arrive $0xFFFF  }
0x4b5: {  	p0 =	sne.s32 s0, $0x0;
	s0 =	rddreg [dreg:$0x3]  }
0x4b6: {  	s0 =	sadd.s32 @!p0 $0x100000, s0  }
0x4b7: {  	[sflag:s0] =	ssyncadd.tile.s32 @!p0 $0x1;
	_ =	shalt  }
.Lfunc_end2:
_tile_overlayer_lowered:
.L_overlay_start_2:
0x4b8: {  	(tag) =	ssettag $0x2  }
0x4b9: {  	s0 =	rddreg [dreg:$0x0];
	s2 =	stileid.u32  }
0x4ba: {  	s1 =	rddreg [dreg:$0x1];
	p0 =	sne.s32 s2, $0x0  }
0x4bb: {  	s3 =	rddreg [dreg:$0x2];
	[bflag:$0x3] =	sbarrier.arrive $0xFFFF;
	s2 =	simm.s32 @!p0 $0x1C09  }
0x4bc: {  	[timem:s3], [sflag:s2] =	dma.local @!p0 [hbm:s0], s1  }
0x4bd: {  	s0 =	simm.s32 @!p0 $0x9  }
0x4be: {  	_ =	swait.ge @!p0 [sflag:s0], s1  }
0x4bf: {  	s1 =	ssub.s32 @!p0 $0x0, s1;
	[sflag:s0] =	ssyncset.done @!p0 $0x0  }
0x4c0: {  	[sflag:s0] =	ssyncadd.s32 @!p0 s1  }
0x4c1: {  	[bflag:$0x3] =	sbarrier.arrive $0xFFFF  }
0x4c2: {  	_ =	shalt  }

</sc_bundles>
